<compile_context>
chip_gen: v7x
topology: tpu7x:2x2x1
jax: 0.10.2.dev20260603
libtpu: 0.0.44.dev20260713+nightly
codegen_flags: <defaults>
</compile_context>

<pallas_src>
import functools

import jax
import jax.numpy as jnp
from jax import lax
from jax.experimental import pallas as pl
from jax.experimental.pallas import tpu as pltpu
from jax.experimental.pallas import tpu_sc as plsc

_B = 128
_F = 32768
_K = 256
_CAP = 512
_NBINS = 4096
_SHIFT = 19
_NC = 2
_NS = 16
_NW = _NC * _NS
_RPW = _B // _NW
_L = 16


def _sc_filter_body(x_hbm, out_a_hbm, out_b_hbm, rowa_v, rowb_v, hist_v,
                    ca0_v, cb0_v, ca1_v, cb1_v, sem, sem_out):
    wid = lax.axis_index("s") * _NC + lax.axis_index("c")
    zeros = jnp.zeros((_L,), jnp.int32)
    ones = jnp.ones((_L,), jnp.int32)
    pad_b = jnp.full((_L,), 0x7FFFFFFF, jnp.int32)
    iota16 = lax.iota(jnp.int32, _L)
    r0 = wid * _RPW
    bufs = [rowa_v, rowb_v]
    cands = [(ca0_v, cb0_v), (ca1_v, cb1_v)]
    out_cps = [None, None]

    cp = pltpu.async_copy(x_hbm.at[r0], bufs[0], sem)
    for k in range(_RPW):
        cp.wait()
        if k + 1 < _RPW:
            cp = pltpu.async_copy(
                x_hbm.at[r0 + k + 1], bufs[(k + 1) % 2], sem)
        row_v = bufs[k % 2]
        ca_v, cb_v = cands[k % 2]
        if out_cps[k % 2] is not None:
            for h in out_cps[k % 2]:
                h.wait()
            out_cps[k % 2] = None

        @plsc.parallel_loop(0, _NBINS // _L, unroll=8)
        def _(i):
            hist_v[pl.ds(i * _L, _L)] = zeros

        @plsc.parallel_loop(0, _CAP // _L, unroll=8)
        def _(i):
            ca_v[pl.ds(i * _L, _L)] = zeros
            cb_v[pl.ds(i * _L, _L)] = pad_b

        @plsc.parallel_loop(0, _F // _L, unroll=16, carry=zeros)
        def mx_v(i, mx):
            v = row_v[pl.ds(i * _L, _L)]
            u = plsc.bitcast(v, jnp.uint32)
            bin_i = plsc.bitcast((u << 1) >> (_SHIFT + 1), jnp.int32)
            plsc.addupdate_scatter(hist_v, [bin_i], ones)
            return jnp.maximum(mx, bin_i)

        def scond(st):
            i, acc, done = st
            return jnp.logical_not(done)

        def sbody(st):
            i, acc, done = st
            tot = jnp.sum(hist_v[pl.ds(i * _L, _L)])
            crosses = (acc + tot) >= _K
            return (jnp.where(crosses, i, i - 1),
                    jnp.where(crosses, acc, acc + tot),
                    crosses)

        ci, acc_above, _ = lax.while_loop(
            scond, sbody, (jnp.max(mx_v) >> 4, jnp.int32(0), False))

        h16 = hist_v[pl.ds(ci * _L, _L)]
        suff = lax.rev(jnp.cumsum(lax.rev(h16, (0,))), (0,)) + acc_above
        lane = jnp.sum((suff >= _K).astype(jnp.int32)) - 1
        t_key = (ci * _L + lane) << _SHIFT

        t_key_v = jnp.full((_L,), 0, jnp.int32) + t_key

        @plsc.parallel_loop(0, _F // _L, unroll=8, carry=zeros)
        def off_v(i, off):
            v = row_v[pl.ds(i * _L, _L)]
            bits = plsc.bitcast(v, jnp.int32)
            key = bits & 0x7FFFFFFF
            m = key >= t_key_v
            mi = m.astype(jnp.int32)
            pos = jnp.minimum(jnp.cumsum(mi) + (off - 1), _CAP - 1)
            sign = lax.shift_right_logical(bits, 31)
            bval = ((iota16 + i * _L) << 1) | sign
            plsc.store_scatter(ca_v, [pos], key, mask=m)
            plsc.store_scatter(cb_v, [pos], bval, mask=m)
            return off + plsc.all_reduce_population_count(m)

        del off_v
        out_cps[k % 2] = [
            pltpu.async_copy(ca_v, out_a_hbm.at[r0 + k], sem_out),
            pltpu.async_copy(cb_v, out_b_hbm.at[r0 + k], sem_out),
        ]

    for cps in out_cps:
        if cps is not None:
            for h in cps:
                h.wait()


@functools.cache
def _get_sc_filter():
    return pl.kernel(
        _sc_filter_body,
        mesh=plsc.VectorSubcoreMesh(core_axis_name="c", subcore_axis_name="s"),
        compiler_params=pltpu.CompilerParams(needs_layout_passes=False),
        out_type=[
            jax.ShapeDtypeStruct((_B, _CAP), jnp.int32),
            jax.ShapeDtypeStruct((_B, _CAP), jnp.int32),
        ],
        scratch_types=[
            pltpu.VMEM((_F,), jnp.float32),
            pltpu.VMEM((_F,), jnp.float32),
            pltpu.VMEM((_NBINS,), jnp.int32),
            pltpu.VMEM((_CAP,), jnp.int32),
            pltpu.VMEM((_CAP,), jnp.int32),
            pltpu.VMEM((_CAP,), jnp.int32),
            pltpu.VMEM((_CAP,), jnp.int32),
            pltpu.SemaphoreType.DMA,
            pltpu.SemaphoreType.DMA,
        ],
    )


def _tc_sort_body(a_ref, b_ref, o_ref):
    a = a_ref[...].T
    b = b_ref[...].T
    iota = lax.broadcasted_iota(jnp.int32, (_CAP, 1), 0)
    k = 2
    while k <= _CAP:
        j = k // 2
        while j >= 1:
            g = _CAP // (2 * j)
            ar = a.reshape(g, 2, j, _B)
            br = b.reshape(g, 2, j, _B)
            ap = jnp.concatenate([ar[:, 1:2], ar[:, 0:1]], axis=1).reshape(_CAP, _B)
            bp = jnp.concatenate([br[:, 1:2], br[:, 0:1]], axis=1).reshape(_CAP, _B)
            up = (iota & k) == 0
            is_lower = (iota & j) == 0
            keep_min = up == is_lower
            mine_is_min = jnp.logical_or(
                a > ap, jnp.logical_and(a == ap, b < bp))
            take_mine = mine_is_min == keep_min
            a = jnp.where(take_mine, a, ap)
            b = jnp.where(take_mine, b, bp)
            j //= 2
        k *= 2
    val_bits = a[0:_K] | (b[0:_K] << 31)
    o_ref[...] = lax.bitcast_convert_type(val_bits, jnp.float32).T


_tc_sort = pl.pallas_call(
    _tc_sort_body,
    out_shape=jax.ShapeDtypeStruct((_B, _K), jnp.float32),
)


def kernel(x):
    cand_a, cand_b = _get_sc_filter()(x)
    return _tc_sort(cand_a, cand_b)[..., None]

# --- scband reference (transcript-rebuilt; emitter-appended) ---
"""Pipeline reference for scband-top-kscalar-tokenizer-32521492365363 (READ-ONLY COPY).

The authoritative reference and input builder live on the scoring server;
editing this copy changes nothing except your own understanding.
"""

import jax, jax.numpy as jnp
import numpy as np

N_TOKENS = 256
ADD_CLS = False

def setup_inputs(seed: int = 0) -> dict:
    key = jax.random.key(seed)
    x = jax.random.normal(key, (128, 32768), dtype=jnp.float32)
    return {"x": x}

def reference(x):
    B, F = x.shape
    K = min(N_TOKENS, F)
    # top-k by absolute value, sorted descending (matches torch.topk largest=True, sorted=True)
    _, idx = jax.lax.top_k(jnp.abs(x), K)
    vals = jnp.take_along_axis(x, idx, axis=1)
    tokens = vals[..., None]  # (B, K, 1)
    if ADD_CLS:
        cls = jnp.zeros((B, 1, 1), dtype=x.dtype)
        tokens = jnp.concatenate([cls, tokens], axis=1)
    # key_padding_mask is None in the original module; return tokens only
    return tokens

if __name__ == "__main__":
    import jax
    _d = setup_inputs()
    print(jax.jit(kernel)(*tuple(_d.values())))

</pallas_src>

<mosaic_0001>
#map = affine_map<(d0, d1) -> (0, 0)>
module attributes {stable_mosaic.version = 14 : i64} {
  func.func @_sc_filter_body(%arg0: i32, %arg1: i32, %arg2: memref<128x32768xf32, #tpu.memory_space<hbm>>, %arg3: memref<128x512xi32, #tpu.memory_space<hbm>>, %arg4: memref<128x512xi32, #tpu.memory_space<hbm>>, %arg5: memref<32768xf32, #tpu.memory_space<vmem>>, %arg6: memref<32768xf32, #tpu.memory_space<vmem>>, %arg7: memref<4096xi32, #tpu.memory_space<vmem>>, %arg8: memref<512xi32, #tpu.memory_space<vmem>>, %arg9: memref<512xi32, #tpu.memory_space<vmem>>, %arg10: memref<512xi32, #tpu.memory_space<vmem>>, %arg11: memref<512xi32, #tpu.memory_space<vmem>>, %arg12: memref<!tpu.dma_semaphore, #tpu.memory_space<semaphore_mem>>, %arg13: memref<!tpu.dma_semaphore, #tpu.memory_space<semaphore_mem>>) attributes {dimension_semantics = [#tpu.dimension_semantics<core_parallel>, #tpu.dimension_semantics<subcore_parallel>], iteration_bounds = array<i64: 2, 16>, scalar_prefetch = 0 : i64, scratch_operands = 9 : i64, tpu.core_type = #tpu.core_type<sc_vector_subcore>, window_params = [{transform_indices = #map}, {transform_indices = #map}, {transform_indices = #map}]} {
    %mul3A = arith.constant 2 : i32
    %mul3A_0 = arith.muli %arg1, %mul3A : i32
    %add3A = arith.addi %mul3A_0, %arg0 : i32
    %broadcast_in_dim3A = arith.constant 0 : i32
    %broadcast_in_dim3A_1 = vector.broadcast %broadcast_in_dim3A : i32 to vector<16xi32>
    %broadcast_in_dim3A_2 = arith.constant 1 : i32
    %broadcast_in_dim3A_3 = vector.broadcast %broadcast_in_dim3A_2 : i32 to vector<16xi32>
    %broadcast_in_dim3A_4 = arith.constant 2147483647 : i32
    %broadcast_in_dim3A_5 = vector.broadcast %broadcast_in_dim3A_4 : i32 to vector<16xi32>
    %iota3A = tpu.iota {dimensions = array<i32: 0>} : vector<16xi32>
    %mul3A_6 = arith.constant 4 : i32
    %mul3A_7 = arith.muli %add3A, %mul3A_6 : i32
    %dma_start3A = arith.constant 0 : i32
    %dma_start3A_8 = tpu.memref_slice %arg2[%mul3A_7, %dma_start3A] : memref<128x32768xf32, #tpu.memory_space<hbm>> -> memref<1x32768xf32, #tpu.memory_space<hbm>>
    %dma_start3A_9 = tpu.memref_squeeze %dma_start3A_8 : memref<1x32768xf32, #tpu.memory_space<hbm>> -> memref<32768xf32, #tpu.memory_space<hbm>>
    %dma_start3A_10 = arith.constant 0 : i32
    %dma_start3A_11 = tpu.memref_slice %arg2[%mul3A_7, %dma_start3A_10] : memref<128x32768xf32, #tpu.memory_space<hbm>> -> memref<1x32768xf32, #tpu.memory_space<hbm>>
    %dma_start3A_12 = tpu.memref_squeeze %dma_start3A_11 : memref<1x32768xf32, #tpu.memory_space<hbm>> -> memref<32768xf32, #tpu.memory_space<hbm>>
    tpu.enqueue_dma source(%dma_start3A_12 : memref<32768xf32, #tpu.memory_space<hbm>>) target(%arg5 : memref<32768xf32, #tpu.memory_space<vmem>>) target_semaphore(%arg12 : memref<!tpu.dma_semaphore, #tpu.memory_space<semaphore_mem>>)
    %dma_wait3A = arith.constant 0 : i32
    %dma_wait3A_13 = tpu.memref_slice %arg2[%mul3A_7, %dma_wait3A] : memref<128x32768xf32, #tpu.memory_space<hbm>> -> memref<1x32768xf32, #tpu.memory_space<hbm>>
    %dma_wait3A_14 = tpu.memref_squeeze %dma_wait3A_13 : memref<1x32768xf32, #tpu.memory_space<hbm>> -> memref<32768xf32, #tpu.memory_space<hbm>>
    %dma_wait3A_15 = arith.constant 0 : i32
    %dma_wait3A_16 = tpu.memref_slice %arg2[%mul3A_7, %dma_wait3A_15] : memref<128x32768xf32, #tpu.memory_space<hbm>> -> memref<1x32768xf32, #tpu.memory_space<hbm>>
    %dma_wait3A_17 = tpu.memref_squeeze %dma_wait3A_16 : memref<1x32768xf32, #tpu.memory_space<hbm>> -> memref<32768xf32, #tpu.memory_space<hbm>>
    tpu.wait_dma2 semaphore(%arg12 : memref<!tpu.dma_semaphore, #tpu.memory_space<semaphore_mem>>) src(%dma_wait3A_17 : memref<32768xf32, #tpu.memory_space<hbm>>) dst(%arg5 : memref<32768xf32, #tpu.memory_space<vmem>>)
    %add3A_18 = arith.constant 0 : i32
    %add3A_19 = arith.addi %mul3A_7, %add3A_18 : i32
    %add3A_20 = arith.constant 1 : i32
    %add3A_21 = arith.addi %add3A_19, %add3A_20 : i32
    %dma_start3A_22 = arith.constant 0 : i32
    %dma_start3A_23 = tpu.memref_slice %arg2[%add3A_21, %dma_start3A_22] : memref<128x32768xf32, #tpu.memory_space<hbm>> -> memref<1x32768xf32, #tpu.memory_space<hbm>>
    %dma_start3A_24 = tpu.memref_squeeze %dma_start3A_23 : memref<1x32768xf32, #tpu.memory_space<hbm>> -> memref<32768xf32, #tpu.memory_space<hbm>>
    %dma_start3A_25 = arith.constant 0 : i32
    %dma_start3A_26 = tpu.memref_slice %arg2[%add3A_21, %dma_start3A_25] : memref<128x32768xf32, #tpu.memory_space<hbm>> -> memref<1x32768xf32, #tpu.memory_space<hbm>>
    %dma_start3A_27 = tpu.memref_squeeze %dma_start3A_26 : memref<1x32768xf32, #tpu.memory_space<hbm>> -> memref<32768xf32, #tpu.memory_space<hbm>>
    tpu.enqueue_dma source(%dma_start3A_27 : memref<32768xf32, #tpu.memory_space<hbm>>) target(%arg6 : memref<32768xf32, #tpu.memory_space<vmem>>) target_semaphore(%arg12 : memref<!tpu.dma_semaphore, #tpu.memory_space<semaphore_mem>>)
    %parallel_loop3A = arith.constant 0 : i32
    %parallel_loop3A_28 = arith.constant 256 : i32
    %parallel_loop3A_29 = arith.constant 1 : i32
    scf.for %parallel_loop3A_426 = %parallel_loop3A to %parallel_loop3A_28 step %parallel_loop3A_29  : i32 {
      %parallel_loop3A_427 = arith.constant 16 : i32
      %parallel_loop3A_428 = arith.muli %parallel_loop3A_426, %parallel_loop3A_427 : i32
      %parallel_loop3A_429 = arith.index_cast %parallel_loop3A_428 : i32 to index
      %parallel_loop3A_430 = tpu.vector_load %arg7[%parallel_loop3A_429] {strides = array<i32>} : memref<4096xi32, #tpu.memory_space<vmem>>, vector<16xi32>,
      tpu.vector_store %arg7[%parallel_loop3A_429], %broadcast_in_dim3A_1 {strides = array<i32>} : memref<4096xi32, #tpu.memory_space<vmem>>, vector<16xi32>,
    } {sc.loop_unroll_factor = 8 : i64, sc.parallel_access}
    %parallel_loop3A_30 = arith.constant 0 : i32
    %parallel_loop3A_31 = arith.constant 32 : i32
    %parallel_loop3A_32 = arith.constant 1 : i32
    scf.for %parallel_loop3A_426 = %parallel_loop3A_30 to %parallel_loop3A_31 step %parallel_loop3A_32  : i32 {
      %parallel_loop3A_427 = arith.constant 16 : i32
      %parallel_loop3A_428 = arith.muli %parallel_loop3A_426, %parallel_loop3A_427 : i32
      %parallel_loop3A_429 = arith.index_cast %parallel_loop3A_428 : i32 to index
      %parallel_loop3A_430 = tpu.vector_load %arg8[%parallel_loop3A_429] {strides = array<i32>} : memref<512xi32, #tpu.memory_space<vmem>>, vector<16xi32>,
      tpu.vector_store %arg8[%parallel_loop3A_429], %broadcast_in_dim3A_1 {strides = array<i32>} : memref<512xi32, #tpu.memory_space<vmem>>, vector<16xi32>,
      %parallel_loop3A_431 = arith.constant 16 : i32
      %parallel_loop3A_432 = arith.muli %parallel_loop3A_426, %parallel_loop3A_431 : i32
      %parallel_loop3A_433 = arith.index_cast %parallel_loop3A_432 : i32 to index
      %parallel_loop3A_434 = tpu.vector_load %arg9[%parallel_loop3A_433] {strides = array<i32>} : memref<512xi32, #tpu.memory_space<vmem>>, vector<16xi32>,
      tpu.vector_store %arg9[%parallel_loop3A_433], %broadcast_in_dim3A_5 {strides = array<i32>} : memref<512xi32, #tpu.memory_space<vmem>>, vector<16xi32>,
    } {sc.loop_unroll_factor = 8 : i64, sc.parallel_access}
    %parallel_loop3A_33 = arith.constant 0 : i32
    %parallel_loop3A_34 = arith.constant 2048 : i32
    %parallel_loop3A_35 = arith.constant 1 : i32
    %parallel_loop3A_36 = scf.for %parallel_loop3A_426 = %parallel_loop3A_33 to %parallel_loop3A_34 step %parallel_loop3A_35 iter_args(%parallel_loop3A_427 = %broadcast_in_dim3A_1) -> (vector<16xi32>)  : i32 {
      %parallel_loop3A_428 = arith.constant 16 : i32
      %parallel_loop3A_429 = arith.muli %parallel_loop3A_426, %parallel_loop3A_428 : i32
      %parallel_loop3A_430 = arith.index_cast %parallel_loop3A_429 : i32 to index
      %parallel_loop3A_431 = tpu.vector_load %arg5[%parallel_loop3A_430] {strides = array<i32>} : memref<32768xf32, #tpu.memory_space<vmem>>, vector<16xf32>,
      %parallel_loop3A_432 = vector.bitcast %parallel_loop3A_431 : vector<16xf32> to vector<16xi32>
      %parallel_loop3A_433 = arith.constant 1 : i32
      %parallel_loop3A_434 = vector.broadcast %parallel_loop3A_433 : i32 to vector<16xi32>
      %parallel_loop3A_435 = arith.shli %parallel_loop3A_432, %parallel_loop3A_434 : vector<16xi32>
      %parallel_loop3A_436 = arith.constant 20 : i32
      %parallel_loop3A_437 = vector.broadcast %parallel_loop3A_436 : i32 to vector<16xi32>
      %parallel_loop3A_438 = arith.shrui %parallel_loop3A_435, %parallel_loop3A_437 : vector<16xi32>
      %parallel_loop3A_439 = vector.bitcast %parallel_loop3A_438 : vector<16xi32> to vector<16xi32>
      tpu.vector_store_idx %arg7[%parallel_loop3A_439], %broadcast_in_dim3A_3 {add = true} : memref<4096xi32, #tpu.memory_space<vmem>>[vector<16xi32>], vector<16xi32>,
      %parallel_loop3A_440 = arith.maxsi %parallel_loop3A_427, %parallel_loop3A_439 : vector<16xi32>
      scf.yield %parallel_loop3A_440 : vector<16xi32>
    } {sc.loop_unroll_factor = 16 : i64, sc.parallel_access}
    %reduce_max3A = arith.constant true
    %reduce_max3A_37 = vector.broadcast %reduce_max3A : i1 to vector<16xi1>
    %reduce_max3A_38 = arith.constant -2147483648 : i32
    %reduce_max3A_39 = vector.broadcast %reduce_max3A_38 : i32 to vector<16xi32>
    %reduce_max3A_40 = arith.xori %parallel_loop3A_36, %reduce_max3A_39 : vector<16xi32>
    %reduce_max3A_41 = tpu.scan <max>, %reduce_max3A_40 masked %reduce_max3A_37 : vector<16xi32>, vector<16xi1> -> vector<16xi32>
    %reduce_max3A_42 = arith.xori %reduce_max3A_41, %reduce_max3A_39 : vector<16xi32>
    %reduce_max3A_43 = vector.extract %reduce_max3A_42[15] : i32 from vector<16xi32>
    %shift_right_arithmetic3A = arith.constant 4 : i32
    %shift_right_arithmetic3A_44 = arith.shrsi %reduce_max3A_43, %shift_right_arithmetic3A : i32
    %while3A = arith.constant 0 : i32
    %while3A_45 = arith.constant false
    %while3A_46:3 = scf.while (%while3A_426 = %shift_right_arithmetic3A_44, %while3A_427 = %while3A, %while3A_428 = %while3A_45) : (i32, i32, i1) -> (i32, i32, i1) {
      %not3A = arith.constant true
      %not3A_429 = arith.xori %while3A_428, %not3A : i1
      scf.condition(%not3A_429) %while3A_426, %while3A_427, %while3A_428 : i32, i32, i1
    } do {
    ^bb0(%while3A_426: i32, %while3A_427: i32, %while3A_428: i1):
      %mul3A_429 = arith.constant 16 : i32
      %mul3A_430 = arith.muli %while3A_426, %mul3A_429 : i32
      %get3A_431 = arith.index_cast %mul3A_430 : i32 to index
      %get3A_432 = tpu.vector_load %arg7[%get3A_431] {strides = array<i32>} : memref<4096xi32, #tpu.memory_space<vmem>>, vector<16xi32>,
      %reduce_sum3A_433 = arith.constant true
      %reduce_sum3A_434 = vector.broadcast %reduce_sum3A_433 : i1 to vector<16xi1>
      %reduce_sum3A_435 = tpu.scan <sum>, %get3A_432 masked %reduce_sum3A_434 : vector<16xi32>, vector<16xi1> -> vector<16xi32>
      %reduce_sum3A_436 = vector.extract %reduce_sum3A_435[15] : i32 from vector<16xi32>
      %add3A_437 = arith.addi %while3A_427, %reduce_sum3A_436 : i32
      %ge3A_438 = arith.constant 256 : i32
      %ge3A_439 = arith.cmpi sge, %add3A_437, %ge3A_438 : i32
      %sub3A_440 = arith.constant 1 : i32
      %sub3A_441 = arith.subi %while3A_426, %sub3A_440 : i32
      %select_n3A = arith.select %ge3A_439, %while3A_426, %sub3A_441 : i32
      %add3A_442 = arith.addi %while3A_427, %reduce_sum3A_436 : i32
      %select_n3A_443 = arith.select %ge3A_439, %while3A_427, %add3A_442 : i32
      scf.yield %select_n3A, %select_n3A_443, %ge3A_439 : i32, i32, i1
    }
    %mul3A_47 = arith.constant 16 : i32
    %mul3A_48 = arith.muli %while3A_46#0, %mul3A_47 : i32
    %get3A = arith.index_cast %mul3A_48 : i32 to index
    %get3A_49 = tpu.vector_load %arg7[%get3A] {strides = array<i32>} : memref<4096xi32, #tpu.memory_space<vmem>>, vector<16xi32>,
    %rev3A = arith.constant 15 : i32
    %rev3A_50 = vector.broadcast %rev3A : i32 to vector<16xi32>
    %rev3A_51 = tpu.iota {dimensions = array<i32: 0>} : vector<16xi32>
    %rev3A_52 = arith.subi %rev3A_50, %rev3A_51 : vector<16xi32>
    %rev3A_53 = tpu.dynamic_gather %get3A_49[%rev3A_52] in [0] : vector<16xi32>, vector<16xi32> -> vector<16xi32>
    %cumsum3A = arith.constant true
    %cumsum3A_54 = vector.broadcast %cumsum3A : i1 to vector<16xi1>
    %cumsum3A_55 = tpu.scan <sum>, %rev3A_53 masked %cumsum3A_54 : vector<16xi32>, vector<16xi1> -> vector<16xi32>
    %rev3A_56 = arith.constant 15 : i32
    %rev3A_57 = vector.broadcast %rev3A_56 : i32 to vector<16xi32>
    %rev3A_58 = tpu.iota {dimensions = array<i32: 0>} : vector<16xi32>
    %rev3A_59 = arith.subi %rev3A_57, %rev3A_58 : vector<16xi32>
    %rev3A_60 = tpu.dynamic_gather %cumsum3A_55[%rev3A_59] in [0] : vector<16xi32>, vector<16xi32> -> vector<16xi32>
    %add3A_61 = vector.broadcast %while3A_46#1 : i32 to vector<16xi32>
    %add3A_62 = arith.addi %rev3A_60, %add3A_61 : vector<16xi32>
    %ge3A = arith.constant 256 : i32
    %ge3A_63 = vector.broadcast %ge3A : i32 to vector<16xi32>
    %ge3A_64 = arith.cmpi sge, %add3A_62, %ge3A_63 : vector<16xi32>
    %convert_element_type3A = arith.extui %ge3A_64 : vector<16xi1> to vector<16xi32>
    %reduce_sum3A = arith.constant true
    %reduce_sum3A_65 = vector.broadcast %reduce_sum3A : i1 to vector<16xi1>
    %reduce_sum3A_66 = tpu.scan <sum>, %convert_element_type3A masked %reduce_sum3A_65 : vector<16xi32>, vector<16xi1> -> vector<16xi32>
    %reduce_sum3A_67 = vector.extract %reduce_sum3A_66[15] : i32 from vector<16xi32>
    %sub3A = arith.constant 1 : i32
    %sub3A_68 = arith.subi %reduce_sum3A_67, %sub3A : i32
    %mul3A_69 = arith.constant 16 : i32
    %mul3A_70 = arith.muli %while3A_46#0, %mul3A_69 : i32
    %add3A_71 = arith.addi %mul3A_70, %sub3A_68 : i32
    %shift_left3A = arith.constant 19 : i32
    %shift_left3A_72 = arith.shli %add3A_71, %shift_left3A : i32
    %broadcast_in_dim3A_73 = arith.constant 0 : i32
    %broadcast_in_dim3A_74 = vector.broadcast %broadcast_in_dim3A_73 : i32 to vector<16xi32>
    %add3A_75 = vector.broadcast %shift_left3A_72 : i32 to vector<16xi32>
    %add3A_76 = arith.addi %broadcast_in_dim3A_74, %add3A_75 : vector<16xi32>
    %parallel_loop3A_77 = arith.constant 0 : i32
    %parallel_loop3A_78 = arith.constant 2048 : i32
    %parallel_loop3A_79 = arith.constant 1 : i32
    %parallel_loop3A_80 = scf.for %parallel_loop3A_426 = %parallel_loop3A_77 to %parallel_loop3A_78 step %parallel_loop3A_79 iter_args(%parallel_loop3A_427 = %broadcast_in_dim3A_1) -> (vector<16xi32>)  : i32 {
      %parallel_loop3A_428 = arith.constant 16 : i32
      %parallel_loop3A_429 = arith.muli %parallel_loop3A_426, %parallel_loop3A_428 : i32
      %parallel_loop3A_430 = arith.index_cast %parallel_loop3A_429 : i32 to index
      %parallel_loop3A_431 = tpu.vector_load %arg5[%parallel_loop3A_430] {strides = array<i32>} : memref<32768xf32, #tpu.memory_space<vmem>>, vector<16xf32>,
      %parallel_loop3A_432 = vector.bitcast %parallel_loop3A_431 : vector<16xf32> to vector<16xi32>
      %parallel_loop3A_433 = arith.constant 2147483647 : i32
      %parallel_loop3A_434 = vector.broadcast %parallel_loop3A_433 : i32 to vector<16xi32>
      %parallel_loop3A_435 = arith.andi %parallel_loop3A_432, %parallel_loop3A_434 : vector<16xi32>
      %parallel_loop3A_436 = arith.cmpi sge, %parallel_loop3A_435, %add3A_76 : vector<16xi32>
      %parallel_loop3A_437 = arith.extui %parallel_loop3A_436 : vector<16xi1> to vector<16xi32>
      %parallel_loop3A_438 = arith.constant true
      %parallel_loop3A_439 = vector.broadcast %parallel_loop3A_438 : i1 to vector<16xi1>
      %parallel_loop3A_440 = tpu.scan <sum>, %parallel_loop3A_437 masked %parallel_loop3A_439 : vector<16xi32>, vector<16xi1> -> vector<16xi32>
      %parallel_loop3A_441 = arith.constant 1 : i32
      %parallel_loop3A_442 = vector.broadcast %parallel_loop3A_441 : i32 to vector<16xi32>
      %parallel_loop3A_443 = arith.subi %parallel_loop3A_427, %parallel_loop3A_442 : vector<16xi32>
      %parallel_loop3A_444 = arith.addi %parallel_loop3A_440, %parallel_loop3A_443 : vector<16xi32>
      %parallel_loop3A_445 = arith.constant 511 : i32
      %parallel_loop3A_446 = vector.broadcast %parallel_loop3A_445 : i32 to vector<16xi32>
      %parallel_loop3A_447 = arith.minsi %parallel_loop3A_444, %parallel_loop3A_446 : vector<16xi32>
      %parallel_loop3A_448 = arith.constant 31 : i32
      %parallel_loop3A_449 = vector.broadcast %parallel_loop3A_448 : i32 to vector<16xi32>
      %parallel_loop3A_450 = arith.shrui %parallel_loop3A_432, %parallel_loop3A_449 : vector<16xi32>
      %parallel_loop3A_451 = arith.constant 16 : i32
      %parallel_loop3A_452 = arith.muli %parallel_loop3A_426, %parallel_loop3A_451 : i32
      %parallel_loop3A_453 = vector.broadcast %parallel_loop3A_452 : i32 to vector<16xi32>
      %parallel_loop3A_454 = arith.addi %iota3A, %parallel_loop3A_453 : vector<16xi32>
      %parallel_loop3A_455 = arith.constant 1 : i32
      %parallel_loop3A_456 = vector.broadcast %parallel_loop3A_455 : i32 to vector<16xi32>
      %parallel_loop3A_457 = arith.shli %parallel_loop3A_454, %parallel_loop3A_456 : vector<16xi32>
      %parallel_loop3A_458 = arith.ori %parallel_loop3A_457, %parallel_loop3A_450 : vector<16xi32>
      tpu.vector_store_idx %arg8[%parallel_loop3A_447], %parallel_loop3A_435 masked %parallel_loop3A_436 : memref<512xi32, #tpu.memory_space<vmem>>[vector<16xi32>], vector<16xi32>, vector<16xi1>
      tpu.vector_store_idx %arg9[%parallel_loop3A_447], %parallel_loop3A_458 masked %parallel_loop3A_436 : memref<512xi32, #tpu.memory_space<vmem>>[vector<16xi32>], vector<16xi32>, vector<16xi1>
      %parallel_loop3A_459 = tpu.all_reduce %parallel_loop3A_436 {dim = 0 : i64, kind = #tpu.reduction_kind<sum>} : vector<16xi1> -> vector<16xi32>
      %parallel_loop3A_460 = arith.addi %parallel_loop3A_427, %parallel_loop3A_459 : vector<16xi32>
      scf.yield %parallel_loop3A_460 : vector<16xi32>
    } {sc.loop_unroll_factor = 8 : i64, sc.parallel_access}
    %add3A_81 = arith.constant 0 : i32
    %add3A_82 = arith.addi %mul3A_7, %add3A_81 : i32
    %dma_start3A_83 = arith.constant 0 : i32
    %dma_start3A_84 = tpu.memref_slice %arg3[%add3A_82, %dma_start3A_83] : memref<128x512xi32, #tpu.memory_space<hbm>> -> memref<1x512xi32, #tpu.memory_space<hbm>>
    %dma_start3A_85 = tpu.memref_squeeze %dma_start3A_84 : memref<1x512xi32, #tpu.memory_space<hbm>> -> memref<512xi32, #tpu.memory_space<hbm>>
    %dma_start3A_86 = arith.constant 0 : i32
    %dma_start3A_87 = tpu.memref_slice %arg3[%add3A_82, %dma_start3A_86] : memref<128x512xi32, #tpu.memory_space<hbm>> -> memref<1x512xi32, #tpu.memory_space<hbm>>
    %dma_start3A_88 = tpu.memref_squeeze %dma_start3A_87 : memref<1x512xi32, #tpu.memory_space<hbm>> -> memref<512xi32, #tpu.memory_space<hbm>>
    tpu.enqueue_dma source(%arg8 : memref<512xi32, #tpu.memory_space<vmem>>) target(%dma_start3A_88 : memref<512xi32, #tpu.memory_space<hbm>>) target_semaphore(%arg13 : memref<!tpu.dma_semaphore, #tpu.memory_space<semaphore_mem>>)
    %add3A_89 = arith.constant 0 : i32
    %add3A_90 = arith.addi %mul3A_7, %add3A_89 : i32
    %dma_start3A_91 = arith.constant 0 : i32
    %dma_start3A_92 = tpu.memref_slice %arg4[%add3A_90, %dma_start3A_91] : memref<128x512xi32, #tpu.memory_space<hbm>> -> memref<1x512xi32, #tpu.memory_space<hbm>>
    %dma_start3A_93 = tpu.memref_squeeze %dma_start3A_92 : memref<1x512xi32, #tpu.memory_space<hbm>> -> memref<512xi32, #tpu.memory_space<hbm>>
    %dma_start3A_94 = arith.constant 0 : i32
    %dma_start3A_95 = tpu.memref_slice %arg4[%add3A_90, %dma_start3A_94] : memref<128x512xi32, #tpu.memory_space<hbm>> -> memref<1x512xi32, #tpu.memory_space<hbm>>
    %dma_start3A_96 = tpu.memref_squeeze %dma_start3A_95 : memref<1x512xi32, #tpu.memory_space<hbm>> -> memref<512xi32, #tpu.memory_space<hbm>>
    tpu.enqueue_dma source(%arg9 : memref<512xi32, #tpu.memory_space<vmem>>) target(%dma_start3A_96 : memref<512xi32, #tpu.memory_space<hbm>>) target_semaphore(%arg13 : memref<!tpu.dma_semaphore, #tpu.memory_space<semaphore_mem>>)
    %dma_wait3A_97 = arith.constant 0 : i32
    %dma_wait3A_98 = tpu.memref_slice %arg2[%add3A_21, %dma_wait3A_97] : memref<128x32768xf32, #tpu.memory_space<hbm>> -> memref<1x32768xf32, #tpu.memory_space<hbm>>
    %dma_wait3A_99 = tpu.memref_squeeze %dma_wait3A_98 : memref<1x32768xf32, #tpu.memory_space<hbm>> -> memref<32768xf32, #tpu.memory_space<hbm>>
    %dma_wait3A_100 = arith.constant 0 : i32
    %dma_wait3A_101 = tpu.memref_slice %arg2[%add3A_21, %dma_wait3A_100] : memref<128x32768xf32, #tpu.memory_space<hbm>> -> memref<1x32768xf32, #tpu.memory_space<hbm>>
    %dma_wait3A_102 = tpu.memref_squeeze %dma_wait3A_101 : memref<1x32768xf32, #tpu.memory_space<hbm>> -> memref<32768xf32, #tpu.memory_space<hbm>>
    tpu.wait_dma2 semaphore(%arg12 : memref<!tpu.dma_semaphore, #tpu.memory_space<semaphore_mem>>) src(%dma_wait3A_102 : memref<32768xf32, #tpu.memory_space<hbm>>) dst(%arg6 : memref<32768xf32, #tpu.memory_space<vmem>>)
    %add3A_103 = arith.constant 1 : i32
    %add3A_104 = arith.addi %mul3A_7, %add3A_103 : i32
    %add3A_105 = arith.constant 1 : i32
    %add3A_106 = arith.addi %add3A_104, %add3A_105 : i32
    %dma_start3A_107 = arith.constant 0 : i32
    %dma_start3A_108 = tpu.memref_slice %arg2[%add3A_106, %dma_start3A_107] : memref<128x32768xf32, #tpu.memory_space<hbm>> -> memref<1x32768xf32, #tpu.memory_space<hbm>>
    %dma_start3A_109 = tpu.memref_squeeze %dma_start3A_108 : memref<1x32768xf32, #tpu.memory_space<hbm>> -> memref<32768xf32, #tpu.memory_space<hbm>>
    %dma_start3A_110 = arith.constant 0 : i32
    %dma_start3A_111 = tpu.memref_slice %arg2[%add3A_106, %dma_start3A_110] : memref<128x32768xf32, #tpu.memory_space<hbm>> -> memref<1x32768xf32, #tpu.memory_space<hbm>>
    %dma_start3A_112 = tpu.memref_squeeze %dma_start3A_111 : memref<1x32768xf32, #tpu.memory_space<hbm>> -> memref<32768xf32, #tpu.memory_space<hbm>>
    tpu.enqueue_dma source(%dma_start3A_112 : memref<32768xf32, #tpu.memory_space<hbm>>) target(%arg5 : memref<32768xf32, #tpu.memory_space<vmem>>) target_semaphore(%arg12 : memref<!tpu.dma_semaphore, #tpu.memory_space<semaphore_mem>>)
    %parallel_loop3A_113 = arith.constant 0 : i32
    %parallel_loop3A_114 = arith.constant 256 : i32
    %parallel_loop3A_115 = arith.constant 1 : i32
    scf.for %parallel_loop3A_426 = %parallel_loop3A_113 to %parallel_loop3A_114 step %parallel_loop3A_115  : i32 {
      %parallel_loop3A_427 = arith.constant 16 : i32
      %parallel_loop3A_428 = arith.muli %parallel_loop3A_426, %parallel_loop3A_427 : i32
      %parallel_loop3A_429 = arith.index_cast %parallel_loop3A_428 : i32 to index
      %parallel_loop3A_430 = tpu.vector_load %arg7[%parallel_loop3A_429] {strides = array<i32>} : memref<4096xi32, #tpu.memory_space<vmem>>, vector<16xi32>,
      tpu.vector_store %arg7[%parallel_loop3A_429], %broadcast_in_dim3A_1 {strides = array<i32>} : memref<4096xi32, #tpu.memory_space<vmem>>, vector<16xi32>,
    } {sc.loop_unroll_factor = 8 : i64, sc.parallel_access}
    %parallel_loop3A_116 = arith.constant 0 : i32
    %parallel_loop3A_117 = arith.constant 32 : i32
    %parallel_loop3A_118 = arith.constant 1 : i32
    scf.for %parallel_loop3A_426 = %parallel_loop3A_116 to %parallel_loop3A_117 step %parallel_loop3A_118  : i32 {
      %parallel_loop3A_427 = arith.constant 16 : i32
      %parallel_loop3A_428 = arith.muli %parallel_loop3A_426, %parallel_loop3A_427 : i32
      %parallel_loop3A_429 = arith.index_cast %parallel_loop3A_428 : i32 to index
      %parallel_loop3A_430 = tpu.vector_load %arg10[%parallel_loop3A_429] {strides = array<i32>} : memref<512xi32, #tpu.memory_space<vmem>>, vector<16xi32>,
      tpu.vector_store %arg10[%parallel_loop3A_429], %broadcast_in_dim3A_1 {strides = array<i32>} : memref<512xi32, #tpu.memory_space<vmem>>, vector<16xi32>,
      %parallel_loop3A_431 = arith.constant 16 : i32
      %parallel_loop3A_432 = arith.muli %parallel_loop3A_426, %parallel_loop3A_431 : i32
      %parallel_loop3A_433 = arith.index_cast %parallel_loop3A_432 : i32 to index
      %parallel_loop3A_434 = tpu.vector_load %arg11[%parallel_loop3A_433] {strides = array<i32>} : memref<512xi32, #tpu.memory_space<vmem>>, vector<16xi32>,
      tpu.vector_store %arg11[%parallel_loop3A_433], %broadcast_in_dim3A_5 {strides = array<i32>} : memref<512xi32, #tpu.memory_space<vmem>>, vector<16xi32>,
    } {sc.loop_unroll_factor = 8 : i64, sc.parallel_access}
    %parallel_loop3A_119 = arith.constant 0 : i32
    %parallel_loop3A_120 = arith.constant 2048 : i32
    %parallel_loop3A_121 = arith.constant 1 : i32
    %parallel_loop3A_122 = scf.for %parallel_loop3A_426 = %parallel_loop3A_119 to %parallel_loop3A_120 step %parallel_loop3A_121 iter_args(%parallel_loop3A_427 = %broadcast_in_dim3A_1) -> (vector<16xi32>)  : i32 {
      %parallel_loop3A_428 = arith.constant 16 : i32
      %parallel_loop3A_429 = arith.muli %parallel_loop3A_426, %parallel_loop3A_428 : i32
      %parallel_loop3A_430 = arith.index_cast %parallel_loop3A_429 : i32 to index
      %parallel_loop3A_431 = tpu.vector_load %arg6[%parallel_loop3A_430] {strides = array<i32>} : memref<32768xf32, #tpu.memory_space<vmem>>, vector<16xf32>,
      %parallel_loop3A_432 = vector.bitcast %parallel_loop3A_431 : vector<16xf32> to vector<16xi32>
      %parallel_loop3A_433 = arith.constant 1 : i32
      %parallel_loop3A_434 = vector.broadcast %parallel_loop3A_433 : i32 to vector<16xi32>
      %parallel_loop3A_435 = arith.shli %parallel_loop3A_432, %parallel_loop3A_434 : vector<16xi32>
      %parallel_loop3A_436 = arith.constant 20 : i32
      %parallel_loop3A_437 = vector.broadcast %parallel_loop3A_436 : i32 to vector<16xi32>
      %parallel_loop3A_438 = arith.shrui %parallel_loop3A_435, %parallel_loop3A_437 : vector<16xi32>
      %parallel_loop3A_439 = vector.bitcast %parallel_loop3A_438 : vector<16xi32> to vector<16xi32>
      tpu.vector_store_idx %arg7[%parallel_loop3A_439], %broadcast_in_dim3A_3 {add = true} : memref<4096xi32, #tpu.memory_space<vmem>>[vector<16xi32>], vector<16xi32>,
      %parallel_loop3A_440 = arith.maxsi %parallel_loop3A_427, %parallel_loop3A_439 : vector<16xi32>
      scf.yield %parallel_loop3A_440 : vector<16xi32>
    } {sc.loop_unroll_factor = 16 : i64, sc.parallel_access}
    %reduce_max3A_123 = arith.constant true
    %reduce_max3A_124 = vector.broadcast %reduce_max3A_123 : i1 to vector<16xi1>
    %reduce_max3A_125 = arith.constant -2147483648 : i32
    %reduce_max3A_126 = vector.broadcast %reduce_max3A_125 : i32 to vector<16xi32>
    %reduce_max3A_127 = arith.xori %parallel_loop3A_122, %reduce_max3A_126 : vector<16xi32>
    %reduce_max3A_128 = tpu.scan <max>, %reduce_max3A_127 masked %reduce_max3A_124 : vector<16xi32>, vector<16xi1> -> vector<16xi32>
    %reduce_max3A_129 = arith.xori %reduce_max3A_128, %reduce_max3A_126 : vector<16xi32>
    %reduce_max3A_130 = vector.extract %reduce_max3A_129[15] : i32 from vector<16xi32>
    %shift_right_arithmetic3A_131 = arith.constant 4 : i32
    %shift_right_arithmetic3A_132 = arith.shrsi %reduce_max3A_130, %shift_right_arithmetic3A_131 : i32
    %while3A_133 = arith.constant 0 : i32
    %while3A_134 = arith.constant false
    %while3A_135:3 = scf.while (%while3A_426 = %shift_right_arithmetic3A_132, %while3A_427 = %while3A_133, %while3A_428 = %while3A_134) : (i32, i32, i1) -> (i32, i32, i1) {
      %not3A = arith.constant true
      %not3A_429 = arith.xori %while3A_428, %not3A : i1
      scf.condition(%not3A_429) %while3A_426, %while3A_427, %while3A_428 : i32, i32, i1
    } do {
    ^bb0(%while3A_426: i32, %while3A_427: i32, %while3A_428: i1):
      %mul3A_429 = arith.constant 16 : i32
      %mul3A_430 = arith.muli %while3A_426, %mul3A_429 : i32
      %get3A_431 = arith.index_cast %mul3A_430 : i32 to index
      %get3A_432 = tpu.vector_load %arg7[%get3A_431] {strides = array<i32>} : memref<4096xi32, #tpu.memory_space<vmem>>, vector<16xi32>,
      %reduce_sum3A_433 = arith.constant true
      %reduce_sum3A_434 = vector.broadcast %reduce_sum3A_433 : i1 to vector<16xi1>
      %reduce_sum3A_435 = tpu.scan <sum>, %get3A_432 masked %reduce_sum3A_434 : vector<16xi32>, vector<16xi1> -> vector<16xi32>
      %reduce_sum3A_436 = vector.extract %reduce_sum3A_435[15] : i32 from vector<16xi32>
      %add3A_437 = arith.addi %while3A_427, %reduce_sum3A_436 : i32
      %ge3A_438 = arith.constant 256 : i32
      %ge3A_439 = arith.cmpi sge, %add3A_437, %ge3A_438 : i32
      %sub3A_440 = arith.constant 1 : i32
      %sub3A_441 = arith.subi %while3A_426, %sub3A_440 : i32
      %select_n3A = arith.select %ge3A_439, %while3A_426, %sub3A_441 : i32
      %add3A_442 = arith.addi %while3A_427, %reduce_sum3A_436 : i32
      %select_n3A_443 = arith.select %ge3A_439, %while3A_427, %add3A_442 : i32
      scf.yield %select_n3A, %select_n3A_443, %ge3A_439 : i32, i32, i1
    }
    %mul3A_136 = arith.constant 16 : i32
    %mul3A_137 = arith.muli %while3A_135#0, %mul3A_136 : i32
    %get3A_138 = arith.index_cast %mul3A_137 : i32 to index
    %get3A_139 = tpu.vector_load %arg7[%get3A_138] {strides = array<i32>} : memref<4096xi32, #tpu.memory_space<vmem>>, vector<16xi32>,
    %rev3A_140 = arith.constant 15 : i32
    %rev3A_141 = vector.broadcast %rev3A_140 : i32 to vector<16xi32>
    %rev3A_142 = tpu.iota {dimensions = array<i32: 0>} : vector<16xi32>
    %rev3A_143 = arith.subi %rev3A_141, %rev3A_142 : vector<16xi32>
    %rev3A_144 = tpu.dynamic_gather %get3A_139[%rev3A_143] in [0] : vector<16xi32>, vector<16xi32> -> vector<16xi32>
    %cumsum3A_145 = arith.constant true
    %cumsum3A_146 = vector.broadcast %cumsum3A_145 : i1 to vector<16xi1>
    %cumsum3A_147 = tpu.scan <sum>, %rev3A_144 masked %cumsum3A_146 : vector<16xi32>, vector<16xi1> -> vector<16xi32>
    %rev3A_148 = arith.constant 15 : i32
    %rev3A_149 = vector.broadcast %rev3A_148 : i32 to vector<16xi32>
    %rev3A_150 = tpu.iota {dimensions = array<i32: 0>} : vector<16xi32>
    %rev3A_151 = arith.subi %rev3A_149, %rev3A_150 : vector<16xi32>
    %rev3A_152 = tpu.dynamic_gather %cumsum3A_147[%rev3A_151] in [0] : vector<16xi32>, vector<16xi32> -> vector<16xi32>
    %add3A_153 = vector.broadcast %while3A_135#1 : i32 to vector<16xi32>
    %add3A_154 = arith.addi %rev3A_152, %add3A_153 : vector<16xi32>
    %ge3A_155 = arith.constant 256 : i32
    %ge3A_156 = vector.broadcast %ge3A_155 : i32 to vector<16xi32>
    %ge3A_157 = arith.cmpi sge, %add3A_154, %ge3A_156 : vector<16xi32>
    %convert_element_type3A_158 = arith.extui %ge3A_157 : vector<16xi1> to vector<16xi32>
    %reduce_sum3A_159 = arith.constant true
    %reduce_sum3A_160 = vector.broadcast %reduce_sum3A_159 : i1 to vector<16xi1>
    %reduce_sum3A_161 = tpu.scan <sum>, %convert_element_type3A_158 masked %reduce_sum3A_160 : vector<16xi32>, vector<16xi1> -> vector<16xi32>
    %reduce_sum3A_162 = vector.extract %reduce_sum3A_161[15] : i32 from vector<16xi32>
    %sub3A_163 = arith.constant 1 : i32
    %sub3A_164 = arith.subi %reduce_sum3A_162, %sub3A_163 : i32
    %mul3A_165 = arith.constant 16 : i32
    %mul3A_166 = arith.muli %while3A_135#0, %mul3A_165 : i32
    %add3A_167 = arith.addi %mul3A_166, %sub3A_164 : i32
    %shift_left3A_168 = arith.constant 19 : i32
    %shift_left3A_169 = arith.shli %add3A_167, %shift_left3A_168 : i32
    %broadcast_in_dim3A_170 = arith.constant 0 : i32
    %broadcast_in_dim3A_171 = vector.broadcast %broadcast_in_dim3A_170 : i32 to vector<16xi32>
    %add3A_172 = vector.broadcast %shift_left3A_169 : i32 to vector<16xi32>
    %add3A_173 = arith.addi %broadcast_in_dim3A_171, %add3A_172 : vector<16xi32>
    %parallel_loop3A_174 = arith.constant 0 : i32
    %parallel_loop3A_175 = arith.constant 2048 : i32
    %parallel_loop3A_176 = arith.constant 1 : i32
    %parallel_loop3A_177 = scf.for %parallel_loop3A_426 = %parallel_loop3A_174 to %parallel_loop3A_175 step %parallel_loop3A_176 iter_args(%parallel_loop3A_427 = %broadcast_in_dim3A_1) -> (vector<16xi32>)  : i32 {
      %parallel_loop3A_428 = arith.constant 16 : i32
      %parallel_loop3A_429 = arith.muli %parallel_loop3A_426, %parallel_loop3A_428 : i32
      %parallel_loop3A_430 = arith.index_cast %parallel_loop3A_429 : i32 to index
      %parallel_loop3A_431 = tpu.vector_load %arg6[%parallel_loop3A_430] {strides = array<i32>} : memref<32768xf32, #tpu.memory_space<vmem>>, vector<16xf32>,
      %parallel_loop3A_432 = vector.bitcast %parallel_loop3A_431 : vector<16xf32> to vector<16xi32>
      %parallel_loop3A_433 = arith.constant 2147483647 : i32
      %parallel_loop3A_434 = vector.broadcast %parallel_loop3A_433 : i32 to vector<16xi32>
      %parallel_loop3A_435 = arith.andi %parallel_loop3A_432, %parallel_loop3A_434 : vector<16xi32>
      %parallel_loop3A_436 = arith.cmpi sge, %parallel_loop3A_435, %add3A_173 : vector<16xi32>
      %parallel_loop3A_437 = arith.extui %parallel_loop3A_436 : vector<16xi1> to vector<16xi32>
      %parallel_loop3A_438 = arith.constant true
      %parallel_loop3A_439 = vector.broadcast %parallel_loop3A_438 : i1 to vector<16xi1>
      %parallel_loop3A_440 = tpu.scan <sum>, %parallel_loop3A_437 masked %parallel_loop3A_439 : vector<16xi32>, vector<16xi1> -> vector<16xi32>
      %parallel_loop3A_441 = arith.constant 1 : i32
      %parallel_loop3A_442 = vector.broadcast %parallel_loop3A_441 : i32 to vector<16xi32>
      %parallel_loop3A_443 = arith.subi %parallel_loop3A_427, %parallel_loop3A_442 : vector<16xi32>
      %parallel_loop3A_444 = arith.addi %parallel_loop3A_440, %parallel_loop3A_443 : vector<16xi32>
      %parallel_loop3A_445 = arith.constant 511 : i32
      %parallel_loop3A_446 = vector.broadcast %parallel_loop3A_445 : i32 to vector<16xi32>
      %parallel_loop3A_447 = arith.minsi %parallel_loop3A_444, %parallel_loop3A_446 : vector<16xi32>
      %parallel_loop3A_448 = arith.constant 31 : i32
      %parallel_loop3A_449 = vector.broadcast %parallel_loop3A_448 : i32 to vector<16xi32>
      %parallel_loop3A_450 = arith.shrui %parallel_loop3A_432, %parallel_loop3A_449 : vector<16xi32>
      %parallel_loop3A_451 = arith.constant 16 : i32
      %parallel_loop3A_452 = arith.muli %parallel_loop3A_426, %parallel_loop3A_451 : i32
      %parallel_loop3A_453 = vector.broadcast %parallel_loop3A_452 : i32 to vector<16xi32>
      %parallel_loop3A_454 = arith.addi %iota3A, %parallel_loop3A_453 : vector<16xi32>
      %parallel_loop3A_455 = arith.constant 1 : i32
      %parallel_loop3A_456 = vector.broadcast %parallel_loop3A_455 : i32 to vector<16xi32>
      %parallel_loop3A_457 = arith.shli %parallel_loop3A_454, %parallel_loop3A_456 : vector<16xi32>
      %parallel_loop3A_458 = arith.ori %parallel_loop3A_457, %parallel_loop3A_450 : vector<16xi32>
      tpu.vector_store_idx %arg10[%parallel_loop3A_447], %parallel_loop3A_435 masked %parallel_loop3A_436 : memref<512xi32, #tpu.memory_space<vmem>>[vector<16xi32>], vector<16xi32>, vector<16xi1>
      tpu.vector_store_idx %arg11[%parallel_loop3A_447], %parallel_loop3A_458 masked %parallel_loop3A_436 : memref<512xi32, #tpu.memory_space<vmem>>[vector<16xi32>], vector<16xi32>, vector<16xi1>
      %parallel_loop3A_459 = tpu.all_reduce %parallel_loop3A_436 {dim = 0 : i64, kind = #tpu.reduction_kind<sum>} : vector<16xi1> -> vector<16xi32>
      %parallel_loop3A_460 = arith.addi %parallel_loop3A_427, %parallel_loop3A_459 : vector<16xi32>
      scf.yield %parallel_loop3A_460 : vector<16xi32>
    } {sc.loop_unroll_factor = 8 : i64, sc.parallel_access}
    %add3A_178 = arith.constant 1 : i32
    %add3A_179 = arith.addi %mul3A_7, %add3A_178 : i32
    %dma_start3A_180 = arith.constant 0 : i32
    %dma_start3A_181 = tpu.memref_slice %arg3[%add3A_179, %dma_start3A_180] : memref<128x512xi32, #tpu.memory_space<hbm>> -> memref<1x512xi32, #tpu.memory_space<hbm>>
    %dma_start3A_182 = tpu.memref_squeeze %dma_start3A_181 : memref<1x512xi32, #tpu.memory_space<hbm>> -> memref<512xi32, #tpu.memory_space<hbm>>
    %dma_start3A_183 = arith.constant 0 : i32
    %dma_start3A_184 = tpu.memref_slice %arg3[%add3A_179, %dma_start3A_183] : memref<128x512xi32, #tpu.memory_space<hbm>> -> memref<1x512xi32, #tpu.memory_space<hbm>>
    %dma_start3A_185 = tpu.memref_squeeze %dma_start3A_184 : memref<1x512xi32, #tpu.memory_space<hbm>> -> memref<512xi32, #tpu.memory_space<hbm>>
    tpu.enqueue_dma source(%arg10 : memref<512xi32, #tpu.memory_space<vmem>>) target(%dma_start3A_185 : memref<512xi32, #tpu.memory_space<hbm>>) target_semaphore(%arg13 : memref<!tpu.dma_semaphore, #tpu.memory_space<semaphore_mem>>)
    %add3A_186 = arith.constant 1 : i32
    %add3A_187 = arith.addi %mul3A_7, %add3A_186 : i32
    %dma_start3A_188 = arith.constant 0 : i32
    %dma_start3A_189 = tpu.memref_slice %arg4[%add3A_187, %dma_start3A_188] : memref<128x512xi32, #tpu.memory_space<hbm>> -> memref<1x512xi32, #tpu.memory_space<hbm>>
    %dma_start3A_190 = tpu.memref_squeeze %dma_start3A_189 : memref<1x512xi32, #tpu.memory_space<hbm>> -> memref<512xi32, #tpu.memory_space<hbm>>
    %dma_start3A_191 = arith.constant 0 : i32
    %dma_start3A_192 = tpu.memref_slice %arg4[%add3A_187, %dma_start3A_191] : memref<128x512xi32, #tpu.memory_space<hbm>> -> memref<1x512xi32, #tpu.memory_space<hbm>>
    %dma_start3A_193 = tpu.memref_squeeze %dma_start3A_192 : memref<1x512xi32, #tpu.memory_space<hbm>> -> memref<512xi32, #tpu.memory_space<hbm>>
    tpu.enqueue_dma source(%arg11 : memref<512xi32, #tpu.memory_space<vmem>>) target(%dma_start3A_193 : memref<512xi32, #tpu.memory_space<hbm>>) target_semaphore(%arg13 : memref<!tpu.dma_semaphore, #tpu.memory_space<semaphore_mem>>)
    %dma_wait3A_194 = arith.constant 0 : i32
    %dma_wait3A_195 = tpu.memref_slice %arg2[%add3A_106, %dma_wait3A_194] : memref<128x32768xf32, #tpu.memory_space<hbm>> -> memref<1x32768xf32, #tpu.memory_space<hbm>>
    %dma_wait3A_196 = tpu.memref_squeeze %dma_wait3A_195 : memref<1x32768xf32, #tpu.memory_space<hbm>> -> memref<32768xf32, #tpu.memory_space<hbm>>
    %dma_wait3A_197 = arith.constant 0 : i32
    %dma_wait3A_198 = tpu.memref_slice %arg2[%add3A_106, %dma_wait3A_197] : memref<128x32768xf32, #tpu.memory_space<hbm>> -> memref<1x32768xf32, #tpu.memory_space<hbm>>
    %dma_wait3A_199 = tpu.memref_squeeze %dma_wait3A_198 : memref<1x32768xf32, #tpu.memory_space<hbm>> -> memref<32768xf32, #tpu.memory_space<hbm>>
    tpu.wait_dma2 semaphore(%arg12 : memref<!tpu.dma_semaphore, #tpu.memory_space<semaphore_mem>>) src(%dma_wait3A_199 : memref<32768xf32, #tpu.memory_space<hbm>>) dst(%arg5 : memref<32768xf32, #tpu.memory_space<vmem>>)
    %add3A_200 = arith.constant 2 : i32
    %add3A_201 = arith.addi %mul3A_7, %add3A_200 : i32
    %add3A_202 = arith.constant 1 : i32
    %add3A_203 = arith.addi %add3A_201, %add3A_202 : i32
    %dma_start3A_204 = arith.constant 0 : i32
    %dma_start3A_205 = tpu.memref_slice %arg2[%add3A_203, %dma_start3A_204] : memref<128x32768xf32, #tpu.memory_space<hbm>> -> memref<1x32768xf32, #tpu.memory_space<hbm>>
    %dma_start3A_206 = tpu.memref_squeeze %dma_start3A_205 : memref<1x32768xf32, #tpu.memory_space<hbm>> -> memref<32768xf32, #tpu.memory_space<hbm>>
    %dma_start3A_207 = arith.constant 0 : i32
    %dma_start3A_208 = tpu.memref_slice %arg2[%add3A_203, %dma_start3A_207] : memref<128x32768xf32, #tpu.memory_space<hbm>> -> memref<1x32768xf32, #tpu.memory_space<hbm>>
    %dma_start3A_209 = tpu.memref_squeeze %dma_start3A_208 : memref<1x32768xf32, #tpu.memory_space<hbm>> -> memref<32768xf32, #tpu.memory_space<hbm>>
    tpu.enqueue_dma source(%dma_start3A_209 : memref<32768xf32, #tpu.memory_space<hbm>>) target(%arg6 : memref<32768xf32, #tpu.memory_space<vmem>>) target_semaphore(%arg12 : memref<!tpu.dma_semaphore, #tpu.memory_space<semaphore_mem>>)
    %dma_wait3A_210 = arith.constant 0 : i32
    %dma_wait3A_211 = tpu.memref_slice %arg3[%add3A_82, %dma_wait3A_210] : memref<128x512xi32, #tpu.memory_space<hbm>> -> memref<1x512xi32, #tpu.memory_space<hbm>>
    %dma_wait3A_212 = tpu.memref_squeeze %dma_wait3A_211 : memref<1x512xi32, #tpu.memory_space<hbm>> -> memref<512xi32, #tpu.memory_space<hbm>>
    %dma_wait3A_213 = arith.constant 0 : i32
    %dma_wait3A_214 = tpu.memref_slice %arg3[%add3A_82, %dma_wait3A_213] : memref<128x512xi32, #tpu.memory_space<hbm>> -> memref<1x512xi32, #tpu.memory_space<hbm>>
    %dma_wait3A_215 = tpu.memref_squeeze %dma_wait3A_214 : memref<1x512xi32, #tpu.memory_space<hbm>> -> memref<512xi32, #tpu.memory_space<hbm>>
    tpu.wait_dma2 semaphore(%arg13 : memref<!tpu.dma_semaphore, #tpu.memory_space<semaphore_mem>>) src(%arg8 : memref<512xi32, #tpu.memory_space<vmem>>) dst(%dma_wait3A_215 : memref<512xi32, #tpu.memory_space<hbm>>)
    %dma_wait3A_216 = arith.constant 0 : i32
    %dma_wait3A_217 = tpu.memref_slice %arg4[%add3A_90, %dma_wait3A_216] : memref<128x512xi32, #tpu.memory_space<hbm>> -> memref<1x512xi32, #tpu.memory_space<hbm>>
    %dma_wait3A_218 = tpu.memref_squeeze %dma_wait3A_217 : memref<1x512xi32, #tpu.memory_space<hbm>> -> memref<512xi32, #tpu.memory_space<hbm>>
    %dma_wait3A_219 = arith.constant 0 : i32
    %dma_wait3A_220 = tpu.memref_slice %arg4[%add3A_90, %dma_wait3A_219] : memref<128x512xi32, #tpu.memory_space<hbm>> -> memref<1x512xi32, #tpu.memory_space<hbm>>
    %dma_wait3A_221 = tpu.memref_squeeze %dma_wait3A_220 : memref<1x512xi32, #tpu.memory_space<hbm>> -> memref<512xi32, #tpu.memory_space<hbm>>
    tpu.wait_dma2 semaphore(%arg13 : memref<!tpu.dma_semaphore, #tpu.memory_space<semaphore_mem>>) src(%arg9 : memref<512xi32, #tpu.memory_space<vmem>>) dst(%dma_wait3A_221 : memref<512xi32, #tpu.memory_space<hbm>>)
    %parallel_loop3A_222 = arith.constant 0 : i32
    %parallel_loop3A_223 = arith.constant 256 : i32
    %parallel_loop3A_224 = arith.constant 1 : i32
    scf.for %parallel_loop3A_426 = %parallel_loop3A_222 to %parallel_loop3A_223 step %parallel_loop3A_224  : i32 {
      %parallel_loop3A_427 = arith.constant 16 : i32
      %parallel_loop3A_428 = arith.muli %parallel_loop3A_426, %parallel_loop3A_427 : i32
      %parallel_loop3A_429 = arith.index_cast %parallel_loop3A_428 : i32 to index
      %parallel_loop3A_430 = tpu.vector_load %arg7[%parallel_loop3A_429] {strides = array<i32>} : memref<4096xi32, #tpu.memory_space<vmem>>, vector<16xi32>,
      tpu.vector_store %arg7[%parallel_loop3A_429], %broadcast_in_dim3A_1 {strides = array<i32>} : memref<4096xi32, #tpu.memory_space<vmem>>, vector<16xi32>,
    } {sc.loop_unroll_factor = 8 : i64, sc.parallel_access}
    %parallel_loop3A_225 = arith.constant 0 : i32
    %parallel_loop3A_226 = arith.constant 32 : i32
    %parallel_loop3A_227 = arith.constant 1 : i32
    scf.for %parallel_loop3A_426 = %parallel_loop3A_225 to %parallel_loop3A_226 step %parallel_loop3A_227  : i32 {
      %parallel_loop3A_427 = arith.constant 16 : i32
      %parallel_loop3A_428 = arith.muli %parallel_loop3A_426, %parallel_loop3A_427 : i32
      %parallel_loop3A_429 = arith.index_cast %parallel_loop3A_428 : i32 to index
      %parallel_loop3A_430 = tpu.vector_load %arg8[%parallel_loop3A_429] {strides = array<i32>} : memref<512xi32, #tpu.memory_space<vmem>>, vector<16xi32>,
      tpu.vector_store %arg8[%parallel_loop3A_429], %broadcast_in_dim3A_1 {strides = array<i32>} : memref<512xi32, #tpu.memory_space<vmem>>, vector<16xi32>,
      %parallel_loop3A_431 = arith.constant 16 : i32
      %parallel_loop3A_432 = arith.muli %parallel_loop3A_426, %parallel_loop3A_431 : i32
      %parallel_loop3A_433 = arith.index_cast %parallel_loop3A_432 : i32 to index
      %parallel_loop3A_434 = tpu.vector_load %arg9[%parallel_loop3A_433] {strides = array<i32>} : memref<512xi32, #tpu.memory_space<vmem>>, vector<16xi32>,
      tpu.vector_store %arg9[%parallel_loop3A_433], %broadcast_in_dim3A_5 {strides = array<i32>} : memref<512xi32, #tpu.memory_space<vmem>>, vector<16xi32>,
    } {sc.loop_unroll_factor = 8 : i64, sc.parallel_access}
    %parallel_loop3A_228 = arith.constant 0 : i32
    %parallel_loop3A_229 = arith.constant 2048 : i32
    %parallel_loop3A_230 = arith.constant 1 : i32
    %parallel_loop3A_231 = scf.for %parallel_loop3A_426 = %parallel_loop3A_228 to %parallel_loop3A_229 step %parallel_loop3A_230 iter_args(%parallel_loop3A_427 = %broadcast_in_dim3A_1) -> (vector<16xi32>)  : i32 {
      %parallel_loop3A_428 = arith.constant 16 : i32
      %parallel_loop3A_429 = arith.muli %parallel_loop3A_426, %parallel_loop3A_428 : i32
      %parallel_loop3A_430 = arith.index_cast %parallel_loop3A_429 : i32 to index
      %parallel_loop3A_431 = tpu.vector_load %arg5[%parallel_loop3A_430] {strides = array<i32>} : memref<32768xf32, #tpu.memory_space<vmem>>, vector<16xf32>,
      %parallel_loop3A_432 = vector.bitcast %parallel_loop3A_431 : vector<16xf32> to vector<16xi32>
      %parallel_loop3A_433 = arith.constant 1 : i32
      %parallel_loop3A_434 = vector.broadcast %parallel_loop3A_433 : i32 to vector<16xi32>
      %parallel_loop3A_435 = arith.shli %parallel_loop3A_432, %parallel_loop3A_434 : vector<16xi32>
      %parallel_loop3A_436 = arith.constant 20 : i32
      %parallel_loop3A_437 = vector.broadcast %parallel_loop3A_436 : i32 to vector<16xi32>
      %parallel_loop3A_438 = arith.shrui %parallel_loop3A_435, %parallel_loop3A_437 : vector<16xi32>
      %parallel_loop3A_439 = vector.bitcast %parallel_loop3A_438 : vector<16xi32> to vector<16xi32>
      tpu.vector_store_idx %arg7[%parallel_loop3A_439], %broadcast_in_dim3A_3 {add = true} : memref<4096xi32, #tpu.memory_space<vmem>>[vector<16xi32>], vector<16xi32>,
      %parallel_loop3A_440 = arith.maxsi %parallel_loop3A_427, %parallel_loop3A_439 : vector<16xi32>
      scf.yield %parallel_loop3A_440 : vector<16xi32>
    } {sc.loop_unroll_factor = 16 : i64, sc.parallel_access}
    %reduce_max3A_232 = arith.constant true
    %reduce_max3A_233 = vector.broadcast %reduce_max3A_232 : i1 to vector<16xi1>
    %reduce_max3A_234 = arith.constant -2147483648 : i32
    %reduce_max3A_235 = vector.broadcast %reduce_max3A_234 : i32 to vector<16xi32>
    %reduce_max3A_236 = arith.xori %parallel_loop3A_231, %reduce_max3A_235 : vector<16xi32>
    %reduce_max3A_237 = tpu.scan <max>, %reduce_max3A_236 masked %reduce_max3A_233 : vector<16xi32>, vector<16xi1> -> vector<16xi32>
    %reduce_max3A_238 = arith.xori %reduce_max3A_237, %reduce_max3A_235 : vector<16xi32>
    %reduce_max3A_239 = vector.extract %reduce_max3A_238[15] : i32 from vector<16xi32>
    %shift_right_arithmetic3A_240 = arith.constant 4 : i32
    %shift_right_arithmetic3A_241 = arith.shrsi %reduce_max3A_239, %shift_right_arithmetic3A_240 : i32
    %while3A_242 = arith.constant 0 : i32
    %while3A_243 = arith.constant false
    %while3A_244:3 = scf.while (%while3A_426 = %shift_right_arithmetic3A_241, %while3A_427 = %while3A_242, %while3A_428 = %while3A_243) : (i32, i32, i1) -> (i32, i32, i1) {
      %not3A = arith.constant true
      %not3A_429 = arith.xori %while3A_428, %not3A : i1
      scf.condition(%not3A_429) %while3A_426, %while3A_427, %while3A_428 : i32, i32, i1
    } do {
    ^bb0(%while3A_426: i32, %while3A_427: i32, %while3A_428: i1):
      %mul3A_429 = arith.constant 16 : i32
      %mul3A_430 = arith.muli %while3A_426, %mul3A_429 : i32
      %get3A_431 = arith.index_cast %mul3A_430 : i32 to index
      %get3A_432 = tpu.vector_load %arg7[%get3A_431] {strides = array<i32>} : memref<4096xi32, #tpu.memory_space<vmem>>, vector<16xi32>,
      %reduce_sum3A_433 = arith.constant true
      %reduce_sum3A_434 = vector.broadcast %reduce_sum3A_433 : i1 to vector<16xi1>
      %reduce_sum3A_435 = tpu.scan <sum>, %get3A_432 masked %reduce_sum3A_434 : vector<16xi32>, vector<16xi1> -> vector<16xi32>
      %reduce_sum3A_436 = vector.extract %reduce_sum3A_435[15] : i32 from vector<16xi32>
      %add3A_437 = arith.addi %while3A_427, %reduce_sum3A_436 : i32
      %ge3A_438 = arith.constant 256 : i32
      %ge3A_439 = arith.cmpi sge, %add3A_437, %ge3A_438 : i32
      %sub3A_440 = arith.constant 1 : i32
      %sub3A_441 = arith.subi %while3A_426, %sub3A_440 : i32
      %select_n3A = arith.select %ge3A_439, %while3A_426, %sub3A_441 : i32
      %add3A_442 = arith.addi %while3A_427, %reduce_sum3A_436 : i32
      %select_n3A_443 = arith.select %ge3A_439, %while3A_427, %add3A_442 : i32
      scf.yield %select_n3A, %select_n3A_443, %ge3A_439 : i32, i32, i1
    }
    %mul3A_245 = arith.constant 16 : i32
    %mul3A_246 = arith.muli %while3A_244#0, %mul3A_245 : i32
    %get3A_247 = arith.index_cast %mul3A_246 : i32 to index
    %get3A_248 = tpu.vector_load %arg7[%get3A_247] {strides = array<i32>} : memref<4096xi32, #tpu.memory_space<vmem>>, vector<16xi32>,
    %rev3A_249 = arith.constant 15 : i32
    %rev3A_250 = vector.broadcast %rev3A_249 : i32 to vector<16xi32>
    %rev3A_251 = tpu.iota {dimensions = array<i32: 0>} : vector<16xi32>
    %rev3A_252 = arith.subi %rev3A_250, %rev3A_251 : vector<16xi32>
    %rev3A_253 = tpu.dynamic_gather %get3A_248[%rev3A_252] in [0] : vector<16xi32>, vector<16xi32> -> vector<16xi32>
    %cumsum3A_254 = arith.constant true
    %cumsum3A_255 = vector.broadcast %cumsum3A_254 : i1 to vector<16xi1>
    %cumsum3A_256 = tpu.scan <sum>, %rev3A_253 masked %cumsum3A_255 : vector<16xi32>, vector<16xi1> -> vector<16xi32>
    %rev3A_257 = arith.constant 15 : i32
    %rev3A_258 = vector.broadcast %rev3A_257 : i32 to vector<16xi32>
    %rev3A_259 = tpu.iota {dimensions = array<i32: 0>} : vector<16xi32>
    %rev3A_260 = arith.subi %rev3A_258, %rev3A_259 : vector<16xi32>
    %rev3A_261 = tpu.dynamic_gather %cumsum3A_256[%rev3A_260] in [0] : vector<16xi32>, vector<16xi32> -> vector<16xi32>
    %add3A_262 = vector.broadcast %while3A_244#1 : i32 to vector<16xi32>
    %add3A_263 = arith.addi %rev3A_261, %add3A_262 : vector<16xi32>
    %ge3A_264 = arith.constant 256 : i32
    %ge3A_265 = vector.broadcast %ge3A_264 : i32 to vector<16xi32>
    %ge3A_266 = arith.cmpi sge, %add3A_263, %ge3A_265 : vector<16xi32>
    %convert_element_type3A_267 = arith.extui %ge3A_266 : vector<16xi1> to vector<16xi32>
    %reduce_sum3A_268 = arith.constant true
    %reduce_sum3A_269 = vector.broadcast %reduce_sum3A_268 : i1 to vector<16xi1>
    %reduce_sum3A_270 = tpu.scan <sum>, %convert_element_type3A_267 masked %reduce_sum3A_269 : vector<16xi32>, vector<16xi1> -> vector<16xi32>
    %reduce_sum3A_271 = vector.extract %reduce_sum3A_270[15] : i32 from vector<16xi32>
    %sub3A_272 = arith.constant 1 : i32
    %sub3A_273 = arith.subi %reduce_sum3A_271, %sub3A_272 : i32
    %mul3A_274 = arith.constant 16 : i32
    %mul3A_275 = arith.muli %while3A_244#0, %mul3A_274 : i32
    %add3A_276 = arith.addi %mul3A_275, %sub3A_273 : i32
    %shift_left3A_277 = arith.constant 19 : i32
    %shift_left3A_278 = arith.shli %add3A_276, %shift_left3A_277 : i32
    %broadcast_in_dim3A_279 = arith.constant 0 : i32
    %broadcast_in_dim3A_280 = vector.broadcast %broadcast_in_dim3A_279 : i32 to vector<16xi32>
    %add3A_281 = vector.broadcast %shift_left3A_278 : i32 to vector<16xi32>
    %add3A_282 = arith.addi %broadcast_in_dim3A_280, %add3A_281 : vector<16xi32>
    %parallel_loop3A_283 = arith.constant 0 : i32
    %parallel_loop3A_284 = arith.constant 2048 : i32
    %parallel_loop3A_285 = arith.constant 1 : i32
    %parallel_loop3A_286 = scf.for %parallel_loop3A_426 = %parallel_loop3A_283 to %parallel_loop3A_284 step %parallel_loop3A_285 iter_args(%parallel_loop3A_427 = %broadcast_in_dim3A_1) -> (vector<16xi32>)  : i32 {
      %parallel_loop3A_428 = arith.constant 16 : i32
      %parallel_loop3A_429 = arith.muli %parallel_loop3A_426, %parallel_loop3A_428 : i32
      %parallel_loop3A_430 = arith.index_cast %parallel_loop3A_429 : i32 to index
      %parallel_loop3A_431 = tpu.vector_load %arg5[%parallel_loop3A_430] {strides = array<i32>} : memref<32768xf32, #tpu.memory_space<vmem>>, vector<16xf32>,
      %parallel_loop3A_432 = vector.bitcast %parallel_loop3A_431 : vector<16xf32> to vector<16xi32>
      %parallel_loop3A_433 = arith.constant 2147483647 : i32
      %parallel_loop3A_434 = vector.broadcast %parallel_loop3A_433 : i32 to vector<16xi32>
      %parallel_loop3A_435 = arith.andi %parallel_loop3A_432, %parallel_loop3A_434 : vector<16xi32>
      %parallel_loop3A_436 = arith.cmpi sge, %parallel_loop3A_435, %add3A_282 : vector<16xi32>
      %parallel_loop3A_437 = arith.extui %parallel_loop3A_436 : vector<16xi1> to vector<16xi32>
      %parallel_loop3A_438 = arith.constant true
      %parallel_loop3A_439 = vector.broadcast %parallel_loop3A_438 : i1 to vector<16xi1>
      %parallel_loop3A_440 = tpu.scan <sum>, %parallel_loop3A_437 masked %parallel_loop3A_439 : vector<16xi32>, vector<16xi1> -> vector<16xi32>
      %parallel_loop3A_441 = arith.constant 1 : i32
      %parallel_loop3A_442 = vector.broadcast %parallel_loop3A_441 : i32 to vector<16xi32>
      %parallel_loop3A_443 = arith.subi %parallel_loop3A_427, %parallel_loop3A_442 : vector<16xi32>
      %parallel_loop3A_444 = arith.addi %parallel_loop3A_440, %parallel_loop3A_443 : vector<16xi32>
      %parallel_loop3A_445 = arith.constant 511 : i32
      %parallel_loop3A_446 = vector.broadcast %parallel_loop3A_445 : i32 to vector<16xi32>
      %parallel_loop3A_447 = arith.minsi %parallel_loop3A_444, %parallel_loop3A_446 : vector<16xi32>
      %parallel_loop3A_448 = arith.constant 31 : i32
      %parallel_loop3A_449 = vector.broadcast %parallel_loop3A_448 : i32 to vector<16xi32>
      %parallel_loop3A_450 = arith.shrui %parallel_loop3A_432, %parallel_loop3A_449 : vector<16xi32>
      %parallel_loop3A_451 = arith.constant 16 : i32
      %parallel_loop3A_452 = arith.muli %parallel_loop3A_426, %parallel_loop3A_451 : i32
      %parallel_loop3A_453 = vector.broadcast %parallel_loop3A_452 : i32 to vector<16xi32>
      %parallel_loop3A_454 = arith.addi %iota3A, %parallel_loop3A_453 : vector<16xi32>
      %parallel_loop3A_455 = arith.constant 1 : i32
      %parallel_loop3A_456 = vector.broadcast %parallel_loop3A_455 : i32 to vector<16xi32>
      %parallel_loop3A_457 = arith.shli %parallel_loop3A_454, %parallel_loop3A_456 : vector<16xi32>
      %parallel_loop3A_458 = arith.ori %parallel_loop3A_457, %parallel_loop3A_450 : vector<16xi32>
      tpu.vector_store_idx %arg8[%parallel_loop3A_447], %parallel_loop3A_435 masked %parallel_loop3A_436 : memref<512xi32, #tpu.memory_space<vmem>>[vector<16xi32>], vector<16xi32>, vector<16xi1>
      tpu.vector_store_idx %arg9[%parallel_loop3A_447], %parallel_loop3A_458 masked %parallel_loop3A_436 : memref<512xi32, #tpu.memory_space<vmem>>[vector<16xi32>], vector<16xi32>, vector<16xi1>
      %parallel_loop3A_459 = tpu.all_reduce %parallel_loop3A_436 {dim = 0 : i64, kind = #tpu.reduction_kind<sum>} : vector<16xi1> -> vector<16xi32>
      %parallel_loop3A_460 = arith.addi %parallel_loop3A_427, %parallel_loop3A_459 : vector<16xi32>
      scf.yield %parallel_loop3A_460 : vector<16xi32>
    } {sc.loop_unroll_factor = 8 : i64, sc.parallel_access}
    %add3A_287 = arith.constant 2 : i32
    %add3A_288 = arith.addi %mul3A_7, %add3A_287 : i32
    %dma_start3A_289 = arith.constant 0 : i32
    %dma_start3A_290 = tpu.memref_slice %arg3[%add3A_288, %dma_start3A_289] : memref<128x512xi32, #tpu.memory_space<hbm>> -> memref<1x512xi32, #tpu.memory_space<hbm>>
    %dma_start3A_291 = tpu.memref_squeeze %dma_start3A_290 : memref<1x512xi32, #tpu.memory_space<hbm>> -> memref<512xi32, #tpu.memory_space<hbm>>
    %dma_start3A_292 = arith.constant 0 : i32
    %dma_start3A_293 = tpu.memref_slice %arg3[%add3A_288, %dma_start3A_292] : memref<128x512xi32, #tpu.memory_space<hbm>> -> memref<1x512xi32, #tpu.memory_space<hbm>>
    %dma_start3A_294 = tpu.memref_squeeze %dma_start3A_293 : memref<1x512xi32, #tpu.memory_space<hbm>> -> memref<512xi32, #tpu.memory_space<hbm>>
    tpu.enqueue_dma source(%arg8 : memref<512xi32, #tpu.memory_space<vmem>>) target(%dma_start3A_294 : memref<512xi32, #tpu.memory_space<hbm>>) target_semaphore(%arg13 : memref<!tpu.dma_semaphore, #tpu.memory_space<semaphore_mem>>)
    %add3A_295 = arith.constant 2 : i32
    %add3A_296 = arith.addi %mul3A_7, %add3A_295 : i32
    %dma_start3A_297 = arith.constant 0 : i32
    %dma_start3A_298 = tpu.memref_slice %arg4[%add3A_296, %dma_start3A_297] : memref<128x512xi32, #tpu.memory_space<hbm>> -> memref<1x512xi32, #tpu.memory_space<hbm>>
    %dma_start3A_299 = tpu.memref_squeeze %dma_start3A_298 : memref<1x512xi32, #tpu.memory_space<hbm>> -> memref<512xi32, #tpu.memory_space<hbm>>
    %dma_start3A_300 = arith.constant 0 : i32
    %dma_start3A_301 = tpu.memref_slice %arg4[%add3A_296, %dma_start3A_300] : memref<128x512xi32, #tpu.memory_space<hbm>> -> memref<1x512xi32, #tpu.memory_space<hbm>>
    %dma_start3A_302 = tpu.memref_squeeze %dma_start3A_301 : memref<1x512xi32, #tpu.memory_space<hbm>> -> memref<512xi32, #tpu.memory_space<hbm>>
    tpu.enqueue_dma source(%arg9 : memref<512xi32, #tpu.memory_space<vmem>>) target(%dma_start3A_302 : memref<512xi32, #tpu.memory_space<hbm>>) target_semaphore(%arg13 : memref<!tpu.dma_semaphore, #tpu.memory_space<semaphore_mem>>)
    %dma_wait3A_303 = arith.constant 0 : i32
    %dma_wait3A_304 = tpu.memref_slice %arg2[%add3A_203, %dma_wait3A_303] : memref<128x32768xf32, #tpu.memory_space<hbm>> -> memref<1x32768xf32, #tpu.memory_space<hbm>>
    %dma_wait3A_305 = tpu.memref_squeeze %dma_wait3A_304 : memref<1x32768xf32, #tpu.memory_space<hbm>> -> memref<32768xf32, #tpu.memory_space<hbm>>
    %dma_wait3A_306 = arith.constant 0 : i32
    %dma_wait3A_307 = tpu.memref_slice %arg2[%add3A_203, %dma_wait3A_306] : memref<128x32768xf32, #tpu.memory_space<hbm>> -> memref<1x32768xf32, #tpu.memory_space<hbm>>
    %dma_wait3A_308 = tpu.memref_squeeze %dma_wait3A_307 : memref<1x32768xf32, #tpu.memory_space<hbm>> -> memref<32768xf32, #tpu.memory_space<hbm>>
    tpu.wait_dma2 semaphore(%arg12 : memref<!tpu.dma_semaphore, #tpu.memory_space<semaphore_mem>>) src(%dma_wait3A_308 : memref<32768xf32, #tpu.memory_space<hbm>>) dst(%arg6 : memref<32768xf32, #tpu.memory_space<vmem>>)
    %dma_wait3A_309 = arith.constant 0 : i32
    %dma_wait3A_310 = tpu.memref_slice %arg3[%add3A_179, %dma_wait3A_309] : memref<128x512xi32, #tpu.memory_space<hbm>> -> memref<1x512xi32, #tpu.memory_space<hbm>>
    %dma_wait3A_311 = tpu.memref_squeeze %dma_wait3A_310 : memref<1x512xi32, #tpu.memory_space<hbm>> -> memref<512xi32, #tpu.memory_space<hbm>>
    %dma_wait3A_312 = arith.constant 0 : i32
    %dma_wait3A_313 = tpu.memref_slice %arg3[%add3A_179, %dma_wait3A_312] : memref<128x512xi32, #tpu.memory_space<hbm>> -> memref<1x512xi32, #tpu.memory_space<hbm>>
    %dma_wait3A_314 = tpu.memref_squeeze %dma_wait3A_313 : memref<1x512xi32, #tpu.memory_space<hbm>> -> memref<512xi32, #tpu.memory_space<hbm>>
    tpu.wait_dma2 semaphore(%arg13 : memref<!tpu.dma_semaphore, #tpu.memory_space<semaphore_mem>>) src(%arg10 : memref<512xi32, #tpu.memory_space<vmem>>) dst(%dma_wait3A_314 : memref<512xi32, #tpu.memory_space<hbm>>)
    %dma_wait3A_315 = arith.constant 0 : i32
    %dma_wait3A_316 = tpu.memref_slice %arg4[%add3A_187, %dma_wait3A_315] : memref<128x512xi32, #tpu.memory_space<hbm>> -> memref<1x512xi32, #tpu.memory_space<hbm>>
    %dma_wait3A_317 = tpu.memref_squeeze %dma_wait3A_316 : memref<1x512xi32, #tpu.memory_space<hbm>> -> memref<512xi32, #tpu.memory_space<hbm>>
    %dma_wait3A_318 = arith.constant 0 : i32
    %dma_wait3A_319 = tpu.memref_slice %arg4[%add3A_187, %dma_wait3A_318] : memref<128x512xi32, #tpu.memory_space<hbm>> -> memref<1x512xi32, #tpu.memory_space<hbm>>
    %dma_wait3A_320 = tpu.memref_squeeze %dma_wait3A_319 : memref<1x512xi32, #tpu.memory_space<hbm>> -> memref<512xi32, #tpu.memory_space<hbm>>
    tpu.wait_dma2 semaphore(%arg13 : memref<!tpu.dma_semaphore, #tpu.memory_space<semaphore_mem>>) src(%arg11 : memref<512xi32, #tpu.memory_space<vmem>>) dst(%dma_wait3A_320 : memref<512xi32, #tpu.memory_space<hbm>>)
    %parallel_loop3A_321 = arith.constant 0 : i32
    %parallel_loop3A_322 = arith.constant 256 : i32
    %parallel_loop3A_323 = arith.constant 1 : i32
    scf.for %parallel_loop3A_426 = %parallel_loop3A_321 to %parallel_loop3A_322 step %parallel_loop3A_323  : i32 {
      %parallel_loop3A_427 = arith.constant 16 : i32
      %parallel_loop3A_428 = arith.muli %parallel_loop3A_426, %parallel_loop3A_427 : i32
      %parallel_loop3A_429 = arith.index_cast %parallel_loop3A_428 : i32 to index
      %parallel_loop3A_430 = tpu.vector_load %arg7[%parallel_loop3A_429] {strides = array<i32>} : memref<4096xi32, #tpu.memory_space<vmem>>, vector<16xi32>,
      tpu.vector_store %arg7[%parallel_loop3A_429], %broadcast_in_dim3A_1 {strides = array<i32>} : memref<4096xi32, #tpu.memory_space<vmem>>, vector<16xi32>,
    } {sc.loop_unroll_factor = 8 : i64, sc.parallel_access}
    %parallel_loop3A_324 = arith.constant 0 : i32
    %parallel_loop3A_325 = arith.constant 32 : i32
    %parallel_loop3A_326 = arith.constant 1 : i32
    scf.for %parallel_loop3A_426 = %parallel_loop3A_324 to %parallel_loop3A_325 step %parallel_loop3A_326  : i32 {
      %parallel_loop3A_427 = arith.constant 16 : i32
      %parallel_loop3A_428 = arith.muli %parallel_loop3A_426, %parallel_loop3A_427 : i32
      %parallel_loop3A_429 = arith.index_cast %parallel_loop3A_428 : i32 to index
      %parallel_loop3A_430 = tpu.vector_load %arg10[%parallel_loop3A_429] {strides = array<i32>} : memref<512xi32, #tpu.memory_space<vmem>>, vector<16xi32>,
      tpu.vector_store %arg10[%parallel_loop3A_429], %broadcast_in_dim3A_1 {strides = array<i32>} : memref<512xi32, #tpu.memory_space<vmem>>, vector<16xi32>,
      %parallel_loop3A_431 = arith.constant 16 : i32
      %parallel_loop3A_432 = arith.muli %parallel_loop3A_426, %parallel_loop3A_431 : i32
      %parallel_loop3A_433 = arith.index_cast %parallel_loop3A_432 : i32 to index
      %parallel_loop3A_434 = tpu.vector_load %arg11[%parallel_loop3A_433] {strides = array<i32>} : memref<512xi32, #tpu.memory_space<vmem>>, vector<16xi32>,
      tpu.vector_store %arg11[%parallel_loop3A_433], %broadcast_in_dim3A_5 {strides = array<i32>} : memref<512xi32, #tpu.memory_space<vmem>>, vector<16xi32>,
    } {sc.loop_unroll_factor = 8 : i64, sc.parallel_access}
    %parallel_loop3A_327 = arith.constant 0 : i32
    %parallel_loop3A_328 = arith.constant 2048 : i32
    %parallel_loop3A_329 = arith.constant 1 : i32
    %parallel_loop3A_330 = scf.for %parallel_loop3A_426 = %parallel_loop3A_327 to %parallel_loop3A_328 step %parallel_loop3A_329 iter_args(%parallel_loop3A_427 = %broadcast_in_dim3A_1) -> (vector<16xi32>)  : i32 {
      %parallel_loop3A_428 = arith.constant 16 : i32
      %parallel_loop3A_429 = arith.muli %parallel_loop3A_426, %parallel_loop3A_428 : i32
      %parallel_loop3A_430 = arith.index_cast %parallel_loop3A_429 : i32 to index
      %parallel_loop3A_431 = tpu.vector_load %arg6[%parallel_loop3A_430] {strides = array<i32>} : memref<32768xf32, #tpu.memory_space<vmem>>, vector<16xf32>,
      %parallel_loop3A_432 = vector.bitcast %parallel_loop3A_431 : vector<16xf32> to vector<16xi32>
      %parallel_loop3A_433 = arith.constant 1 : i32
      %parallel_loop3A_434 = vector.broadcast %parallel_loop3A_433 : i32 to vector<16xi32>
      %parallel_loop3A_435 = arith.shli %parallel_loop3A_432, %parallel_loop3A_434 : vector<16xi32>
      %parallel_loop3A_436 = arith.constant 20 : i32
      %parallel_loop3A_437 = vector.broadcast %parallel_loop3A_436 : i32 to vector<16xi32>
      %parallel_loop3A_438 = arith.shrui %parallel_loop3A_435, %parallel_loop3A_437 : vector<16xi32>
      %parallel_loop3A_439 = vector.bitcast %parallel_loop3A_438 : vector<16xi32> to vector<16xi32>
      tpu.vector_store_idx %arg7[%parallel_loop3A_439], %broadcast_in_dim3A_3 {add = true} : memref<4096xi32, #tpu.memory_space<vmem>>[vector<16xi32>], vector<16xi32>,
      %parallel_loop3A_440 = arith.maxsi %parallel_loop3A_427, %parallel_loop3A_439 : vector<16xi32>
      scf.yield %parallel_loop3A_440 : vector<16xi32>
    } {sc.loop_unroll_factor = 16 : i64, sc.parallel_access}
    %reduce_max3A_331 = arith.constant true
    %reduce_max3A_332 = vector.broadcast %reduce_max3A_331 : i1 to vector<16xi1>
    %reduce_max3A_333 = arith.constant -2147483648 : i32
    %reduce_max3A_334 = vector.broadcast %reduce_max3A_333 : i32 to vector<16xi32>
    %reduce_max3A_335 = arith.xori %parallel_loop3A_330, %reduce_max3A_334 : vector<16xi32>
    %reduce_max3A_336 = tpu.scan <max>, %reduce_max3A_335 masked %reduce_max3A_332 : vector<16xi32>, vector<16xi1> -> vector<16xi32>
    %reduce_max3A_337 = arith.xori %reduce_max3A_336, %reduce_max3A_334 : vector<16xi32>
    %reduce_max3A_338 = vector.extract %reduce_max3A_337[15] : i32 from vector<16xi32>
    %shift_right_arithmetic3A_339 = arith.constant 4 : i32
    %shift_right_arithmetic3A_340 = arith.shrsi %reduce_max3A_338, %shift_right_arithmetic3A_339 : i32
    %while3A_341 = arith.constant 0 : i32
    %while3A_342 = arith.constant false
    %while3A_343:3 = scf.while (%while3A_426 = %shift_right_arithmetic3A_340, %while3A_427 = %while3A_341, %while3A_428 = %while3A_342) : (i32, i32, i1) -> (i32, i32, i1) {
      %not3A = arith.constant true
      %not3A_429 = arith.xori %while3A_428, %not3A : i1
      scf.condition(%not3A_429) %while3A_426, %while3A_427, %while3A_428 : i32, i32, i1
    } do {
    ^bb0(%while3A_426: i32, %while3A_427: i32, %while3A_428: i1):
      %mul3A_429 = arith.constant 16 : i32
      %mul3A_430 = arith.muli %while3A_426, %mul3A_429 : i32
      %get3A_431 = arith.index_cast %mul3A_430 : i32 to index
      %get3A_432 = tpu.vector_load %arg7[%get3A_431] {strides = array<i32>} : memref<4096xi32, #tpu.memory_space<vmem>>, vector<16xi32>,
      %reduce_sum3A_433 = arith.constant true
      %reduce_sum3A_434 = vector.broadcast %reduce_sum3A_433 : i1 to vector<16xi1>
      %reduce_sum3A_435 = tpu.scan <sum>, %get3A_432 masked %reduce_sum3A_434 : vector<16xi32>, vector<16xi1> -> vector<16xi32>
      %reduce_sum3A_436 = vector.extract %reduce_sum3A_435[15] : i32 from vector<16xi32>
      %add3A_437 = arith.addi %while3A_427, %reduce_sum3A_436 : i32
      %ge3A_438 = arith.constant 256 : i32
      %ge3A_439 = arith.cmpi sge, %add3A_437, %ge3A_438 : i32
      %sub3A_440 = arith.constant 1 : i32
      %sub3A_441 = arith.subi %while3A_426, %sub3A_440 : i32
      %select_n3A = arith.select %ge3A_439, %while3A_426, %sub3A_441 : i32
      %add3A_442 = arith.addi %while3A_427, %reduce_sum3A_436 : i32
      %select_n3A_443 = arith.select %ge3A_439, %while3A_427, %add3A_442 : i32
      scf.yield %select_n3A, %select_n3A_443, %ge3A_439 : i32, i32, i1
    }
    %mul3A_344 = arith.constant 16 : i32
    %mul3A_345 = arith.muli %while3A_343#0, %mul3A_344 : i32
    %get3A_346 = arith.index_cast %mul3A_345 : i32 to index
    %get3A_347 = tpu.vector_load %arg7[%get3A_346] {strides = array<i32>} : memref<4096xi32, #tpu.memory_space<vmem>>, vector<16xi32>,
    %rev3A_348 = arith.constant 15 : i32
    %rev3A_349 = vector.broadcast %rev3A_348 : i32 to vector<16xi32>
    %rev3A_350 = tpu.iota {dimensions = array<i32: 0>} : vector<16xi32>
    %rev3A_351 = arith.subi %rev3A_349, %rev3A_350 : vector<16xi32>
    %rev3A_352 = tpu.dynamic_gather %get3A_347[%rev3A_351] in [0] : vector<16xi32>, vector<16xi32> -> vector<16xi32>
    %cumsum3A_353 = arith.constant true
    %cumsum3A_354 = vector.broadcast %cumsum3A_353 : i1 to vector<16xi1>
    %cumsum3A_355 = tpu.scan <sum>, %rev3A_352 masked %cumsum3A_354 : vector<16xi32>, vector<16xi1> -> vector<16xi32>
    %rev3A_356 = arith.constant 15 : i32
    %rev3A_357 = vector.broadcast %rev3A_356 : i32 to vector<16xi32>
    %rev3A_358 = tpu.iota {dimensions = array<i32: 0>} : vector<16xi32>
    %rev3A_359 = arith.subi %rev3A_357, %rev3A_358 : vector<16xi32>
    %rev3A_360 = tpu.dynamic_gather %cumsum3A_355[%rev3A_359] in [0] : vector<16xi32>, vector<16xi32> -> vector<16xi32>
    %add3A_361 = vector.broadcast %while3A_343#1 : i32 to vector<16xi32>
    %add3A_362 = arith.addi %rev3A_360, %add3A_361 : vector<16xi32>
    %ge3A_363 = arith.constant 256 : i32
    %ge3A_364 = vector.broadcast %ge3A_363 : i32 to vector<16xi32>
    %ge3A_365 = arith.cmpi sge, %add3A_362, %ge3A_364 : vector<16xi32>
    %convert_element_type3A_366 = arith.extui %ge3A_365 : vector<16xi1> to vector<16xi32>
    %reduce_sum3A_367 = arith.constant true
    %reduce_sum3A_368 = vector.broadcast %reduce_sum3A_367 : i1 to vector<16xi1>
    %reduce_sum3A_369 = tpu.scan <sum>, %convert_element_type3A_366 masked %reduce_sum3A_368 : vector<16xi32>, vector<16xi1> -> vector<16xi32>
    %reduce_sum3A_370 = vector.extract %reduce_sum3A_369[15] : i32 from vector<16xi32>
    %sub3A_371 = arith.constant 1 : i32
    %sub3A_372 = arith.subi %reduce_sum3A_370, %sub3A_371 : i32
    %mul3A_373 = arith.constant 16 : i32
    %mul3A_374 = arith.muli %while3A_343#0, %mul3A_373 : i32
    %add3A_375 = arith.addi %mul3A_374, %sub3A_372 : i32
    %shift_left3A_376 = arith.constant 19 : i32
    %shift_left3A_377 = arith.shli %add3A_375, %shift_left3A_376 : i32
    %broadcast_in_dim3A_378 = arith.constant 0 : i32
    %broadcast_in_dim3A_379 = vector.broadcast %broadcast_in_dim3A_378 : i32 to vector<16xi32>
    %add3A_380 = vector.broadcast %shift_left3A_377 : i32 to vector<16xi32>
    %add3A_381 = arith.addi %broadcast_in_dim3A_379, %add3A_380 : vector<16xi32>
    %parallel_loop3A_382 = arith.constant 0 : i32
    %parallel_loop3A_383 = arith.constant 2048 : i32
    %parallel_loop3A_384 = arith.constant 1 : i32
    %parallel_loop3A_385 = scf.for %parallel_loop3A_426 = %parallel_loop3A_382 to %parallel_loop3A_383 step %parallel_loop3A_384 iter_args(%parallel_loop3A_427 = %broadcast_in_dim3A_1) -> (vector<16xi32>)  : i32 {
      %parallel_loop3A_428 = arith.constant 16 : i32
      %parallel_loop3A_429 = arith.muli %parallel_loop3A_426, %parallel_loop3A_428 : i32
      %parallel_loop3A_430 = arith.index_cast %parallel_loop3A_429 : i32 to index
      %parallel_loop3A_431 = tpu.vector_load %arg6[%parallel_loop3A_430] {strides = array<i32>} : memref<32768xf32, #tpu.memory_space<vmem>>, vector<16xf32>,
      %parallel_loop3A_432 = vector.bitcast %parallel_loop3A_431 : vector<16xf32> to vector<16xi32>
      %parallel_loop3A_433 = arith.constant 2147483647 : i32
      %parallel_loop3A_434 = vector.broadcast %parallel_loop3A_433 : i32 to vector<16xi32>
      %parallel_loop3A_435 = arith.andi %parallel_loop3A_432, %parallel_loop3A_434 : vector<16xi32>
      %parallel_loop3A_436 = arith.cmpi sge, %parallel_loop3A_435, %add3A_381 : vector<16xi32>
      %parallel_loop3A_437 = arith.extui %parallel_loop3A_436 : vector<16xi1> to vector<16xi32>
      %parallel_loop3A_438 = arith.constant true
      %parallel_loop3A_439 = vector.broadcast %parallel_loop3A_438 : i1 to vector<16xi1>
      %parallel_loop3A_440 = tpu.scan <sum>, %parallel_loop3A_437 masked %parallel_loop3A_439 : vector<16xi32>, vector<16xi1> -> vector<16xi32>
      %parallel_loop3A_441 = arith.constant 1 : i32
      %parallel_loop3A_442 = vector.broadcast %parallel_loop3A_441 : i32 to vector<16xi32>
      %parallel_loop3A_443 = arith.subi %parallel_loop3A_427, %parallel_loop3A_442 : vector<16xi32>
      %parallel_loop3A_444 = arith.addi %parallel_loop3A_440, %parallel_loop3A_443 : vector<16xi32>
      %parallel_loop3A_445 = arith.constant 511 : i32
      %parallel_loop3A_446 = vector.broadcast %parallel_loop3A_445 : i32 to vector<16xi32>
      %parallel_loop3A_447 = arith.minsi %parallel_loop3A_444, %parallel_loop3A_446 : vector<16xi32>
      %parallel_loop3A_448 = arith.constant 31 : i32
      %parallel_loop3A_449 = vector.broadcast %parallel_loop3A_448 : i32 to vector<16xi32>
      %parallel_loop3A_450 = arith.shrui %parallel_loop3A_432, %parallel_loop3A_449 : vector<16xi32>
      %parallel_loop3A_451 = arith.constant 16 : i32
      %parallel_loop3A_452 = arith.muli %parallel_loop3A_426, %parallel_loop3A_451 : i32
      %parallel_loop3A_453 = vector.broadcast %parallel_loop3A_452 : i32 to vector<16xi32>
      %parallel_loop3A_454 = arith.addi %iota3A, %parallel_loop3A_453 : vector<16xi32>
      %parallel_loop3A_455 = arith.constant 1 : i32
      %parallel_loop3A_456 = vector.broadcast %parallel_loop3A_455 : i32 to vector<16xi32>
      %parallel_loop3A_457 = arith.shli %parallel_loop3A_454, %parallel_loop3A_456 : vector<16xi32>
      %parallel_loop3A_458 = arith.ori %parallel_loop3A_457, %parallel_loop3A_450 : vector<16xi32>
      tpu.vector_store_idx %arg10[%parallel_loop3A_447], %parallel_loop3A_435 masked %parallel_loop3A_436 : memref<512xi32, #tpu.memory_space<vmem>>[vector<16xi32>], vector<16xi32>, vector<16xi1>
      tpu.vector_store_idx %arg11[%parallel_loop3A_447], %parallel_loop3A_458 masked %parallel_loop3A_436 : memref<512xi32, #tpu.memory_space<vmem>>[vector<16xi32>], vector<16xi32>, vector<16xi1>
      %parallel_loop3A_459 = tpu.all_reduce %parallel_loop3A_436 {dim = 0 : i64, kind = #tpu.reduction_kind<sum>} : vector<16xi1> -> vector<16xi32>
      %parallel_loop3A_460 = arith.addi %parallel_loop3A_427, %parallel_loop3A_459 : vector<16xi32>
      scf.yield %parallel_loop3A_460 : vector<16xi32>
    } {sc.loop_unroll_factor = 8 : i64, sc.parallel_access}
    %add3A_386 = arith.constant 3 : i32
    %add3A_387 = arith.addi %mul3A_7, %add3A_386 : i32
    %dma_start3A_388 = arith.constant 0 : i32
    %dma_start3A_389 = tpu.memref_slice %arg3[%add3A_387, %dma_start3A_388] : memref<128x512xi32, #tpu.memory_space<hbm>> -> memref<1x512xi32, #tpu.memory_space<hbm>>
    %dma_start3A_390 = tpu.memref_squeeze %dma_start3A_389 : memref<1x512xi32, #tpu.memory_space<hbm>> -> memref<512xi32, #tpu.memory_space<hbm>>
    %dma_start3A_391 = arith.constant 0 : i32
    %dma_start3A_392 = tpu.memref_slice %arg3[%add3A_387, %dma_start3A_391] : memref<128x512xi32, #tpu.memory_space<hbm>> -> memref<1x512xi32, #tpu.memory_space<hbm>>
    %dma_start3A_393 = tpu.memref_squeeze %dma_start3A_392 : memref<1x512xi32, #tpu.memory_space<hbm>> -> memref<512xi32, #tpu.memory_space<hbm>>
    tpu.enqueue_dma source(%arg10 : memref<512xi32, #tpu.memory_space<vmem>>) target(%dma_start3A_393 : memref<512xi32, #tpu.memory_space<hbm>>) target_semaphore(%arg13 : memref<!tpu.dma_semaphore, #tpu.memory_space<semaphore_mem>>)
    %add3A_394 = arith.constant 3 : i32
    %add3A_395 = arith.addi %mul3A_7, %add3A_394 : i32
    %dma_start3A_396 = arith.constant 0 : i32
    %dma_start3A_397 = tpu.memref_slice %arg4[%add3A_395, %dma_start3A_396] : memref<128x512xi32, #tpu.memory_space<hbm>> -> memref<1x512xi32, #tpu.memory_space<hbm>>
    %dma_start3A_398 = tpu.memref_squeeze %dma_start3A_397 : memref<1x512xi32, #tpu.memory_space<hbm>> -> memref<512xi32, #tpu.memory_space<hbm>>
    %dma_start3A_399 = arith.constant 0 : i32
    %dma_start3A_400 = tpu.memref_slice %arg4[%add3A_395, %dma_start3A_399] : memref<128x512xi32, #tpu.memory_space<hbm>> -> memref<1x512xi32, #tpu.memory_space<hbm>>
    %dma_start3A_401 = tpu.memref_squeeze %dma_start3A_400 : memref<1x512xi32, #tpu.memory_space<hbm>> -> memref<512xi32, #tpu.memory_space<hbm>>
    tpu.enqueue_dma source(%arg11 : memref<512xi32, #tpu.memory_space<vmem>>) target(%dma_start3A_401 : memref<512xi32, #tpu.memory_space<hbm>>) target_semaphore(%arg13 : memref<!tpu.dma_semaphore, #tpu.memory_space<semaphore_mem>>)
    %dma_wait3A_402 = arith.constant 0 : i32
    %dma_wait3A_403 = tpu.memref_slice %arg3[%add3A_288, %dma_wait3A_402] : memref<128x512xi32, #tpu.memory_space<hbm>> -> memref<1x512xi32, #tpu.memory_space<hbm>>
    %dma_wait3A_404 = tpu.memref_squeeze %dma_wait3A_403 : memref<1x512xi32, #tpu.memory_space<hbm>> -> memref<512xi32, #tpu.memory_space<hbm>>
    %dma_wait3A_405 = arith.constant 0 : i32
    %dma_wait3A_406 = tpu.memref_slice %arg3[%add3A_288, %dma_wait3A_405] : memref<128x512xi32, #tpu.memory_space<hbm>> -> memref<1x512xi32, #tpu.memory_space<hbm>>
    %dma_wait3A_407 = tpu.memref_squeeze %dma_wait3A_406 : memref<1x512xi32, #tpu.memory_space<hbm>> -> memref<512xi32, #tpu.memory_space<hbm>>
    tpu.wait_dma2 semaphore(%arg13 : memref<!tpu.dma_semaphore, #tpu.memory_space<semaphore_mem>>) src(%arg8 : memref<512xi32, #tpu.memory_space<vmem>>) dst(%dma_wait3A_407 : memref<512xi32, #tpu.memory_space<hbm>>)
    %dma_wait3A_408 = arith.constant 0 : i32
    %dma_wait3A_409 = tpu.memref_slice %arg4[%add3A_296, %dma_wait3A_408] : memref<128x512xi32, #tpu.memory_space<hbm>> -> memref<1x512xi32, #tpu.memory_space<hbm>>
    %dma_wait3A_410 = tpu.memref_squeeze %dma_wait3A_409 : memref<1x512xi32, #tpu.memory_space<hbm>> -> memref<512xi32, #tpu.memory_space<hbm>>
    %dma_wait3A_411 = arith.constant 0 : i32
    %dma_wait3A_412 = tpu.memref_slice %arg4[%add3A_296, %dma_wait3A_411] : memref<128x512xi32, #tpu.memory_space<hbm>> -> memref<1x512xi32, #tpu.memory_space<hbm>>
    %dma_wait3A_413 = tpu.memref_squeeze %dma_wait3A_412 : memref<1x512xi32, #tpu.memory_space<hbm>> -> memref<512xi32, #tpu.memory_space<hbm>>
    tpu.wait_dma2 semaphore(%arg13 : memref<!tpu.dma_semaphore, #tpu.memory_space<semaphore_mem>>) src(%arg9 : memref<512xi32, #tpu.memory_space<vmem>>) dst(%dma_wait3A_413 : memref<512xi32, #tpu.memory_space<hbm>>)
    %dma_wait3A_414 = arith.constant 0 : i32
    %dma_wait3A_415 = tpu.memref_slice %arg3[%add3A_387, %dma_wait3A_414] : memref<128x512xi32, #tpu.memory_space<hbm>> -> memref<1x512xi32, #tpu.memory_space<hbm>>
    %dma_wait3A_416 = tpu.memref_squeeze %dma_wait3A_415 : memref<1x512xi32, #tpu.memory_space<hbm>> -> memref<512xi32, #tpu.memory_space<hbm>>
    %dma_wait3A_417 = arith.constant 0 : i32
    %dma_wait3A_418 = tpu.memref_slice %arg3[%add3A_387, %dma_wait3A_417] : memref<128x512xi32, #tpu.memory_space<hbm>> -> memref<1x512xi32, #tpu.memory_space<hbm>>
    %dma_wait3A_419 = tpu.memref_squeeze %dma_wait3A_418 : memref<1x512xi32, #tpu.memory_space<hbm>> -> memref<512xi32, #tpu.memory_space<hbm>>
    tpu.wait_dma2 semaphore(%arg13 : memref<!tpu.dma_semaphore, #tpu.memory_space<semaphore_mem>>) src(%arg10 : memref<512xi32, #tpu.memory_space<vmem>>) dst(%dma_wait3A_419 : memref<512xi32, #tpu.memory_space<hbm>>)
    %dma_wait3A_420 = arith.constant 0 : i32
    %dma_wait3A_421 = tpu.memref_slice %arg4[%add3A_395, %dma_wait3A_420] : memref<128x512xi32, #tpu.memory_space<hbm>> -> memref<1x512xi32, #tpu.memory_space<hbm>>
    %dma_wait3A_422 = tpu.memref_squeeze %dma_wait3A_421 : memref<1x512xi32, #tpu.memory_space<hbm>> -> memref<512xi32, #tpu.memory_space<hbm>>
    %dma_wait3A_423 = arith.constant 0 : i32
    %dma_wait3A_424 = tpu.memref_slice %arg4[%add3A_395, %dma_wait3A_423] : memref<128x512xi32, #tpu.memory_space<hbm>> -> memref<1x512xi32, #tpu.memory_space<hbm>>
    %dma_wait3A_425 = tpu.memref_squeeze %dma_wait3A_424 : memref<1x512xi32, #tpu.memory_space<hbm>> -> memref<512xi32, #tpu.memory_space<hbm>>
    tpu.wait_dma2 semaphore(%arg13 : memref<!tpu.dma_semaphore, #tpu.memory_space<semaphore_mem>>) src(%arg11 : memref<512xi32, #tpu.memory_space<vmem>>) dst(%dma_wait3A_425 : memref<512xi32, #tpu.memory_space<hbm>>)
    return
  }
}

module attributes {stable_mosaic.version = 14 : i64} {
  func.func @_tc_sort_body(%arg0: memref<128x512xi32, #tpu.memory_space<vmem>>, %arg1: memref<128x512xi32, #tpu.memory_space<vmem>>, %arg2: memref<128x256xf32, #tpu.memory_space<vmem>>) attributes {dimension_semantics = [], scalar_prefetch = 0 : i64, scratch_operands = 0 : i64, tpu.core_type = #tpu.core_type<tc>} {
    %get3A = arith.constant 0 : index
    %get3A_0 = arith.constant 0 : index
    %get3A_1 = vector.load %arg0[%get3A, %get3A_0] : memref<128x512xi32, #tpu.memory_space<vmem>>, vector<128x512xi32>
    %transpose3A = tpu.transpose %get3A_1, [1, 0] : vector<128x512xi32> -> vector<512x128xi32>
    %get3A_2 = arith.constant 0 : index
    %get3A_3 = arith.constant 0 : index
    %get3A_4 = vector.load %arg1[%get3A_2, %get3A_3] : memref<128x512xi32, #tpu.memory_space<vmem>>, vector<128x512xi32>
    %transpose3A_5 = tpu.transpose %get3A_4, [1, 0] : vector<128x512xi32> -> vector<512x128xi32>
    %iota3A = tpu.iota {dimensions = array<i32: 0>} : vector<512x1xi32>
    %reshape3A = vector.shape_cast %transpose3A : vector<512x128xi32> to vector<256x2x1x128xi32>
    %reshape3A_6 = vector.shape_cast %transpose3A_5 : vector<512x128xi32> to vector<256x2x1x128xi32>
    %slice3A = vector.extract_strided_slice %reshape3A {offsets = [0, 1, 0, 0], sizes = [256, 1, 1, 128], strides = [1, 1, 1, 1]} : vector<256x2x1x128xi32> to vector<256x1x1x128xi32>
    %slice3A_7 = vector.extract_strided_slice %reshape3A {offsets = [0, 0, 0, 0], sizes = [256, 1, 1, 128], strides = [1, 1, 1, 1]} : vector<256x2x1x128xi32> to vector<256x1x1x128xi32>
    %concatenate3A = tpu.concatenate %slice3A, %slice3A_7 in 1 : vector<256x1x1x128xi32>, vector<256x1x1x128xi32> -> vector<256x2x1x128xi32>
    %reshape3A_8 = vector.shape_cast %concatenate3A : vector<256x2x1x128xi32> to vector<512x128xi32>
    %slice3A_9 = vector.extract_strided_slice %reshape3A_6 {offsets = [0, 1, 0, 0], sizes = [256, 1, 1, 128], strides = [1, 1, 1, 1]} : vector<256x2x1x128xi32> to vector<256x1x1x128xi32>
    %slice3A_10 = vector.extract_strided_slice %reshape3A_6 {offsets = [0, 0, 0, 0], sizes = [256, 1, 1, 128], strides = [1, 1, 1, 1]} : vector<256x2x1x128xi32> to vector<256x1x1x128xi32>
    %concatenate3A_11 = tpu.concatenate %slice3A_9, %slice3A_10 in 1 : vector<256x1x1x128xi32>, vector<256x1x1x128xi32> -> vector<256x2x1x128xi32>
    %reshape3A_12 = vector.shape_cast %concatenate3A_11 : vector<256x2x1x128xi32> to vector<512x128xi32>
    %and3A = arith.constant 2 : i32
    %and3A_13 = vector.broadcast %and3A : i32 to vector<512x1xi32>
    %and3A_14 = arith.andi %iota3A, %and3A_13 : vector<512x1xi32>
    %eq3A = arith.constant 0 : i32
    %eq3A_15 = vector.broadcast %eq3A : i32 to vector<512x1xi32>
    %eq3A_16 = arith.cmpi eq, %and3A_14, %eq3A_15 : vector<512x1xi32>
    %and3A_17 = arith.constant 1 : i32
    %and3A_18 = vector.broadcast %and3A_17 : i32 to vector<512x1xi32>
    %and3A_19 = arith.andi %iota3A, %and3A_18 : vector<512x1xi32>
    %eq3A_20 = arith.constant 0 : i32
    %eq3A_21 = vector.broadcast %eq3A_20 : i32 to vector<512x1xi32>
    %eq3A_22 = arith.cmpi eq, %and3A_19, %eq3A_21 : vector<512x1xi32>
    %eq3A_23 = arith.xori %eq3A_16, %eq3A_22 : vector<512x1xi1>
    %eq3A_24 = arith.constant dense<true> : vector<512x1xi1>
    %eq3A_25 = arith.xori %eq3A_23, %eq3A_24 : vector<512x1xi1>
    %gt3A = arith.cmpi sgt, %transpose3A, %reshape3A_8 : vector<512x128xi32>
    %eq3A_26 = arith.cmpi eq, %transpose3A, %reshape3A_8 : vector<512x128xi32>
    %lt3A = arith.cmpi slt, %transpose3A_5, %reshape3A_12 : vector<512x128xi32>
    %and3A_27 = arith.andi %eq3A_26, %lt3A : vector<512x128xi1>
    %or3A = arith.ori %gt3A, %and3A_27 : vector<512x128xi1>
    %eq3A_28 = vector.broadcast %eq3A_25 : vector<512x1xi1> to vector<512x128xi1>
    %eq3A_29 = vector.broadcast %eq3A_28 : vector<512x128xi1> to vector<512x128xi1>
    %eq3A_30 = arith.xori %or3A, %eq3A_29 : vector<512x128xi1>
    %eq3A_31 = arith.constant dense<true> : vector<512x128xi1>
    %eq3A_32 = arith.xori %eq3A_30, %eq3A_31 : vector<512x128xi1>
    %select_n3A = arith.select %eq3A_32, %transpose3A, %reshape3A_8 : vector<512x128xi1>, vector<512x128xi32>
    %select_n3A_33 = arith.select %eq3A_32, %transpose3A_5, %reshape3A_12 : vector<512x128xi1>, vector<512x128xi32>
    %reshape3A_34 = vector.shape_cast %select_n3A : vector<512x128xi32> to vector<128x2x2x128xi32>
    %reshape3A_35 = vector.shape_cast %select_n3A_33 : vector<512x128xi32> to vector<128x2x2x128xi32>
    %slice3A_36 = vector.extract_strided_slice %reshape3A_34 {offsets = [0, 1, 0, 0], sizes = [128, 1, 2, 128], strides = [1, 1, 1, 1]} : vector<128x2x2x128xi32> to vector<128x1x2x128xi32>
    %slice3A_37 = vector.extract_strided_slice %reshape3A_34 {offsets = [0, 0, 0, 0], sizes = [128, 1, 2, 128], strides = [1, 1, 1, 1]} : vector<128x2x2x128xi32> to vector<128x1x2x128xi32>
    %concatenate3A_38 = tpu.concatenate %slice3A_36, %slice3A_37 in 1 : vector<128x1x2x128xi32>, vector<128x1x2x128xi32> -> vector<128x2x2x128xi32>
    %reshape3A_39 = vector.shape_cast %concatenate3A_38 : vector<128x2x2x128xi32> to vector<512x128xi32>
    %slice3A_40 = vector.extract_strided_slice %reshape3A_35 {offsets = [0, 1, 0, 0], sizes = [128, 1, 2, 128], strides = [1, 1, 1, 1]} : vector<128x2x2x128xi32> to vector<128x1x2x128xi32>
    %slice3A_41 = vector.extract_strided_slice %reshape3A_35 {offsets = [0, 0, 0, 0], sizes = [128, 1, 2, 128], strides = [1, 1, 1, 1]} : vector<128x2x2x128xi32> to vector<128x1x2x128xi32>
    %concatenate3A_42 = tpu.concatenate %slice3A_40, %slice3A_41 in 1 : vector<128x1x2x128xi32>, vector<128x1x2x128xi32> -> vector<128x2x2x128xi32>
    %reshape3A_43 = vector.shape_cast %concatenate3A_42 : vector<128x2x2x128xi32> to vector<512x128xi32>
    %and3A_44 = arith.constant 4 : i32
    %and3A_45 = vector.broadcast %and3A_44 : i32 to vector<512x1xi32>
    %and3A_46 = arith.andi %iota3A, %and3A_45 : vector<512x1xi32>
    %eq3A_47 = arith.constant 0 : i32
    %eq3A_48 = vector.broadcast %eq3A_47 : i32 to vector<512x1xi32>
    %eq3A_49 = arith.cmpi eq, %and3A_46, %eq3A_48 : vector<512x1xi32>
    %and3A_50 = arith.constant 2 : i32
    %and3A_51 = vector.broadcast %and3A_50 : i32 to vector<512x1xi32>
    %and3A_52 = arith.andi %iota3A, %and3A_51 : vector<512x1xi32>
    %eq3A_53 = arith.constant 0 : i32
    %eq3A_54 = vector.broadcast %eq3A_53 : i32 to vector<512x1xi32>
    %eq3A_55 = arith.cmpi eq, %and3A_52, %eq3A_54 : vector<512x1xi32>
    %eq3A_56 = arith.xori %eq3A_49, %eq3A_55 : vector<512x1xi1>
    %eq3A_57 = arith.constant dense<true> : vector<512x1xi1>
    %eq3A_58 = arith.xori %eq3A_56, %eq3A_57 : vector<512x1xi1>
    %gt3A_59 = arith.cmpi sgt, %select_n3A, %reshape3A_39 : vector<512x128xi32>
    %eq3A_60 = arith.cmpi eq, %select_n3A, %reshape3A_39 : vector<512x128xi32>
    %lt3A_61 = arith.cmpi slt, %select_n3A_33, %reshape3A_43 : vector<512x128xi32>
    %and3A_62 = arith.andi %eq3A_60, %lt3A_61 : vector<512x128xi1>
    %or3A_63 = arith.ori %gt3A_59, %and3A_62 : vector<512x128xi1>
    %eq3A_64 = vector.broadcast %eq3A_58 : vector<512x1xi1> to vector<512x128xi1>
    %eq3A_65 = vector.broadcast %eq3A_64 : vector<512x128xi1> to vector<512x128xi1>
    %eq3A_66 = arith.xori %or3A_63, %eq3A_65 : vector<512x128xi1>
    %eq3A_67 = arith.constant dense<true> : vector<512x128xi1>
    %eq3A_68 = arith.xori %eq3A_66, %eq3A_67 : vector<512x128xi1>
    %select_n3A_69 = arith.select %eq3A_68, %select_n3A, %reshape3A_39 : vector<512x128xi1>, vector<512x128xi32>
    %select_n3A_70 = arith.select %eq3A_68, %select_n3A_33, %reshape3A_43 : vector<512x128xi1>, vector<512x128xi32>
    %reshape3A_71 = vector.shape_cast %select_n3A_69 : vector<512x128xi32> to vector<256x2x1x128xi32>
    %reshape3A_72 = vector.shape_cast %select_n3A_70 : vector<512x128xi32> to vector<256x2x1x128xi32>
    %slice3A_73 = vector.extract_strided_slice %reshape3A_71 {offsets = [0, 1, 0, 0], sizes = [256, 1, 1, 128], strides = [1, 1, 1, 1]} : vector<256x2x1x128xi32> to vector<256x1x1x128xi32>
    %slice3A_74 = vector.extract_strided_slice %reshape3A_71 {offsets = [0, 0, 0, 0], sizes = [256, 1, 1, 128], strides = [1, 1, 1, 1]} : vector<256x2x1x128xi32> to vector<256x1x1x128xi32>
    %concatenate3A_75 = tpu.concatenate %slice3A_73, %slice3A_74 in 1 : vector<256x1x1x128xi32>, vector<256x1x1x128xi32> -> vector<256x2x1x128xi32>
    %reshape3A_76 = vector.shape_cast %concatenate3A_75 : vector<256x2x1x128xi32> to vector<512x128xi32>
    %slice3A_77 = vector.extract_strided_slice %reshape3A_72 {offsets = [0, 1, 0, 0], sizes = [256, 1, 1, 128], strides = [1, 1, 1, 1]} : vector<256x2x1x128xi32> to vector<256x1x1x128xi32>
    %slice3A_78 = vector.extract_strided_slice %reshape3A_72 {offsets = [0, 0, 0, 0], sizes = [256, 1, 1, 128], strides = [1, 1, 1, 1]} : vector<256x2x1x128xi32> to vector<256x1x1x128xi32>
    %concatenate3A_79 = tpu.concatenate %slice3A_77, %slice3A_78 in 1 : vector<256x1x1x128xi32>, vector<256x1x1x128xi32> -> vector<256x2x1x128xi32>
    %reshape3A_80 = vector.shape_cast %concatenate3A_79 : vector<256x2x1x128xi32> to vector<512x128xi32>
    %and3A_81 = arith.constant 4 : i32
    %and3A_82 = vector.broadcast %and3A_81 : i32 to vector<512x1xi32>
    %and3A_83 = arith.andi %iota3A, %and3A_82 : vector<512x1xi32>
    %eq3A_84 = arith.constant 0 : i32
    %eq3A_85 = vector.broadcast %eq3A_84 : i32 to vector<512x1xi32>
    %eq3A_86 = arith.cmpi eq, %and3A_83, %eq3A_85 : vector<512x1xi32>
    %and3A_87 = arith.constant 1 : i32
    %and3A_88 = vector.broadcast %and3A_87 : i32 to vector<512x1xi32>
    %and3A_89 = arith.andi %iota3A, %and3A_88 : vector<512x1xi32>
    %eq3A_90 = arith.constant 0 : i32
    %eq3A_91 = vector.broadcast %eq3A_90 : i32 to vector<512x1xi32>
    %eq3A_92 = arith.cmpi eq, %and3A_89, %eq3A_91 : vector<512x1xi32>
    %eq3A_93 = arith.xori %eq3A_86, %eq3A_92 : vector<512x1xi1>
    %eq3A_94 = arith.constant dense<true> : vector<512x1xi1>
    %eq3A_95 = arith.xori %eq3A_93, %eq3A_94 : vector<512x1xi1>
    %gt3A_96 = arith.cmpi sgt, %select_n3A_69, %reshape3A_76 : vector<512x128xi32>
    %eq3A_97 = arith.cmpi eq, %select_n3A_69, %reshape3A_76 : vector<512x128xi32>
    %lt3A_98 = arith.cmpi slt, %select_n3A_70, %reshape3A_80 : vector<512x128xi32>
    %and3A_99 = arith.andi %eq3A_97, %lt3A_98 : vector<512x128xi1>
    %or3A_100 = arith.ori %gt3A_96, %and3A_99 : vector<512x128xi1>
    %eq3A_101 = vector.broadcast %eq3A_95 : vector<512x1xi1> to vector<512x128xi1>
    %eq3A_102 = vector.broadcast %eq3A_101 : vector<512x128xi1> to vector<512x128xi1>
    %eq3A_103 = arith.xori %or3A_100, %eq3A_102 : vector<512x128xi1>
    %eq3A_104 = arith.constant dense<true> : vector<512x128xi1>
    %eq3A_105 = arith.xori %eq3A_103, %eq3A_104 : vector<512x128xi1>
    %select_n3A_106 = arith.select %eq3A_105, %select_n3A_69, %reshape3A_76 : vector<512x128xi1>, vector<512x128xi32>
    %select_n3A_107 = arith.select %eq3A_105, %select_n3A_70, %reshape3A_80 : vector<512x128xi1>, vector<512x128xi32>
    %reshape3A_108 = vector.shape_cast %select_n3A_106 : vector<512x128xi32> to vector<64x2x4x128xi32>
    %reshape3A_109 = vector.shape_cast %select_n3A_107 : vector<512x128xi32> to vector<64x2x4x128xi32>
    %slice3A_110 = vector.extract_strided_slice %reshape3A_108 {offsets = [0, 1, 0, 0], sizes = [64, 1, 4, 128], strides = [1, 1, 1, 1]} : vector<64x2x4x128xi32> to vector<64x1x4x128xi32>
    %slice3A_111 = vector.extract_strided_slice %reshape3A_108 {offsets = [0, 0, 0, 0], sizes = [64, 1, 4, 128], strides = [1, 1, 1, 1]} : vector<64x2x4x128xi32> to vector<64x1x4x128xi32>
    %concatenate3A_112 = tpu.concatenate %slice3A_110, %slice3A_111 in 1 : vector<64x1x4x128xi32>, vector<64x1x4x128xi32> -> vector<64x2x4x128xi32>
    %reshape3A_113 = vector.shape_cast %concatenate3A_112 : vector<64x2x4x128xi32> to vector<512x128xi32>
    %slice3A_114 = vector.extract_strided_slice %reshape3A_109 {offsets = [0, 1, 0, 0], sizes = [64, 1, 4, 128], strides = [1, 1, 1, 1]} : vector<64x2x4x128xi32> to vector<64x1x4x128xi32>
    %slice3A_115 = vector.extract_strided_slice %reshape3A_109 {offsets = [0, 0, 0, 0], sizes = [64, 1, 4, 128], strides = [1, 1, 1, 1]} : vector<64x2x4x128xi32> to vector<64x1x4x128xi32>
    %concatenate3A_116 = tpu.concatenate %slice3A_114, %slice3A_115 in 1 : vector<64x1x4x128xi32>, vector<64x1x4x128xi32> -> vector<64x2x4x128xi32>
    %reshape3A_117 = vector.shape_cast %concatenate3A_116 : vector<64x2x4x128xi32> to vector<512x128xi32>
    %and3A_118 = arith.constant 8 : i32
    %and3A_119 = vector.broadcast %and3A_118 : i32 to vector<512x1xi32>
    %and3A_120 = arith.andi %iota3A, %and3A_119 : vector<512x1xi32>
    %eq3A_121 = arith.constant 0 : i32
    %eq3A_122 = vector.broadcast %eq3A_121 : i32 to vector<512x1xi32>
    %eq3A_123 = arith.cmpi eq, %and3A_120, %eq3A_122 : vector<512x1xi32>
    %and3A_124 = arith.constant 4 : i32
    %and3A_125 = vector.broadcast %and3A_124 : i32 to vector<512x1xi32>
    %and3A_126 = arith.andi %iota3A, %and3A_125 : vector<512x1xi32>
    %eq3A_127 = arith.constant 0 : i32
    %eq3A_128 = vector.broadcast %eq3A_127 : i32 to vector<512x1xi32>
    %eq3A_129 = arith.cmpi eq, %and3A_126, %eq3A_128 : vector<512x1xi32>
    %eq3A_130 = arith.xori %eq3A_123, %eq3A_129 : vector<512x1xi1>
    %eq3A_131 = arith.constant dense<true> : vector<512x1xi1>
    %eq3A_132 = arith.xori %eq3A_130, %eq3A_131 : vector<512x1xi1>
    %gt3A_133 = arith.cmpi sgt, %select_n3A_106, %reshape3A_113 : vector<512x128xi32>
    %eq3A_134 = arith.cmpi eq, %select_n3A_106, %reshape3A_113 : vector<512x128xi32>
    %lt3A_135 = arith.cmpi slt, %select_n3A_107, %reshape3A_117 : vector<512x128xi32>
    %and3A_136 = arith.andi %eq3A_134, %lt3A_135 : vector<512x128xi1>
    %or3A_137 = arith.ori %gt3A_133, %and3A_136 : vector<512x128xi1>
    %eq3A_138 = vector.broadcast %eq3A_132 : vector<512x1xi1> to vector<512x128xi1>
    %eq3A_139 = vector.broadcast %eq3A_138 : vector<512x128xi1> to vector<512x128xi1>
    %eq3A_140 = arith.xori %or3A_137, %eq3A_139 : vector<512x128xi1>
    %eq3A_141 = arith.constant dense<true> : vector<512x128xi1>
    %eq3A_142 = arith.xori %eq3A_140, %eq3A_141 : vector<512x128xi1>
    %select_n3A_143 = arith.select %eq3A_142, %select_n3A_106, %reshape3A_113 : vector<512x128xi1>, vector<512x128xi32>
    %select_n3A_144 = arith.select %eq3A_142, %select_n3A_107, %reshape3A_117 : vector<512x128xi1>, vector<512x128xi32>
    %reshape3A_145 = vector.shape_cast %select_n3A_143 : vector<512x128xi32> to vector<128x2x2x128xi32>
    %reshape3A_146 = vector.shape_cast %select_n3A_144 : vector<512x128xi32> to vector<128x2x2x128xi32>
    %slice3A_147 = vector.extract_strided_slice %reshape3A_145 {offsets = [0, 1, 0, 0], sizes = [128, 1, 2, 128], strides = [1, 1, 1, 1]} : vector<128x2x2x128xi32> to vector<128x1x2x128xi32>
    %slice3A_148 = vector.extract_strided_slice %reshape3A_145 {offsets = [0, 0, 0, 0], sizes = [128, 1, 2, 128], strides = [1, 1, 1, 1]} : vector<128x2x2x128xi32> to vector<128x1x2x128xi32>
    %concatenate3A_149 = tpu.concatenate %slice3A_147, %slice3A_148 in 1 : vector<128x1x2x128xi32>, vector<128x1x2x128xi32> -> vector<128x2x2x128xi32>
    %reshape3A_150 = vector.shape_cast %concatenate3A_149 : vector<128x2x2x128xi32> to vector<512x128xi32>
    %slice3A_151 = vector.extract_strided_slice %reshape3A_146 {offsets = [0, 1, 0, 0], sizes = [128, 1, 2, 128], strides = [1, 1, 1, 1]} : vector<128x2x2x128xi32> to vector<128x1x2x128xi32>
    %slice3A_152 = vector.extract_strided_slice %reshape3A_146 {offsets = [0, 0, 0, 0], sizes = [128, 1, 2, 128], strides = [1, 1, 1, 1]} : vector<128x2x2x128xi32> to vector<128x1x2x128xi32>
    %concatenate3A_153 = tpu.concatenate %slice3A_151, %slice3A_152 in 1 : vector<128x1x2x128xi32>, vector<128x1x2x128xi32> -> vector<128x2x2x128xi32>
    %reshape3A_154 = vector.shape_cast %concatenate3A_153 : vector<128x2x2x128xi32> to vector<512x128xi32>
    %and3A_155 = arith.constant 8 : i32
    %and3A_156 = vector.broadcast %and3A_155 : i32 to vector<512x1xi32>
    %and3A_157 = arith.andi %iota3A, %and3A_156 : vector<512x1xi32>
    %eq3A_158 = arith.constant 0 : i32
    %eq3A_159 = vector.broadcast %eq3A_158 : i32 to vector<512x1xi32>
    %eq3A_160 = arith.cmpi eq, %and3A_157, %eq3A_159 : vector<512x1xi32>
    %and3A_161 = arith.constant 2 : i32
    %and3A_162 = vector.broadcast %and3A_161 : i32 to vector<512x1xi32>
    %and3A_163 = arith.andi %iota3A, %and3A_162 : vector<512x1xi32>
    %eq3A_164 = arith.constant 0 : i32
    %eq3A_165 = vector.broadcast %eq3A_164 : i32 to vector<512x1xi32>
    %eq3A_166 = arith.cmpi eq, %and3A_163, %eq3A_165 : vector<512x1xi32>
    %eq3A_167 = arith.xori %eq3A_160, %eq3A_166 : vector<512x1xi1>
    %eq3A_168 = arith.constant dense<true> : vector<512x1xi1>
    %eq3A_169 = arith.xori %eq3A_167, %eq3A_168 : vector<512x1xi1>
    %gt3A_170 = arith.cmpi sgt, %select_n3A_143, %reshape3A_150 : vector<512x128xi32>
    %eq3A_171 = arith.cmpi eq, %select_n3A_143, %reshape3A_150 : vector<512x128xi32>
    %lt3A_172 = arith.cmpi slt, %select_n3A_144, %reshape3A_154 : vector<512x128xi32>
    %and3A_173 = arith.andi %eq3A_171, %lt3A_172 : vector<512x128xi1>
    %or3A_174 = arith.ori %gt3A_170, %and3A_173 : vector<512x128xi1>
    %eq3A_175 = vector.broadcast %eq3A_169 : vector<512x1xi1> to vector<512x128xi1>
    %eq3A_176 = vector.broadcast %eq3A_175 : vector<512x128xi1> to vector<512x128xi1>
    %eq3A_177 = arith.xori %or3A_174, %eq3A_176 : vector<512x128xi1>
    %eq3A_178 = arith.constant dense<true> : vector<512x128xi1>
    %eq3A_179 = arith.xori %eq3A_177, %eq3A_178 : vector<512x128xi1>
    %select_n3A_180 = arith.select %eq3A_179, %select_n3A_143, %reshape3A_150 : vector<512x128xi1>, vector<512x128xi32>
    %select_n3A_181 = arith.select %eq3A_179, %select_n3A_144, %reshape3A_154 : vector<512x128xi1>, vector<512x128xi32>
    %reshape3A_182 = vector.shape_cast %select_n3A_180 : vector<512x128xi32> to vector<256x2x1x128xi32>
    %reshape3A_183 = vector.shape_cast %select_n3A_181 : vector<512x128xi32> to vector<256x2x1x128xi32>
    %slice3A_184 = vector.extract_strided_slice %reshape3A_182 {offsets = [0, 1, 0, 0], sizes = [256, 1, 1, 128], strides = [1, 1, 1, 1]} : vector<256x2x1x128xi32> to vector<256x1x1x128xi32>
    %slice3A_185 = vector.extract_strided_slice %reshape3A_182 {offsets = [0, 0, 0, 0], sizes = [256, 1, 1, 128], strides = [1, 1, 1, 1]} : vector<256x2x1x128xi32> to vector<256x1x1x128xi32>
    %concatenate3A_186 = tpu.concatenate %slice3A_184, %slice3A_185 in 1 : vector<256x1x1x128xi32>, vector<256x1x1x128xi32> -> vector<256x2x1x128xi32>
    %reshape3A_187 = vector.shape_cast %concatenate3A_186 : vector<256x2x1x128xi32> to vector<512x128xi32>
    %slice3A_188 = vector.extract_strided_slice %reshape3A_183 {offsets = [0, 1, 0, 0], sizes = [256, 1, 1, 128], strides = [1, 1, 1, 1]} : vector<256x2x1x128xi32> to vector<256x1x1x128xi32>
    %slice3A_189 = vector.extract_strided_slice %reshape3A_183 {offsets = [0, 0, 0, 0], sizes = [256, 1, 1, 128], strides = [1, 1, 1, 1]} : vector<256x2x1x128xi32> to vector<256x1x1x128xi32>
    %concatenate3A_190 = tpu.concatenate %slice3A_188, %slice3A_189 in 1 : vector<256x1x1x128xi32>, vector<256x1x1x128xi32> -> vector<256x2x1x128xi32>
    %reshape3A_191 = vector.shape_cast %concatenate3A_190 : vector<256x2x1x128xi32> to vector<512x128xi32>
    %and3A_192 = arith.constant 8 : i32
    %and3A_193 = vector.broadcast %and3A_192 : i32 to vector<512x1xi32>
    %and3A_194 = arith.andi %iota3A, %and3A_193 : vector<512x1xi32>
    %eq3A_195 = arith.constant 0 : i32
    %eq3A_196 = vector.broadcast %eq3A_195 : i32 to vector<512x1xi32>
    %eq3A_197 = arith.cmpi eq, %and3A_194, %eq3A_196 : vector<512x1xi32>
    %and3A_198 = arith.constant 1 : i32
    %and3A_199 = vector.broadcast %and3A_198 : i32 to vector<512x1xi32>
    %and3A_200 = arith.andi %iota3A, %and3A_199 : vector<512x1xi32>
    %eq3A_201 = arith.constant 0 : i32
    %eq3A_202 = vector.broadcast %eq3A_201 : i32 to vector<512x1xi32>
    %eq3A_203 = arith.cmpi eq, %and3A_200, %eq3A_202 : vector<512x1xi32>
    %eq3A_204 = arith.xori %eq3A_197, %eq3A_203 : vector<512x1xi1>
    %eq3A_205 = arith.constant dense<true> : vector<512x1xi1>
    %eq3A_206 = arith.xori %eq3A_204, %eq3A_205 : vector<512x1xi1>
    %gt3A_207 = arith.cmpi sgt, %select_n3A_180, %reshape3A_187 : vector<512x128xi32>
    %eq3A_208 = arith.cmpi eq, %select_n3A_180, %reshape3A_187 : vector<512x128xi32>
    %lt3A_209 = arith.cmpi slt, %select_n3A_181, %reshape3A_191 : vector<512x128xi32>
    %and3A_210 = arith.andi %eq3A_208, %lt3A_209 : vector<512x128xi1>
    %or3A_211 = arith.ori %gt3A_207, %and3A_210 : vector<512x128xi1>
    %eq3A_212 = vector.broadcast %eq3A_206 : vector<512x1xi1> to vector<512x128xi1>
    %eq3A_213 = vector.broadcast %eq3A_212 : vector<512x128xi1> to vector<512x128xi1>
    %eq3A_214 = arith.xori %or3A_211, %eq3A_213 : vector<512x128xi1>
    %eq3A_215 = arith.constant dense<true> : vector<512x128xi1>
    %eq3A_216 = arith.xori %eq3A_214, %eq3A_215 : vector<512x128xi1>
    %select_n3A_217 = arith.select %eq3A_216, %select_n3A_180, %reshape3A_187 : vector<512x128xi1>, vector<512x128xi32>
    %select_n3A_218 = arith.select %eq3A_216, %select_n3A_181, %reshape3A_191 : vector<512x128xi1>, vector<512x128xi32>
    %reshape3A_219 = vector.shape_cast %select_n3A_217 : vector<512x128xi32> to vector<32x2x8x128xi32>
    %reshape3A_220 = vector.shape_cast %select_n3A_218 : vector<512x128xi32> to vector<32x2x8x128xi32>
    %slice3A_221 = vector.extract_strided_slice %reshape3A_219 {offsets = [0, 1, 0, 0], sizes = [32, 1, 8, 128], strides = [1, 1, 1, 1]} : vector<32x2x8x128xi32> to vector<32x1x8x128xi32>
    %slice3A_222 = vector.extract_strided_slice %reshape3A_219 {offsets = [0, 0, 0, 0], sizes = [32, 1, 8, 128], strides = [1, 1, 1, 1]} : vector<32x2x8x128xi32> to vector<32x1x8x128xi32>
    %concatenate3A_223 = tpu.concatenate %slice3A_221, %slice3A_222 in 1 : vector<32x1x8x128xi32>, vector<32x1x8x128xi32> -> vector<32x2x8x128xi32>
    %reshape3A_224 = vector.shape_cast %concatenate3A_223 : vector<32x2x8x128xi32> to vector<512x128xi32>
    %slice3A_225 = vector.extract_strided_slice %reshape3A_220 {offsets = [0, 1, 0, 0], sizes = [32, 1, 8, 128], strides = [1, 1, 1, 1]} : vector<32x2x8x128xi32> to vector<32x1x8x128xi32>
    %slice3A_226 = vector.extract_strided_slice %reshape3A_220 {offsets = [0, 0, 0, 0], sizes = [32, 1, 8, 128], strides = [1, 1, 1, 1]} : vector<32x2x8x128xi32> to vector<32x1x8x128xi32>
    %concatenate3A_227 = tpu.concatenate %slice3A_225, %slice3A_226 in 1 : vector<32x1x8x128xi32>, vector<32x1x8x128xi32> -> vector<32x2x8x128xi32>
    %reshape3A_228 = vector.shape_cast %concatenate3A_227 : vector<32x2x8x128xi32> to vector<512x128xi32>
    %and3A_229 = arith.constant 16 : i32
    %and3A_230 = vector.broadcast %and3A_229 : i32 to vector<512x1xi32>
    %and3A_231 = arith.andi %iota3A, %and3A_230 : vector<512x1xi32>
    %eq3A_232 = arith.constant 0 : i32
    %eq3A_233 = vector.broadcast %eq3A_232 : i32 to vector<512x1xi32>
    %eq3A_234 = arith.cmpi eq, %and3A_231, %eq3A_233 : vector<512x1xi32>
    %and3A_235 = arith.constant 8 : i32
    %and3A_236 = vector.broadcast %and3A_235 : i32 to vector<512x1xi32>
    %and3A_237 = arith.andi %iota3A, %and3A_236 : vector<512x1xi32>
    %eq3A_238 = arith.constant 0 : i32
    %eq3A_239 = vector.broadcast %eq3A_238 : i32 to vector<512x1xi32>
    %eq3A_240 = arith.cmpi eq, %and3A_237, %eq3A_239 : vector<512x1xi32>
    %eq3A_241 = arith.xori %eq3A_234, %eq3A_240 : vector<512x1xi1>
    %eq3A_242 = arith.constant dense<true> : vector<512x1xi1>
    %eq3A_243 = arith.xori %eq3A_241, %eq3A_242 : vector<512x1xi1>
    %gt3A_244 = arith.cmpi sgt, %select_n3A_217, %reshape3A_224 : vector<512x128xi32>
    %eq3A_245 = arith.cmpi eq, %select_n3A_217, %reshape3A_224 : vector<512x128xi32>
    %lt3A_246 = arith.cmpi slt, %select_n3A_218, %reshape3A_228 : vector<512x128xi32>
    %and3A_247 = arith.andi %eq3A_245, %lt3A_246 : vector<512x128xi1>
    %or3A_248 = arith.ori %gt3A_244, %and3A_247 : vector<512x128xi1>
    %eq3A_249 = vector.broadcast %eq3A_243 : vector<512x1xi1> to vector<512x128xi1>
    %eq3A_250 = vector.broadcast %eq3A_249 : vector<512x128xi1> to vector<512x128xi1>
    %eq3A_251 = arith.xori %or3A_248, %eq3A_250 : vector<512x128xi1>
    %eq3A_252 = arith.constant dense<true> : vector<512x128xi1>
    %eq3A_253 = arith.xori %eq3A_251, %eq3A_252 : vector<512x128xi1>
    %select_n3A_254 = arith.select %eq3A_253, %select_n3A_217, %reshape3A_224 : vector<512x128xi1>, vector<512x128xi32>
    %select_n3A_255 = arith.select %eq3A_253, %select_n3A_218, %reshape3A_228 : vector<512x128xi1>, vector<512x128xi32>
    %reshape3A_256 = vector.shape_cast %select_n3A_254 : vector<512x128xi32> to vector<64x2x4x128xi32>
    %reshape3A_257 = vector.shape_cast %select_n3A_255 : vector<512x128xi32> to vector<64x2x4x128xi32>
    %slice3A_258 = vector.extract_strided_slice %reshape3A_256 {offsets = [0, 1, 0, 0], sizes = [64, 1, 4, 128], strides = [1, 1, 1, 1]} : vector<64x2x4x128xi32> to vector<64x1x4x128xi32>
    %slice3A_259 = vector.extract_strided_slice %reshape3A_256 {offsets = [0, 0, 0, 0], sizes = [64, 1, 4, 128], strides = [1, 1, 1, 1]} : vector<64x2x4x128xi32> to vector<64x1x4x128xi32>
    %concatenate3A_260 = tpu.concatenate %slice3A_258, %slice3A_259 in 1 : vector<64x1x4x128xi32>, vector<64x1x4x128xi32> -> vector<64x2x4x128xi32>
    %reshape3A_261 = vector.shape_cast %concatenate3A_260 : vector<64x2x4x128xi32> to vector<512x128xi32>
    %slice3A_262 = vector.extract_strided_slice %reshape3A_257 {offsets = [0, 1, 0, 0], sizes = [64, 1, 4, 128], strides = [1, 1, 1, 1]} : vector<64x2x4x128xi32> to vector<64x1x4x128xi32>
    %slice3A_263 = vector.extract_strided_slice %reshape3A_257 {offsets = [0, 0, 0, 0], sizes = [64, 1, 4, 128], strides = [1, 1, 1, 1]} : vector<64x2x4x128xi32> to vector<64x1x4x128xi32>
    %concatenate3A_264 = tpu.concatenate %slice3A_262, %slice3A_263 in 1 : vector<64x1x4x128xi32>, vector<64x1x4x128xi32> -> vector<64x2x4x128xi32>
    %reshape3A_265 = vector.shape_cast %concatenate3A_264 : vector<64x2x4x128xi32> to vector<512x128xi32>
    %and3A_266 = arith.constant 16 : i32
    %and3A_267 = vector.broadcast %and3A_266 : i32 to vector<512x1xi32>
    %and3A_268 = arith.andi %iota3A, %and3A_267 : vector<512x1xi32>
    %eq3A_269 = arith.constant 0 : i32
    %eq3A_270 = vector.broadcast %eq3A_269 : i32 to vector<512x1xi32>
    %eq3A_271 = arith.cmpi eq, %and3A_268, %eq3A_270 : vector<512x1xi32>
    %and3A_272 = arith.constant 4 : i32
    %and3A_273 = vector.broadcast %and3A_272 : i32 to vector<512x1xi32>
    %and3A_274 = arith.andi %iota3A, %and3A_273 : vector<512x1xi32>
    %eq3A_275 = arith.constant 0 : i32
    %eq3A_276 = vector.broadcast %eq3A_275 : i32 to vector<512x1xi32>
    %eq3A_277 = arith.cmpi eq, %and3A_274, %eq3A_276 : vector<512x1xi32>
    %eq3A_278 = arith.xori %eq3A_271, %eq3A_277 : vector<512x1xi1>
    %eq3A_279 = arith.constant dense<true> : vector<512x1xi1>
    %eq3A_280 = arith.xori %eq3A_278, %eq3A_279 : vector<512x1xi1>
    %gt3A_281 = arith.cmpi sgt, %select_n3A_254, %reshape3A_261 : vector<512x128xi32>
    %eq3A_282 = arith.cmpi eq, %select_n3A_254, %reshape3A_261 : vector<512x128xi32>
    %lt3A_283 = arith.cmpi slt, %select_n3A_255, %reshape3A_265 : vector<512x128xi32>
    %and3A_284 = arith.andi %eq3A_282, %lt3A_283 : vector<512x128xi1>
    %or3A_285 = arith.ori %gt3A_281, %and3A_284 : vector<512x128xi1>
    %eq3A_286 = vector.broadcast %eq3A_280 : vector<512x1xi1> to vector<512x128xi1>
    %eq3A_287 = vector.broadcast %eq3A_286 : vector<512x128xi1> to vector<512x128xi1>
    %eq3A_288 = arith.xori %or3A_285, %eq3A_287 : vector<512x128xi1>
    %eq3A_289 = arith.constant dense<true> : vector<512x128xi1>
    %eq3A_290 = arith.xori %eq3A_288, %eq3A_289 : vector<512x128xi1>
    %select_n3A_291 = arith.select %eq3A_290, %select_n3A_254, %reshape3A_261 : vector<512x128xi1>, vector<512x128xi32>
    %select_n3A_292 = arith.select %eq3A_290, %select_n3A_255, %reshape3A_265 : vector<512x128xi1>, vector<512x128xi32>
    %reshape3A_293 = vector.shape_cast %select_n3A_291 : vector<512x128xi32> to vector<128x2x2x128xi32>
    %reshape3A_294 = vector.shape_cast %select_n3A_292 : vector<512x128xi32> to vector<128x2x2x128xi32>
    %slice3A_295 = vector.extract_strided_slice %reshape3A_293 {offsets = [0, 1, 0, 0], sizes = [128, 1, 2, 128], strides = [1, 1, 1, 1]} : vector<128x2x2x128xi32> to vector<128x1x2x128xi32>
    %slice3A_296 = vector.extract_strided_slice %reshape3A_293 {offsets = [0, 0, 0, 0], sizes = [128, 1, 2, 128], strides = [1, 1, 1, 1]} : vector<128x2x2x128xi32> to vector<128x1x2x128xi32>
    %concatenate3A_297 = tpu.concatenate %slice3A_295, %slice3A_296 in 1 : vector<128x1x2x128xi32>, vector<128x1x2x128xi32> -> vector<128x2x2x128xi32>
    %reshape3A_298 = vector.shape_cast %concatenate3A_297 : vector<128x2x2x128xi32> to vector<512x128xi32>
    %slice3A_299 = vector.extract_strided_slice %reshape3A_294 {offsets = [0, 1, 0, 0], sizes = [128, 1, 2, 128], strides = [1, 1, 1, 1]} : vector<128x2x2x128xi32> to vector<128x1x2x128xi32>
    %slice3A_300 = vector.extract_strided_slice %reshape3A_294 {offsets = [0, 0, 0, 0], sizes = [128, 1, 2, 128], strides = [1, 1, 1, 1]} : vector<128x2x2x128xi32> to vector<128x1x2x128xi32>
    %concatenate3A_301 = tpu.concatenate %slice3A_299, %slice3A_300 in 1 : vector<128x1x2x128xi32>, vector<128x1x2x128xi32> -> vector<128x2x2x128xi32>
    %reshape3A_302 = vector.shape_cast %concatenate3A_301 : vector<128x2x2x128xi32> to vector<512x128xi32>
    %and3A_303 = arith.constant 16 : i32
    %and3A_304 = vector.broadcast %and3A_303 : i32 to vector<512x1xi32>
    %and3A_305 = arith.andi %iota3A, %and3A_304 : vector<512x1xi32>
    %eq3A_306 = arith.constant 0 : i32
    %eq3A_307 = vector.broadcast %eq3A_306 : i32 to vector<512x1xi32>
    %eq3A_308 = arith.cmpi eq, %and3A_305, %eq3A_307 : vector<512x1xi32>
    %and3A_309 = arith.constant 2 : i32
    %and3A_310 = vector.broadcast %and3A_309 : i32 to vector<512x1xi32>
    %and3A_311 = arith.andi %iota3A, %and3A_310 : vector<512x1xi32>
    %eq3A_312 = arith.constant 0 : i32
    %eq3A_313 = vector.broadcast %eq3A_312 : i32 to vector<512x1xi32>
    %eq3A_314 = arith.cmpi eq, %and3A_311, %eq3A_313 : vector<512x1xi32>
    %eq3A_315 = arith.xori %eq3A_308, %eq3A_314 : vector<512x1xi1>
    %eq3A_316 = arith.constant dense<true> : vector<512x1xi1>
    %eq3A_317 = arith.xori %eq3A_315, %eq3A_316 : vector<512x1xi1>
    %gt3A_318 = arith.cmpi sgt, %select_n3A_291, %reshape3A_298 : vector<512x128xi32>
    %eq3A_319 = arith.cmpi eq, %select_n3A_291, %reshape3A_298 : vector<512x128xi32>
    %lt3A_320 = arith.cmpi slt, %select_n3A_292, %reshape3A_302 : vector<512x128xi32>
    %and3A_321 = arith.andi %eq3A_319, %lt3A_320 : vector<512x128xi1>
    %or3A_322 = arith.ori %gt3A_318, %and3A_321 : vector<512x128xi1>
    %eq3A_323 = vector.broadcast %eq3A_317 : vector<512x1xi1> to vector<512x128xi1>
    %eq3A_324 = vector.broadcast %eq3A_323 : vector<512x128xi1> to vector<512x128xi1>
    %eq3A_325 = arith.xori %or3A_322, %eq3A_324 : vector<512x128xi1>
    %eq3A_326 = arith.constant dense<true> : vector<512x128xi1>
    %eq3A_327 = arith.xori %eq3A_325, %eq3A_326 : vector<512x128xi1>
    %select_n3A_328 = arith.select %eq3A_327, %select_n3A_291, %reshape3A_298 : vector<512x128xi1>, vector<512x128xi32>
    %select_n3A_329 = arith.select %eq3A_327, %select_n3A_292, %reshape3A_302 : vector<512x128xi1>, vector<512x128xi32>
    %reshape3A_330 = vector.shape_cast %select_n3A_328 : vector<512x128xi32> to vector<256x2x1x128xi32>
    %reshape3A_331 = vector.shape_cast %select_n3A_329 : vector<512x128xi32> to vector<256x2x1x128xi32>
    %slice3A_332 = vector.extract_strided_slice %reshape3A_330 {offsets = [0, 1, 0, 0], sizes = [256, 1, 1, 128], strides = [1, 1, 1, 1]} : vector<256x2x1x128xi32> to vector<256x1x1x128xi32>
    %slice3A_333 = vector.extract_strided_slice %reshape3A_330 {offsets = [0, 0, 0, 0], sizes = [256, 1, 1, 128], strides = [1, 1, 1, 1]} : vector<256x2x1x128xi32> to vector<256x1x1x128xi32>
    %concatenate3A_334 = tpu.concatenate %slice3A_332, %slice3A_333 in 1 : vector<256x1x1x128xi32>, vector<256x1x1x128xi32> -> vector<256x2x1x128xi32>
    %reshape3A_335 = vector.shape_cast %concatenate3A_334 : vector<256x2x1x128xi32> to vector<512x128xi32>
    %slice3A_336 = vector.extract_strided_slice %reshape3A_331 {offsets = [0, 1, 0, 0], sizes = [256, 1, 1, 128], strides = [1, 1, 1, 1]} : vector<256x2x1x128xi32> to vector<256x1x1x128xi32>
    %slice3A_337 = vector.extract_strided_slice %reshape3A_331 {offsets = [0, 0, 0, 0], sizes = [256, 1, 1, 128], strides = [1, 1, 1, 1]} : vector<256x2x1x128xi32> to vector<256x1x1x128xi32>
    %concatenate3A_338 = tpu.concatenate %slice3A_336, %slice3A_337 in 1 : vector<256x1x1x128xi32>, vector<256x1x1x128xi32> -> vector<256x2x1x128xi32>
    %reshape3A_339 = vector.shape_cast %concatenate3A_338 : vector<256x2x1x128xi32> to vector<512x128xi32>
    %and3A_340 = arith.constant 16 : i32
    %and3A_341 = vector.broadcast %and3A_340 : i32 to vector<512x1xi32>
    %and3A_342 = arith.andi %iota3A, %and3A_341 : vector<512x1xi32>
    %eq3A_343 = arith.constant 0 : i32
    %eq3A_344 = vector.broadcast %eq3A_343 : i32 to vector<512x1xi32>
    %eq3A_345 = arith.cmpi eq, %and3A_342, %eq3A_344 : vector<512x1xi32>
    %and3A_346 = arith.constant 1 : i32
    %and3A_347 = vector.broadcast %and3A_346 : i32 to vector<512x1xi32>
    %and3A_348 = arith.andi %iota3A, %and3A_347 : vector<512x1xi32>
    %eq3A_349 = arith.constant 0 : i32
    %eq3A_350 = vector.broadcast %eq3A_349 : i32 to vector<512x1xi32>
    %eq3A_351 = arith.cmpi eq, %and3A_348, %eq3A_350 : vector<512x1xi32>
    %eq3A_352 = arith.xori %eq3A_345, %eq3A_351 : vector<512x1xi1>
    %eq3A_353 = arith.constant dense<true> : vector<512x1xi1>
    %eq3A_354 = arith.xori %eq3A_352, %eq3A_353 : vector<512x1xi1>
    %gt3A_355 = arith.cmpi sgt, %select_n3A_328, %reshape3A_335 : vector<512x128xi32>
    %eq3A_356 = arith.cmpi eq, %select_n3A_328, %reshape3A_335 : vector<512x128xi32>
    %lt3A_357 = arith.cmpi slt, %select_n3A_329, %reshape3A_339 : vector<512x128xi32>
    %and3A_358 = arith.andi %eq3A_356, %lt3A_357 : vector<512x128xi1>
    %or3A_359 = arith.ori %gt3A_355, %and3A_358 : vector<512x128xi1>
    %eq3A_360 = vector.broadcast %eq3A_354 : vector<512x1xi1> to vector<512x128xi1>
    %eq3A_361 = vector.broadcast %eq3A_360 : vector<512x128xi1> to vector<512x128xi1>
    %eq3A_362 = arith.xori %or3A_359, %eq3A_361 : vector<512x128xi1>
    %eq3A_363 = arith.constant dense<true> : vector<512x128xi1>
    %eq3A_364 = arith.xori %eq3A_362, %eq3A_363 : vector<512x128xi1>
    %select_n3A_365 = arith.select %eq3A_364, %select_n3A_328, %reshape3A_335 : vector<512x128xi1>, vector<512x128xi32>
    %select_n3A_366 = arith.select %eq3A_364, %select_n3A_329, %reshape3A_339 : vector<512x128xi1>, vector<512x128xi32>
    %reshape3A_367 = vector.shape_cast %select_n3A_365 : vector<512x128xi32> to vector<16x2x16x128xi32>
    %reshape3A_368 = vector.shape_cast %select_n3A_366 : vector<512x128xi32> to vector<16x2x16x128xi32>
    %slice3A_369 = vector.extract_strided_slice %reshape3A_367 {offsets = [0, 1, 0, 0], sizes = [16, 1, 16, 128], strides = [1, 1, 1, 1]} : vector<16x2x16x128xi32> to vector<16x1x16x128xi32>
    %slice3A_370 = vector.extract_strided_slice %reshape3A_367 {offsets = [0, 0, 0, 0], sizes = [16, 1, 16, 128], strides = [1, 1, 1, 1]} : vector<16x2x16x128xi32> to vector<16x1x16x128xi32>
    %concatenate3A_371 = tpu.concatenate %slice3A_369, %slice3A_370 in 1 : vector<16x1x16x128xi32>, vector<16x1x16x128xi32> -> vector<16x2x16x128xi32>
    %reshape3A_372 = vector.shape_cast %concatenate3A_371 : vector<16x2x16x128xi32> to vector<512x128xi32>
    %slice3A_373 = vector.extract_strided_slice %reshape3A_368 {offsets = [0, 1, 0, 0], sizes = [16, 1, 16, 128], strides = [1, 1, 1, 1]} : vector<16x2x16x128xi32> to vector<16x1x16x128xi32>
    %slice3A_374 = vector.extract_strided_slice %reshape3A_368 {offsets = [0, 0, 0, 0], sizes = [16, 1, 16, 128], strides = [1, 1, 1, 1]} : vector<16x2x16x128xi32> to vector<16x1x16x128xi32>
    %concatenate3A_375 = tpu.concatenate %slice3A_373, %slice3A_374 in 1 : vector<16x1x16x128xi32>, vector<16x1x16x128xi32> -> vector<16x2x16x128xi32>
    %reshape3A_376 = vector.shape_cast %concatenate3A_375 : vector<16x2x16x128xi32> to vector<512x128xi32>
    %and3A_377 = arith.constant 32 : i32
    %and3A_378 = vector.broadcast %and3A_377 : i32 to vector<512x1xi32>
    %and3A_379 = arith.andi %iota3A, %and3A_378 : vector<512x1xi32>
    %eq3A_380 = arith.constant 0 : i32
    %eq3A_381 = vector.broadcast %eq3A_380 : i32 to vector<512x1xi32>
    %eq3A_382 = arith.cmpi eq, %and3A_379, %eq3A_381 : vector<512x1xi32>
    %and3A_383 = arith.constant 16 : i32
    %and3A_384 = vector.broadcast %and3A_383 : i32 to vector<512x1xi32>
    %and3A_385 = arith.andi %iota3A, %and3A_384 : vector<512x1xi32>
    %eq3A_386 = arith.constant 0 : i32
    %eq3A_387 = vector.broadcast %eq3A_386 : i32 to vector<512x1xi32>
    %eq3A_388 = arith.cmpi eq, %and3A_385, %eq3A_387 : vector<512x1xi32>
    %eq3A_389 = arith.xori %eq3A_382, %eq3A_388 : vector<512x1xi1>
    %eq3A_390 = arith.constant dense<true> : vector<512x1xi1>
    %eq3A_391 = arith.xori %eq3A_389, %eq3A_390 : vector<512x1xi1>
    %gt3A_392 = arith.cmpi sgt, %select_n3A_365, %reshape3A_372 : vector<512x128xi32>
    %eq3A_393 = arith.cmpi eq, %select_n3A_365, %reshape3A_372 : vector<512x128xi32>
    %lt3A_394 = arith.cmpi slt, %select_n3A_366, %reshape3A_376 : vector<512x128xi32>
    %and3A_395 = arith.andi %eq3A_393, %lt3A_394 : vector<512x128xi1>
    %or3A_396 = arith.ori %gt3A_392, %and3A_395 : vector<512x128xi1>
    %eq3A_397 = vector.broadcast %eq3A_391 : vector<512x1xi1> to vector<512x128xi1>
    %eq3A_398 = vector.broadcast %eq3A_397 : vector<512x128xi1> to vector<512x128xi1>
    %eq3A_399 = arith.xori %or3A_396, %eq3A_398 : vector<512x128xi1>
    %eq3A_400 = arith.constant dense<true> : vector<512x128xi1>
    %eq3A_401 = arith.xori %eq3A_399, %eq3A_400 : vector<512x128xi1>
    %select_n3A_402 = arith.select %eq3A_401, %select_n3A_365, %reshape3A_372 : vector<512x128xi1>, vector<512x128xi32>
    %select_n3A_403 = arith.select %eq3A_401, %select_n3A_366, %reshape3A_376 : vector<512x128xi1>, vector<512x128xi32>
    %reshape3A_404 = vector.shape_cast %select_n3A_402 : vector<512x128xi32> to vector<32x2x8x128xi32>
    %reshape3A_405 = vector.shape_cast %select_n3A_403 : vector<512x128xi32> to vector<32x2x8x128xi32>
    %slice3A_406 = vector.extract_strided_slice %reshape3A_404 {offsets = [0, 1, 0, 0], sizes = [32, 1, 8, 128], strides = [1, 1, 1, 1]} : vector<32x2x8x128xi32> to vector<32x1x8x128xi32>
    %slice3A_407 = vector.extract_strided_slice %reshape3A_404 {offsets = [0, 0, 0, 0], sizes = [32, 1, 8, 128], strides = [1, 1, 1, 1]} : vector<32x2x8x128xi32> to vector<32x1x8x128xi32>
    %concatenate3A_408 = tpu.concatenate %slice3A_406, %slice3A_407 in 1 : vector<32x1x8x128xi32>, vector<32x1x8x128xi32> -> vector<32x2x8x128xi32>
    %reshape3A_409 = vector.shape_cast %concatenate3A_408 : vector<32x2x8x128xi32> to vector<512x128xi32>
    %slice3A_410 = vector.extract_strided_slice %reshape3A_405 {offsets = [0, 1, 0, 0], sizes = [32, 1, 8, 128], strides = [1, 1, 1, 1]} : vector<32x2x8x128xi32> to vector<32x1x8x128xi32>
    %slice3A_411 = vector.extract_strided_slice %reshape3A_405 {offsets = [0, 0, 0, 0], sizes = [32, 1, 8, 128], strides = [1, 1, 1, 1]} : vector<32x2x8x128xi32> to vector<32x1x8x128xi32>
    %concatenate3A_412 = tpu.concatenate %slice3A_410, %slice3A_411 in 1 : vector<32x1x8x128xi32>, vector<32x1x8x128xi32> -> vector<32x2x8x128xi32>
    %reshape3A_413 = vector.shape_cast %concatenate3A_412 : vector<32x2x8x128xi32> to vector<512x128xi32>
    %and3A_414 = arith.constant 32 : i32
    %and3A_415 = vector.broadcast %and3A_414 : i32 to vector<512x1xi32>
    %and3A_416 = arith.andi %iota3A, %and3A_415 : vector<512x1xi32>
    %eq3A_417 = arith.constant 0 : i32
    %eq3A_418 = vector.broadcast %eq3A_417 : i32 to vector<512x1xi32>
    %eq3A_419 = arith.cmpi eq, %and3A_416, %eq3A_418 : vector<512x1xi32>
    %and3A_420 = arith.constant 8 : i32
    %and3A_421 = vector.broadcast %and3A_420 : i32 to vector<512x1xi32>
    %and3A_422 = arith.andi %iota3A, %and3A_421 : vector<512x1xi32>
    %eq3A_423 = arith.constant 0 : i32
    %eq3A_424 = vector.broadcast %eq3A_423 : i32 to vector<512x1xi32>
    %eq3A_425 = arith.cmpi eq, %and3A_422, %eq3A_424 : vector<512x1xi32>
    %eq3A_426 = arith.xori %eq3A_419, %eq3A_425 : vector<512x1xi1>
    %eq3A_427 = arith.constant dense<true> : vector<512x1xi1>
    %eq3A_428 = arith.xori %eq3A_426, %eq3A_427 : vector<512x1xi1>
    %gt3A_429 = arith.cmpi sgt, %select_n3A_402, %reshape3A_409 : vector<512x128xi32>
    %eq3A_430 = arith.cmpi eq, %select_n3A_402, %reshape3A_409 : vector<512x128xi32>
    %lt3A_431 = arith.cmpi slt, %select_n3A_403, %reshape3A_413 : vector<512x128xi32>
    %and3A_432 = arith.andi %eq3A_430, %lt3A_431 : vector<512x128xi1>
    %or3A_433 = arith.ori %gt3A_429, %and3A_432 : vector<512x128xi1>
    %eq3A_434 = vector.broadcast %eq3A_428 : vector<512x1xi1> to vector<512x128xi1>
    %eq3A_435 = vector.broadcast %eq3A_434 : vector<512x128xi1> to vector<512x128xi1>
    %eq3A_436 = arith.xori %or3A_433, %eq3A_435 : vector<512x128xi1>
    %eq3A_437 = arith.constant dense<true> : vector<512x128xi1>
    %eq3A_438 = arith.xori %eq3A_436, %eq3A_437 : vector<512x128xi1>
    %select_n3A_439 = arith.select %eq3A_438, %select_n3A_402, %reshape3A_409 : vector<512x128xi1>, vector<512x128xi32>
    %select_n3A_440 = arith.select %eq3A_438, %select_n3A_403, %reshape3A_413 : vector<512x128xi1>, vector<512x128xi32>
    %reshape3A_441 = vector.shape_cast %select_n3A_439 : vector<512x128xi32> to vector<64x2x4x128xi32>
    %reshape3A_442 = vector.shape_cast %select_n3A_440 : vector<512x128xi32> to vector<64x2x4x128xi32>
    %slice3A_443 = vector.extract_strided_slice %reshape3A_441 {offsets = [0, 1, 0, 0], sizes = [64, 1, 4, 128], strides = [1, 1, 1, 1]} : vector<64x2x4x128xi32> to vector<64x1x4x128xi32>
    %slice3A_444 = vector.extract_strided_slice %reshape3A_441 {offsets = [0, 0, 0, 0], sizes = [64, 1, 4, 128], strides = [1, 1, 1, 1]} : vector<64x2x4x128xi32> to vector<64x1x4x128xi32>
    %concatenate3A_445 = tpu.concatenate %slice3A_443, %slice3A_444 in 1 : vector<64x1x4x128xi32>, vector<64x1x4x128xi32> -> vector<64x2x4x128xi32>
    %reshape3A_446 = vector.shape_cast %concatenate3A_445 : vector<64x2x4x128xi32> to vector<512x128xi32>
    %slice3A_447 = vector.extract_strided_slice %reshape3A_442 {offsets = [0, 1, 0, 0], sizes = [64, 1, 4, 128], strides = [1, 1, 1, 1]} : vector<64x2x4x128xi32> to vector<64x1x4x128xi32>
    %slice3A_448 = vector.extract_strided_slice %reshape3A_442 {offsets = [0, 0, 0, 0], sizes = [64, 1, 4, 128], strides = [1, 1, 1, 1]} : vector<64x2x4x128xi32> to vector<64x1x4x128xi32>
    %concatenate3A_449 = tpu.concatenate %slice3A_447, %slice3A_448 in 1 : vector<64x1x4x128xi32>, vector<64x1x4x128xi32> -> vector<64x2x4x128xi32>
    %reshape3A_450 = vector.shape_cast %concatenate3A_449 : vector<64x2x4x128xi32> to vector<512x128xi32>
    %and3A_451 = arith.constant 32 : i32
    %and3A_452 = vector.broadcast %and3A_451 : i32 to vector<512x1xi32>
    %and3A_453 = arith.andi %iota3A, %and3A_452 : vector<512x1xi32>
    %eq3A_454 = arith.constant 0 : i32
    %eq3A_455 = vector.broadcast %eq3A_454 : i32 to vector<512x1xi32>
    %eq3A_456 = arith.cmpi eq, %and3A_453, %eq3A_455 : vector<512x1xi32>
    %and3A_457 = arith.constant 4 : i32
    %and3A_458 = vector.broadcast %and3A_457 : i32 to vector<512x1xi32>
    %and3A_459 = arith.andi %iota3A, %and3A_458 : vector<512x1xi32>
    %eq3A_460 = arith.constant 0 : i32
    %eq3A_461 = vector.broadcast %eq3A_460 : i32 to vector<512x1xi32>
    %eq3A_462 = arith.cmpi eq, %and3A_459, %eq3A_461 : vector<512x1xi32>
    %eq3A_463 = arith.xori %eq3A_456, %eq3A_462 : vector<512x1xi1>
    %eq3A_464 = arith.constant dense<true> : vector<512x1xi1>
    %eq3A_465 = arith.xori %eq3A_463, %eq3A_464 : vector<512x1xi1>
    %gt3A_466 = arith.cmpi sgt, %select_n3A_439, %reshape3A_446 : vector<512x128xi32>
    %eq3A_467 = arith.cmpi eq, %select_n3A_439, %reshape3A_446 : vector<512x128xi32>
    %lt3A_468 = arith.cmpi slt, %select_n3A_440, %reshape3A_450 : vector<512x128xi32>
    %and3A_469 = arith.andi %eq3A_467, %lt3A_468 : vector<512x128xi1>
    %or3A_470 = arith.ori %gt3A_466, %and3A_469 : vector<512x128xi1>
    %eq3A_471 = vector.broadcast %eq3A_465 : vector<512x1xi1> to vector<512x128xi1>
    %eq3A_472 = vector.broadcast %eq3A_471 : vector<512x128xi1> to vector<512x128xi1>
    %eq3A_473 = arith.xori %or3A_470, %eq3A_472 : vector<512x128xi1>
    %eq3A_474 = arith.constant dense<true> : vector<512x128xi1>
    %eq3A_475 = arith.xori %eq3A_473, %eq3A_474 : vector<512x128xi1>
    %select_n3A_476 = arith.select %eq3A_475, %select_n3A_439, %reshape3A_446 : vector<512x128xi1>, vector<512x128xi32>
    %select_n3A_477 = arith.select %eq3A_475, %select_n3A_440, %reshape3A_450 : vector<512x128xi1>, vector<512x128xi32>
    %reshape3A_478 = vector.shape_cast %select_n3A_476 : vector<512x128xi32> to vector<128x2x2x128xi32>
    %reshape3A_479 = vector.shape_cast %select_n3A_477 : vector<512x128xi32> to vector<128x2x2x128xi32>
    %slice3A_480 = vector.extract_strided_slice %reshape3A_478 {offsets = [0, 1, 0, 0], sizes = [128, 1, 2, 128], strides = [1, 1, 1, 1]} : vector<128x2x2x128xi32> to vector<128x1x2x128xi32>
    %slice3A_481 = vector.extract_strided_slice %reshape3A_478 {offsets = [0, 0, 0, 0], sizes = [128, 1, 2, 128], strides = [1, 1, 1, 1]} : vector<128x2x2x128xi32> to vector<128x1x2x128xi32>
    %concatenate3A_482 = tpu.concatenate %slice3A_480, %slice3A_481 in 1 : vector<128x1x2x128xi32>, vector<128x1x2x128xi32> -> vector<128x2x2x128xi32>
    %reshape3A_483 = vector.shape_cast %concatenate3A_482 : vector<128x2x2x128xi32> to vector<512x128xi32>
    %slice3A_484 = vector.extract_strided_slice %reshape3A_479 {offsets = [0, 1, 0, 0], sizes = [128, 1, 2, 128], strides = [1, 1, 1, 1]} : vector<128x2x2x128xi32> to vector<128x1x2x128xi32>
    %slice3A_485 = vector.extract_strided_slice %reshape3A_479 {offsets = [0, 0, 0, 0], sizes = [128, 1, 2, 128], strides = [1, 1, 1, 1]} : vector<128x2x2x128xi32> to vector<128x1x2x128xi32>
    %concatenate3A_486 = tpu.concatenate %slice3A_484, %slice3A_485 in 1 : vector<128x1x2x128xi32>, vector<128x1x2x128xi32> -> vector<128x2x2x128xi32>
    %reshape3A_487 = vector.shape_cast %concatenate3A_486 : vector<128x2x2x128xi32> to vector<512x128xi32>
    %and3A_488 = arith.constant 32 : i32
    %and3A_489 = vector.broadcast %and3A_488 : i32 to vector<512x1xi32>
    %and3A_490 = arith.andi %iota3A, %and3A_489 : vector<512x1xi32>
    %eq3A_491 = arith.constant 0 : i32
    %eq3A_492 = vector.broadcast %eq3A_491 : i32 to vector<512x1xi32>
    %eq3A_493 = arith.cmpi eq, %and3A_490, %eq3A_492 : vector<512x1xi32>
    %and3A_494 = arith.constant 2 : i32
    %and3A_495 = vector.broadcast %and3A_494 : i32 to vector<512x1xi32>
    %and3A_496 = arith.andi %iota3A, %and3A_495 : vector<512x1xi32>
    %eq3A_497 = arith.constant 0 : i32
    %eq3A_498 = vector.broadcast %eq3A_497 : i32 to vector<512x1xi32>
    %eq3A_499 = arith.cmpi eq, %and3A_496, %eq3A_498 : vector<512x1xi32>
    %eq3A_500 = arith.xori %eq3A_493, %eq3A_499 : vector<512x1xi1>
    %eq3A_501 = arith.constant dense<true> : vector<512x1xi1>
    %eq3A_502 = arith.xori %eq3A_500, %eq3A_501 : vector<512x1xi1>
    %gt3A_503 = arith.cmpi sgt, %select_n3A_476, %reshape3A_483 : vector<512x128xi32>
    %eq3A_504 = arith.cmpi eq, %select_n3A_476, %reshape3A_483 : vector<512x128xi32>
    %lt3A_505 = arith.cmpi slt, %select_n3A_477, %reshape3A_487 : vector<512x128xi32>
    %and3A_506 = arith.andi %eq3A_504, %lt3A_505 : vector<512x128xi1>
    %or3A_507 = arith.ori %gt3A_503, %and3A_506 : vector<512x128xi1>
    %eq3A_508 = vector.broadcast %eq3A_502 : vector<512x1xi1> to vector<512x128xi1>
    %eq3A_509 = vector.broadcast %eq3A_508 : vector<512x128xi1> to vector<512x128xi1>
    %eq3A_510 = arith.xori %or3A_507, %eq3A_509 : vector<512x128xi1>
    %eq3A_511 = arith.constant dense<true> : vector<512x128xi1>
    %eq3A_512 = arith.xori %eq3A_510, %eq3A_511 : vector<512x128xi1>
    %select_n3A_513 = arith.select %eq3A_512, %select_n3A_476, %reshape3A_483 : vector<512x128xi1>, vector<512x128xi32>
    %select_n3A_514 = arith.select %eq3A_512, %select_n3A_477, %reshape3A_487 : vector<512x128xi1>, vector<512x128xi32>
    %reshape3A_515 = vector.shape_cast %select_n3A_513 : vector<512x128xi32> to vector<256x2x1x128xi32>
    %reshape3A_516 = vector.shape_cast %select_n3A_514 : vector<512x128xi32> to vector<256x2x1x128xi32>
    %slice3A_517 = vector.extract_strided_slice %reshape3A_515 {offsets = [0, 1, 0, 0], sizes = [256, 1, 1, 128], strides = [1, 1, 1, 1]} : vector<256x2x1x128xi32> to vector<256x1x1x128xi32>
    %slice3A_518 = vector.extract_strided_slice %reshape3A_515 {offsets = [0, 0, 0, 0], sizes = [256, 1, 1, 128], strides = [1, 1, 1, 1]} : vector<256x2x1x128xi32> to vector<256x1x1x128xi32>
    %concatenate3A_519 = tpu.concatenate %slice3A_517, %slice3A_518 in 1 : vector<256x1x1x128xi32>, vector<256x1x1x128xi32> -> vector<256x2x1x128xi32>
    %reshape3A_520 = vector.shape_cast %concatenate3A_519 : vector<256x2x1x128xi32> to vector<512x128xi32>
    %slice3A_521 = vector.extract_strided_slice %reshape3A_516 {offsets = [0, 1, 0, 0], sizes = [256, 1, 1, 128], strides = [1, 1, 1, 1]} : vector<256x2x1x128xi32> to vector<256x1x1x128xi32>
    %slice3A_522 = vector.extract_strided_slice %reshape3A_516 {offsets = [0, 0, 0, 0], sizes = [256, 1, 1, 128], strides = [1, 1, 1, 1]} : vector<256x2x1x128xi32> to vector<256x1x1x128xi32>
    %concatenate3A_523 = tpu.concatenate %slice3A_521, %slice3A_522 in 1 : vector<256x1x1x128xi32>, vector<256x1x1x128xi32> -> vector<256x2x1x128xi32>
    %reshape3A_524 = vector.shape_cast %concatenate3A_523 : vector<256x2x1x128xi32> to vector<512x128xi32>
    %and3A_525 = arith.constant 32 : i32
    %and3A_526 = vector.broadcast %and3A_525 : i32 to vector<512x1xi32>
    %and3A_527 = arith.andi %iota3A, %and3A_526 : vector<512x1xi32>
    %eq3A_528 = arith.constant 0 : i32
    %eq3A_529 = vector.broadcast %eq3A_528 : i32 to vector<512x1xi32>
    %eq3A_530 = arith.cmpi eq, %and3A_527, %eq3A_529 : vector<512x1xi32>
    %and3A_531 = arith.constant 1 : i32
    %and3A_532 = vector.broadcast %and3A_531 : i32 to vector<512x1xi32>
    %and3A_533 = arith.andi %iota3A, %and3A_532 : vector<512x1xi32>
    %eq3A_534 = arith.constant 0 : i32
    %eq3A_535 = vector.broadcast %eq3A_534 : i32 to vector<512x1xi32>
    %eq3A_536 = arith.cmpi eq, %and3A_533, %eq3A_535 : vector<512x1xi32>
    %eq3A_537 = arith.xori %eq3A_530, %eq3A_536 : vector<512x1xi1>
    %eq3A_538 = arith.constant dense<true> : vector<512x1xi1>
    %eq3A_539 = arith.xori %eq3A_537, %eq3A_538 : vector<512x1xi1>
    %gt3A_540 = arith.cmpi sgt, %select_n3A_513, %reshape3A_520 : vector<512x128xi32>
    %eq3A_541 = arith.cmpi eq, %select_n3A_513, %reshape3A_520 : vector<512x128xi32>
    %lt3A_542 = arith.cmpi slt, %select_n3A_514, %reshape3A_524 : vector<512x128xi32>
    %and3A_543 = arith.andi %eq3A_541, %lt3A_542 : vector<512x128xi1>
    %or3A_544 = arith.ori %gt3A_540, %and3A_543 : vector<512x128xi1>
    %eq3A_545 = vector.broadcast %eq3A_539 : vector<512x1xi1> to vector<512x128xi1>
    %eq3A_546 = vector.broadcast %eq3A_545 : vector<512x128xi1> to vector<512x128xi1>
    %eq3A_547 = arith.xori %or3A_544, %eq3A_546 : vector<512x128xi1>
    %eq3A_548 = arith.constant dense<true> : vector<512x128xi1>
    %eq3A_549 = arith.xori %eq3A_547, %eq3A_548 : vector<512x128xi1>
    %select_n3A_550 = arith.select %eq3A_549, %select_n3A_513, %reshape3A_520 : vector<512x128xi1>, vector<512x128xi32>
    %select_n3A_551 = arith.select %eq3A_549, %select_n3A_514, %reshape3A_524 : vector<512x128xi1>, vector<512x128xi32>
    %reshape3A_552 = vector.shape_cast %select_n3A_550 : vector<512x128xi32> to vector<8x2x32x128xi32>
    %reshape3A_553 = vector.shape_cast %select_n3A_551 : vector<512x128xi32> to vector<8x2x32x128xi32>
    %slice3A_554 = vector.extract_strided_slice %reshape3A_552 {offsets = [0, 1, 0, 0], sizes = [8, 1, 32, 128], strides = [1, 1, 1, 1]} : vector<8x2x32x128xi32> to vector<8x1x32x128xi32>
    %slice3A_555 = vector.extract_strided_slice %reshape3A_552 {offsets = [0, 0, 0, 0], sizes = [8, 1, 32, 128], strides = [1, 1, 1, 1]} : vector<8x2x32x128xi32> to vector<8x1x32x128xi32>
    %concatenate3A_556 = tpu.concatenate %slice3A_554, %slice3A_555 in 1 : vector<8x1x32x128xi32>, vector<8x1x32x128xi32> -> vector<8x2x32x128xi32>
    %reshape3A_557 = vector.shape_cast %concatenate3A_556 : vector<8x2x32x128xi32> to vector<512x128xi32>
    %slice3A_558 = vector.extract_strided_slice %reshape3A_553 {offsets = [0, 1, 0, 0], sizes = [8, 1, 32, 128], strides = [1, 1, 1, 1]} : vector<8x2x32x128xi32> to vector<8x1x32x128xi32>
    %slice3A_559 = vector.extract_strided_slice %reshape3A_553 {offsets = [0, 0, 0, 0], sizes = [8, 1, 32, 128], strides = [1, 1, 1, 1]} : vector<8x2x32x128xi32> to vector<8x1x32x128xi32>
    %concatenate3A_560 = tpu.concatenate %slice3A_558, %slice3A_559 in 1 : vector<8x1x32x128xi32>, vector<8x1x32x128xi32> -> vector<8x2x32x128xi32>
    %reshape3A_561 = vector.shape_cast %concatenate3A_560 : vector<8x2x32x128xi32> to vector<512x128xi32>
    %and3A_562 = arith.constant 64 : i32
    %and3A_563 = vector.broadcast %and3A_562 : i32 to vector<512x1xi32>
    %and3A_564 = arith.andi %iota3A, %and3A_563 : vector<512x1xi32>
    %eq3A_565 = arith.constant 0 : i32
    %eq3A_566 = vector.broadcast %eq3A_565 : i32 to vector<512x1xi32>
    %eq3A_567 = arith.cmpi eq, %and3A_564, %eq3A_566 : vector<512x1xi32>
    %and3A_568 = arith.constant 32 : i32
    %and3A_569 = vector.broadcast %and3A_568 : i32 to vector<512x1xi32>
    %and3A_570 = arith.andi %iota3A, %and3A_569 : vector<512x1xi32>
    %eq3A_571 = arith.constant 0 : i32
    %eq3A_572 = vector.broadcast %eq3A_571 : i32 to vector<512x1xi32>
    %eq3A_573 = arith.cmpi eq, %and3A_570, %eq3A_572 : vector<512x1xi32>
    %eq3A_574 = arith.xori %eq3A_567, %eq3A_573 : vector<512x1xi1>
    %eq3A_575 = arith.constant dense<true> : vector<512x1xi1>
    %eq3A_576 = arith.xori %eq3A_574, %eq3A_575 : vector<512x1xi1>
    %gt3A_577 = arith.cmpi sgt, %select_n3A_550, %reshape3A_557 : vector<512x128xi32>
    %eq3A_578 = arith.cmpi eq, %select_n3A_550, %reshape3A_557 : vector<512x128xi32>
    %lt3A_579 = arith.cmpi slt, %select_n3A_551, %reshape3A_561 : vector<512x128xi32>
    %and3A_580 = arith.andi %eq3A_578, %lt3A_579 : vector<512x128xi1>
    %or3A_581 = arith.ori %gt3A_577, %and3A_580 : vector<512x128xi1>
    %eq3A_582 = vector.broadcast %eq3A_576 : vector<512x1xi1> to vector<512x128xi1>
    %eq3A_583 = vector.broadcast %eq3A_582 : vector<512x128xi1> to vector<512x128xi1>
    %eq3A_584 = arith.xori %or3A_581, %eq3A_583 : vector<512x128xi1>
    %eq3A_585 = arith.constant dense<true> : vector<512x128xi1>
    %eq3A_586 = arith.xori %eq3A_584, %eq3A_585 : vector<512x128xi1>
    %select_n3A_587 = arith.select %eq3A_586, %select_n3A_550, %reshape3A_557 : vector<512x128xi1>, vector<512x128xi32>
    %select_n3A_588 = arith.select %eq3A_586, %select_n3A_551, %reshape3A_561 : vector<512x128xi1>, vector<512x128xi32>
    %reshape3A_589 = vector.shape_cast %select_n3A_587 : vector<512x128xi32> to vector<16x2x16x128xi32>
    %reshape3A_590 = vector.shape_cast %select_n3A_588 : vector<512x128xi32> to vector<16x2x16x128xi32>
    %slice3A_591 = vector.extract_strided_slice %reshape3A_589 {offsets = [0, 1, 0, 0], sizes = [16, 1, 16, 128], strides = [1, 1, 1, 1]} : vector<16x2x16x128xi32> to vector<16x1x16x128xi32>
    %slice3A_592 = vector.extract_strided_slice %reshape3A_589 {offsets = [0, 0, 0, 0], sizes = [16, 1, 16, 128], strides = [1, 1, 1, 1]} : vector<16x2x16x128xi32> to vector<16x1x16x128xi32>
    %concatenate3A_593 = tpu.concatenate %slice3A_591, %slice3A_592 in 1 : vector<16x1x16x128xi32>, vector<16x1x16x128xi32> -> vector<16x2x16x128xi32>
    %reshape3A_594 = vector.shape_cast %concatenate3A_593 : vector<16x2x16x128xi32> to vector<512x128xi32>
    %slice3A_595 = vector.extract_strided_slice %reshape3A_590 {offsets = [0, 1, 0, 0], sizes = [16, 1, 16, 128], strides = [1, 1, 1, 1]} : vector<16x2x16x128xi32> to vector<16x1x16x128xi32>
    %slice3A_596 = vector.extract_strided_slice %reshape3A_590 {offsets = [0, 0, 0, 0], sizes = [16, 1, 16, 128], strides = [1, 1, 1, 1]} : vector<16x2x16x128xi32> to vector<16x1x16x128xi32>
    %concatenate3A_597 = tpu.concatenate %slice3A_595, %slice3A_596 in 1 : vector<16x1x16x128xi32>, vector<16x1x16x128xi32> -> vector<16x2x16x128xi32>
    %reshape3A_598 = vector.shape_cast %concatenate3A_597 : vector<16x2x16x128xi32> to vector<512x128xi32>
    %and3A_599 = arith.constant 64 : i32
    %and3A_600 = vector.broadcast %and3A_599 : i32 to vector<512x1xi32>
    %and3A_601 = arith.andi %iota3A, %and3A_600 : vector<512x1xi32>
    %eq3A_602 = arith.constant 0 : i32
    %eq3A_603 = vector.broadcast %eq3A_602 : i32 to vector<512x1xi32>
    %eq3A_604 = arith.cmpi eq, %and3A_601, %eq3A_603 : vector<512x1xi32>
    %and3A_605 = arith.constant 16 : i32
    %and3A_606 = vector.broadcast %and3A_605 : i32 to vector<512x1xi32>
    %and3A_607 = arith.andi %iota3A, %and3A_606 : vector<512x1xi32>
    %eq3A_608 = arith.constant 0 : i32
    %eq3A_609 = vector.broadcast %eq3A_608 : i32 to vector<512x1xi32>
    %eq3A_610 = arith.cmpi eq, %and3A_607, %eq3A_609 : vector<512x1xi32>
    %eq3A_611 = arith.xori %eq3A_604, %eq3A_610 : vector<512x1xi1>
    %eq3A_612 = arith.constant dense<true> : vector<512x1xi1>
    %eq3A_613 = arith.xori %eq3A_611, %eq3A_612 : vector<512x1xi1>
    %gt3A_614 = arith.cmpi sgt, %select_n3A_587, %reshape3A_594 : vector<512x128xi32>
    %eq3A_615 = arith.cmpi eq, %select_n3A_587, %reshape3A_594 : vector<512x128xi32>
    %lt3A_616 = arith.cmpi slt, %select_n3A_588, %reshape3A_598 : vector<512x128xi32>
    %and3A_617 = arith.andi %eq3A_615, %lt3A_616 : vector<512x128xi1>
    %or3A_618 = arith.ori %gt3A_614, %and3A_617 : vector<512x128xi1>
    %eq3A_619 = vector.broadcast %eq3A_613 : vector<512x1xi1> to vector<512x128xi1>
    %eq3A_620 = vector.broadcast %eq3A_619 : vector<512x128xi1> to vector<512x128xi1>
    %eq3A_621 = arith.xori %or3A_618, %eq3A_620 : vector<512x128xi1>
    %eq3A_622 = arith.constant dense<true> : vector<512x128xi1>
    %eq3A_623 = arith.xori %eq3A_621, %eq3A_622 : vector<512x128xi1>
    %select_n3A_624 = arith.select %eq3A_623, %select_n3A_587, %reshape3A_594 : vector<512x128xi1>, vector<512x128xi32>
    %select_n3A_625 = arith.select %eq3A_623, %select_n3A_588, %reshape3A_598 : vector<512x128xi1>, vector<512x128xi32>
    %reshape3A_626 = vector.shape_cast %select_n3A_624 : vector<512x128xi32> to vector<32x2x8x128xi32>
    %reshape3A_627 = vector.shape_cast %select_n3A_625 : vector<512x128xi32> to vector<32x2x8x128xi32>
    %slice3A_628 = vector.extract_strided_slice %reshape3A_626 {offsets = [0, 1, 0, 0], sizes = [32, 1, 8, 128], strides = [1, 1, 1, 1]} : vector<32x2x8x128xi32> to vector<32x1x8x128xi32>
    %slice3A_629 = vector.extract_strided_slice %reshape3A_626 {offsets = [0, 0, 0, 0], sizes = [32, 1, 8, 128], strides = [1, 1, 1, 1]} : vector<32x2x8x128xi32> to vector<32x1x8x128xi32>
    %concatenate3A_630 = tpu.concatenate %slice3A_628, %slice3A_629 in 1 : vector<32x1x8x128xi32>, vector<32x1x8x128xi32> -> vector<32x2x8x128xi32>
    %reshape3A_631 = vector.shape_cast %concatenate3A_630 : vector<32x2x8x128xi32> to vector<512x128xi32>
    %slice3A_632 = vector.extract_strided_slice %reshape3A_627 {offsets = [0, 1, 0, 0], sizes = [32, 1, 8, 128], strides = [1, 1, 1, 1]} : vector<32x2x8x128xi32> to vector<32x1x8x128xi32>
    %slice3A_633 = vector.extract_strided_slice %reshape3A_627 {offsets = [0, 0, 0, 0], sizes = [32, 1, 8, 128], strides = [1, 1, 1, 1]} : vector<32x2x8x128xi32> to vector<32x1x8x128xi32>
    %concatenate3A_634 = tpu.concatenate %slice3A_632, %slice3A_633 in 1 : vector<32x1x8x128xi32>, vector<32x1x8x128xi32> -> vector<32x2x8x128xi32>
    %reshape3A_635 = vector.shape_cast %concatenate3A_634 : vector<32x2x8x128xi32> to vector<512x128xi32>
    %and3A_636 = arith.constant 64 : i32
    %and3A_637 = vector.broadcast %and3A_636 : i32 to vector<512x1xi32>
    %and3A_638 = arith.andi %iota3A, %and3A_637 : vector<512x1xi32>
    %eq3A_639 = arith.constant 0 : i32
    %eq3A_640 = vector.broadcast %eq3A_639 : i32 to vector<512x1xi32>
    %eq3A_641 = arith.cmpi eq, %and3A_638, %eq3A_640 : vector<512x1xi32>
    %and3A_642 = arith.constant 8 : i32
    %and3A_643 = vector.broadcast %and3A_642 : i32 to vector<512x1xi32>
    %and3A_644 = arith.andi %iota3A, %and3A_643 : vector<512x1xi32>
    %eq3A_645 = arith.constant 0 : i32
    %eq3A_646 = vector.broadcast %eq3A_645 : i32 to vector<512x1xi32>
    %eq3A_647 = arith.cmpi eq, %and3A_644, %eq3A_646 : vector<512x1xi32>
    %eq3A_648 = arith.xori %eq3A_641, %eq3A_647 : vector<512x1xi1>
    %eq3A_649 = arith.constant dense<true> : vector<512x1xi1>
    %eq3A_650 = arith.xori %eq3A_648, %eq3A_649 : vector<512x1xi1>
    %gt3A_651 = arith.cmpi sgt, %select_n3A_624, %reshape3A_631 : vector<512x128xi32>
    %eq3A_652 = arith.cmpi eq, %select_n3A_624, %reshape3A_631 : vector<512x128xi32>
    %lt3A_653 = arith.cmpi slt, %select_n3A_625, %reshape3A_635 : vector<512x128xi32>
    %and3A_654 = arith.andi %eq3A_652, %lt3A_653 : vector<512x128xi1>
    %or3A_655 = arith.ori %gt3A_651, %and3A_654 : vector<512x128xi1>
    %eq3A_656 = vector.broadcast %eq3A_650 : vector<512x1xi1> to vector<512x128xi1>
    %eq3A_657 = vector.broadcast %eq3A_656 : vector<512x128xi1> to vector<512x128xi1>
    %eq3A_658 = arith.xori %or3A_655, %eq3A_657 : vector<512x128xi1>
    %eq3A_659 = arith.constant dense<true> : vector<512x128xi1>
    %eq3A_660 = arith.xori %eq3A_658, %eq3A_659 : vector<512x128xi1>
    %select_n3A_661 = arith.select %eq3A_660, %select_n3A_624, %reshape3A_631 : vector<512x128xi1>, vector<512x128xi32>
    %select_n3A_662 = arith.select %eq3A_660, %select_n3A_625, %reshape3A_635 : vector<512x128xi1>, vector<512x128xi32>
    %reshape3A_663 = vector.shape_cast %select_n3A_661 : vector<512x128xi32> to vector<64x2x4x128xi32>
    %reshape3A_664 = vector.shape_cast %select_n3A_662 : vector<512x128xi32> to vector<64x2x4x128xi32>
    %slice3A_665 = vector.extract_strided_slice %reshape3A_663 {offsets = [0, 1, 0, 0], sizes = [64, 1, 4, 128], strides = [1, 1, 1, 1]} : vector<64x2x4x128xi32> to vector<64x1x4x128xi32>
    %slice3A_666 = vector.extract_strided_slice %reshape3A_663 {offsets = [0, 0, 0, 0], sizes = [64, 1, 4, 128], strides = [1, 1, 1, 1]} : vector<64x2x4x128xi32> to vector<64x1x4x128xi32>
    %concatenate3A_667 = tpu.concatenate %slice3A_665, %slice3A_666 in 1 : vector<64x1x4x128xi32>, vector<64x1x4x128xi32> -> vector<64x2x4x128xi32>
    %reshape3A_668 = vector.shape_cast %concatenate3A_667 : vector<64x2x4x128xi32> to vector<512x128xi32>
    %slice3A_669 = vector.extract_strided_slice %reshape3A_664 {offsets = [0, 1, 0, 0], sizes = [64, 1, 4, 128], strides = [1, 1, 1, 1]} : vector<64x2x4x128xi32> to vector<64x1x4x128xi32>
    %slice3A_670 = vector.extract_strided_slice %reshape3A_664 {offsets = [0, 0, 0, 0], sizes = [64, 1, 4, 128], strides = [1, 1, 1, 1]} : vector<64x2x4x128xi32> to vector<64x1x4x128xi32>
    %concatenate3A_671 = tpu.concatenate %slice3A_669, %slice3A_670 in 1 : vector<64x1x4x128xi32>, vector<64x1x4x128xi32> -> vector<64x2x4x128xi32>
    %reshape3A_672 = vector.shape_cast %concatenate3A_671 : vector<64x2x4x128xi32> to vector<512x128xi32>
    %and3A_673 = arith.constant 64 : i32
    %and3A_674 = vector.broadcast %and3A_673 : i32 to vector<512x1xi32>
    %and3A_675 = arith.andi %iota3A, %and3A_674 : vector<512x1xi32>
    %eq3A_676 = arith.constant 0 : i32
    %eq3A_677 = vector.broadcast %eq3A_676 : i32 to vector<512x1xi32>
    %eq3A_678 = arith.cmpi eq, %and3A_675, %eq3A_677 : vector<512x1xi32>
    %and3A_679 = arith.constant 4 : i32
    %and3A_680 = vector.broadcast %and3A_679 : i32 to vector<512x1xi32>
    %and3A_681 = arith.andi %iota3A, %and3A_680 : vector<512x1xi32>
    %eq3A_682 = arith.constant 0 : i32
    %eq3A_683 = vector.broadcast %eq3A_682 : i32 to vector<512x1xi32>
    %eq3A_684 = arith.cmpi eq, %and3A_681, %eq3A_683 : vector<512x1xi32>
    %eq3A_685 = arith.xori %eq3A_678, %eq3A_684 : vector<512x1xi1>
    %eq3A_686 = arith.constant dense<true> : vector<512x1xi1>
    %eq3A_687 = arith.xori %eq3A_685, %eq3A_686 : vector<512x1xi1>
    %gt3A_688 = arith.cmpi sgt, %select_n3A_661, %reshape3A_668 : vector<512x128xi32>
    %eq3A_689 = arith.cmpi eq, %select_n3A_661, %reshape3A_668 : vector<512x128xi32>
    %lt3A_690 = arith.cmpi slt, %select_n3A_662, %reshape3A_672 : vector<512x128xi32>
    %and3A_691 = arith.andi %eq3A_689, %lt3A_690 : vector<512x128xi1>
    %or3A_692 = arith.ori %gt3A_688, %and3A_691 : vector<512x128xi1>
    %eq3A_693 = vector.broadcast %eq3A_687 : vector<512x1xi1> to vector<512x128xi1>
    %eq3A_694 = vector.broadcast %eq3A_693 : vector<512x128xi1> to vector<512x128xi1>
    %eq3A_695 = arith.xori %or3A_692, %eq3A_694 : vector<512x128xi1>
    %eq3A_696 = arith.constant dense<true> : vector<512x128xi1>
    %eq3A_697 = arith.xori %eq3A_695, %eq3A_696 : vector<512x128xi1>
    %select_n3A_698 = arith.select %eq3A_697, %select_n3A_661, %reshape3A_668 : vector<512x128xi1>, vector<512x128xi32>
    %select_n3A_699 = arith.select %eq3A_697, %select_n3A_662, %reshape3A_672 : vector<512x128xi1>, vector<512x128xi32>
    %reshape3A_700 = vector.shape_cast %select_n3A_698 : vector<512x128xi32> to vector<128x2x2x128xi32>
    %reshape3A_701 = vector.shape_cast %select_n3A_699 : vector<512x128xi32> to vector<128x2x2x128xi32>
    %slice3A_702 = vector.extract_strided_slice %reshape3A_700 {offsets = [0, 1, 0, 0], sizes = [128, 1, 2, 128], strides = [1, 1, 1, 1]} : vector<128x2x2x128xi32> to vector<128x1x2x128xi32>
    %slice3A_703 = vector.extract_strided_slice %reshape3A_700 {offsets = [0, 0, 0, 0], sizes = [128, 1, 2, 128], strides = [1, 1, 1, 1]} : vector<128x2x2x128xi32> to vector<128x1x2x128xi32>
    %concatenate3A_704 = tpu.concatenate %slice3A_702, %slice3A_703 in 1 : vector<128x1x2x128xi32>, vector<128x1x2x128xi32> -> vector<128x2x2x128xi32>
    %reshape3A_705 = vector.shape_cast %concatenate3A_704 : vector<128x2x2x128xi32> to vector<512x128xi32>
    %slice3A_706 = vector.extract_strided_slice %reshape3A_701 {offsets = [0, 1, 0, 0], sizes = [128, 1, 2, 128], strides = [1, 1, 1, 1]} : vector<128x2x2x128xi32> to vector<128x1x2x128xi32>
    %slice3A_707 = vector.extract_strided_slice %reshape3A_701 {offsets = [0, 0, 0, 0], sizes = [128, 1, 2, 128], strides = [1, 1, 1, 1]} : vector<128x2x2x128xi32> to vector<128x1x2x128xi32>
    %concatenate3A_708 = tpu.concatenate %slice3A_706, %slice3A_707 in 1 : vector<128x1x2x128xi32>, vector<128x1x2x128xi32> -> vector<128x2x2x128xi32>
    %reshape3A_709 = vector.shape_cast %concatenate3A_708 : vector<128x2x2x128xi32> to vector<512x128xi32>
    %and3A_710 = arith.constant 64 : i32
    %and3A_711 = vector.broadcast %and3A_710 : i32 to vector<512x1xi32>
    %and3A_712 = arith.andi %iota3A, %and3A_711 : vector<512x1xi32>
    %eq3A_713 = arith.constant 0 : i32
    %eq3A_714 = vector.broadcast %eq3A_713 : i32 to vector<512x1xi32>
    %eq3A_715 = arith.cmpi eq, %and3A_712, %eq3A_714 : vector<512x1xi32>
    %and3A_716 = arith.constant 2 : i32
    %and3A_717 = vector.broadcast %and3A_716 : i32 to vector<512x1xi32>
    %and3A_718 = arith.andi %iota3A, %and3A_717 : vector<512x1xi32>
    %eq3A_719 = arith.constant 0 : i32
    %eq3A_720 = vector.broadcast %eq3A_719 : i32 to vector<512x1xi32>
    %eq3A_721 = arith.cmpi eq, %and3A_718, %eq3A_720 : vector<512x1xi32>
    %eq3A_722 = arith.xori %eq3A_715, %eq3A_721 : vector<512x1xi1>
    %eq3A_723 = arith.constant dense<true> : vector<512x1xi1>
    %eq3A_724 = arith.xori %eq3A_722, %eq3A_723 : vector<512x1xi1>
    %gt3A_725 = arith.cmpi sgt, %select_n3A_698, %reshape3A_705 : vector<512x128xi32>
    %eq3A_726 = arith.cmpi eq, %select_n3A_698, %reshape3A_705 : vector<512x128xi32>
    %lt3A_727 = arith.cmpi slt, %select_n3A_699, %reshape3A_709 : vector<512x128xi32>
    %and3A_728 = arith.andi %eq3A_726, %lt3A_727 : vector<512x128xi1>
    %or3A_729 = arith.ori %gt3A_725, %and3A_728 : vector<512x128xi1>
    %eq3A_730 = vector.broadcast %eq3A_724 : vector<512x1xi1> to vector<512x128xi1>
    %eq3A_731 = vector.broadcast %eq3A_730 : vector<512x128xi1> to vector<512x128xi1>
    %eq3A_732 = arith.xori %or3A_729, %eq3A_731 : vector<512x128xi1>
    %eq3A_733 = arith.constant dense<true> : vector<512x128xi1>
    %eq3A_734 = arith.xori %eq3A_732, %eq3A_733 : vector<512x128xi1>
    %select_n3A_735 = arith.select %eq3A_734, %select_n3A_698, %reshape3A_705 : vector<512x128xi1>, vector<512x128xi32>
    %select_n3A_736 = arith.select %eq3A_734, %select_n3A_699, %reshape3A_709 : vector<512x128xi1>, vector<512x128xi32>
    %reshape3A_737 = vector.shape_cast %select_n3A_735 : vector<512x128xi32> to vector<256x2x1x128xi32>
    %reshape3A_738 = vector.shape_cast %select_n3A_736 : vector<512x128xi32> to vector<256x2x1x128xi32>
    %slice3A_739 = vector.extract_strided_slice %reshape3A_737 {offsets = [0, 1, 0, 0], sizes = [256, 1, 1, 128], strides = [1, 1, 1, 1]} : vector<256x2x1x128xi32> to vector<256x1x1x128xi32>
    %slice3A_740 = vector.extract_strided_slice %reshape3A_737 {offsets = [0, 0, 0, 0], sizes = [256, 1, 1, 128], strides = [1, 1, 1, 1]} : vector<256x2x1x128xi32> to vector<256x1x1x128xi32>
    %concatenate3A_741 = tpu.concatenate %slice3A_739, %slice3A_740 in 1 : vector<256x1x1x128xi32>, vector<256x1x1x128xi32> -> vector<256x2x1x128xi32>
    %reshape3A_742 = vector.shape_cast %concatenate3A_741 : vector<256x2x1x128xi32> to vector<512x128xi32>
    %slice3A_743 = vector.extract_strided_slice %reshape3A_738 {offsets = [0, 1, 0, 0], sizes = [256, 1, 1, 128], strides = [1, 1, 1, 1]} : vector<256x2x1x128xi32> to vector<256x1x1x128xi32>
    %slice3A_744 = vector.extract_strided_slice %reshape3A_738 {offsets = [0, 0, 0, 0], sizes = [256, 1, 1, 128], strides = [1, 1, 1, 1]} : vector<256x2x1x128xi32> to vector<256x1x1x128xi32>
    %concatenate3A_745 = tpu.concatenate %slice3A_743, %slice3A_744 in 1 : vector<256x1x1x128xi32>, vector<256x1x1x128xi32> -> vector<256x2x1x128xi32>
    %reshape3A_746 = vector.shape_cast %concatenate3A_745 : vector<256x2x1x128xi32> to vector<512x128xi32>
    %and3A_747 = arith.constant 64 : i32
    %and3A_748 = vector.broadcast %and3A_747 : i32 to vector<512x1xi32>
    %and3A_749 = arith.andi %iota3A, %and3A_748 : vector<512x1xi32>
    %eq3A_750 = arith.constant 0 : i32
    %eq3A_751 = vector.broadcast %eq3A_750 : i32 to vector<512x1xi32>
    %eq3A_752 = arith.cmpi eq, %and3A_749, %eq3A_751 : vector<512x1xi32>
    %and3A_753 = arith.constant 1 : i32
    %and3A_754 = vector.broadcast %and3A_753 : i32 to vector<512x1xi32>
    %and3A_755 = arith.andi %iota3A, %and3A_754 : vector<512x1xi32>
    %eq3A_756 = arith.constant 0 : i32
    %eq3A_757 = vector.broadcast %eq3A_756 : i32 to vector<512x1xi32>
    %eq3A_758 = arith.cmpi eq, %and3A_755, %eq3A_757 : vector<512x1xi32>
    %eq3A_759 = arith.xori %eq3A_752, %eq3A_758 : vector<512x1xi1>
    %eq3A_760 = arith.constant dense<true> : vector<512x1xi1>
    %eq3A_761 = arith.xori %eq3A_759, %eq3A_760 : vector<512x1xi1>
    %gt3A_762 = arith.cmpi sgt, %select_n3A_735, %reshape3A_742 : vector<512x128xi32>
    %eq3A_763 = arith.cmpi eq, %select_n3A_735, %reshape3A_742 : vector<512x128xi32>
    %lt3A_764 = arith.cmpi slt, %select_n3A_736, %reshape3A_746 : vector<512x128xi32>
    %and3A_765 = arith.andi %eq3A_763, %lt3A_764 : vector<512x128xi1>
    %or3A_766 = arith.ori %gt3A_762, %and3A_765 : vector<512x128xi1>
    %eq3A_767 = vector.broadcast %eq3A_761 : vector<512x1xi1> to vector<512x128xi1>
    %eq3A_768 = vector.broadcast %eq3A_767 : vector<512x128xi1> to vector<512x128xi1>
    %eq3A_769 = arith.xori %or3A_766, %eq3A_768 : vector<512x128xi1>
    %eq3A_770 = arith.constant dense<true> : vector<512x128xi1>
    %eq3A_771 = arith.xori %eq3A_769, %eq3A_770 : vector<512x128xi1>
    %select_n3A_772 = arith.select %eq3A_771, %select_n3A_735, %reshape3A_742 : vector<512x128xi1>, vector<512x128xi32>
    %select_n3A_773 = arith.select %eq3A_771, %select_n3A_736, %reshape3A_746 : vector<512x128xi1>, vector<512x128xi32>
    %reshape3A_774 = vector.shape_cast %select_n3A_772 : vector<512x128xi32> to vector<4x2x64x128xi32>
    %reshape3A_775 = vector.shape_cast %select_n3A_773 : vector<512x128xi32> to vector<4x2x64x128xi32>
    %slice3A_776 = vector.extract_strided_slice %reshape3A_774 {offsets = [0, 1, 0, 0], sizes = [4, 1, 64, 128], strides = [1, 1, 1, 1]} : vector<4x2x64x128xi32> to vector<4x1x64x128xi32>
    %slice3A_777 = vector.extract_strided_slice %reshape3A_774 {offsets = [0, 0, 0, 0], sizes = [4, 1, 64, 128], strides = [1, 1, 1, 1]} : vector<4x2x64x128xi32> to vector<4x1x64x128xi32>
    %concatenate3A_778 = tpu.concatenate %slice3A_776, %slice3A_777 in 1 : vector<4x1x64x128xi32>, vector<4x1x64x128xi32> -> vector<4x2x64x128xi32>
    %reshape3A_779 = vector.shape_cast %concatenate3A_778 : vector<4x2x64x128xi32> to vector<512x128xi32>
    %slice3A_780 = vector.extract_strided_slice %reshape3A_775 {offsets = [0, 1, 0, 0], sizes = [4, 1, 64, 128], strides = [1, 1, 1, 1]} : vector<4x2x64x128xi32> to vector<4x1x64x128xi32>
    %slice3A_781 = vector.extract_strided_slice %reshape3A_775 {offsets = [0, 0, 0, 0], sizes = [4, 1, 64, 128], strides = [1, 1, 1, 1]} : vector<4x2x64x128xi32> to vector<4x1x64x128xi32>
    %concatenate3A_782 = tpu.concatenate %slice3A_780, %slice3A_781 in 1 : vector<4x1x64x128xi32>, vector<4x1x64x128xi32> -> vector<4x2x64x128xi32>
    %reshape3A_783 = vector.shape_cast %concatenate3A_782 : vector<4x2x64x128xi32> to vector<512x128xi32>
    %and3A_784 = arith.constant 128 : i32
    %and3A_785 = vector.broadcast %and3A_784 : i32 to vector<512x1xi32>
    %and3A_786 = arith.andi %iota3A, %and3A_785 : vector<512x1xi32>
    %eq3A_787 = arith.constant 0 : i32
    %eq3A_788 = vector.broadcast %eq3A_787 : i32 to vector<512x1xi32>
    %eq3A_789 = arith.cmpi eq, %and3A_786, %eq3A_788 : vector<512x1xi32>
    %and3A_790 = arith.constant 64 : i32
    %and3A_791 = vector.broadcast %and3A_790 : i32 to vector<512x1xi32>
    %and3A_792 = arith.andi %iota3A, %and3A_791 : vector<512x1xi32>
    %eq3A_793 = arith.constant 0 : i32
    %eq3A_794 = vector.broadcast %eq3A_793 : i32 to vector<512x1xi32>
    %eq3A_795 = arith.cmpi eq, %and3A_792, %eq3A_794 : vector<512x1xi32>
    %eq3A_796 = arith.xori %eq3A_789, %eq3A_795 : vector<512x1xi1>
    %eq3A_797 = arith.constant dense<true> : vector<512x1xi1>
    %eq3A_798 = arith.xori %eq3A_796, %eq3A_797 : vector<512x1xi1>
    %gt3A_799 = arith.cmpi sgt, %select_n3A_772, %reshape3A_779 : vector<512x128xi32>
    %eq3A_800 = arith.cmpi eq, %select_n3A_772, %reshape3A_779 : vector<512x128xi32>
    %lt3A_801 = arith.cmpi slt, %select_n3A_773, %reshape3A_783 : vector<512x128xi32>
    %and3A_802 = arith.andi %eq3A_800, %lt3A_801 : vector<512x128xi1>
    %or3A_803 = arith.ori %gt3A_799, %and3A_802 : vector<512x128xi1>
    %eq3A_804 = vector.broadcast %eq3A_798 : vector<512x1xi1> to vector<512x128xi1>
    %eq3A_805 = vector.broadcast %eq3A_804 : vector<512x128xi1> to vector<512x128xi1>
    %eq3A_806 = arith.xori %or3A_803, %eq3A_805 : vector<512x128xi1>
    %eq3A_807 = arith.constant dense<true> : vector<512x128xi1>
    %eq3A_808 = arith.xori %eq3A_806, %eq3A_807 : vector<512x128xi1>
    %select_n3A_809 = arith.select %eq3A_808, %select_n3A_772, %reshape3A_779 : vector<512x128xi1>, vector<512x128xi32>
    %select_n3A_810 = arith.select %eq3A_808, %select_n3A_773, %reshape3A_783 : vector<512x128xi1>, vector<512x128xi32>
    %reshape3A_811 = vector.shape_cast %select_n3A_809 : vector<512x128xi32> to vector<8x2x32x128xi32>
    %reshape3A_812 = vector.shape_cast %select_n3A_810 : vector<512x128xi32> to vector<8x2x32x128xi32>
    %slice3A_813 = vector.extract_strided_slice %reshape3A_811 {offsets = [0, 1, 0, 0], sizes = [8, 1, 32, 128], strides = [1, 1, 1, 1]} : vector<8x2x32x128xi32> to vector<8x1x32x128xi32>
    %slice3A_814 = vector.extract_strided_slice %reshape3A_811 {offsets = [0, 0, 0, 0], sizes = [8, 1, 32, 128], strides = [1, 1, 1, 1]} : vector<8x2x32x128xi32> to vector<8x1x32x128xi32>
    %concatenate3A_815 = tpu.concatenate %slice3A_813, %slice3A_814 in 1 : vector<8x1x32x128xi32>, vector<8x1x32x128xi32> -> vector<8x2x32x128xi32>
    %reshape3A_816 = vector.shape_cast %concatenate3A_815 : vector<8x2x32x128xi32> to vector<512x128xi32>
    %slice3A_817 = vector.extract_strided_slice %reshape3A_812 {offsets = [0, 1, 0, 0], sizes = [8, 1, 32, 128], strides = [1, 1, 1, 1]} : vector<8x2x32x128xi32> to vector<8x1x32x128xi32>
    %slice3A_818 = vector.extract_strided_slice %reshape3A_812 {offsets = [0, 0, 0, 0], sizes = [8, 1, 32, 128], strides = [1, 1, 1, 1]} : vector<8x2x32x128xi32> to vector<8x1x32x128xi32>
    %concatenate3A_819 = tpu.concatenate %slice3A_817, %slice3A_818 in 1 : vector<8x1x32x128xi32>, vector<8x1x32x128xi32> -> vector<8x2x32x128xi32>
    %reshape3A_820 = vector.shape_cast %concatenate3A_819 : vector<8x2x32x128xi32> to vector<512x128xi32>
    %and3A_821 = arith.constant 128 : i32
    %and3A_822 = vector.broadcast %and3A_821 : i32 to vector<512x1xi32>
    %and3A_823 = arith.andi %iota3A, %and3A_822 : vector<512x1xi32>
    %eq3A_824 = arith.constant 0 : i32
    %eq3A_825 = vector.broadcast %eq3A_824 : i32 to vector<512x1xi32>
    %eq3A_826 = arith.cmpi eq, %and3A_823, %eq3A_825 : vector<512x1xi32>
    %and3A_827 = arith.constant 32 : i32
    %and3A_828 = vector.broadcast %and3A_827 : i32 to vector<512x1xi32>
    %and3A_829 = arith.andi %iota3A, %and3A_828 : vector<512x1xi32>
    %eq3A_830 = arith.constant 0 : i32
    %eq3A_831 = vector.broadcast %eq3A_830 : i32 to vector<512x1xi32>
    %eq3A_832 = arith.cmpi eq, %and3A_829, %eq3A_831 : vector<512x1xi32>
    %eq3A_833 = arith.xori %eq3A_826, %eq3A_832 : vector<512x1xi1>
    %eq3A_834 = arith.constant dense<true> : vector<512x1xi1>
    %eq3A_835 = arith.xori %eq3A_833, %eq3A_834 : vector<512x1xi1>
    %gt3A_836 = arith.cmpi sgt, %select_n3A_809, %reshape3A_816 : vector<512x128xi32>
    %eq3A_837 = arith.cmpi eq, %select_n3A_809, %reshape3A_816 : vector<512x128xi32>
    %lt3A_838 = arith.cmpi slt, %select_n3A_810, %reshape3A_820 : vector<512x128xi32>
    %and3A_839 = arith.andi %eq3A_837, %lt3A_838 : vector<512x128xi1>
    %or3A_840 = arith.ori %gt3A_836, %and3A_839 : vector<512x128xi1>
    %eq3A_841 = vector.broadcast %eq3A_835 : vector<512x1xi1> to vector<512x128xi1>
    %eq3A_842 = vector.broadcast %eq3A_841 : vector<512x128xi1> to vector<512x128xi1>
    %eq3A_843 = arith.xori %or3A_840, %eq3A_842 : vector<512x128xi1>
    %eq3A_844 = arith.constant dense<true> : vector<512x128xi1>
    %eq3A_845 = arith.xori %eq3A_843, %eq3A_844 : vector<512x128xi1>
    %select_n3A_846 = arith.select %eq3A_845, %select_n3A_809, %reshape3A_816 : vector<512x128xi1>, vector<512x128xi32>
    %select_n3A_847 = arith.select %eq3A_845, %select_n3A_810, %reshape3A_820 : vector<512x128xi1>, vector<512x128xi32>
    %reshape3A_848 = vector.shape_cast %select_n3A_846 : vector<512x128xi32> to vector<16x2x16x128xi32>
    %reshape3A_849 = vector.shape_cast %select_n3A_847 : vector<512x128xi32> to vector<16x2x16x128xi32>
    %slice3A_850 = vector.extract_strided_slice %reshape3A_848 {offsets = [0, 1, 0, 0], sizes = [16, 1, 16, 128], strides = [1, 1, 1, 1]} : vector<16x2x16x128xi32> to vector<16x1x16x128xi32>
    %slice3A_851 = vector.extract_strided_slice %reshape3A_848 {offsets = [0, 0, 0, 0], sizes = [16, 1, 16, 128], strides = [1, 1, 1, 1]} : vector<16x2x16x128xi32> to vector<16x1x16x128xi32>
    %concatenate3A_852 = tpu.concatenate %slice3A_850, %slice3A_851 in 1 : vector<16x1x16x128xi32>, vector<16x1x16x128xi32> -> vector<16x2x16x128xi32>
    %reshape3A_853 = vector.shape_cast %concatenate3A_852 : vector<16x2x16x128xi32> to vector<512x128xi32>
    %slice3A_854 = vector.extract_strided_slice %reshape3A_849 {offsets = [0, 1, 0, 0], sizes = [16, 1, 16, 128], strides = [1, 1, 1, 1]} : vector<16x2x16x128xi32> to vector<16x1x16x128xi32>
    %slice3A_855 = vector.extract_strided_slice %reshape3A_849 {offsets = [0, 0, 0, 0], sizes = [16, 1, 16, 128], strides = [1, 1, 1, 1]} : vector<16x2x16x128xi32> to vector<16x1x16x128xi32>
    %concatenate3A_856 = tpu.concatenate %slice3A_854, %slice3A_855 in 1 : vector<16x1x16x128xi32>, vector<16x1x16x128xi32> -> vector<16x2x16x128xi32>
    %reshape3A_857 = vector.shape_cast %concatenate3A_856 : vector<16x2x16x128xi32> to vector<512x128xi32>
    %and3A_858 = arith.constant 128 : i32
    %and3A_859 = vector.broadcast %and3A_858 : i32 to vector<512x1xi32>
    %and3A_860 = arith.andi %iota3A, %and3A_859 : vector<512x1xi32>
    %eq3A_861 = arith.constant 0 : i32
    %eq3A_862 = vector.broadcast %eq3A_861 : i32 to vector<512x1xi32>
    %eq3A_863 = arith.cmpi eq, %and3A_860, %eq3A_862 : vector<512x1xi32>
    %and3A_864 = arith.constant 16 : i32
    %and3A_865 = vector.broadcast %and3A_864 : i32 to vector<512x1xi32>
    %and3A_866 = arith.andi %iota3A, %and3A_865 : vector<512x1xi32>
    %eq3A_867 = arith.constant 0 : i32
    %eq3A_868 = vector.broadcast %eq3A_867 : i32 to vector<512x1xi32>
    %eq3A_869 = arith.cmpi eq, %and3A_866, %eq3A_868 : vector<512x1xi32>
    %eq3A_870 = arith.xori %eq3A_863, %eq3A_869 : vector<512x1xi1>
    %eq3A_871 = arith.constant dense<true> : vector<512x1xi1>
    %eq3A_872 = arith.xori %eq3A_870, %eq3A_871 : vector<512x1xi1>
    %gt3A_873 = arith.cmpi sgt, %select_n3A_846, %reshape3A_853 : vector<512x128xi32>
    %eq3A_874 = arith.cmpi eq, %select_n3A_846, %reshape3A_853 : vector<512x128xi32>
    %lt3A_875 = arith.cmpi slt, %select_n3A_847, %reshape3A_857 : vector<512x128xi32>
    %and3A_876 = arith.andi %eq3A_874, %lt3A_875 : vector<512x128xi1>
    %or3A_877 = arith.ori %gt3A_873, %and3A_876 : vector<512x128xi1>
    %eq3A_878 = vector.broadcast %eq3A_872 : vector<512x1xi1> to vector<512x128xi1>
    %eq3A_879 = vector.broadcast %eq3A_878 : vector<512x128xi1> to vector<512x128xi1>
    %eq3A_880 = arith.xori %or3A_877, %eq3A_879 : vector<512x128xi1>
    %eq3A_881 = arith.constant dense<true> : vector<512x128xi1>
    %eq3A_882 = arith.xori %eq3A_880, %eq3A_881 : vector<512x128xi1>
    %select_n3A_883 = arith.select %eq3A_882, %select_n3A_846, %reshape3A_853 : vector<512x128xi1>, vector<512x128xi32>
    %select_n3A_884 = arith.select %eq3A_882, %select_n3A_847, %reshape3A_857 : vector<512x128xi1>, vector<512x128xi32>
    %reshape3A_885 = vector.shape_cast %select_n3A_883 : vector<512x128xi32> to vector<32x2x8x128xi32>
    %reshape3A_886 = vector.shape_cast %select_n3A_884 : vector<512x128xi32> to vector<32x2x8x128xi32>
    %slice3A_887 = vector.extract_strided_slice %reshape3A_885 {offsets = [0, 1, 0, 0], sizes = [32, 1, 8, 128], strides = [1, 1, 1, 1]} : vector<32x2x8x128xi32> to vector<32x1x8x128xi32>
    %slice3A_888 = vector.extract_strided_slice %reshape3A_885 {offsets = [0, 0, 0, 0], sizes = [32, 1, 8, 128], strides = [1, 1, 1, 1]} : vector<32x2x8x128xi32> to vector<32x1x8x128xi32>
    %concatenate3A_889 = tpu.concatenate %slice3A_887, %slice3A_888 in 1 : vector<32x1x8x128xi32>, vector<32x1x8x128xi32> -> vector<32x2x8x128xi32>
    %reshape3A_890 = vector.shape_cast %concatenate3A_889 : vector<32x2x8x128xi32> to vector<512x128xi32>
    %slice3A_891 = vector.extract_strided_slice %reshape3A_886 {offsets = [0, 1, 0, 0], sizes = [32, 1, 8, 128], strides = [1, 1, 1, 1]} : vector<32x2x8x128xi32> to vector<32x1x8x128xi32>
    %slice3A_892 = vector.extract_strided_slice %reshape3A_886 {offsets = [0, 0, 0, 0], sizes = [32, 1, 8, 128], strides = [1, 1, 1, 1]} : vector<32x2x8x128xi32> to vector<32x1x8x128xi32>
    %concatenate3A_893 = tpu.concatenate %slice3A_891, %slice3A_892 in 1 : vector<32x1x8x128xi32>, vector<32x1x8x128xi32> -> vector<32x2x8x128xi32>
    %reshape3A_894 = vector.shape_cast %concatenate3A_893 : vector<32x2x8x128xi32> to vector<512x128xi32>
    %and3A_895 = arith.constant 128 : i32
    %and3A_896 = vector.broadcast %and3A_895 : i32 to vector<512x1xi32>
    %and3A_897 = arith.andi %iota3A, %and3A_896 : vector<512x1xi32>
    %eq3A_898 = arith.constant 0 : i32
    %eq3A_899 = vector.broadcast %eq3A_898 : i32 to vector<512x1xi32>
    %eq3A_900 = arith.cmpi eq, %and3A_897, %eq3A_899 : vector<512x1xi32>
    %and3A_901 = arith.constant 8 : i32
    %and3A_902 = vector.broadcast %and3A_901 : i32 to vector<512x1xi32>
    %and3A_903 = arith.andi %iota3A, %and3A_902 : vector<512x1xi32>
    %eq3A_904 = arith.constant 0 : i32
    %eq3A_905 = vector.broadcast %eq3A_904 : i32 to vector<512x1xi32>
    %eq3A_906 = arith.cmpi eq, %and3A_903, %eq3A_905 : vector<512x1xi32>
    %eq3A_907 = arith.xori %eq3A_900, %eq3A_906 : vector<512x1xi1>
    %eq3A_908 = arith.constant dense<true> : vector<512x1xi1>
    %eq3A_909 = arith.xori %eq3A_907, %eq3A_908 : vector<512x1xi1>
    %gt3A_910 = arith.cmpi sgt, %select_n3A_883, %reshape3A_890 : vector<512x128xi32>
    %eq3A_911 = arith.cmpi eq, %select_n3A_883, %reshape3A_890 : vector<512x128xi32>
    %lt3A_912 = arith.cmpi slt, %select_n3A_884, %reshape3A_894 : vector<512x128xi32>
    %and3A_913 = arith.andi %eq3A_911, %lt3A_912 : vector<512x128xi1>
    %or3A_914 = arith.ori %gt3A_910, %and3A_913 : vector<512x128xi1>
    %eq3A_915 = vector.broadcast %eq3A_909 : vector<512x1xi1> to vector<512x128xi1>
    %eq3A_916 = vector.broadcast %eq3A_915 : vector<512x128xi1> to vector<512x128xi1>
    %eq3A_917 = arith.xori %or3A_914, %eq3A_916 : vector<512x128xi1>
    %eq3A_918 = arith.constant dense<true> : vector<512x128xi1>
    %eq3A_919 = arith.xori %eq3A_917, %eq3A_918 : vector<512x128xi1>
    %select_n3A_920 = arith.select %eq3A_919, %select_n3A_883, %reshape3A_890 : vector<512x128xi1>, vector<512x128xi32>
    %select_n3A_921 = arith.select %eq3A_919, %select_n3A_884, %reshape3A_894 : vector<512x128xi1>, vector<512x128xi32>
    %reshape3A_922 = vector.shape_cast %select_n3A_920 : vector<512x128xi32> to vector<64x2x4x128xi32>
    %reshape3A_923 = vector.shape_cast %select_n3A_921 : vector<512x128xi32> to vector<64x2x4x128xi32>
    %slice3A_924 = vector.extract_strided_slice %reshape3A_922 {offsets = [0, 1, 0, 0], sizes = [64, 1, 4, 128], strides = [1, 1, 1, 1]} : vector<64x2x4x128xi32> to vector<64x1x4x128xi32>
    %slice3A_925 = vector.extract_strided_slice %reshape3A_922 {offsets = [0, 0, 0, 0], sizes = [64, 1, 4, 128], strides = [1, 1, 1, 1]} : vector<64x2x4x128xi32> to vector<64x1x4x128xi32>
    %concatenate3A_926 = tpu.concatenate %slice3A_924, %slice3A_925 in 1 : vector<64x1x4x128xi32>, vector<64x1x4x128xi32> -> vector<64x2x4x128xi32>
    %reshape3A_927 = vector.shape_cast %concatenate3A_926 : vector<64x2x4x128xi32> to vector<512x128xi32>
    %slice3A_928 = vector.extract_strided_slice %reshape3A_923 {offsets = [0, 1, 0, 0], sizes = [64, 1, 4, 128], strides = [1, 1, 1, 1]} : vector<64x2x4x128xi32> to vector<64x1x4x128xi32>
    %slice3A_929 = vector.extract_strided_slice %reshape3A_923 {offsets = [0, 0, 0, 0], sizes = [64, 1, 4, 128], strides = [1, 1, 1, 1]} : vector<64x2x4x128xi32> to vector<64x1x4x128xi32>
    %concatenate3A_930 = tpu.concatenate %slice3A_928, %slice3A_929 in 1 : vector<64x1x4x128xi32>, vector<64x1x4x128xi32> -> vector<64x2x4x128xi32>
    %reshape3A_931 = vector.shape_cast %concatenate3A_930 : vector<64x2x4x128xi32> to vector<512x128xi32>
    %and3A_932 = arith.constant 128 : i32
    %and3A_933 = vector.broadcast %and3A_932 : i32 to vector<512x1xi32>
    %and3A_934 = arith.andi %iota3A, %and3A_933 : vector<512x1xi32>
    %eq3A_935 = arith.constant 0 : i32
    %eq3A_936 = vector.broadcast %eq3A_935 : i32 to vector<512x1xi32>
    %eq3A_937 = arith.cmpi eq, %and3A_934, %eq3A_936 : vector<512x1xi32>
    %and3A_938 = arith.constant 4 : i32
    %and3A_939 = vector.broadcast %and3A_938 : i32 to vector<512x1xi32>
    %and3A_940 = arith.andi %iota3A, %and3A_939 : vector<512x1xi32>
    %eq3A_941 = arith.constant 0 : i32
    %eq3A_942 = vector.broadcast %eq3A_941 : i32 to vector<512x1xi32>
    %eq3A_943 = arith.cmpi eq, %and3A_940, %eq3A_942 : vector<512x1xi32>
    %eq3A_944 = arith.xori %eq3A_937, %eq3A_943 : vector<512x1xi1>
    %eq3A_945 = arith.constant dense<true> : vector<512x1xi1>
    %eq3A_946 = arith.xori %eq3A_944, %eq3A_945 : vector<512x1xi1>
    %gt3A_947 = arith.cmpi sgt, %select_n3A_920, %reshape3A_927 : vector<512x128xi32>
    %eq3A_948 = arith.cmpi eq, %select_n3A_920, %reshape3A_927 : vector<512x128xi32>
    %lt3A_949 = arith.cmpi slt, %select_n3A_921, %reshape3A_931 : vector<512x128xi32>
    %and3A_950 = arith.andi %eq3A_948, %lt3A_949 : vector<512x128xi1>
    %or3A_951 = arith.ori %gt3A_947, %and3A_950 : vector<512x128xi1>
    %eq3A_952 = vector.broadcast %eq3A_946 : vector<512x1xi1> to vector<512x128xi1>
    %eq3A_953 = vector.broadcast %eq3A_952 : vector<512x128xi1> to vector<512x128xi1>
    %eq3A_954 = arith.xori %or3A_951, %eq3A_953 : vector<512x128xi1>
    %eq3A_955 = arith.constant dense<true> : vector<512x128xi1>
    %eq3A_956 = arith.xori %eq3A_954, %eq3A_955 : vector<512x128xi1>
    %select_n3A_957 = arith.select %eq3A_956, %select_n3A_920, %reshape3A_927 : vector<512x128xi1>, vector<512x128xi32>
    %select_n3A_958 = arith.select %eq3A_956, %select_n3A_921, %reshape3A_931 : vector<512x128xi1>, vector<512x128xi32>
    %reshape3A_959 = vector.shape_cast %select_n3A_957 : vector<512x128xi32> to vector<128x2x2x128xi32>
    %reshape3A_960 = vector.shape_cast %select_n3A_958 : vector<512x128xi32> to vector<128x2x2x128xi32>
    %slice3A_961 = vector.extract_strided_slice %reshape3A_959 {offsets = [0, 1, 0, 0], sizes = [128, 1, 2, 128], strides = [1, 1, 1, 1]} : vector<128x2x2x128xi32> to vector<128x1x2x128xi32>
    %slice3A_962 = vector.extract_strided_slice %reshape3A_959 {offsets = [0, 0, 0, 0], sizes = [128, 1, 2, 128], strides = [1, 1, 1, 1]} : vector<128x2x2x128xi32> to vector<128x1x2x128xi32>
    %concatenate3A_963 = tpu.concatenate %slice3A_961, %slice3A_962 in 1 : vector<128x1x2x128xi32>, vector<128x1x2x128xi32> -> vector<128x2x2x128xi32>
    %reshape3A_964 = vector.shape_cast %concatenate3A_963 : vector<128x2x2x128xi32> to vector<512x128xi32>
    %slice3A_965 = vector.extract_strided_slice %reshape3A_960 {offsets = [0, 1, 0, 0], sizes = [128, 1, 2, 128], strides = [1, 1, 1, 1]} : vector<128x2x2x128xi32> to vector<128x1x2x128xi32>
    %slice3A_966 = vector.extract_strided_slice %reshape3A_960 {offsets = [0, 0, 0, 0], sizes = [128, 1, 2, 128], strides = [1, 1, 1, 1]} : vector<128x2x2x128xi32> to vector<128x1x2x128xi32>
    %concatenate3A_967 = tpu.concatenate %slice3A_965, %slice3A_966 in 1 : vector<128x1x2x128xi32>, vector<128x1x2x128xi32> -> vector<128x2x2x128xi32>
    %reshape3A_968 = vector.shape_cast %concatenate3A_967 : vector<128x2x2x128xi32> to vector<512x128xi32>
    %and3A_969 = arith.constant 128 : i32
    %and3A_970 = vector.broadcast %and3A_969 : i32 to vector<512x1xi32>
    %and3A_971 = arith.andi %iota3A, %and3A_970 : vector<512x1xi32>
    %eq3A_972 = arith.constant 0 : i32
    %eq3A_973 = vector.broadcast %eq3A_972 : i32 to vector<512x1xi32>
    %eq3A_974 = arith.cmpi eq, %and3A_971, %eq3A_973 : vector<512x1xi32>
    %and3A_975 = arith.constant 2 : i32
    %and3A_976 = vector.broadcast %and3A_975 : i32 to vector<512x1xi32>
    %and3A_977 = arith.andi %iota3A, %and3A_976 : vector<512x1xi32>
    %eq3A_978 = arith.constant 0 : i32
    %eq3A_979 = vector.broadcast %eq3A_978 : i32 to vector<512x1xi32>
    %eq3A_980 = arith.cmpi eq, %and3A_977, %eq3A_979 : vector<512x1xi32>
    %eq3A_981 = arith.xori %eq3A_974, %eq3A_980 : vector<512x1xi1>
    %eq3A_982 = arith.constant dense<true> : vector<512x1xi1>
    %eq3A_983 = arith.xori %eq3A_981, %eq3A_982 : vector<512x1xi1>
    %gt3A_984 = arith.cmpi sgt, %select_n3A_957, %reshape3A_964 : vector<512x128xi32>
    %eq3A_985 = arith.cmpi eq, %select_n3A_957, %reshape3A_964 : vector<512x128xi32>
    %lt3A_986 = arith.cmpi slt, %select_n3A_958, %reshape3A_968 : vector<512x128xi32>
    %and3A_987 = arith.andi %eq3A_985, %lt3A_986 : vector<512x128xi1>
    %or3A_988 = arith.ori %gt3A_984, %and3A_987 : vector<512x128xi1>
    %eq3A_989 = vector.broadcast %eq3A_983 : vector<512x1xi1> to vector<512x128xi1>
    %eq3A_990 = vector.broadcast %eq3A_989 : vector<512x128xi1> to vector<512x128xi1>
    %eq3A_991 = arith.xori %or3A_988, %eq3A_990 : vector<512x128xi1>
    %eq3A_992 = arith.constant dense<true> : vector<512x128xi1>
    %eq3A_993 = arith.xori %eq3A_991, %eq3A_992 : vector<512x128xi1>
    %select_n3A_994 = arith.select %eq3A_993, %select_n3A_957, %reshape3A_964 : vector<512x128xi1>, vector<512x128xi32>
    %select_n3A_995 = arith.select %eq3A_993, %select_n3A_958, %reshape3A_968 : vector<512x128xi1>, vector<512x128xi32>
    %reshape3A_996 = vector.shape_cast %select_n3A_994 : vector<512x128xi32> to vector<256x2x1x128xi32>
    %reshape3A_997 = vector.shape_cast %select_n3A_995 : vector<512x128xi32> to vector<256x2x1x128xi32>
    %slice3A_998 = vector.extract_strided_slice %reshape3A_996 {offsets = [0, 1, 0, 0], sizes = [256, 1, 1, 128], strides = [1, 1, 1, 1]} : vector<256x2x1x128xi32> to vector<256x1x1x128xi32>
    %slice3A_999 = vector.extract_strided_slice %reshape3A_996 {offsets = [0, 0, 0, 0], sizes = [256, 1, 1, 128], strides = [1, 1, 1, 1]} : vector<256x2x1x128xi32> to vector<256x1x1x128xi32>
    %concatenate3A_1000 = tpu.concatenate %slice3A_998, %slice3A_999 in 1 : vector<256x1x1x128xi32>, vector<256x1x1x128xi32> -> vector<256x2x1x128xi32>
    %reshape3A_1001 = vector.shape_cast %concatenate3A_1000 : vector<256x2x1x128xi32> to vector<512x128xi32>
    %slice3A_1002 = vector.extract_strided_slice %reshape3A_997 {offsets = [0, 1, 0, 0], sizes = [256, 1, 1, 128], strides = [1, 1, 1, 1]} : vector<256x2x1x128xi32> to vector<256x1x1x128xi32>
    %slice3A_1003 = vector.extract_strided_slice %reshape3A_997 {offsets = [0, 0, 0, 0], sizes = [256, 1, 1, 128], strides = [1, 1, 1, 1]} : vector<256x2x1x128xi32> to vector<256x1x1x128xi32>
    %concatenate3A_1004 = tpu.concatenate %slice3A_1002, %slice3A_1003 in 1 : vector<256x1x1x128xi32>, vector<256x1x1x128xi32> -> vector<256x2x1x128xi32>
    %reshape3A_1005 = vector.shape_cast %concatenate3A_1004 : vector<256x2x1x128xi32> to vector<512x128xi32>
    %and3A_1006 = arith.constant 128 : i32
    %and3A_1007 = vector.broadcast %and3A_1006 : i32 to vector<512x1xi32>
    %and3A_1008 = arith.andi %iota3A, %and3A_1007 : vector<512x1xi32>
    %eq3A_1009 = arith.constant 0 : i32
    %eq3A_1010 = vector.broadcast %eq3A_1009 : i32 to vector<512x1xi32>
    %eq3A_1011 = arith.cmpi eq, %and3A_1008, %eq3A_1010 : vector<512x1xi32>
    %and3A_1012 = arith.constant 1 : i32
    %and3A_1013 = vector.broadcast %and3A_1012 : i32 to vector<512x1xi32>
    %and3A_1014 = arith.andi %iota3A, %and3A_1013 : vector<512x1xi32>
    %eq3A_1015 = arith.constant 0 : i32
    %eq3A_1016 = vector.broadcast %eq3A_1015 : i32 to vector<512x1xi32>
    %eq3A_1017 = arith.cmpi eq, %and3A_1014, %eq3A_1016 : vector<512x1xi32>
    %eq3A_1018 = arith.xori %eq3A_1011, %eq3A_1017 : vector<512x1xi1>
    %eq3A_1019 = arith.constant dense<true> : vector<512x1xi1>
    %eq3A_1020 = arith.xori %eq3A_1018, %eq3A_1019 : vector<512x1xi1>
    %gt3A_1021 = arith.cmpi sgt, %select_n3A_994, %reshape3A_1001 : vector<512x128xi32>
    %eq3A_1022 = arith.cmpi eq, %select_n3A_994, %reshape3A_1001 : vector<512x128xi32>
    %lt3A_1023 = arith.cmpi slt, %select_n3A_995, %reshape3A_1005 : vector<512x128xi32>
    %and3A_1024 = arith.andi %eq3A_1022, %lt3A_1023 : vector<512x128xi1>
    %or3A_1025 = arith.ori %gt3A_1021, %and3A_1024 : vector<512x128xi1>
    %eq3A_1026 = vector.broadcast %eq3A_1020 : vector<512x1xi1> to vector<512x128xi1>
    %eq3A_1027 = vector.broadcast %eq3A_1026 : vector<512x128xi1> to vector<512x128xi1>
    %eq3A_1028 = arith.xori %or3A_1025, %eq3A_1027 : vector<512x128xi1>
    %eq3A_1029 = arith.constant dense<true> : vector<512x128xi1>
    %eq3A_1030 = arith.xori %eq3A_1028, %eq3A_1029 : vector<512x128xi1>
    %select_n3A_1031 = arith.select %eq3A_1030, %select_n3A_994, %reshape3A_1001 : vector<512x128xi1>, vector<512x128xi32>
    %select_n3A_1032 = arith.select %eq3A_1030, %select_n3A_995, %reshape3A_1005 : vector<512x128xi1>, vector<512x128xi32>
    %reshape3A_1033 = vector.shape_cast %select_n3A_1031 : vector<512x128xi32> to vector<2x2x128x128xi32>
    %reshape3A_1034 = vector.shape_cast %select_n3A_1032 : vector<512x128xi32> to vector<2x2x128x128xi32>
    %slice3A_1035 = vector.extract_strided_slice %reshape3A_1033 {offsets = [0, 1, 0, 0], sizes = [2, 1, 128, 128], strides = [1, 1, 1, 1]} : vector<2x2x128x128xi32> to vector<2x1x128x128xi32>
    %slice3A_1036 = vector.extract_strided_slice %reshape3A_1033 {offsets = [0, 0, 0, 0], sizes = [2, 1, 128, 128], strides = [1, 1, 1, 1]} : vector<2x2x128x128xi32> to vector<2x1x128x128xi32>
    %concatenate3A_1037 = tpu.concatenate %slice3A_1035, %slice3A_1036 in 1 : vector<2x1x128x128xi32>, vector<2x1x128x128xi32> -> vector<2x2x128x128xi32>
    %reshape3A_1038 = vector.shape_cast %concatenate3A_1037 : vector<2x2x128x128xi32> to vector<512x128xi32>
    %slice3A_1039 = vector.extract_strided_slice %reshape3A_1034 {offsets = [0, 1, 0, 0], sizes = [2, 1, 128, 128], strides = [1, 1, 1, 1]} : vector<2x2x128x128xi32> to vector<2x1x128x128xi32>
    %slice3A_1040 = vector.extract_strided_slice %reshape3A_1034 {offsets = [0, 0, 0, 0], sizes = [2, 1, 128, 128], strides = [1, 1, 1, 1]} : vector<2x2x128x128xi32> to vector<2x1x128x128xi32>
    %concatenate3A_1041 = tpu.concatenate %slice3A_1039, %slice3A_1040 in 1 : vector<2x1x128x128xi32>, vector<2x1x128x128xi32> -> vector<2x2x128x128xi32>
    %reshape3A_1042 = vector.shape_cast %concatenate3A_1041 : vector<2x2x128x128xi32> to vector<512x128xi32>
    %and3A_1043 = arith.constant 256 : i32
    %and3A_1044 = vector.broadcast %and3A_1043 : i32 to vector<512x1xi32>
    %and3A_1045 = arith.andi %iota3A, %and3A_1044 : vector<512x1xi32>
    %eq3A_1046 = arith.constant 0 : i32
    %eq3A_1047 = vector.broadcast %eq3A_1046 : i32 to vector<512x1xi32>
    %eq3A_1048 = arith.cmpi eq, %and3A_1045, %eq3A_1047 : vector<512x1xi32>
    %and3A_1049 = arith.constant 128 : i32
    %and3A_1050 = vector.broadcast %and3A_1049 : i32 to vector<512x1xi32>
    %and3A_1051 = arith.andi %iota3A, %and3A_1050 : vector<512x1xi32>
    %eq3A_1052 = arith.constant 0 : i32
    %eq3A_1053 = vector.broadcast %eq3A_1052 : i32 to vector<512x1xi32>
    %eq3A_1054 = arith.cmpi eq, %and3A_1051, %eq3A_1053 : vector<512x1xi32>
    %eq3A_1055 = arith.xori %eq3A_1048, %eq3A_1054 : vector<512x1xi1>
    %eq3A_1056 = arith.constant dense<true> : vector<512x1xi1>
    %eq3A_1057 = arith.xori %eq3A_1055, %eq3A_1056 : vector<512x1xi1>
    %gt3A_1058 = arith.cmpi sgt, %select_n3A_1031, %reshape3A_1038 : vector<512x128xi32>
    %eq3A_1059 = arith.cmpi eq, %select_n3A_1031, %reshape3A_1038 : vector<512x128xi32>
    %lt3A_1060 = arith.cmpi slt, %select_n3A_1032, %reshape3A_1042 : vector<512x128xi32>
    %and3A_1061 = arith.andi %eq3A_1059, %lt3A_1060 : vector<512x128xi1>
    %or3A_1062 = arith.ori %gt3A_1058, %and3A_1061 : vector<512x128xi1>
    %eq3A_1063 = vector.broadcast %eq3A_1057 : vector<512x1xi1> to vector<512x128xi1>
    %eq3A_1064 = vector.broadcast %eq3A_1063 : vector<512x128xi1> to vector<512x128xi1>
    %eq3A_1065 = arith.xori %or3A_1062, %eq3A_1064 : vector<512x128xi1>
    %eq3A_1066 = arith.constant dense<true> : vector<512x128xi1>
    %eq3A_1067 = arith.xori %eq3A_1065, %eq3A_1066 : vector<512x128xi1>
    %select_n3A_1068 = arith.select %eq3A_1067, %select_n3A_1031, %reshape3A_1038 : vector<512x128xi1>, vector<512x128xi32>
    %select_n3A_1069 = arith.select %eq3A_1067, %select_n3A_1032, %reshape3A_1042 : vector<512x128xi1>, vector<512x128xi32>
    %reshape3A_1070 = vector.shape_cast %select_n3A_1068 : vector<512x128xi32> to vector<4x2x64x128xi32>
    %reshape3A_1071 = vector.shape_cast %select_n3A_1069 : vector<512x128xi32> to vector<4x2x64x128xi32>
    %slice3A_1072 = vector.extract_strided_slice %reshape3A_1070 {offsets = [0, 1, 0, 0], sizes = [4, 1, 64, 128], strides = [1, 1, 1, 1]} : vector<4x2x64x128xi32> to vector<4x1x64x128xi32>
    %slice3A_1073 = vector.extract_strided_slice %reshape3A_1070 {offsets = [0, 0, 0, 0], sizes = [4, 1, 64, 128], strides = [1, 1, 1, 1]} : vector<4x2x64x128xi32> to vector<4x1x64x128xi32>
    %concatenate3A_1074 = tpu.concatenate %slice3A_1072, %slice3A_1073 in 1 : vector<4x1x64x128xi32>, vector<4x1x64x128xi32> -> vector<4x2x64x128xi32>
    %reshape3A_1075 = vector.shape_cast %concatenate3A_1074 : vector<4x2x64x128xi32> to vector<512x128xi32>
    %slice3A_1076 = vector.extract_strided_slice %reshape3A_1071 {offsets = [0, 1, 0, 0], sizes = [4, 1, 64, 128], strides = [1, 1, 1, 1]} : vector<4x2x64x128xi32> to vector<4x1x64x128xi32>
    %slice3A_1077 = vector.extract_strided_slice %reshape3A_1071 {offsets = [0, 0, 0, 0], sizes = [4, 1, 64, 128], strides = [1, 1, 1, 1]} : vector<4x2x64x128xi32> to vector<4x1x64x128xi32>
    %concatenate3A_1078 = tpu.concatenate %slice3A_1076, %slice3A_1077 in 1 : vector<4x1x64x128xi32>, vector<4x1x64x128xi32> -> vector<4x2x64x128xi32>
    %reshape3A_1079 = vector.shape_cast %concatenate3A_1078 : vector<4x2x64x128xi32> to vector<512x128xi32>
    %and3A_1080 = arith.constant 256 : i32
    %and3A_1081 = vector.broadcast %and3A_1080 : i32 to vector<512x1xi32>
    %and3A_1082 = arith.andi %iota3A, %and3A_1081 : vector<512x1xi32>
    %eq3A_1083 = arith.constant 0 : i32
    %eq3A_1084 = vector.broadcast %eq3A_1083 : i32 to vector<512x1xi32>
    %eq3A_1085 = arith.cmpi eq, %and3A_1082, %eq3A_1084 : vector<512x1xi32>
    %and3A_1086 = arith.constant 64 : i32
    %and3A_1087 = vector.broadcast %and3A_1086 : i32 to vector<512x1xi32>
    %and3A_1088 = arith.andi %iota3A, %and3A_1087 : vector<512x1xi32>
    %eq3A_1089 = arith.constant 0 : i32
    %eq3A_1090 = vector.broadcast %eq3A_1089 : i32 to vector<512x1xi32>
    %eq3A_1091 = arith.cmpi eq, %and3A_1088, %eq3A_1090 : vector<512x1xi32>
    %eq3A_1092 = arith.xori %eq3A_1085, %eq3A_1091 : vector<512x1xi1>
    %eq3A_1093 = arith.constant dense<true> : vector<512x1xi1>
    %eq3A_1094 = arith.xori %eq3A_1092, %eq3A_1093 : vector<512x1xi1>
    %gt3A_1095 = arith.cmpi sgt, %select_n3A_1068, %reshape3A_1075 : vector<512x128xi32>
    %eq3A_1096 = arith.cmpi eq, %select_n3A_1068, %reshape3A_1075 : vector<512x128xi32>
    %lt3A_1097 = arith.cmpi slt, %select_n3A_1069, %reshape3A_1079 : vector<512x128xi32>
    %and3A_1098 = arith.andi %eq3A_1096, %lt3A_1097 : vector<512x128xi1>
    %or3A_1099 = arith.ori %gt3A_1095, %and3A_1098 : vector<512x128xi1>
    %eq3A_1100 = vector.broadcast %eq3A_1094 : vector<512x1xi1> to vector<512x128xi1>
    %eq3A_1101 = vector.broadcast %eq3A_1100 : vector<512x128xi1> to vector<512x128xi1>
    %eq3A_1102 = arith.xori %or3A_1099, %eq3A_1101 : vector<512x128xi1>
    %eq3A_1103 = arith.constant dense<true> : vector<512x128xi1>
    %eq3A_1104 = arith.xori %eq3A_1102, %eq3A_1103 : vector<512x128xi1>
    %select_n3A_1105 = arith.select %eq3A_1104, %select_n3A_1068, %reshape3A_1075 : vector<512x128xi1>, vector<512x128xi32>
    %select_n3A_1106 = arith.select %eq3A_1104, %select_n3A_1069, %reshape3A_1079 : vector<512x128xi1>, vector<512x128xi32>
    %reshape3A_1107 = vector.shape_cast %select_n3A_1105 : vector<512x128xi32> to vector<8x2x32x128xi32>
    %reshape3A_1108 = vector.shape_cast %select_n3A_1106 : vector<512x128xi32> to vector<8x2x32x128xi32>
    %slice3A_1109 = vector.extract_strided_slice %reshape3A_1107 {offsets = [0, 1, 0, 0], sizes = [8, 1, 32, 128], strides = [1, 1, 1, 1]} : vector<8x2x32x128xi32> to vector<8x1x32x128xi32>
    %slice3A_1110 = vector.extract_strided_slice %reshape3A_1107 {offsets = [0, 0, 0, 0], sizes = [8, 1, 32, 128], strides = [1, 1, 1, 1]} : vector<8x2x32x128xi32> to vector<8x1x32x128xi32>
    %concatenate3A_1111 = tpu.concatenate %slice3A_1109, %slice3A_1110 in 1 : vector<8x1x32x128xi32>, vector<8x1x32x128xi32> -> vector<8x2x32x128xi32>
    %reshape3A_1112 = vector.shape_cast %concatenate3A_1111 : vector<8x2x32x128xi32> to vector<512x128xi32>
    %slice3A_1113 = vector.extract_strided_slice %reshape3A_1108 {offsets = [0, 1, 0, 0], sizes = [8, 1, 32, 128], strides = [1, 1, 1, 1]} : vector<8x2x32x128xi32> to vector<8x1x32x128xi32>
    %slice3A_1114 = vector.extract_strided_slice %reshape3A_1108 {offsets = [0, 0, 0, 0], sizes = [8, 1, 32, 128], strides = [1, 1, 1, 1]} : vector<8x2x32x128xi32> to vector<8x1x32x128xi32>
    %concatenate3A_1115 = tpu.concatenate %slice3A_1113, %slice3A_1114 in 1 : vector<8x1x32x128xi32>, vector<8x1x32x128xi32> -> vector<8x2x32x128xi32>
    %reshape3A_1116 = vector.shape_cast %concatenate3A_1115 : vector<8x2x32x128xi32> to vector<512x128xi32>
    %and3A_1117 = arith.constant 256 : i32
    %and3A_1118 = vector.broadcast %and3A_1117 : i32 to vector<512x1xi32>
    %and3A_1119 = arith.andi %iota3A, %and3A_1118 : vector<512x1xi32>
    %eq3A_1120 = arith.constant 0 : i32
    %eq3A_1121 = vector.broadcast %eq3A_1120 : i32 to vector<512x1xi32>
    %eq3A_1122 = arith.cmpi eq, %and3A_1119, %eq3A_1121 : vector<512x1xi32>
    %and3A_1123 = arith.constant 32 : i32
    %and3A_1124 = vector.broadcast %and3A_1123 : i32 to vector<512x1xi32>
    %and3A_1125 = arith.andi %iota3A, %and3A_1124 : vector<512x1xi32>
    %eq3A_1126 = arith.constant 0 : i32
    %eq3A_1127 = vector.broadcast %eq3A_1126 : i32 to vector<512x1xi32>
    %eq3A_1128 = arith.cmpi eq, %and3A_1125, %eq3A_1127 : vector<512x1xi32>
    %eq3A_1129 = arith.xori %eq3A_1122, %eq3A_1128 : vector<512x1xi1>
    %eq3A_1130 = arith.constant dense<true> : vector<512x1xi1>
    %eq3A_1131 = arith.xori %eq3A_1129, %eq3A_1130 : vector<512x1xi1>
    %gt3A_1132 = arith.cmpi sgt, %select_n3A_1105, %reshape3A_1112 : vector<512x128xi32>
    %eq3A_1133 = arith.cmpi eq, %select_n3A_1105, %reshape3A_1112 : vector<512x128xi32>
    %lt3A_1134 = arith.cmpi slt, %select_n3A_1106, %reshape3A_1116 : vector<512x128xi32>
    %and3A_1135 = arith.andi %eq3A_1133, %lt3A_1134 : vector<512x128xi1>
    %or3A_1136 = arith.ori %gt3A_1132, %and3A_1135 : vector<512x128xi1>
    %eq3A_1137 = vector.broadcast %eq3A_1131 : vector<512x1xi1> to vector<512x128xi1>
    %eq3A_1138 = vector.broadcast %eq3A_1137 : vector<512x128xi1> to vector<512x128xi1>
    %eq3A_1139 = arith.xori %or3A_1136, %eq3A_1138 : vector<512x128xi1>
    %eq3A_1140 = arith.constant dense<true> : vector<512x128xi1>
    %eq3A_1141 = arith.xori %eq3A_1139, %eq3A_1140 : vector<512x128xi1>
    %select_n3A_1142 = arith.select %eq3A_1141, %select_n3A_1105, %reshape3A_1112 : vector<512x128xi1>, vector<512x128xi32>
    %select_n3A_1143 = arith.select %eq3A_1141, %select_n3A_1106, %reshape3A_1116 : vector<512x128xi1>, vector<512x128xi32>
    %reshape3A_1144 = vector.shape_cast %select_n3A_1142 : vector<512x128xi32> to vector<16x2x16x128xi32>
    %reshape3A_1145 = vector.shape_cast %select_n3A_1143 : vector<512x128xi32> to vector<16x2x16x128xi32>
    %slice3A_1146 = vector.extract_strided_slice %reshape3A_1144 {offsets = [0, 1, 0, 0], sizes = [16, 1, 16, 128], strides = [1, 1, 1, 1]} : vector<16x2x16x128xi32> to vector<16x1x16x128xi32>
    %slice3A_1147 = vector.extract_strided_slice %reshape3A_1144 {offsets = [0, 0, 0, 0], sizes = [16, 1, 16, 128], strides = [1, 1, 1, 1]} : vector<16x2x16x128xi32> to vector<16x1x16x128xi32>
    %concatenate3A_1148 = tpu.concatenate %slice3A_1146, %slice3A_1147 in 1 : vector<16x1x16x128xi32>, vector<16x1x16x128xi32> -> vector<16x2x16x128xi32>
    %reshape3A_1149 = vector.shape_cast %concatenate3A_1148 : vector<16x2x16x128xi32> to vector<512x128xi32>
    %slice3A_1150 = vector.extract_strided_slice %reshape3A_1145 {offsets = [0, 1, 0, 0], sizes = [16, 1, 16, 128], strides = [1, 1, 1, 1]} : vector<16x2x16x128xi32> to vector<16x1x16x128xi32>
    %slice3A_1151 = vector.extract_strided_slice %reshape3A_1145 {offsets = [0, 0, 0, 0], sizes = [16, 1, 16, 128], strides = [1, 1, 1, 1]} : vector<16x2x16x128xi32> to vector<16x1x16x128xi32>
    %concatenate3A_1152 = tpu.concatenate %slice3A_1150, %slice3A_1151 in 1 : vector<16x1x16x128xi32>, vector<16x1x16x128xi32> -> vector<16x2x16x128xi32>
    %reshape3A_1153 = vector.shape_cast %concatenate3A_1152 : vector<16x2x16x128xi32> to vector<512x128xi32>
    %and3A_1154 = arith.constant 256 : i32
    %and3A_1155 = vector.broadcast %and3A_1154 : i32 to vector<512x1xi32>
    %and3A_1156 = arith.andi %iota3A, %and3A_1155 : vector<512x1xi32>
    %eq3A_1157 = arith.constant 0 : i32
    %eq3A_1158 = vector.broadcast %eq3A_1157 : i32 to vector<512x1xi32>
    %eq3A_1159 = arith.cmpi eq, %and3A_1156, %eq3A_1158 : vector<512x1xi32>
    %and3A_1160 = arith.constant 16 : i32
    %and3A_1161 = vector.broadcast %and3A_1160 : i32 to vector<512x1xi32>
    %and3A_1162 = arith.andi %iota3A, %and3A_1161 : vector<512x1xi32>
    %eq3A_1163 = arith.constant 0 : i32
    %eq3A_1164 = vector.broadcast %eq3A_1163 : i32 to vector<512x1xi32>
    %eq3A_1165 = arith.cmpi eq, %and3A_1162, %eq3A_1164 : vector<512x1xi32>
    %eq3A_1166 = arith.xori %eq3A_1159, %eq3A_1165 : vector<512x1xi1>
    %eq3A_1167 = arith.constant dense<true> : vector<512x1xi1>
    %eq3A_1168 = arith.xori %eq3A_1166, %eq3A_1167 : vector<512x1xi1>
    %gt3A_1169 = arith.cmpi sgt, %select_n3A_1142, %reshape3A_1149 : vector<512x128xi32>
    %eq3A_1170 = arith.cmpi eq, %select_n3A_1142, %reshape3A_1149 : vector<512x128xi32>
    %lt3A_1171 = arith.cmpi slt, %select_n3A_1143, %reshape3A_1153 : vector<512x128xi32>
    %and3A_1172 = arith.andi %eq3A_1170, %lt3A_1171 : vector<512x128xi1>
    %or3A_1173 = arith.ori %gt3A_1169, %and3A_1172 : vector<512x128xi1>
    %eq3A_1174 = vector.broadcast %eq3A_1168 : vector<512x1xi1> to vector<512x128xi1>
    %eq3A_1175 = vector.broadcast %eq3A_1174 : vector<512x128xi1> to vector<512x128xi1>
    %eq3A_1176 = arith.xori %or3A_1173, %eq3A_1175 : vector<512x128xi1>
    %eq3A_1177 = arith.constant dense<true> : vector<512x128xi1>
    %eq3A_1178 = arith.xori %eq3A_1176, %eq3A_1177 : vector<512x128xi1>
    %select_n3A_1179 = arith.select %eq3A_1178, %select_n3A_1142, %reshape3A_1149 : vector<512x128xi1>, vector<512x128xi32>
    %select_n3A_1180 = arith.select %eq3A_1178, %select_n3A_1143, %reshape3A_1153 : vector<512x128xi1>, vector<512x128xi32>
    %reshape3A_1181 = vector.shape_cast %select_n3A_1179 : vector<512x128xi32> to vector<32x2x8x128xi32>
    %reshape3A_1182 = vector.shape_cast %select_n3A_1180 : vector<512x128xi32> to vector<32x2x8x128xi32>
    %slice3A_1183 = vector.extract_strided_slice %reshape3A_1181 {offsets = [0, 1, 0, 0], sizes = [32, 1, 8, 128], strides = [1, 1, 1, 1]} : vector<32x2x8x128xi32> to vector<32x1x8x128xi32>
    %slice3A_1184 = vector.extract_strided_slice %reshape3A_1181 {offsets = [0, 0, 0, 0], sizes = [32, 1, 8, 128], strides = [1, 1, 1, 1]} : vector<32x2x8x128xi32> to vector<32x1x8x128xi32>
    %concatenate3A_1185 = tpu.concatenate %slice3A_1183, %slice3A_1184 in 1 : vector<32x1x8x128xi32>, vector<32x1x8x128xi32> -> vector<32x2x8x128xi32>
    %reshape3A_1186 = vector.shape_cast %concatenate3A_1185 : vector<32x2x8x128xi32> to vector<512x128xi32>
    %slice3A_1187 = vector.extract_strided_slice %reshape3A_1182 {offsets = [0, 1, 0, 0], sizes = [32, 1, 8, 128], strides = [1, 1, 1, 1]} : vector<32x2x8x128xi32> to vector<32x1x8x128xi32>
    %slice3A_1188 = vector.extract_strided_slice %reshape3A_1182 {offsets = [0, 0, 0, 0], sizes = [32, 1, 8, 128], strides = [1, 1, 1, 1]} : vector<32x2x8x128xi32> to vector<32x1x8x128xi32>
    %concatenate3A_1189 = tpu.concatenate %slice3A_1187, %slice3A_1188 in 1 : vector<32x1x8x128xi32>, vector<32x1x8x128xi32> -> vector<32x2x8x128xi32>
    %reshape3A_1190 = vector.shape_cast %concatenate3A_1189 : vector<32x2x8x128xi32> to vector<512x128xi32>
    %and3A_1191 = arith.constant 256 : i32
    %and3A_1192 = vector.broadcast %and3A_1191 : i32 to vector<512x1xi32>
    %and3A_1193 = arith.andi %iota3A, %and3A_1192 : vector<512x1xi32>
    %eq3A_1194 = arith.constant 0 : i32
    %eq3A_1195 = vector.broadcast %eq3A_1194 : i32 to vector<512x1xi32>
    %eq3A_1196 = arith.cmpi eq, %and3A_1193, %eq3A_1195 : vector<512x1xi32>
    %and3A_1197 = arith.constant 8 : i32
    %and3A_1198 = vector.broadcast %and3A_1197 : i32 to vector<512x1xi32>
    %and3A_1199 = arith.andi %iota3A, %and3A_1198 : vector<512x1xi32>
    %eq3A_1200 = arith.constant 0 : i32
    %eq3A_1201 = vector.broadcast %eq3A_1200 : i32 to vector<512x1xi32>
    %eq3A_1202 = arith.cmpi eq, %and3A_1199, %eq3A_1201 : vector<512x1xi32>
    %eq3A_1203 = arith.xori %eq3A_1196, %eq3A_1202 : vector<512x1xi1>
    %eq3A_1204 = arith.constant dense<true> : vector<512x1xi1>
    %eq3A_1205 = arith.xori %eq3A_1203, %eq3A_1204 : vector<512x1xi1>
    %gt3A_1206 = arith.cmpi sgt, %select_n3A_1179, %reshape3A_1186 : vector<512x128xi32>
    %eq3A_1207 = arith.cmpi eq, %select_n3A_1179, %reshape3A_1186 : vector<512x128xi32>
    %lt3A_1208 = arith.cmpi slt, %select_n3A_1180, %reshape3A_1190 : vector<512x128xi32>
    %and3A_1209 = arith.andi %eq3A_1207, %lt3A_1208 : vector<512x128xi1>
    %or3A_1210 = arith.ori %gt3A_1206, %and3A_1209 : vector<512x128xi1>
    %eq3A_1211 = vector.broadcast %eq3A_1205 : vector<512x1xi1> to vector<512x128xi1>
    %eq3A_1212 = vector.broadcast %eq3A_1211 : vector<512x128xi1> to vector<512x128xi1>
    %eq3A_1213 = arith.xori %or3A_1210, %eq3A_1212 : vector<512x128xi1>
    %eq3A_1214 = arith.constant dense<true> : vector<512x128xi1>
    %eq3A_1215 = arith.xori %eq3A_1213, %eq3A_1214 : vector<512x128xi1>
    %select_n3A_1216 = arith.select %eq3A_1215, %select_n3A_1179, %reshape3A_1186 : vector<512x128xi1>, vector<512x128xi32>
    %select_n3A_1217 = arith.select %eq3A_1215, %select_n3A_1180, %reshape3A_1190 : vector<512x128xi1>, vector<512x128xi32>
    %reshape3A_1218 = vector.shape_cast %select_n3A_1216 : vector<512x128xi32> to vector<64x2x4x128xi32>
    %reshape3A_1219 = vector.shape_cast %select_n3A_1217 : vector<512x128xi32> to vector<64x2x4x128xi32>
    %slice3A_1220 = vector.extract_strided_slice %reshape3A_1218 {offsets = [0, 1, 0, 0], sizes = [64, 1, 4, 128], strides = [1, 1, 1, 1]} : vector<64x2x4x128xi32> to vector<64x1x4x128xi32>
    %slice3A_1221 = vector.extract_strided_slice %reshape3A_1218 {offsets = [0, 0, 0, 0], sizes = [64, 1, 4, 128], strides = [1, 1, 1, 1]} : vector<64x2x4x128xi32> to vector<64x1x4x128xi32>
    %concatenate3A_1222 = tpu.concatenate %slice3A_1220, %slice3A_1221 in 1 : vector<64x1x4x128xi32>, vector<64x1x4x128xi32> -> vector<64x2x4x128xi32>
    %reshape3A_1223 = vector.shape_cast %concatenate3A_1222 : vector<64x2x4x128xi32> to vector<512x128xi32>
    %slice3A_1224 = vector.extract_strided_slice %reshape3A_1219 {offsets = [0, 1, 0, 0], sizes = [64, 1, 4, 128], strides = [1, 1, 1, 1]} : vector<64x2x4x128xi32> to vector<64x1x4x128xi32>
    %slice3A_1225 = vector.extract_strided_slice %reshape3A_1219 {offsets = [0, 0, 0, 0], sizes = [64, 1, 4, 128], strides = [1, 1, 1, 1]} : vector<64x2x4x128xi32> to vector<64x1x4x128xi32>
    %concatenate3A_1226 = tpu.concatenate %slice3A_1224, %slice3A_1225 in 1 : vector<64x1x4x128xi32>, vector<64x1x4x128xi32> -> vector<64x2x4x128xi32>
    %reshape3A_1227 = vector.shape_cast %concatenate3A_1226 : vector<64x2x4x128xi32> to vector<512x128xi32>
    %and3A_1228 = arith.constant 256 : i32
    %and3A_1229 = vector.broadcast %and3A_1228 : i32 to vector<512x1xi32>
    %and3A_1230 = arith.andi %iota3A, %and3A_1229 : vector<512x1xi32>
    %eq3A_1231 = arith.constant 0 : i32
    %eq3A_1232 = vector.broadcast %eq3A_1231 : i32 to vector<512x1xi32>
    %eq3A_1233 = arith.cmpi eq, %and3A_1230, %eq3A_1232 : vector<512x1xi32>
    %and3A_1234 = arith.constant 4 : i32
    %and3A_1235 = vector.broadcast %and3A_1234 : i32 to vector<512x1xi32>
    %and3A_1236 = arith.andi %iota3A, %and3A_1235 : vector<512x1xi32>
    %eq3A_1237 = arith.constant 0 : i32
    %eq3A_1238 = vector.broadcast %eq3A_1237 : i32 to vector<512x1xi32>
    %eq3A_1239 = arith.cmpi eq, %and3A_1236, %eq3A_1238 : vector<512x1xi32>
    %eq3A_1240 = arith.xori %eq3A_1233, %eq3A_1239 : vector<512x1xi1>
    %eq3A_1241 = arith.constant dense<true> : vector<512x1xi1>
    %eq3A_1242 = arith.xori %eq3A_1240, %eq3A_1241 : vector<512x1xi1>
    %gt3A_1243 = arith.cmpi sgt, %select_n3A_1216, %reshape3A_1223 : vector<512x128xi32>
    %eq3A_1244 = arith.cmpi eq, %select_n3A_1216, %reshape3A_1223 : vector<512x128xi32>
    %lt3A_1245 = arith.cmpi slt, %select_n3A_1217, %reshape3A_1227 : vector<512x128xi32>
    %and3A_1246 = arith.andi %eq3A_1244, %lt3A_1245 : vector<512x128xi1>
    %or3A_1247 = arith.ori %gt3A_1243, %and3A_1246 : vector<512x128xi1>
    %eq3A_1248 = vector.broadcast %eq3A_1242 : vector<512x1xi1> to vector<512x128xi1>
    %eq3A_1249 = vector.broadcast %eq3A_1248 : vector<512x128xi1> to vector<512x128xi1>
    %eq3A_1250 = arith.xori %or3A_1247, %eq3A_1249 : vector<512x128xi1>
    %eq3A_1251 = arith.constant dense<true> : vector<512x128xi1>
    %eq3A_1252 = arith.xori %eq3A_1250, %eq3A_1251 : vector<512x128xi1>
    %select_n3A_1253 = arith.select %eq3A_1252, %select_n3A_1216, %reshape3A_1223 : vector<512x128xi1>, vector<512x128xi32>
    %select_n3A_1254 = arith.select %eq3A_1252, %select_n3A_1217, %reshape3A_1227 : vector<512x128xi1>, vector<512x128xi32>
    %reshape3A_1255 = vector.shape_cast %select_n3A_1253 : vector<512x128xi32> to vector<128x2x2x128xi32>
    %reshape3A_1256 = vector.shape_cast %select_n3A_1254 : vector<512x128xi32> to vector<128x2x2x128xi32>
    %slice3A_1257 = vector.extract_strided_slice %reshape3A_1255 {offsets = [0, 1, 0, 0], sizes = [128, 1, 2, 128], strides = [1, 1, 1, 1]} : vector<128x2x2x128xi32> to vector<128x1x2x128xi32>
    %slice3A_1258 = vector.extract_strided_slice %reshape3A_1255 {offsets = [0, 0, 0, 0], sizes = [128, 1, 2, 128], strides = [1, 1, 1, 1]} : vector<128x2x2x128xi32> to vector<128x1x2x128xi32>
    %concatenate3A_1259 = tpu.concatenate %slice3A_1257, %slice3A_1258 in 1 : vector<128x1x2x128xi32>, vector<128x1x2x128xi32> -> vector<128x2x2x128xi32>
    %reshape3A_1260 = vector.shape_cast %concatenate3A_1259 : vector<128x2x2x128xi32> to vector<512x128xi32>
    %slice3A_1261 = vector.extract_strided_slice %reshape3A_1256 {offsets = [0, 1, 0, 0], sizes = [128, 1, 2, 128], strides = [1, 1, 1, 1]} : vector<128x2x2x128xi32> to vector<128x1x2x128xi32>
    %slice3A_1262 = vector.extract_strided_slice %reshape3A_1256 {offsets = [0, 0, 0, 0], sizes = [128, 1, 2, 128], strides = [1, 1, 1, 1]} : vector<128x2x2x128xi32> to vector<128x1x2x128xi32>
    %concatenate3A_1263 = tpu.concatenate %slice3A_1261, %slice3A_1262 in 1 : vector<128x1x2x128xi32>, vector<128x1x2x128xi32> -> vector<128x2x2x128xi32>
    %reshape3A_1264 = vector.shape_cast %concatenate3A_1263 : vector<128x2x2x128xi32> to vector<512x128xi32>
    %and3A_1265 = arith.constant 256 : i32
    %and3A_1266 = vector.broadcast %and3A_1265 : i32 to vector<512x1xi32>
    %and3A_1267 = arith.andi %iota3A, %and3A_1266 : vector<512x1xi32>
    %eq3A_1268 = arith.constant 0 : i32
    %eq3A_1269 = vector.broadcast %eq3A_1268 : i32 to vector<512x1xi32>
    %eq3A_1270 = arith.cmpi eq, %and3A_1267, %eq3A_1269 : vector<512x1xi32>
    %and3A_1271 = arith.constant 2 : i32
    %and3A_1272 = vector.broadcast %and3A_1271 : i32 to vector<512x1xi32>
    %and3A_1273 = arith.andi %iota3A, %and3A_1272 : vector<512x1xi32>
    %eq3A_1274 = arith.constant 0 : i32
    %eq3A_1275 = vector.broadcast %eq3A_1274 : i32 to vector<512x1xi32>
    %eq3A_1276 = arith.cmpi eq, %and3A_1273, %eq3A_1275 : vector<512x1xi32>
    %eq3A_1277 = arith.xori %eq3A_1270, %eq3A_1276 : vector<512x1xi1>
    %eq3A_1278 = arith.constant dense<true> : vector<512x1xi1>
    %eq3A_1279 = arith.xori %eq3A_1277, %eq3A_1278 : vector<512x1xi1>
    %gt3A_1280 = arith.cmpi sgt, %select_n3A_1253, %reshape3A_1260 : vector<512x128xi32>
    %eq3A_1281 = arith.cmpi eq, %select_n3A_1253, %reshape3A_1260 : vector<512x128xi32>
    %lt3A_1282 = arith.cmpi slt, %select_n3A_1254, %reshape3A_1264 : vector<512x128xi32>
    %and3A_1283 = arith.andi %eq3A_1281, %lt3A_1282 : vector<512x128xi1>
    %or3A_1284 = arith.ori %gt3A_1280, %and3A_1283 : vector<512x128xi1>
    %eq3A_1285 = vector.broadcast %eq3A_1279 : vector<512x1xi1> to vector<512x128xi1>
    %eq3A_1286 = vector.broadcast %eq3A_1285 : vector<512x128xi1> to vector<512x128xi1>
    %eq3A_1287 = arith.xori %or3A_1284, %eq3A_1286 : vector<512x128xi1>
    %eq3A_1288 = arith.constant dense<true> : vector<512x128xi1>
    %eq3A_1289 = arith.xori %eq3A_1287, %eq3A_1288 : vector<512x128xi1>
    %select_n3A_1290 = arith.select %eq3A_1289, %select_n3A_1253, %reshape3A_1260 : vector<512x128xi1>, vector<512x128xi32>
    %select_n3A_1291 = arith.select %eq3A_1289, %select_n3A_1254, %reshape3A_1264 : vector<512x128xi1>, vector<512x128xi32>
    %reshape3A_1292 = vector.shape_cast %select_n3A_1290 : vector<512x128xi32> to vector<256x2x1x128xi32>
    %reshape3A_1293 = vector.shape_cast %select_n3A_1291 : vector<512x128xi32> to vector<256x2x1x128xi32>
    %slice3A_1294 = vector.extract_strided_slice %reshape3A_1292 {offsets = [0, 1, 0, 0], sizes = [256, 1, 1, 128], strides = [1, 1, 1, 1]} : vector<256x2x1x128xi32> to vector<256x1x1x128xi32>
    %slice3A_1295 = vector.extract_strided_slice %reshape3A_1292 {offsets = [0, 0, 0, 0], sizes = [256, 1, 1, 128], strides = [1, 1, 1, 1]} : vector<256x2x1x128xi32> to vector<256x1x1x128xi32>
    %concatenate3A_1296 = tpu.concatenate %slice3A_1294, %slice3A_1295 in 1 : vector<256x1x1x128xi32>, vector<256x1x1x128xi32> -> vector<256x2x1x128xi32>
    %reshape3A_1297 = vector.shape_cast %concatenate3A_1296 : vector<256x2x1x128xi32> to vector<512x128xi32>
    %slice3A_1298 = vector.extract_strided_slice %reshape3A_1293 {offsets = [0, 1, 0, 0], sizes = [256, 1, 1, 128], strides = [1, 1, 1, 1]} : vector<256x2x1x128xi32> to vector<256x1x1x128xi32>
    %slice3A_1299 = vector.extract_strided_slice %reshape3A_1293 {offsets = [0, 0, 0, 0], sizes = [256, 1, 1, 128], strides = [1, 1, 1, 1]} : vector<256x2x1x128xi32> to vector<256x1x1x128xi32>
    %concatenate3A_1300 = tpu.concatenate %slice3A_1298, %slice3A_1299 in 1 : vector<256x1x1x128xi32>, vector<256x1x1x128xi32> -> vector<256x2x1x128xi32>
    %reshape3A_1301 = vector.shape_cast %concatenate3A_1300 : vector<256x2x1x128xi32> to vector<512x128xi32>
    %and3A_1302 = arith.constant 256 : i32
    %and3A_1303 = vector.broadcast %and3A_1302 : i32 to vector<512x1xi32>
    %and3A_1304 = arith.andi %iota3A, %and3A_1303 : vector<512x1xi32>
    %eq3A_1305 = arith.constant 0 : i32
    %eq3A_1306 = vector.broadcast %eq3A_1305 : i32 to vector<512x1xi32>
    %eq3A_1307 = arith.cmpi eq, %and3A_1304, %eq3A_1306 : vector<512x1xi32>
    %and3A_1308 = arith.constant 1 : i32
    %and3A_1309 = vector.broadcast %and3A_1308 : i32 to vector<512x1xi32>
    %and3A_1310 = arith.andi %iota3A, %and3A_1309 : vector<512x1xi32>
    %eq3A_1311 = arith.constant 0 : i32
    %eq3A_1312 = vector.broadcast %eq3A_1311 : i32 to vector<512x1xi32>
    %eq3A_1313 = arith.cmpi eq, %and3A_1310, %eq3A_1312 : vector<512x1xi32>
    %eq3A_1314 = arith.xori %eq3A_1307, %eq3A_1313 : vector<512x1xi1>
    %eq3A_1315 = arith.constant dense<true> : vector<512x1xi1>
    %eq3A_1316 = arith.xori %eq3A_1314, %eq3A_1315 : vector<512x1xi1>
    %gt3A_1317 = arith.cmpi sgt, %select_n3A_1290, %reshape3A_1297 : vector<512x128xi32>
    %eq3A_1318 = arith.cmpi eq, %select_n3A_1290, %reshape3A_1297 : vector<512x128xi32>
    %lt3A_1319 = arith.cmpi slt, %select_n3A_1291, %reshape3A_1301 : vector<512x128xi32>
    %and3A_1320 = arith.andi %eq3A_1318, %lt3A_1319 : vector<512x128xi1>
    %or3A_1321 = arith.ori %gt3A_1317, %and3A_1320 : vector<512x128xi1>
    %eq3A_1322 = vector.broadcast %eq3A_1316 : vector<512x1xi1> to vector<512x128xi1>
    %eq3A_1323 = vector.broadcast %eq3A_1322 : vector<512x128xi1> to vector<512x128xi1>
    %eq3A_1324 = arith.xori %or3A_1321, %eq3A_1323 : vector<512x128xi1>
    %eq3A_1325 = arith.constant dense<true> : vector<512x128xi1>
    %eq3A_1326 = arith.xori %eq3A_1324, %eq3A_1325 : vector<512x128xi1>
    %select_n3A_1327 = arith.select %eq3A_1326, %select_n3A_1290, %reshape3A_1297 : vector<512x128xi1>, vector<512x128xi32>
    %select_n3A_1328 = arith.select %eq3A_1326, %select_n3A_1291, %reshape3A_1301 : vector<512x128xi1>, vector<512x128xi32>
    %reshape3A_1329 = vector.shape_cast %select_n3A_1327 : vector<512x128xi32> to vector<1x2x256x128xi32>
    %reshape3A_1330 = vector.shape_cast %select_n3A_1328 : vector<512x128xi32> to vector<1x2x256x128xi32>
    %slice3A_1331 = vector.extract_strided_slice %reshape3A_1329 {offsets = [0, 1, 0, 0], sizes = [1, 1, 256, 128], strides = [1, 1, 1, 1]} : vector<1x2x256x128xi32> to vector<1x1x256x128xi32>
    %slice3A_1332 = vector.extract_strided_slice %reshape3A_1329 {offsets = [0, 0, 0, 0], sizes = [1, 1, 256, 128], strides = [1, 1, 1, 1]} : vector<1x2x256x128xi32> to vector<1x1x256x128xi32>
    %concatenate3A_1333 = tpu.concatenate %slice3A_1331, %slice3A_1332 in 1 : vector<1x1x256x128xi32>, vector<1x1x256x128xi32> -> vector<1x2x256x128xi32>
    %reshape3A_1334 = vector.shape_cast %concatenate3A_1333 : vector<1x2x256x128xi32> to vector<512x128xi32>
    %slice3A_1335 = vector.extract_strided_slice %reshape3A_1330 {offsets = [0, 1, 0, 0], sizes = [1, 1, 256, 128], strides = [1, 1, 1, 1]} : vector<1x2x256x128xi32> to vector<1x1x256x128xi32>
    %slice3A_1336 = vector.extract_strided_slice %reshape3A_1330 {offsets = [0, 0, 0, 0], sizes = [1, 1, 256, 128], strides = [1, 1, 1, 1]} : vector<1x2x256x128xi32> to vector<1x1x256x128xi32>
    %concatenate3A_1337 = tpu.concatenate %slice3A_1335, %slice3A_1336 in 1 : vector<1x1x256x128xi32>, vector<1x1x256x128xi32> -> vector<1x2x256x128xi32>
    %reshape3A_1338 = vector.shape_cast %concatenate3A_1337 : vector<1x2x256x128xi32> to vector<512x128xi32>
    %and3A_1339 = arith.constant 512 : i32
    %and3A_1340 = vector.broadcast %and3A_1339 : i32 to vector<512x1xi32>
    %and3A_1341 = arith.andi %iota3A, %and3A_1340 : vector<512x1xi32>
    %eq3A_1342 = arith.constant 0 : i32
    %eq3A_1343 = vector.broadcast %eq3A_1342 : i32 to vector<512x1xi32>
    %eq3A_1344 = arith.cmpi eq, %and3A_1341, %eq3A_1343 : vector<512x1xi32>
    %and3A_1345 = arith.constant 256 : i32
    %and3A_1346 = vector.broadcast %and3A_1345 : i32 to vector<512x1xi32>
    %and3A_1347 = arith.andi %iota3A, %and3A_1346 : vector<512x1xi32>
    %eq3A_1348 = arith.constant 0 : i32
    %eq3A_1349 = vector.broadcast %eq3A_1348 : i32 to vector<512x1xi32>
    %eq3A_1350 = arith.cmpi eq, %and3A_1347, %eq3A_1349 : vector<512x1xi32>
    %eq3A_1351 = arith.xori %eq3A_1344, %eq3A_1350 : vector<512x1xi1>
    %eq3A_1352 = arith.constant dense<true> : vector<512x1xi1>
    %eq3A_1353 = arith.xori %eq3A_1351, %eq3A_1352 : vector<512x1xi1>
    %gt3A_1354 = arith.cmpi sgt, %select_n3A_1327, %reshape3A_1334 : vector<512x128xi32>
    %eq3A_1355 = arith.cmpi eq, %select_n3A_1327, %reshape3A_1334 : vector<512x128xi32>
    %lt3A_1356 = arith.cmpi slt, %select_n3A_1328, %reshape3A_1338 : vector<512x128xi32>
    %and3A_1357 = arith.andi %eq3A_1355, %lt3A_1356 : vector<512x128xi1>
    %or3A_1358 = arith.ori %gt3A_1354, %and3A_1357 : vector<512x128xi1>
    %eq3A_1359 = vector.broadcast %eq3A_1353 : vector<512x1xi1> to vector<512x128xi1>
    %eq3A_1360 = vector.broadcast %eq3A_1359 : vector<512x128xi1> to vector<512x128xi1>
    %eq3A_1361 = arith.xori %or3A_1358, %eq3A_1360 : vector<512x128xi1>
    %eq3A_1362 = arith.constant dense<true> : vector<512x128xi1>
    %eq3A_1363 = arith.xori %eq3A_1361, %eq3A_1362 : vector<512x128xi1>
    %select_n3A_1364 = arith.select %eq3A_1363, %select_n3A_1327, %reshape3A_1334 : vector<512x128xi1>, vector<512x128xi32>
    %select_n3A_1365 = arith.select %eq3A_1363, %select_n3A_1328, %reshape3A_1338 : vector<512x128xi1>, vector<512x128xi32>
    %reshape3A_1366 = vector.shape_cast %select_n3A_1364 : vector<512x128xi32> to vector<2x2x128x128xi32>
    %reshape3A_1367 = vector.shape_cast %select_n3A_1365 : vector<512x128xi32> to vector<2x2x128x128xi32>
    %slice3A_1368 = vector.extract_strided_slice %reshape3A_1366 {offsets = [0, 1, 0, 0], sizes = [2, 1, 128, 128], strides = [1, 1, 1, 1]} : vector<2x2x128x128xi32> to vector<2x1x128x128xi32>
    %slice3A_1369 = vector.extract_strided_slice %reshape3A_1366 {offsets = [0, 0, 0, 0], sizes = [2, 1, 128, 128], strides = [1, 1, 1, 1]} : vector<2x2x128x128xi32> to vector<2x1x128x128xi32>
    %concatenate3A_1370 = tpu.concatenate %slice3A_1368, %slice3A_1369 in 1 : vector<2x1x128x128xi32>, vector<2x1x128x128xi32> -> vector<2x2x128x128xi32>
    %reshape3A_1371 = vector.shape_cast %concatenate3A_1370 : vector<2x2x128x128xi32> to vector<512x128xi32>
    %slice3A_1372 = vector.extract_strided_slice %reshape3A_1367 {offsets = [0, 1, 0, 0], sizes = [2, 1, 128, 128], strides = [1, 1, 1, 1]} : vector<2x2x128x128xi32> to vector<2x1x128x128xi32>
    %slice3A_1373 = vector.extract_strided_slice %reshape3A_1367 {offsets = [0, 0, 0, 0], sizes = [2, 1, 128, 128], strides = [1, 1, 1, 1]} : vector<2x2x128x128xi32> to vector<2x1x128x128xi32>
    %concatenate3A_1374 = tpu.concatenate %slice3A_1372, %slice3A_1373 in 1 : vector<2x1x128x128xi32>, vector<2x1x128x128xi32> -> vector<2x2x128x128xi32>
    %reshape3A_1375 = vector.shape_cast %concatenate3A_1374 : vector<2x2x128x128xi32> to vector<512x128xi32>
    %and3A_1376 = arith.constant 512 : i32
    %and3A_1377 = vector.broadcast %and3A_1376 : i32 to vector<512x1xi32>
    %and3A_1378 = arith.andi %iota3A, %and3A_1377 : vector<512x1xi32>
    %eq3A_1379 = arith.constant 0 : i32
    %eq3A_1380 = vector.broadcast %eq3A_1379 : i32 to vector<512x1xi32>
    %eq3A_1381 = arith.cmpi eq, %and3A_1378, %eq3A_1380 : vector<512x1xi32>
    %and3A_1382 = arith.constant 128 : i32
    %and3A_1383 = vector.broadcast %and3A_1382 : i32 to vector<512x1xi32>
    %and3A_1384 = arith.andi %iota3A, %and3A_1383 : vector<512x1xi32>
    %eq3A_1385 = arith.constant 0 : i32
    %eq3A_1386 = vector.broadcast %eq3A_1385 : i32 to vector<512x1xi32>
    %eq3A_1387 = arith.cmpi eq, %and3A_1384, %eq3A_1386 : vector<512x1xi32>
    %eq3A_1388 = arith.xori %eq3A_1381, %eq3A_1387 : vector<512x1xi1>
    %eq3A_1389 = arith.constant dense<true> : vector<512x1xi1>
    %eq3A_1390 = arith.xori %eq3A_1388, %eq3A_1389 : vector<512x1xi1>
    %gt3A_1391 = arith.cmpi sgt, %select_n3A_1364, %reshape3A_1371 : vector<512x128xi32>
    %eq3A_1392 = arith.cmpi eq, %select_n3A_1364, %reshape3A_1371 : vector<512x128xi32>
    %lt3A_1393 = arith.cmpi slt, %select_n3A_1365, %reshape3A_1375 : vector<512x128xi32>
    %and3A_1394 = arith.andi %eq3A_1392, %lt3A_1393 : vector<512x128xi1>
    %or3A_1395 = arith.ori %gt3A_1391, %and3A_1394 : vector<512x128xi1>
    %eq3A_1396 = vector.broadcast %eq3A_1390 : vector<512x1xi1> to vector<512x128xi1>
    %eq3A_1397 = vector.broadcast %eq3A_1396 : vector<512x128xi1> to vector<512x128xi1>
    %eq3A_1398 = arith.xori %or3A_1395, %eq3A_1397 : vector<512x128xi1>
    %eq3A_1399 = arith.constant dense<true> : vector<512x128xi1>
    %eq3A_1400 = arith.xori %eq3A_1398, %eq3A_1399 : vector<512x128xi1>
    %select_n3A_1401 = arith.select %eq3A_1400, %select_n3A_1364, %reshape3A_1371 : vector<512x128xi1>, vector<512x128xi32>
    %select_n3A_1402 = arith.select %eq3A_1400, %select_n3A_1365, %reshape3A_1375 : vector<512x128xi1>, vector<512x128xi32>
    %reshape3A_1403 = vector.shape_cast %select_n3A_1401 : vector<512x128xi32> to vector<4x2x64x128xi32>
    %reshape3A_1404 = vector.shape_cast %select_n3A_1402 : vector<512x128xi32> to vector<4x2x64x128xi32>
    %slice3A_1405 = vector.extract_strided_slice %reshape3A_1403 {offsets = [0, 1, 0, 0], sizes = [4, 1, 64, 128], strides = [1, 1, 1, 1]} : vector<4x2x64x128xi32> to vector<4x1x64x128xi32>
    %slice3A_1406 = vector.extract_strided_slice %reshape3A_1403 {offsets = [0, 0, 0, 0], sizes = [4, 1, 64, 128], strides = [1, 1, 1, 1]} : vector<4x2x64x128xi32> to vector<4x1x64x128xi32>
    %concatenate3A_1407 = tpu.concatenate %slice3A_1405, %slice3A_1406 in 1 : vector<4x1x64x128xi32>, vector<4x1x64x128xi32> -> vector<4x2x64x128xi32>
    %reshape3A_1408 = vector.shape_cast %concatenate3A_1407 : vector<4x2x64x128xi32> to vector<512x128xi32>
    %slice3A_1409 = vector.extract_strided_slice %reshape3A_1404 {offsets = [0, 1, 0, 0], sizes = [4, 1, 64, 128], strides = [1, 1, 1, 1]} : vector<4x2x64x128xi32> to vector<4x1x64x128xi32>
    %slice3A_1410 = vector.extract_strided_slice %reshape3A_1404 {offsets = [0, 0, 0, 0], sizes = [4, 1, 64, 128], strides = [1, 1, 1, 1]} : vector<4x2x64x128xi32> to vector<4x1x64x128xi32>
    %concatenate3A_1411 = tpu.concatenate %slice3A_1409, %slice3A_1410 in 1 : vector<4x1x64x128xi32>, vector<4x1x64x128xi32> -> vector<4x2x64x128xi32>
    %reshape3A_1412 = vector.shape_cast %concatenate3A_1411 : vector<4x2x64x128xi32> to vector<512x128xi32>
    %and3A_1413 = arith.constant 512 : i32
    %and3A_1414 = vector.broadcast %and3A_1413 : i32 to vector<512x1xi32>
    %and3A_1415 = arith.andi %iota3A, %and3A_1414 : vector<512x1xi32>
    %eq3A_1416 = arith.constant 0 : i32
    %eq3A_1417 = vector.broadcast %eq3A_1416 : i32 to vector<512x1xi32>
    %eq3A_1418 = arith.cmpi eq, %and3A_1415, %eq3A_1417 : vector<512x1xi32>
    %and3A_1419 = arith.constant 64 : i32
    %and3A_1420 = vector.broadcast %and3A_1419 : i32 to vector<512x1xi32>
    %and3A_1421 = arith.andi %iota3A, %and3A_1420 : vector<512x1xi32>
    %eq3A_1422 = arith.constant 0 : i32
    %eq3A_1423 = vector.broadcast %eq3A_1422 : i32 to vector<512x1xi32>
    %eq3A_1424 = arith.cmpi eq, %and3A_1421, %eq3A_1423 : vector<512x1xi32>
    %eq3A_1425 = arith.xori %eq3A_1418, %eq3A_1424 : vector<512x1xi1>
    %eq3A_1426 = arith.constant dense<true> : vector<512x1xi1>
    %eq3A_1427 = arith.xori %eq3A_1425, %eq3A_1426 : vector<512x1xi1>
    %gt3A_1428 = arith.cmpi sgt, %select_n3A_1401, %reshape3A_1408 : vector<512x128xi32>
    %eq3A_1429 = arith.cmpi eq, %select_n3A_1401, %reshape3A_1408 : vector<512x128xi32>
    %lt3A_1430 = arith.cmpi slt, %select_n3A_1402, %reshape3A_1412 : vector<512x128xi32>
    %and3A_1431 = arith.andi %eq3A_1429, %lt3A_1430 : vector<512x128xi1>
    %or3A_1432 = arith.ori %gt3A_1428, %and3A_1431 : vector<512x128xi1>
    %eq3A_1433 = vector.broadcast %eq3A_1427 : vector<512x1xi1> to vector<512x128xi1>
    %eq3A_1434 = vector.broadcast %eq3A_1433 : vector<512x128xi1> to vector<512x128xi1>
    %eq3A_1435 = arith.xori %or3A_1432, %eq3A_1434 : vector<512x128xi1>
    %eq3A_1436 = arith.constant dense<true> : vector<512x128xi1>
    %eq3A_1437 = arith.xori %eq3A_1435, %eq3A_1436 : vector<512x128xi1>
    %select_n3A_1438 = arith.select %eq3A_1437, %select_n3A_1401, %reshape3A_1408 : vector<512x128xi1>, vector<512x128xi32>
    %select_n3A_1439 = arith.select %eq3A_1437, %select_n3A_1402, %reshape3A_1412 : vector<512x128xi1>, vector<512x128xi32>
    %reshape3A_1440 = vector.shape_cast %select_n3A_1438 : vector<512x128xi32> to vector<8x2x32x128xi32>
    %reshape3A_1441 = vector.shape_cast %select_n3A_1439 : vector<512x128xi32> to vector<8x2x32x128xi32>
    %slice3A_1442 = vector.extract_strided_slice %reshape3A_1440 {offsets = [0, 1, 0, 0], sizes = [8, 1, 32, 128], strides = [1, 1, 1, 1]} : vector<8x2x32x128xi32> to vector<8x1x32x128xi32>
    %slice3A_1443 = vector.extract_strided_slice %reshape3A_1440 {offsets = [0, 0, 0, 0], sizes = [8, 1, 32, 128], strides = [1, 1, 1, 1]} : vector<8x2x32x128xi32> to vector<8x1x32x128xi32>
    %concatenate3A_1444 = tpu.concatenate %slice3A_1442, %slice3A_1443 in 1 : vector<8x1x32x128xi32>, vector<8x1x32x128xi32> -> vector<8x2x32x128xi32>
    %reshape3A_1445 = vector.shape_cast %concatenate3A_1444 : vector<8x2x32x128xi32> to vector<512x128xi32>
    %slice3A_1446 = vector.extract_strided_slice %reshape3A_1441 {offsets = [0, 1, 0, 0], sizes = [8, 1, 32, 128], strides = [1, 1, 1, 1]} : vector<8x2x32x128xi32> to vector<8x1x32x128xi32>
    %slice3A_1447 = vector.extract_strided_slice %reshape3A_1441 {offsets = [0, 0, 0, 0], sizes = [8, 1, 32, 128], strides = [1, 1, 1, 1]} : vector<8x2x32x128xi32> to vector<8x1x32x128xi32>
    %concatenate3A_1448 = tpu.concatenate %slice3A_1446, %slice3A_1447 in 1 : vector<8x1x32x128xi32>, vector<8x1x32x128xi32> -> vector<8x2x32x128xi32>
    %reshape3A_1449 = vector.shape_cast %concatenate3A_1448 : vector<8x2x32x128xi32> to vector<512x128xi32>
    %and3A_1450 = arith.constant 512 : i32
    %and3A_1451 = vector.broadcast %and3A_1450 : i32 to vector<512x1xi32>
    %and3A_1452 = arith.andi %iota3A, %and3A_1451 : vector<512x1xi32>
    %eq3A_1453 = arith.constant 0 : i32
    %eq3A_1454 = vector.broadcast %eq3A_1453 : i32 to vector<512x1xi32>
    %eq3A_1455 = arith.cmpi eq, %and3A_1452, %eq3A_1454 : vector<512x1xi32>
    %and3A_1456 = arith.constant 32 : i32
    %and3A_1457 = vector.broadcast %and3A_1456 : i32 to vector<512x1xi32>
    %and3A_1458 = arith.andi %iota3A, %and3A_1457 : vector<512x1xi32>
    %eq3A_1459 = arith.constant 0 : i32
    %eq3A_1460 = vector.broadcast %eq3A_1459 : i32 to vector<512x1xi32>
    %eq3A_1461 = arith.cmpi eq, %and3A_1458, %eq3A_1460 : vector<512x1xi32>
    %eq3A_1462 = arith.xori %eq3A_1455, %eq3A_1461 : vector<512x1xi1>
    %eq3A_1463 = arith.constant dense<true> : vector<512x1xi1>
    %eq3A_1464 = arith.xori %eq3A_1462, %eq3A_1463 : vector<512x1xi1>
    %gt3A_1465 = arith.cmpi sgt, %select_n3A_1438, %reshape3A_1445 : vector<512x128xi32>
    %eq3A_1466 = arith.cmpi eq, %select_n3A_1438, %reshape3A_1445 : vector<512x128xi32>
    %lt3A_1467 = arith.cmpi slt, %select_n3A_1439, %reshape3A_1449 : vector<512x128xi32>
    %and3A_1468 = arith.andi %eq3A_1466, %lt3A_1467 : vector<512x128xi1>
    %or3A_1469 = arith.ori %gt3A_1465, %and3A_1468 : vector<512x128xi1>
    %eq3A_1470 = vector.broadcast %eq3A_1464 : vector<512x1xi1> to vector<512x128xi1>
    %eq3A_1471 = vector.broadcast %eq3A_1470 : vector<512x128xi1> to vector<512x128xi1>
    %eq3A_1472 = arith.xori %or3A_1469, %eq3A_1471 : vector<512x128xi1>
    %eq3A_1473 = arith.constant dense<true> : vector<512x128xi1>
    %eq3A_1474 = arith.xori %eq3A_1472, %eq3A_1473 : vector<512x128xi1>
    %select_n3A_1475 = arith.select %eq3A_1474, %select_n3A_1438, %reshape3A_1445 : vector<512x128xi1>, vector<512x128xi32>
    %select_n3A_1476 = arith.select %eq3A_1474, %select_n3A_1439, %reshape3A_1449 : vector<512x128xi1>, vector<512x128xi32>
    %reshape3A_1477 = vector.shape_cast %select_n3A_1475 : vector<512x128xi32> to vector<16x2x16x128xi32>
    %reshape3A_1478 = vector.shape_cast %select_n3A_1476 : vector<512x128xi32> to vector<16x2x16x128xi32>
    %slice3A_1479 = vector.extract_strided_slice %reshape3A_1477 {offsets = [0, 1, 0, 0], sizes = [16, 1, 16, 128], strides = [1, 1, 1, 1]} : vector<16x2x16x128xi32> to vector<16x1x16x128xi32>
    %slice3A_1480 = vector.extract_strided_slice %reshape3A_1477 {offsets = [0, 0, 0, 0], sizes = [16, 1, 16, 128], strides = [1, 1, 1, 1]} : vector<16x2x16x128xi32> to vector<16x1x16x128xi32>
    %concatenate3A_1481 = tpu.concatenate %slice3A_1479, %slice3A_1480 in 1 : vector<16x1x16x128xi32>, vector<16x1x16x128xi32> -> vector<16x2x16x128xi32>
    %reshape3A_1482 = vector.shape_cast %concatenate3A_1481 : vector<16x2x16x128xi32> to vector<512x128xi32>
    %slice3A_1483 = vector.extract_strided_slice %reshape3A_1478 {offsets = [0, 1, 0, 0], sizes = [16, 1, 16, 128], strides = [1, 1, 1, 1]} : vector<16x2x16x128xi32> to vector<16x1x16x128xi32>
    %slice3A_1484 = vector.extract_strided_slice %reshape3A_1478 {offsets = [0, 0, 0, 0], sizes = [16, 1, 16, 128], strides = [1, 1, 1, 1]} : vector<16x2x16x128xi32> to vector<16x1x16x128xi32>
    %concatenate3A_1485 = tpu.concatenate %slice3A_1483, %slice3A_1484 in 1 : vector<16x1x16x128xi32>, vector<16x1x16x128xi32> -> vector<16x2x16x128xi32>
    %reshape3A_1486 = vector.shape_cast %concatenate3A_1485 : vector<16x2x16x128xi32> to vector<512x128xi32>
    %and3A_1487 = arith.constant 512 : i32
    %and3A_1488 = vector.broadcast %and3A_1487 : i32 to vector<512x1xi32>
    %and3A_1489 = arith.andi %iota3A, %and3A_1488 : vector<512x1xi32>
    %eq3A_1490 = arith.constant 0 : i32
    %eq3A_1491 = vector.broadcast %eq3A_1490 : i32 to vector<512x1xi32>
    %eq3A_1492 = arith.cmpi eq, %and3A_1489, %eq3A_1491 : vector<512x1xi32>
    %and3A_1493 = arith.constant 16 : i32
    %and3A_1494 = vector.broadcast %and3A_1493 : i32 to vector<512x1xi32>
    %and3A_1495 = arith.andi %iota3A, %and3A_1494 : vector<512x1xi32>
    %eq3A_1496 = arith.constant 0 : i32
    %eq3A_1497 = vector.broadcast %eq3A_1496 : i32 to vector<512x1xi32>
    %eq3A_1498 = arith.cmpi eq, %and3A_1495, %eq3A_1497 : vector<512x1xi32>
    %eq3A_1499 = arith.xori %eq3A_1492, %eq3A_1498 : vector<512x1xi1>
    %eq3A_1500 = arith.constant dense<true> : vector<512x1xi1>
    %eq3A_1501 = arith.xori %eq3A_1499, %eq3A_1500 : vector<512x1xi1>
    %gt3A_1502 = arith.cmpi sgt, %select_n3A_1475, %reshape3A_1482 : vector<512x128xi32>
    %eq3A_1503 = arith.cmpi eq, %select_n3A_1475, %reshape3A_1482 : vector<512x128xi32>
    %lt3A_1504 = arith.cmpi slt, %select_n3A_1476, %reshape3A_1486 : vector<512x128xi32>
    %and3A_1505 = arith.andi %eq3A_1503, %lt3A_1504 : vector<512x128xi1>
    %or3A_1506 = arith.ori %gt3A_1502, %and3A_1505 : vector<512x128xi1>
    %eq3A_1507 = vector.broadcast %eq3A_1501 : vector<512x1xi1> to vector<512x128xi1>
    %eq3A_1508 = vector.broadcast %eq3A_1507 : vector<512x128xi1> to vector<512x128xi1>
    %eq3A_1509 = arith.xori %or3A_1506, %eq3A_1508 : vector<512x128xi1>
    %eq3A_1510 = arith.constant dense<true> : vector<512x128xi1>
    %eq3A_1511 = arith.xori %eq3A_1509, %eq3A_1510 : vector<512x128xi1>
    %select_n3A_1512 = arith.select %eq3A_1511, %select_n3A_1475, %reshape3A_1482 : vector<512x128xi1>, vector<512x128xi32>
    %select_n3A_1513 = arith.select %eq3A_1511, %select_n3A_1476, %reshape3A_1486 : vector<512x128xi1>, vector<512x128xi32>
    %reshape3A_1514 = vector.shape_cast %select_n3A_1512 : vector<512x128xi32> to vector<32x2x8x128xi32>
    %reshape3A_1515 = vector.shape_cast %select_n3A_1513 : vector<512x128xi32> to vector<32x2x8x128xi32>
    %slice3A_1516 = vector.extract_strided_slice %reshape3A_1514 {offsets = [0, 1, 0, 0], sizes = [32, 1, 8, 128], strides = [1, 1, 1, 1]} : vector<32x2x8x128xi32> to vector<32x1x8x128xi32>
    %slice3A_1517 = vector.extract_strided_slice %reshape3A_1514 {offsets = [0, 0, 0, 0], sizes = [32, 1, 8, 128], strides = [1, 1, 1, 1]} : vector<32x2x8x128xi32> to vector<32x1x8x128xi32>
    %concatenate3A_1518 = tpu.concatenate %slice3A_1516, %slice3A_1517 in 1 : vector<32x1x8x128xi32>, vector<32x1x8x128xi32> -> vector<32x2x8x128xi32>
    %reshape3A_1519 = vector.shape_cast %concatenate3A_1518 : vector<32x2x8x128xi32> to vector<512x128xi32>
    %slice3A_1520 = vector.extract_strided_slice %reshape3A_1515 {offsets = [0, 1, 0, 0], sizes = [32, 1, 8, 128], strides = [1, 1, 1, 1]} : vector<32x2x8x128xi32> to vector<32x1x8x128xi32>
    %slice3A_1521 = vector.extract_strided_slice %reshape3A_1515 {offsets = [0, 0, 0, 0], sizes = [32, 1, 8, 128], strides = [1, 1, 1, 1]} : vector<32x2x8x128xi32> to vector<32x1x8x128xi32>
    %concatenate3A_1522 = tpu.concatenate %slice3A_1520, %slice3A_1521 in 1 : vector<32x1x8x128xi32>, vector<32x1x8x128xi32> -> vector<32x2x8x128xi32>
    %reshape3A_1523 = vector.shape_cast %concatenate3A_1522 : vector<32x2x8x128xi32> to vector<512x128xi32>
    %and3A_1524 = arith.constant 512 : i32
    %and3A_1525 = vector.broadcast %and3A_1524 : i32 to vector<512x1xi32>
    %and3A_1526 = arith.andi %iota3A, %and3A_1525 : vector<512x1xi32>
    %eq3A_1527 = arith.constant 0 : i32
    %eq3A_1528 = vector.broadcast %eq3A_1527 : i32 to vector<512x1xi32>
    %eq3A_1529 = arith.cmpi eq, %and3A_1526, %eq3A_1528 : vector<512x1xi32>
    %and3A_1530 = arith.constant 8 : i32
    %and3A_1531 = vector.broadcast %and3A_1530 : i32 to vector<512x1xi32>
    %and3A_1532 = arith.andi %iota3A, %and3A_1531 : vector<512x1xi32>
    %eq3A_1533 = arith.constant 0 : i32
    %eq3A_1534 = vector.broadcast %eq3A_1533 : i32 to vector<512x1xi32>
    %eq3A_1535 = arith.cmpi eq, %and3A_1532, %eq3A_1534 : vector<512x1xi32>
    %eq3A_1536 = arith.xori %eq3A_1529, %eq3A_1535 : vector<512x1xi1>
    %eq3A_1537 = arith.constant dense<true> : vector<512x1xi1>
    %eq3A_1538 = arith.xori %eq3A_1536, %eq3A_1537 : vector<512x1xi1>
    %gt3A_1539 = arith.cmpi sgt, %select_n3A_1512, %reshape3A_1519 : vector<512x128xi32>
    %eq3A_1540 = arith.cmpi eq, %select_n3A_1512, %reshape3A_1519 : vector<512x128xi32>
    %lt3A_1541 = arith.cmpi slt, %select_n3A_1513, %reshape3A_1523 : vector<512x128xi32>
    %and3A_1542 = arith.andi %eq3A_1540, %lt3A_1541 : vector<512x128xi1>
    %or3A_1543 = arith.ori %gt3A_1539, %and3A_1542 : vector<512x128xi1>
    %eq3A_1544 = vector.broadcast %eq3A_1538 : vector<512x1xi1> to vector<512x128xi1>
    %eq3A_1545 = vector.broadcast %eq3A_1544 : vector<512x128xi1> to vector<512x128xi1>
    %eq3A_1546 = arith.xori %or3A_1543, %eq3A_1545 : vector<512x128xi1>
    %eq3A_1547 = arith.constant dense<true> : vector<512x128xi1>
    %eq3A_1548 = arith.xori %eq3A_1546, %eq3A_1547 : vector<512x128xi1>
    %select_n3A_1549 = arith.select %eq3A_1548, %select_n3A_1512, %reshape3A_1519 : vector<512x128xi1>, vector<512x128xi32>
    %select_n3A_1550 = arith.select %eq3A_1548, %select_n3A_1513, %reshape3A_1523 : vector<512x128xi1>, vector<512x128xi32>
    %reshape3A_1551 = vector.shape_cast %select_n3A_1549 : vector<512x128xi32> to vector<64x2x4x128xi32>
    %reshape3A_1552 = vector.shape_cast %select_n3A_1550 : vector<512x128xi32> to vector<64x2x4x128xi32>
    %slice3A_1553 = vector.extract_strided_slice %reshape3A_1551 {offsets = [0, 1, 0, 0], sizes = [64, 1, 4, 128], strides = [1, 1, 1, 1]} : vector<64x2x4x128xi32> to vector<64x1x4x128xi32>
    %slice3A_1554 = vector.extract_strided_slice %reshape3A_1551 {offsets = [0, 0, 0, 0], sizes = [64, 1, 4, 128], strides = [1, 1, 1, 1]} : vector<64x2x4x128xi32> to vector<64x1x4x128xi32>
    %concatenate3A_1555 = tpu.concatenate %slice3A_1553, %slice3A_1554 in 1 : vector<64x1x4x128xi32>, vector<64x1x4x128xi32> -> vector<64x2x4x128xi32>
    %reshape3A_1556 = vector.shape_cast %concatenate3A_1555 : vector<64x2x4x128xi32> to vector<512x128xi32>
    %slice3A_1557 = vector.extract_strided_slice %reshape3A_1552 {offsets = [0, 1, 0, 0], sizes = [64, 1, 4, 128], strides = [1, 1, 1, 1]} : vector<64x2x4x128xi32> to vector<64x1x4x128xi32>
    %slice3A_1558 = vector.extract_strided_slice %reshape3A_1552 {offsets = [0, 0, 0, 0], sizes = [64, 1, 4, 128], strides = [1, 1, 1, 1]} : vector<64x2x4x128xi32> to vector<64x1x4x128xi32>
    %concatenate3A_1559 = tpu.concatenate %slice3A_1557, %slice3A_1558 in 1 : vector<64x1x4x128xi32>, vector<64x1x4x128xi32> -> vector<64x2x4x128xi32>
    %reshape3A_1560 = vector.shape_cast %concatenate3A_1559 : vector<64x2x4x128xi32> to vector<512x128xi32>
    %and3A_1561 = arith.constant 512 : i32
    %and3A_1562 = vector.broadcast %and3A_1561 : i32 to vector<512x1xi32>
    %and3A_1563 = arith.andi %iota3A, %and3A_1562 : vector<512x1xi32>
    %eq3A_1564 = arith.constant 0 : i32
    %eq3A_1565 = vector.broadcast %eq3A_1564 : i32 to vector<512x1xi32>
    %eq3A_1566 = arith.cmpi eq, %and3A_1563, %eq3A_1565 : vector<512x1xi32>
    %and3A_1567 = arith.constant 4 : i32
    %and3A_1568 = vector.broadcast %and3A_1567 : i32 to vector<512x1xi32>
    %and3A_1569 = arith.andi %iota3A, %and3A_1568 : vector<512x1xi32>
    %eq3A_1570 = arith.constant 0 : i32
    %eq3A_1571 = vector.broadcast %eq3A_1570 : i32 to vector<512x1xi32>
    %eq3A_1572 = arith.cmpi eq, %and3A_1569, %eq3A_1571 : vector<512x1xi32>
    %eq3A_1573 = arith.xori %eq3A_1566, %eq3A_1572 : vector<512x1xi1>
    %eq3A_1574 = arith.constant dense<true> : vector<512x1xi1>
    %eq3A_1575 = arith.xori %eq3A_1573, %eq3A_1574 : vector<512x1xi1>
    %gt3A_1576 = arith.cmpi sgt, %select_n3A_1549, %reshape3A_1556 : vector<512x128xi32>
    %eq3A_1577 = arith.cmpi eq, %select_n3A_1549, %reshape3A_1556 : vector<512x128xi32>
    %lt3A_1578 = arith.cmpi slt, %select_n3A_1550, %reshape3A_1560 : vector<512x128xi32>
    %and3A_1579 = arith.andi %eq3A_1577, %lt3A_1578 : vector<512x128xi1>
    %or3A_1580 = arith.ori %gt3A_1576, %and3A_1579 : vector<512x128xi1>
    %eq3A_1581 = vector.broadcast %eq3A_1575 : vector<512x1xi1> to vector<512x128xi1>
    %eq3A_1582 = vector.broadcast %eq3A_1581 : vector<512x128xi1> to vector<512x128xi1>
    %eq3A_1583 = arith.xori %or3A_1580, %eq3A_1582 : vector<512x128xi1>
    %eq3A_1584 = arith.constant dense<true> : vector<512x128xi1>
    %eq3A_1585 = arith.xori %eq3A_1583, %eq3A_1584 : vector<512x128xi1>
    %select_n3A_1586 = arith.select %eq3A_1585, %select_n3A_1549, %reshape3A_1556 : vector<512x128xi1>, vector<512x128xi32>
    %select_n3A_1587 = arith.select %eq3A_1585, %select_n3A_1550, %reshape3A_1560 : vector<512x128xi1>, vector<512x128xi32>
    %reshape3A_1588 = vector.shape_cast %select_n3A_1586 : vector<512x128xi32> to vector<128x2x2x128xi32>
    %reshape3A_1589 = vector.shape_cast %select_n3A_1587 : vector<512x128xi32> to vector<128x2x2x128xi32>
    %slice3A_1590 = vector.extract_strided_slice %reshape3A_1588 {offsets = [0, 1, 0, 0], sizes = [128, 1, 2, 128], strides = [1, 1, 1, 1]} : vector<128x2x2x128xi32> to vector<128x1x2x128xi32>
    %slice3A_1591 = vector.extract_strided_slice %reshape3A_1588 {offsets = [0, 0, 0, 0], sizes = [128, 1, 2, 128], strides = [1, 1, 1, 1]} : vector<128x2x2x128xi32> to vector<128x1x2x128xi32>
    %concatenate3A_1592 = tpu.concatenate %slice3A_1590, %slice3A_1591 in 1 : vector<128x1x2x128xi32>, vector<128x1x2x128xi32> -> vector<128x2x2x128xi32>
    %reshape3A_1593 = vector.shape_cast %concatenate3A_1592 : vector<128x2x2x128xi32> to vector<512x128xi32>
    %slice3A_1594 = vector.extract_strided_slice %reshape3A_1589 {offsets = [0, 1, 0, 0], sizes = [128, 1, 2, 128], strides = [1, 1, 1, 1]} : vector<128x2x2x128xi32> to vector<128x1x2x128xi32>
    %slice3A_1595 = vector.extract_strided_slice %reshape3A_1589 {offsets = [0, 0, 0, 0], sizes = [128, 1, 2, 128], strides = [1, 1, 1, 1]} : vector<128x2x2x128xi32> to vector<128x1x2x128xi32>
    %concatenate3A_1596 = tpu.concatenate %slice3A_1594, %slice3A_1595 in 1 : vector<128x1x2x128xi32>, vector<128x1x2x128xi32> -> vector<128x2x2x128xi32>
    %reshape3A_1597 = vector.shape_cast %concatenate3A_1596 : vector<128x2x2x128xi32> to vector<512x128xi32>
    %and3A_1598 = arith.constant 512 : i32
    %and3A_1599 = vector.broadcast %and3A_1598 : i32 to vector<512x1xi32>
    %and3A_1600 = arith.andi %iota3A, %and3A_1599 : vector<512x1xi32>
    %eq3A_1601 = arith.constant 0 : i32
    %eq3A_1602 = vector.broadcast %eq3A_1601 : i32 to vector<512x1xi32>
    %eq3A_1603 = arith.cmpi eq, %and3A_1600, %eq3A_1602 : vector<512x1xi32>
    %and3A_1604 = arith.constant 2 : i32
    %and3A_1605 = vector.broadcast %and3A_1604 : i32 to vector<512x1xi32>
    %and3A_1606 = arith.andi %iota3A, %and3A_1605 : vector<512x1xi32>
    %eq3A_1607 = arith.constant 0 : i32
    %eq3A_1608 = vector.broadcast %eq3A_1607 : i32 to vector<512x1xi32>
    %eq3A_1609 = arith.cmpi eq, %and3A_1606, %eq3A_1608 : vector<512x1xi32>
    %eq3A_1610 = arith.xori %eq3A_1603, %eq3A_1609 : vector<512x1xi1>
    %eq3A_1611 = arith.constant dense<true> : vector<512x1xi1>
    %eq3A_1612 = arith.xori %eq3A_1610, %eq3A_1611 : vector<512x1xi1>
    %gt3A_1613 = arith.cmpi sgt, %select_n3A_1586, %reshape3A_1593 : vector<512x128xi32>
    %eq3A_1614 = arith.cmpi eq, %select_n3A_1586, %reshape3A_1593 : vector<512x128xi32>
    %lt3A_1615 = arith.cmpi slt, %select_n3A_1587, %reshape3A_1597 : vector<512x128xi32>
    %and3A_1616 = arith.andi %eq3A_1614, %lt3A_1615 : vector<512x128xi1>
    %or3A_1617 = arith.ori %gt3A_1613, %and3A_1616 : vector<512x128xi1>
    %eq3A_1618 = vector.broadcast %eq3A_1612 : vector<512x1xi1> to vector<512x128xi1>
    %eq3A_1619 = vector.broadcast %eq3A_1618 : vector<512x128xi1> to vector<512x128xi1>
    %eq3A_1620 = arith.xori %or3A_1617, %eq3A_1619 : vector<512x128xi1>
    %eq3A_1621 = arith.constant dense<true> : vector<512x128xi1>
    %eq3A_1622 = arith.xori %eq3A_1620, %eq3A_1621 : vector<512x128xi1>
    %select_n3A_1623 = arith.select %eq3A_1622, %select_n3A_1586, %reshape3A_1593 : vector<512x128xi1>, vector<512x128xi32>
    %select_n3A_1624 = arith.select %eq3A_1622, %select_n3A_1587, %reshape3A_1597 : vector<512x128xi1>, vector<512x128xi32>
    %reshape3A_1625 = vector.shape_cast %select_n3A_1623 : vector<512x128xi32> to vector<256x2x1x128xi32>
    %reshape3A_1626 = vector.shape_cast %select_n3A_1624 : vector<512x128xi32> to vector<256x2x1x128xi32>
    %slice3A_1627 = vector.extract_strided_slice %reshape3A_1625 {offsets = [0, 1, 0, 0], sizes = [256, 1, 1, 128], strides = [1, 1, 1, 1]} : vector<256x2x1x128xi32> to vector<256x1x1x128xi32>
    %slice3A_1628 = vector.extract_strided_slice %reshape3A_1625 {offsets = [0, 0, 0, 0], sizes = [256, 1, 1, 128], strides = [1, 1, 1, 1]} : vector<256x2x1x128xi32> to vector<256x1x1x128xi32>
    %concatenate3A_1629 = tpu.concatenate %slice3A_1627, %slice3A_1628 in 1 : vector<256x1x1x128xi32>, vector<256x1x1x128xi32> -> vector<256x2x1x128xi32>
    %reshape3A_1630 = vector.shape_cast %concatenate3A_1629 : vector<256x2x1x128xi32> to vector<512x128xi32>
    %slice3A_1631 = vector.extract_strided_slice %reshape3A_1626 {offsets = [0, 1, 0, 0], sizes = [256, 1, 1, 128], strides = [1, 1, 1, 1]} : vector<256x2x1x128xi32> to vector<256x1x1x128xi32>
    %slice3A_1632 = vector.extract_strided_slice %reshape3A_1626 {offsets = [0, 0, 0, 0], sizes = [256, 1, 1, 128], strides = [1, 1, 1, 1]} : vector<256x2x1x128xi32> to vector<256x1x1x128xi32>
    %concatenate3A_1633 = tpu.concatenate %slice3A_1631, %slice3A_1632 in 1 : vector<256x1x1x128xi32>, vector<256x1x1x128xi32> -> vector<256x2x1x128xi32>
    %reshape3A_1634 = vector.shape_cast %concatenate3A_1633 : vector<256x2x1x128xi32> to vector<512x128xi32>
    %and3A_1635 = arith.constant 512 : i32
    %and3A_1636 = vector.broadcast %and3A_1635 : i32 to vector<512x1xi32>
    %and3A_1637 = arith.andi %iota3A, %and3A_1636 : vector<512x1xi32>
    %eq3A_1638 = arith.constant 0 : i32
    %eq3A_1639 = vector.broadcast %eq3A_1638 : i32 to vector<512x1xi32>
    %eq3A_1640 = arith.cmpi eq, %and3A_1637, %eq3A_1639 : vector<512x1xi32>
    %and3A_1641 = arith.constant 1 : i32
    %and3A_1642 = vector.broadcast %and3A_1641 : i32 to vector<512x1xi32>
    %and3A_1643 = arith.andi %iota3A, %and3A_1642 : vector<512x1xi32>
    %eq3A_1644 = arith.constant 0 : i32
    %eq3A_1645 = vector.broadcast %eq3A_1644 : i32 to vector<512x1xi32>
    %eq3A_1646 = arith.cmpi eq, %and3A_1643, %eq3A_1645 : vector<512x1xi32>
    %eq3A_1647 = arith.xori %eq3A_1640, %eq3A_1646 : vector<512x1xi1>
    %eq3A_1648 = arith.constant dense<true> : vector<512x1xi1>
    %eq3A_1649 = arith.xori %eq3A_1647, %eq3A_1648 : vector<512x1xi1>
    %gt3A_1650 = arith.cmpi sgt, %select_n3A_1623, %reshape3A_1630 : vector<512x128xi32>
    %eq3A_1651 = arith.cmpi eq, %select_n3A_1623, %reshape3A_1630 : vector<512x128xi32>
    %lt3A_1652 = arith.cmpi slt, %select_n3A_1624, %reshape3A_1634 : vector<512x128xi32>
    %and3A_1653 = arith.andi %eq3A_1651, %lt3A_1652 : vector<512x128xi1>
    %or3A_1654 = arith.ori %gt3A_1650, %and3A_1653 : vector<512x128xi1>
    %eq3A_1655 = vector.broadcast %eq3A_1649 : vector<512x1xi1> to vector<512x128xi1>
    %eq3A_1656 = vector.broadcast %eq3A_1655 : vector<512x128xi1> to vector<512x128xi1>
    %eq3A_1657 = arith.xori %or3A_1654, %eq3A_1656 : vector<512x128xi1>
    %eq3A_1658 = arith.constant dense<true> : vector<512x128xi1>
    %eq3A_1659 = arith.xori %eq3A_1657, %eq3A_1658 : vector<512x128xi1>
    %select_n3A_1660 = arith.select %eq3A_1659, %select_n3A_1623, %reshape3A_1630 : vector<512x128xi1>, vector<512x128xi32>
    %select_n3A_1661 = arith.select %eq3A_1659, %select_n3A_1624, %reshape3A_1634 : vector<512x128xi1>, vector<512x128xi32>
    %slice3A_1662 = vector.extract_strided_slice %select_n3A_1660 {offsets = [0, 0], sizes = [256, 128], strides = [1, 1]} : vector<512x128xi32> to vector<256x128xi32>
    %slice3A_1663 = vector.extract_strided_slice %select_n3A_1661 {offsets = [0, 0], sizes = [256, 128], strides = [1, 1]} : vector<512x128xi32> to vector<256x128xi32>
    %shift_left3A = arith.constant 31 : i32
    %shift_left3A_1664 = vector.broadcast %shift_left3A : i32 to vector<256x128xi32>
    %shift_left3A_1665 = arith.shli %slice3A_1663, %shift_left3A_1664 : vector<256x128xi32>
    %or3A_1666 = arith.ori %slice3A_1662, %shift_left3A_1665 : vector<256x128xi32>
    %bitcast_convert_type3A = tpu.bitcast %or3A_1666 : vector<256x128xi32> -> vector<256x128xf32>
    %transpose3A_1667 = tpu.transpose %bitcast_convert_type3A, [1, 0] : vector<256x128xf32> -> vector<128x256xf32>
    %swap3A = arith.constant 0 : index
    %swap3A_1668 = arith.constant 0 : index
    %swap3A_1669 = vector.load %arg2[%swap3A, %swap3A_1668] : memref<128x256xf32, #tpu.memory_space<vmem>>, vector<128x256xf32>
    tpu.vector_store %arg2[%swap3A, %swap3A_1668], %transpose3A_1667 {strides = array<i32>} : memref<128x256xf32, #tpu.memory_space<vmem>>, vector<128x256xf32>,
    return
  }
}

</mosaic_0001>

<sc_bundles>
// kernel: kernel.4.cloned.1.call-start
scs
__scs_entry_jumppad:
0x0: {  	(pc) =	sbr.rel $0x88, $3  }
0x1: {  	(tag) =	ssettag $0x0;
	lr =	simm.s32 $0x1  }
0x2: {  	[smem:$0x3FA0] =	sst lr;
	_ =	strace $0xD0000000  }
0x3: {  	_ = 	snop  }
0x4: {  	_ = 	snop  }
0x5: {  	_ = 	snop  }
0x6: {  	_ = 	snop  }
0x7: {  	_ = 	snop  }
__scs_overlays_trampoline_lowered:
0x8: {  	[smem:$0x3FAF] =	sst s0  }
0x9: {  	[smem:$0x3FB0] =	sst s1  }
0xa: {  	[smem:$0x3FB1] =	sst s2  }
0xb: {  	[smem:$0x3FB2] =	sst s3  }
0xc: {  	[smem:$0x3FB3] =	sst s4  }
0xd: {  	[smem:$0x3FB4] =	sst s5  }
0xe: {  	[smem:$0x3FB5] =	sst s6  }
0xf: {  	[smem:$0x3FB6] =	sst s7  }
0x10: {  	[smem:$0x3FB7] =	sst s8  }
0x11: {  	[smem:$0x3FB8] =	sst s9;
	s0 =	simm.s32 @!p0 $0x0  }
0x12: {  	s1 =	sld [smem:$0x3F9E];
	s0 =	simm.s32 @p0 $0x1  }
0x13: {  	[smem:$0x3FB9] =	sst s0;
	s0 =	simm.s32 @!p1 $0x0  }
0x14: {  	s2 =	sld [smem:$0x3F9D];
	s0 =	simm.s32 @p1 $0x1  }
0x15: {  	[smem:$0x3FBA] =	sst s0;
	s0 =	simm.s32 @!p2 $0x0  }
0x16: {  	s3 =	sld [smem:$0x3FDB];
	s0 =	simm.s32 @p2 $0x1  }
0x17: {  	s4 =	simm.s32 $0x1BF5;
	[smem:$0x3FBC] =	sst s0  }
0x18: {  	s0 =	sld [smem:$0x3F9F];
	_ =	swait.ge [sflag:s4], $0x0  }
0x19: {  	s7 =	sld [smem:$0x3FA0]  }
0x1a: {  	s8 =	sadd.s32 $0xFFFFE003, lr  }
0x1b: {  	s9 =	sadd.s32 $0xFFFFFEF7, lr;
	s5 =	simm.s32 $0xFFFFFFFF;
	p2 =	slt.u32 s8, $0xFFFFF086  }
0x1c: {  	p1 =	slt.u32 s9, $0xF7A;
	s5 =	simm.s32 @!p2 $0x0  }
0x1d: {  	s5 =	simm.s32 @p1 $0x1;
	p0 =	seq.s32 s7, s2  }
0x1e: {  	s7 =	smul.u32 @!p0 $0xF7A, s2;
	p2 =	seq.s32 @!p0 s5, $0x0  }
0x1f: {  	s9 =	smul.u32 $0xF7A, s1;
	s8 =	simm.s32 @!p0 $0x1BF5;
	p2 =	por !p2, p0  }
0x20: {  	[sflag:s8] =	ssyncset.s32 @!p0 $0xFFFFF086;
	s6 =	sadd.s32 @!p0 s3, s7;
	s7 =	simm.s32 @!p0 $0x108  }
0x21: {  	s3 =	sadd.s32 s3, s9;
	s6 =	sadd.s32 @!p0 $0x88, s6;
	s7 =	simm.s32 @p2 $0x1082  }
0x22: {  	[simem:s7], [sflag:s8] =	dma.local @!p0 [hbm:s6], $0xF7A  }
0x23: {  	s9 =	sor.u32 $0xD0000000, s2;
	s6 =	simm.s32 $0x108;
	_ =	swait.ge @!p0 [sflag:s8], $0x0  }
0x24: {  	s3 =	sadd.s32 $0x88, s3;
	s6 =	simm.s32 @!p1 $0x1082;
	[sflag:s4] =	ssyncset.s32 $0xFFFFF086  }
0x25: {  	[simem:s6], [sflag:s4] =	dma.local [hbm:s3], $0xF7A  }
0x26: {  	[smem:$0x3FA0] =	sst s1;
	(tag) =	ssettag s2;
	_ =	strace s9  }
0x27: {  	s1 =	sld [smem:$0x3FB0]  }
0x28: {  	s2 =	sld [smem:$0x3FB1]  }
0x29: {  	s4 =	sld [smem:$0x3FB3]  }
0x2a: {  	p0 =	seq.s32 s5, $0x0;
	s5 =	sld [smem:$0x3FB4]  }
0x2b: {  	s6 =	sld [smem:$0x3FB5]  }
0x2c: {  	s7 =	sld [smem:$0x3FB6]  }
0x2d: {  	s3 =	simm.s32 $0x108;
	s8 =	sld [smem:$0x3FB7]  }
0x2e: {  	s3 =	simm.s32 @!p0 $0x1082;
	s9 =	sld [smem:$0x3FB8]  }
0x2f: {  	lr =	sadd.s32 s0, s3;
	s0 =	sld [smem:$0x3FAF]  }
0x30: {  	s3 =	sld [smem:$0x3FB2]  }
0x31: {  	[smem:$0x3FBB] =	sst s10  }
0x32: {  	s10 =	sld [smem:$0x3FB9];
	_ =	sdelay $0x3  }
0x33: {  	p0 =	seq.s32 s10, $0x1;
	s10 =	sld [smem:$0x3FBB];
	_ =	sdelay $0x3  }
0x34: {  	[smem:$0x3FBB] =	sst s10  }
0x35: {  	s10 =	sld [smem:$0x3FBA];
	_ =	sdelay $0x3  }
0x36: {  	p1 =	seq.s32 s10, $0x1;
	s10 =	sld [smem:$0x3FBB];
	_ =	sdelay $0x3  }
0x37: {  	[smem:$0x3FBB] =	sst s10  }
0x38: {  	s10 =	sld [smem:$0x3FBC]  }
0x39: {  	_ = 	snop;
	(pc) =	sbr.ind lr, $3  }
0x3a: {  	_ = 	snop  }
0x3b: {  	_ = 	snop  }
0x3c: {  	p2 =	seq.s32 s10, $0x1;
	s10 =	sld [smem:$0x3FBB]  }
0x3d: {  	_ =	shalt  }
0x3e: {  	_ =	shalt  }
0x3f: {  	_ =	shalt  }
0x40: {  	_ =	shalt  }
0x41: {  	_ =	shalt  }
0x42: {  	_ =	shalt  }
0x43: {  	_ =	shalt  }
0x44: {  	_ =	shalt  }
0x45: {  	_ =	shalt  }
0x46: {  	_ =	shalt  }
0x47: {  	_ =	shalt  }
0x48: {  	_ =	shalt  }
0x49: {  	_ =	shalt  }
0x4a: {  	_ =	shalt  }
0x4b: {  	_ =	shalt  }
0x4c: {  	_ =	shalt  }
0x4d: {  	_ =	shalt  }
0x4e: {  	_ =	shalt  }
0x4f: {  	_ =	shalt  }
0x50: {  	_ =	shalt  }
0x51: {  	_ =	shalt  }
0x52: {  	_ =	shalt  }
0x53: {  	_ =	shalt  }
0x54: {  	_ =	shalt  }
0x55: {  	_ =	shalt  }
0x56: {  	_ =	shalt  }
0x57: {  	_ =	shalt  }
0x58: {  	_ =	shalt  }
0x59: {  	_ =	shalt  }
0x5a: {  	_ =	shalt  }
0x5b: {  	_ =	shalt  }
0x5c: {  	_ =	shalt  }
0x5d: {  	_ =	shalt  }
0x5e: {  	_ =	shalt  }
0x5f: {  	_ =	shalt  }
0x60: {  	_ =	shalt  }
0x61: {  	_ =	shalt  }
0x62: {  	_ =	shalt  }
0x63: {  	_ =	shalt  }
0x64: {  	_ =	shalt  }
0x65: {  	_ =	shalt  }
0x66: {  	_ =	shalt  }
0x67: {  	_ =	shalt  }
0x68: {  	_ =	shalt  }
0x69: {  	_ =	shalt  }
0x6a: {  	_ =	shalt  }
0x6b: {  	_ =	shalt  }
0x6c: {  	_ =	shalt  }
0x6d: {  	_ =	shalt  }
0x6e: {  	_ =	shalt  }
0x6f: {  	_ =	shalt  }
0x70: {  	_ =	shalt  }
0x71: {  	_ =	shalt  }
0x72: {  	_ =	shalt  }
0x73: {  	_ =	shalt  }
0x74: {  	_ =	shalt  }
0x75: {  	_ =	shalt  }
0x76: {  	_ =	shalt  }
0x77: {  	_ =	shalt  }
0x78: {  	_ =	shalt  }
0x79: {  	_ =	shalt  }
0x7a: {  	_ =	shalt  }
0x7b: {  	_ =	shalt  }
0x7c: {  	_ =	shalt  }
0x7d: {  	_ =	shalt  }
0x7e: {  	_ =	shalt  }
0x7f: {  	_ =	shalt  }
0x80: {  	_ =	shalt  }
0x81: {  	_ =	shalt  }
0x82: {  	_ =	shalt  }
0x83: {  	_ =	shalt  }
0x84: {  	_ =	shalt  }
0x85: {  	_ =	shalt  }
0x86: {  	_ =	shalt  }
0x87: {  	_ =	shalt  }
.Lfunc_end0:
.L_simem_size_0:
called_computation_lowered:
.L_overlay_start_0:
0x88: {  	s2 =	sld [smem:$0x3FD9]  }
0x89: {  	s3 =	sld [smem:$0x3FFE];
	_ =	sdelay $0x1  }
0x8a: {  	s1 =	srdreg.scid  }
0x8b: {  	s0 =	sand.u32 $0x1, s1  }
0x8c: {  	s17 =	sshll.u32 s0, $0xA;
	s2 =	sadd.s32 s3, s2  }
0x8d: {  	s2 =	sadd.s32 s2, s17  }
0x8e: {  	[smem:$0x3FC7] =	sst s2  }
0x8f: {  	_ = 	snop  }
0x90: {  	s2 =	sld [smem:$0x3FC9];
	(tm) =	ssettm $0x1  }
0x91: {  	s18 =	sld [smem:$0x3FFB];
	_ =	sdelay $0x3  }
0x92: {  	_ =	strace s18  }
0x93: {  	s3 =	sld [smem:$0x3FFC];
	_ =	sdelay $0x3  }
0x94: {  	_ =	strace s3  }
0x95: {  	s3 =	sld [smem:$0x3FFD];
	_ =	sdelay $0x3  }
0x96: {  	_ =	strace s3  }
0x97: {  	_ =	strace $0x8FFFFFFF  }
0x98: {  	s19 =	sld [smem:$0x3FDB];
	_ =	sdelay $0x1  }
0x99: {  	s4 =	simm.s32 $_scs_section_size  }
0x9a: {  	s5 =	simm.s32 $_size__tile_overlayer_lowered;
	s6 =	simm.s32 $_tile_overlayer_lowered  }
0x9b: {  	s22 =	simm.s32 $0x1BFF;
	s21 =	sshll.u32 s6, $0x1;
	s3 =	sadd.s32 s4, s19  }
0x9c: {  	s7 =	simm.s32 $0x0;
	s20 =	sshll.u32 s5, $0x1;
	s5 =	sadd.s32 s21, s3  }
0x9d: {  	[timem:s7], [sflag:s22] =	dma.local [hbm:s5], s20  }
0x9e: {  	_ =	swait.ge [sflag:s22], s20  }
0x9f: {  	s4 =	ssub.s32 $0x0, s20;
	[sflag:s22] =	ssyncset.done $0x0  }
0xa0: {  	[sflag:s22] =	ssyncadd.s32 s4;
	_ =	sdelay $0x1  }
0xa1: {  	s23 =	simm.s32 $0x1B8B  }
0xa2: {  	_ =	swait.ge [sflag:s23], $0x1  }
0xa3: {  	[sflag:s23] =	ssyncset.done $0x0  }
0xa4: {  	s25 =	simm.s32 $0x1B8E;
	s24 =	sld [smem:$0x3FFE];
	[sflag:s23] =	ssyncadd.s32 $0xFFFFFFFF  }
0xa5: {  	s26 =	simm.s32 $execute0_lowered;
	[smem:$0x3FD2] =	sst s25  }
0xa6: {  	s5 =	sshll.u32 s26, $0x1;
	_ =	strace $0x80000046;
	[dreg:$0x1] =	wrdreg $0xFFFFFFFF  }
0xa7: {  	s28 =	simm.s32 $_size_execute0_lowered;
	s3 =	sadd.s32 s3, s5;
	[dreg:$0x0] =	wrdreg $0x0  }
0xa8: {  	s5 =	sshll.u32 s28, $0x1;
	[dreg:$0x2] =	wrdreg s3  }
0xa9: {  	[dreg:$0x3] =	wrdreg s5  }
0xaa: {  	[dreg:$0x4] =	wrdreg $0xC0  }
0xab: {  	_ =	task [dreg:s7], $0x5FFFF  }
0xac: {  	[dreg:$0x1] =	wrdreg $0xFFFFFFFF  }
0xad: {  	[dreg:$0x0] =	wrdreg $0x60  }
0xae: {  	[dreg:$0x2] =	wrdreg s2  }
0xaf: {  	[dreg:$0x3] =	wrdreg s24  }
0xb0: {  	[dreg:$0x4] =	wrdreg $0x9  }
0xb1: {  	_ =	task.clear_ibuf [dreg:s7], $0x5FFFF;
	_ =	strace $0x90000046  }
0xb2: {  	s29 =	simm.s32 $0x9;
	_ =	strace $0x80000048  }
0xb3: {  	_ =	swait.ge [sflag:s29], $0x1  }
0xb4: {  	[sflag:s29] =	ssyncadd.s32 $0xFFFFFFFF  }
0xb5: {  	_ =	strace $0x90000048  }
0xb6: {  	_ =	sfence  }
0xb7: {  	s30 =	sld [smem:$0x0];
	_ =	sdelay $0x2  }
0xb8: {  	s31 =	sshll.u32 s1, $0xD;
	s1 =	sshrl.u32 s1, $0x2  }
0xb9: {  	s3 =	sand.u32 $0x4000, s31;
	s1 =	sadd.s32 s1, s30  }
0xba: {  	s0 =	sor.u32 s3, s0;
	s1 =	sshll.u32 s1, $0x11  }
0xbb: {  	s0 =	sor.u32 s1, s0  }
0xbc: {  	s0 =	sadd.s32 $0x8F2B, s0  }
0xbd: {  	[sflag:s0] =	ssyncadd.remote.s32 $0x1  }
0xbe: {  	_ =	sfence.sel $0xFFFF  }
0xbf: {  	[dreg:$0x0] =	wrdreg $0xFFFFFFFF;
	(pc) =	sbr.abs _section_cstart, $3  }
0xc0: {  	[dreg:$0x1] =	wrdreg $0xFFFFFFFF  }
0xc1: {  	_ =	task.clear_ibuf [dreg:s7], $0x2FFFF;
	_ =	strace $0x9FFFFFFF  }
0xc2: {  	(tm) =	ssettm $0x7FFFFFFF  }
0xc3: {  	_ =	shalt  }
tec
execute0_lowered:
.L_overlay_start_1:
0x0: {  	(tag) =	ssettag $0x1  }
0x1: {  	s10 =	rddreg [dreg:$0x0]  }
0x2: {  	s2 =	rddreg [dreg:$0x1]  }
0x3: {  	s1 =	simm.s32 $0x0;
	s3 =	srdreg.scid;
	s19 =	simm.s32 $0x8000  }
0x4: {  	s20 =	simm.s32 $0x10000;
	s21 =	simm.s32 $0x11000;
	s22 =	simm.s32 $0x11200  }
0x5: {  	s23 =	simm.s32 $0x11400;
	s24 =	simm.s32 $0x11600;
	s25 =	simm.s32 $0x2  }
0x6: {  	s26 =	simm.s32 $0x0;
	[smem:$0x7FF] =	sst s1;
	s13 =	sadd.s32 $0xC00, s2  }
0x7: {  	s3 =	sand.u32 $0x1, s3;
	s14 =	sadd.s32 $0x2C00, s2;
	s2 =	stileid.u32  }
0x8: {  	_ =	strace $0x80000047;
	s4 =	ssub.s32 $0x2, s3;
	s9 =	sshll.u32 s3, $0x9  }
0x9: {  	s11 =	sshll.u32 s2, $0x12;
	s12 =	sshll.u32 s2, $0xC;
	s5 =	sshrl.u32 s4, $0x1  }
0xa: {  	s3 =	sor.u32 s9, s11;
	s6 =	sor.u32 $0x80, s9;
	s29 =	sor.u32 s9, s12  }
0xb: {  	s16 =	sor.u32 $0x100, s9;
	s18 =	sor.u32 $0x180, s9;
	s15 =	ssub.s32 s4, s5  }
0xc: {  	s3 =	sshrl.u32 s3, $0x3;
	s28 =	sor.u32 s11, s6;
	s7 =	sshrl.u32 s29, $0x3  }
0xd: {  	s8 =	sor.u32 s11, s16;
	s17 =	sor.u32 s12, s6;
	s11 =	sor.u32 s11, s18  }
0xe: {  	s16 =	sor.u32 s12, s16;
	s12 =	sor.u32 s12, s18;
	s18 =	simm.s32 $0x1  }
0xf: {  	s3 =	sadd.s32 s10, s3;
	s4 =	sshrl.u32 s28, $0x3;
	s5 =	sadd.s32 s13, s7  }
0x10: {  	s6 =	sadd.s32 s14, s7;
	s30 =	sshrl.u32 s8, $0x3;
	s17 =	sshrl.u32 s17, $0x3  }
0x11: {  	s11 =	sshrl.u32 s11, $0x3;
	s16 =	sshrl.u32 s16, $0x3;
	s31 =	sshrl.u32 s12, $0x3  }
0x12: {  	v0 =	vlaneseq.u32;
	s15 =	smax.u32 s15, $0x1;
	s4 =	sadd.s32 s10, s4;
	s7 =	sadd.s32 s10, s30  }
0x13: {  	v4 =	vmul.u32 $0xFFFFFFFF, v0;
	s8 =	sadd.s32 s13, s17;
	s9 =	sadd.s32 s14, s17;
	s10 =	sadd.s32 s10, s11  }
0x14: {  	v1 =	vimm.s32 $0x0;
	s11 =	sadd.s32 s13, s16;
	s12 =	sadd.s32 s14, s16;
	s13 =	sadd.s32 s13, s31  }
0x15: {  	v2 =	vimm.s32 $0x7FFFFFFF;
	v3 =	vimm.s32 $0x1;
	v4 =	vadd.s32 $0xF, v4;
	s14 =	sadd.s32 s14, s31;
	s16 =	simm.s32 $0x80;
	s17 =	simm.s32 $0x400  }
.LBB2_1:
0x16: {  	[tilespmem:s1], [sflag:$0x1] =	stream.strided.gather [hbm4b:s3+s16], $0x8000, s17, s16, $0x38;
	[tilespmem:$0x11800] =	vst v63  }
0x17: {  	_ =	swait.ge [sflag:s18], $0x8000  }
0x18: {  	[sflag:s18] =	ssyncset.done $0x0  }
0x19: {  	s30 =	simm.s32 $0x10040;
	[sflag:s18] =	ssyncadd.s32 $0xFFFF8000  }
0x1a: {  	[tilespmem:s19], [sflag:$0x1] =	stream.strided.gather [hbm4b:s4+s16], $0x8000, s17, s16, $0x38;
	[tilespmem:$0x11800] =	vst v63  }
0x1b: {  	[tilespmem:s30+$0xFFFFFFC0] =	vst v1  }
0x1c: {  	[tilespmem:s30+$0x30] =	vst v1  }
0x1d: {  	[tilespmem:s30+$0x20] =	vst v1  }
0x1e: {  	[tilespmem:s30+$0x10] =	vst v1  }
0x1f: {  	[tilespmem:s30+$0x0] =	vst v1  }
0x20: {  	[tilespmem:s30+$0xFFFFFFF0] =	vst v1  }
0x21: {  	s31 =	simm.s32 $0x0;
	s28 =	simm.s32 $0x11240;
	[tilespmem:s30+$0xFFFFFFE0] =	vst v1  }
.LBB2_2:
0x22: {  	s31 =	sadd.s32 $0x8, s31;
	[tilespmem:s30+$0xFFFFFFD0] =	vst v1;
	s30 =	sadd.s32 $0x80, s30;
	s29 =	simm.s32 $0x11040  }
0x23: {  	[tilespmem:s30+$0xFFFFFFC0] =	vst v1;
	p0 =	slt.u32 s31, $0xF8  }
0x24: {  	[tilespmem:s30+$0x30] =	vst v1  }
.Ltmp0:
0x25: {  	[tilespmem:s30+$0x20] =	vst v1;
	(pc) =	sbr.rel @p0 .LBB2_2-.Ltmp0, $4  }
0x26: {  	[tilespmem:s30+$0x10] =	vst v1  }
0x27: {  	[tilespmem:s30+$0x0] =	vst v1  }
0x28: {  	[tilespmem:s30+$0xFFFFFFF0] =	vst v1  }
0x29: {  	[tilespmem:s30+$0xFFFFFFE0] =	vst v1  }
0x2a: {  	[tilespmem:s30+$0xFFFFFFD0] =	vst v1;
	v5 =	vimm.s32 $0x0  }
0x2b: {  	[tilespmem:s29+$0x30] =	vst v5  }
0x2c: {  	[tilespmem:s29+$0xFFFFFFC0] =	vst v5  }
0x2d: {  	[tilespmem:s29+$0xFFFFFFD0] =	vst v5  }
0x2e: {  	[tilespmem:s29+$0xFFFFFFE0] =	vst v5  }
0x2f: {  	[tilespmem:s29+$0xFFFFFFF0] =	vst v5  }
0x30: {  	[tilespmem:s29+$0x0] =	vst v5  }
0x31: {  	[tilespmem:s29+$0x10] =	vst v5  }
0x32: {  	[tilespmem:s29+$0x20] =	vst v5  }
0x33: {  	[tilespmem:s28+$0x30] =	vst v2  }
0x34: {  	[tilespmem:s28+$0xFFFFFFC0] =	vst v2  }
0x35: {  	[tilespmem:s28+$0xFFFFFFD0] =	vst v2  }
0x36: {  	[tilespmem:s28+$0xFFFFFFE0] =	vst v2  }
0x37: {  	[tilespmem:s28+$0xFFFFFFF0] =	vst v2  }
0x38: {  	[tilespmem:s28+$0x0] =	vst v2  }
0x39: {  	s31 =	simm.s32 $0x0;
	[tilespmem:s28+$0x10] =	vst v2  }
.LBB2_4:
0x3a: {  	[tilespmem:s28+$0x20] =	vst v2;
	s29 =	sadd.s32 $0x80, s29  }
0x3b: {  	s31 =	sadd.s32 $0x8, s31;
	s28 =	sadd.s32 $0x80, s28;
	[tilespmem:s29+$0x30] =	vst v5  }
0x3c: {  	s30 =	simm.s32 $0x80;
	p0 =	slt.u32 s31, $0x18;
	[tilespmem:s28+$0x30] =	vst v2  }
0x3d: {  	[tilespmem:s29+$0xFFFFFFC0] =	vst v5  }
0x3e: {  	[tilespmem:s28+$0xFFFFFFC0] =	vst v2  }
0x3f: {  	[tilespmem:s29+$0xFFFFFFD0] =	vst v5  }
0x40: {  	[tilespmem:s28+$0xFFFFFFD0] =	vst v2  }
0x41: {  	[tilespmem:s29+$0xFFFFFFE0] =	vst v5  }
0x42: {  	[tilespmem:s28+$0xFFFFFFE0] =	vst v2  }
0x43: {  	[tilespmem:s29+$0xFFFFFFF0] =	vst v5  }
0x44: {  	[tilespmem:s28+$0xFFFFFFF0] =	vst v2  }
.Ltmp1:
0x45: {  	[tilespmem:s29+$0x0] =	vst v5;
	(pc) =	sbr.rel @p0 .LBB2_4-.Ltmp1, $4  }
0x46: {  	[tilespmem:s28+$0x0] =	vst v2  }
0x47: {  	[tilespmem:s29+$0x10] =	vst v5  }
0x48: {  	[tilespmem:s28+$0x10] =	vst v2  }
0x49: {  	[tilespmem:s29+$0x20] =	vst v5  }
0x4a: {  	[tilespmem:s28+$0x20] =	vst v2  }
0x4b: {  	v6 =	vld [tilespmem:s30+$0xFFFFFF80]  }
0x4c: {  	v7 =	vld [tilespmem:s30+$0xFFFFFF90]  }
0x4d: {  	v8 =	vld [tilespmem:s30+$0xFFFFFFA0]  }
0x4e: {  	v9 =	vld [tilespmem:s30+$0xFFFFFFB0]  }
0x4f: {  	v10 =	vld [tilespmem:s30+$0xFFFFFFC0]  }
0x50: {  	v11 =	vld [tilespmem:s30+$0xFFFFFFD0]  }
0x51: {  	v12 =	vld [tilespmem:s30+$0xFFFFFFE0]  }
0x52: {  	v13 =	vld [tilespmem:s30+$0xFFFFFFF0]  }
0x53: {  	v14 =	vld [tilespmem:s30+$0x0]  }
0x54: {  	v15 =	vld [tilespmem:s30+$0x10]  }
0x55: {  	v16 =	vld [tilespmem:s30+$0x20];
	v6 =	vshrl.u32 v6, $0x13  }
0x56: {  	v17 =	vld [tilespmem:s30+$0x30];
	v7 =	vshrl.u32 v7, $0x13;
	v6 =	vand.u32 $0xFFF, v6  }
0x57: {  	v18 =	vld [tilespmem:s30+$0x40];
	v8 =	vshrl.u32 v8, $0x13;
	v7 =	vand.u32 $0xFFF, v7  }
0x58: {  	v19 =	vld [tilespmem:s30+$0x50];
	v9 =	vshrl.u32 v9, $0x13;
	v8 =	vand.u32 $0xFFF, v8  }
0x59: {  	v20 =	vld [tilespmem:s30+$0x60];
	v10 =	vshrl.u32 v10, $0x13;
	v9 =	vand.u32 $0xFFF, v9;
	vm0 =	vgt.s32 v5, v6  }
0x5a: {  	v21 =	vld [tilespmem:s30+$0x70];
	v11 =	vshrl.u32 v11, $0x13;
	v10 =	vand.u32 $0xFFF, v10;
	v5 =	vsel vm0, v5, v6  }
0x5b: {  	v12 =	vshrl.u32 v12, $0x13;
	v11 =	vand.u32 $0xFFF, v11;
	v5 =	vmax.u32 v5, v7;
	[tilespmem:v6+s20+$0x0] =	vst.idx.add.s32.msk $0xffff, v3  }
0x5c: {  	v54 =	vshrl.u32 v15, $0x13;
	v5 =	vmax.u32 v5, v8;
	v6 =	vand.u32 $0xFFF, v12;
	[tilespmem:v7+s20+$0x0] =	vst.idx.add.s32.msk $0xffff, v3  }
0x5d: {  	v52 =	vshrl.u32 v13, $0x13;
	v55 =	vand.u32 $0xFFF, v54;
	v5 =	vmax.u32 v5, v9;
	[tilespmem:v8+s20+$0x0] =	vst.idx.add.s32.msk $0xffff, v3  }
0x5e: {  	v53 =	vshrl.u32 v14, $0x13;
	v7 =	vand.u32 $0xFFF, v52;
	[tilespmem:v9+s20+$0x0] =	vst.idx.add.s32.msk $0xffff, v3;
	v5 =	vmax.u32 v5, v10  }
0x5f: {  	v56 =	vshrl.u32 v16, $0x13;
	v8 =	vand.u32 $0xFFF, v53;
	[tilespmem:v10+s20+$0x0] =	vst.idx.add.s32.msk $0xffff, v3;
	v5 =	vmax.u32 v5, v11  }
0x60: {  	v60 =	vshrl.u32 v18, $0x13;
	v57 =	vand.u32 $0xFFF, v56;
	[tilespmem:v11+s20+$0x0] =	vst.idx.add.s32.msk $0xffff, v3;
	v5 =	vmax.u32 v5, v6  }
0x61: {  	v58 =	vshrl.u32 v17, $0x13;
	v5 =	vmax.u32 v5, v7;
	[tilespmem:v6+s20+$0x0] =	vst.idx.add.s32.msk $0xffff, v3;
	v6 =	vand.u32 $0xFFF, v60  }
0x62: {  	v61 =	vshrl.u32 v19, $0x13;
	v59 =	vand.u32 $0xFFF, v58;
	[tilespmem:v55+s20+$0x0] =	vst.idx.add.s32.msk $0xffff, v3;
	v5 =	vmax.u32 v5, v8  }
0x63: {  	v62 =	vshrl.u32 v20, $0x13;
	[tilespmem:v7+s20+$0x0] =	vst.idx.add.s32.msk $0xffff, v3;
	v7 =	vand.u32 $0xFFF, v61;
	v5 =	vmax.u32 v5, v55  }
0x64: {  	[tilespmem:v8+s20+$0x0] =	vst.idx.add.s32.msk $0xffff, v3;
	v8 =	vand.u32 $0xFFF, v62;
	v5 =	vmax.u32 v5, v57  }
0x65: {  	v63 =	vshrl.u32 v21, $0x13;
	[tilespmem:v57+s20+$0x0] =	vst.idx.add.s32.msk $0xffff, v3;
	v5 =	vmax.u32 v5, v59  }
0x66: {  	v5 =	vmax.u32 v5, v6;
	[tilespmem:v6+s20+$0x0] =	vst.idx.add.s32.msk $0xffff, v3;
	v6 =	vand.u32 $0xFFF, v63  }
0x67: {  	[tilespmem:v59+s20+$0x0] =	vst.idx.add.s32.msk $0xffff, v3;
	v5 =	vmax.u32 v5, v7  }
0x68: {  	[tilespmem:v7+s20+$0x0] =	vst.idx.add.s32.msk $0xffff, v3;
	v5 =	vmax.u32 v5, v8  }
0x69: {  	s28 =	simm.s32 $0x0;
	s29 =	simm.s32 $0x180;
	[tilespmem:v8+s20+$0x0] =	vst.idx.add.s32.msk $0xffff, v3;
	v5 =	vmax.u32 v5, v6  }
.LBB2_6:
0x6a: {  	v7 =	vld [tilespmem:s29+$0xFFFFFF80];
	s28 =	sadd.s32 $0x10, s28  }
0x6b: {  	p0 =	slt.u32 s28, $0x7F0;
	[tilespmem:v6+s20+$0x0] =	vst.idx.add.s32.msk $0xffff, v3  }
0x6c: {  	v6 =	vld [tilespmem:s29+$0xFFFFFF90]  }
0x6d: {  	v8 =	vld [tilespmem:s29+$0xFFFFFFA0]  }
0x6e: {  	v9 =	vld [tilespmem:s29+$0xFFFFFFB0]  }
0x6f: {  	v7 =	vshrl.u32 v7, $0x13;
	v10 =	vld [tilespmem:s29+$0xFFFFFFC0]  }
0x70: {  	v7 =	vand.u32 $0xFFF, v7;
	v11 =	vld [tilespmem:s29+$0xFFFFFFD0]  }
0x71: {  	vm0 =	vgt.s32 v5, v7;
	v6 =	vshrl.u32 v6, $0x13;
	v12 =	vld [tilespmem:s29+$0xFFFFFFE0]  }
0x72: {  	v5 =	vsel vm0, v5, v7;
	v6 =	vand.u32 $0xFFF, v6;
	v8 =	vshrl.u32 v8, $0x13;
	v13 =	vld [tilespmem:s29+$0xFFFFFFF0]  }
0x73: {  	v5 =	vmax.u32 v5, v6;
	v8 =	vand.u32 $0xFFF, v8;
	v9 =	vshrl.u32 v9, $0x13;
	v14 =	vld [tilespmem:s29+$0x0]  }
0x74: {  	v5 =	vmax.u32 v5, v8;
	v9 =	vand.u32 $0xFFF, v9;
	v10 =	vshrl.u32 v10, $0x13;
	v15 =	vld [tilespmem:s29+$0x10]  }
0x75: {  	v5 =	vmax.u32 v5, v9;
	v10 =	vand.u32 $0xFFF, v10;
	v11 =	vshrl.u32 v11, $0x13;
	v16 =	vld [tilespmem:s29+$0x20]  }
0x76: {  	v5 =	vmax.u32 v5, v10;
	v11 =	vand.u32 $0xFFF, v11;
	v12 =	vshrl.u32 v12, $0x13;
	v17 =	vld [tilespmem:s29+$0x30]  }
0x77: {  	v5 =	vmax.u32 v5, v11;
	v12 =	vand.u32 $0xFFF, v12;
	v13 =	vshrl.u32 v13, $0x13;
	v18 =	vld [tilespmem:s29+$0x40]  }
0x78: {  	v5 =	vmax.u32 v5, v12;
	v13 =	vand.u32 $0xFFF, v13;
	v14 =	vshrl.u32 v14, $0x13;
	v19 =	vld [tilespmem:s29+$0x50]  }
0x79: {  	v5 =	vmax.u32 v5, v13;
	v14 =	vand.u32 $0xFFF, v14;
	v15 =	vshrl.u32 v15, $0x13;
	v20 =	vld [tilespmem:s29+$0x60]  }
0x7a: {  	v5 =	vmax.u32 v5, v14;
	v15 =	vand.u32 $0xFFF, v15;
	v16 =	vshrl.u32 v16, $0x13;
	v21 =	vld [tilespmem:s29+$0x70]  }
0x7b: {  	[tilespmem:v7+s20+$0x0] =	vst.idx.add.s32.msk $0xffff, v3;
	v5 =	vmax.u32 v5, v15;
	v7 =	vand.u32 $0xFFF, v16;
	v16 =	vshrl.u32 v17, $0x13  }
0x7c: {  	[tilespmem:v6+s20+$0x0] =	vst.idx.add.s32.msk $0xffff, v3;
	v5 =	vmax.u32 v5, v7;
	v16 =	vand.u32 $0xFFF, v16;
	v6 =	vshrl.u32 v18, $0x13  }
0x7d: {  	[tilespmem:v8+s20+$0x0] =	vst.idx.add.s32.msk $0xffff, v3;
	v5 =	vmax.u32 v5, v16;
	v8 =	vand.u32 $0xFFF, v6;
	v6 =	vshrl.u32 v19, $0x13  }
0x7e: {  	[tilespmem:v9+s20+$0x0] =	vst.idx.add.s32.msk $0xffff, v3;
	v5 =	vmax.u32 v5, v8;
	v9 =	vand.u32 $0xFFF, v6;
	v6 =	vshrl.u32 v20, $0x13  }
0x7f: {  	[tilespmem:v10+s20+$0x0] =	vst.idx.add.s32.msk $0xffff, v3;
	v5 =	vmax.u32 v5, v9;
	v10 =	vand.u32 $0xFFF, v6;
	v6 =	vshrl.u32 v21, $0x13  }
0x80: {  	[tilespmem:v11+s20+$0x0] =	vst.idx.add.s32.msk $0xffff, v3;
	v5 =	vmax.u32 v5, v10;
	v6 =	vand.u32 $0xFFF, v6  }
0x81: {  	[tilespmem:v12+s20+$0x0] =	vst.idx.add.s32.msk $0xffff, v3;
	v5 =	vmax.u32 v5, v6  }
0x82: {  	[tilespmem:v13+s20+$0x0] =	vst.idx.add.s32.msk $0xffff, v3  }
0x83: {  	[tilespmem:v14+s20+$0x0] =	vst.idx.add.s32.msk $0xffff, v3  }
0x84: {  	[tilespmem:v15+s20+$0x0] =	vst.idx.add.s32.msk $0xffff, v3  }
.Ltmp2:
0x85: {  	[tilespmem:v7+s20+$0x0] =	vst.idx.add.s32.msk $0xffff, v3;
	(pc) =	sbr.rel @p0 .LBB2_6-.Ltmp2, $4  }
0x86: {  	[tilespmem:v16+s20+$0x0] =	vst.idx.add.s32.msk $0xffff, v3  }
0x87: {  	[tilespmem:v8+s20+$0x0] =	vst.idx.add.s32.msk $0xffff, v3  }
0x88: {  	[tilespmem:v9+s20+$0x0] =	vst.idx.add.s32.msk $0xffff, v3  }
0x89: {  	s29 =	sadd.s32 $0x100, s29;
	[tilespmem:v10+s20+$0x0] =	vst.idx.add.s32.msk $0xffff, v3  }
0x8a: {  	v5 =	vxor.u32 $0x80000000, v5  }
0x8b: {  	(xrf0) =	vmax.scan.msk.u32 $0xffff, v5;
	_ =	sdelay $0x5  }
0x8c: {  	v5, _, _ =	vpop (xrf0)  }
0x8d: {  	(v2sf) =	vpush v5, $0xF;
	_ =	sdelay $0xe  }
0x8e: {  	s28 =	spop (v2sf)  }
0x8f: {  	s28 =	sshra.s32 s28, $0x4  }
0x90: {  	s29 =	sshll.u32 s28, $0x6  }
0x91: {  	s28 =	sxor.u32 $0xF8000000, s28;
	s29 =	sshra.s32 s29, $0x2  }
0x92: {  	[tilespmem:v6+s20+$0x0] =	vst.idx.add.s32.msk $0xffff, v3;
	s31 =	simm.s32 $0x0;
	s28 =	sadd.s32 $0x1, s28;
	s29 =	sadd.s32 $0x10000, s29  }
.LBB2_8:
0x93: {  	v5 =	vld [tilespmem:s29+$0x0];
	_ =	sdelay $0x4  }
0x94: {  	(xrf0) =	vadd.scan.msk.s32 $0xffff, v5;
	_ =	sdelay $0x5  }
0x95: {  	v5, _, _ =	vpop (xrf0)  }
0x96: {  	(v2sf) =	vpush v5, $0xF;
	_ =	sdelay $0xe  }
0x97: {  	s30 =	smov.u32 s31;
	s31 =	spop (v2sf)  }
0x98: {  	s31 =	sadd.s32 s30, s31  }
0x99: {  	p0 =	slt.s32 s31, $0x100  }
.Ltmp3:
0x9a: {  	_ = 	snop;
	(pc) =	sbr.rel @p0 .LBB2_8-.Ltmp3, $2  }
0x9b: {  	_ =	sdelay $0x2  }
0x9c: {  	s29 =	sadd.s32 $0xFFFFFFF0, s29;
	s28 =	sadd.s32 $0xFFFFFFFF, s28  }
0x9d: {  	s28 =	sshll.u32 s28, $0x4  }
0x9e: {  	v5 =	vld [tilespmem:s28+$0x10000];
	_ =	sdelay $0x4  }
0x9f: {  	v5 =	vperm.xlane v5, v4;
	_ =	sdelay $0x1  }
0xa0: {  	(xrf0) =	vadd.scan.msk.s32 $0xffff, v5;
	_ =	sdelay $0x5  }
0xa1: {  	v5, _, _ =	vpop (xrf0)  }
0xa2: {  	v5 =	vperm.xlane v5, v4;
	_ =	sdelay $0x1  }
0xa3: {  	v5 =	vadd.s32 s30, v5  }
0xa4: {  	vm0 =	vgt.s32 v5, $0xFF  }
0xa5: {  	v5 =	vsel vm0, $0x1, v1  }
0xa6: {  	(xrf0) =	vadd.scan.msk.s32 $0xffff, v5;
	_ =	sdelay $0x5  }
0xa7: {  	v5, _, _ =	vpop (xrf0)  }
0xa8: {  	(v2sf) =	vpush v5, $0xF;
	_ =	sdelay $0xe  }
0xa9: {  	s29 =	spop (v2sf)  }
0xaa: {  	s28 =	sadd.s32 s29, s28  }
0xab: {  	s28 =	sshll.u32 s28, $0x13  }
0xac: {  	s29 =	sadd.s32 $0xFFF80000, s28;
	s28 =	simm.s32 $0x40  }
0xad: {  	v7 =	vld [tilespmem:s28+$0xFFFFFFD0]  }
0xae: {  	s31 =	simm.s32 $0x20;
	s0 =	simm.s32 $0x40;
	v13 =	vld [tilespmem:s28+$0xFFFFFFF0]  }
0xaf: {  	v17 =	vimm.s32 $0x0;
	v12 =	vor.u32 s31, v0;
	v15 =	vor.u32 s0, v0;
	s30 =	simm.s32 $0x0;
	v16 =	vld [tilespmem:s28+$0x0]  }
0xb0: {  	v20 =	vshll.u32 v12, $0x1;
	v25 =	vshll.u32 v15, $0x1;
	v6 =	vor.u32 s30, v0;
	s30 =	simm.s32 $0x10;
	v19 =	vld [tilespmem:s28+$0xFFFFFFC0]  }
0xb1: {  	v10 =	vor.u32 s30, v0;
	s30 =	simm.s32 $0x30;
	v18 =	vshll.u32 v6, $0x1;
	v5 =	vmov s29;
	s29 =	simm.s32 $0x70;
	v24 =	vld [tilespmem:s28+$0x30]  }
0xb2: {  	s0 =	simm.s32 $0x60;
	v14 =	vor.u32 s30, v0;
	s30 =	simm.s32 $0x50;
	v10 =	vshll.u32 v10, $0x1;
	v11 =	vld [tilespmem:s28+$0xFFFFFFE0];
	v8 =	vor.u32 s29, v0  }
0xb3: {  	v6 =	vor.u32 s30, v0;
	v9 =	vshll.u32 v8, $0x1;
	v8 =	vor.u32 s0, v0  }
0xb4: {  	v22 =	vshll.u32 v14, $0x1;
	v26 =	vshll.u32 v6, $0x1;
	v21 =	vld [tilespmem:s28+$0x10];
	v27 =	vshll.u32 v8, $0x1  }
0xb5: {  	v12 =	vshrl.u32 v7, $0x1;
	v8 =	vshrl.u32 v13, $0x1;
	v30 =	vshrl.u32 v16, $0x1  }
0xb6: {  	v14 =	vand.u32 $0x7FFFFFFF, v19;
	v15 =	vand.u32 $0x7FFFFFFF, v24;
	v19 =	vshrl.u32 v19, $0x1  }
0xb7: {  	v24 =	vshrl.u32 v24, $0x1;
	v6 =	vshrl.u32 v12, $0x1E;
	v12 =	vshrl.u32 v11, $0x1  }
0xb8: {  	v23 =	vld [tilespmem:s28+$0x20];
	v29 =	vshrl.u32 v8, $0x1E;
	v11 =	vand.u32 $0x7FFFFFFF, v11;
	v8 =	vand.u32 $0x7FFFFFFF, v13  }
0xb9: {  	vm6 =	vge.s32 v14, v5;
	v13 =	vand.u32 $0x7FFFFFFF, v21;
	vm7 =	vge.s32 v15, v5  }
0xba: {  	v21 =	vshrl.u32 v21, $0x1;
	v19 =	vshrl.u32 v19, $0x1E;
	v30 =	vshrl.u32 v30, $0x1E  }
0xbb: {  	v24 =	vshrl.u32 v24, $0x1E;
	v6 =	vor.u32 v6, v10;
	v28 =	vshrl.u32 v12, $0x1E  }
0xbc: {  	v12 =	vand.u32 $0x7FFFFFFF, v7;
	v7 =	vand.u32 $0x7FFFFFFF, v16;
	v16 =	vmpcnt.ones.xlane vm6  }
0xbd: {  	v10 =	vand.u32 $0x7FFFFFFF, v23;
	vm4 =	vge.s32 v11, v5;
	vm3 =	vge.s32 v8, v5  }
0xbe: {  	vm1 =	vge.s32 v13, v5;
	v37 =	vsel vm6, $0x1, v1;
	v38 =	vmpcnt.ones.xlane vm7  }
0xbf: {  	v43 =	vsel vm7, $0x1, v1;
	v23 =	vshrl.u32 v23, $0x1;
	v62 =	vshrl.u32 v21, $0x1E  }
0xc0: {  	vm5 =	vge.s32 v12, v5;
	v33 =	vmpcnt.ones.xlane vm3;
	vm2 =	vge.s32 v7, v5  }
0xc1: {  	v35 =	vmpcnt.ones.xlane vm1;
	vm0 =	vge.s32 v10, v5;
	v40 =	vsel vm4, $0x1, v1;
	(xrf0) =	vadd.scan.msk.s32 $0xffff, v37  }
0xc2: {  	v59 =	vsel vm3, $0x1, v1;
	v31 =	vmpcnt.ones.xlane vm5;
	v39 =	vsel vm5, $0x1, v1  }
0xc3: {  	v60 =	vsel vm1, $0x1, v1;
	v32 =	vadd.s32 v17, v16;
	v16 =	vmpcnt.ones.xlane vm4;
	(xrf0) =	vadd.scan.msk.s32 $0xffff, v39  }
0xc4: {  	v63 =	vshrl.u32 v23, $0x1E;
	v23 =	vor.u32 v19, v18;
	v31 =	vadd.s32 v32, v31;
	(xrf0) =	vadd.scan.msk.s32 $0xffff, v40  }
0xc5: {  	v42 =	vsel vm2, $0x1, v1;
	v34 =	vadd.s32 v31, v16;
	v16 =	vmpcnt.ones.xlane vm2;
	(xrf0) =	vadd.scan.msk.s32 $0xffff, v59  }
0xc6: {  	v21 =	vor.u32 v28, v20;
	v20 =	vor.u32 v29, v22;
	v33 =	vadd.s32 v34, v33;
	(xrf0) =	vadd.scan.msk.s32 $0xffff, v42  }
0xc7: {  	v61 =	vsel vm0, $0x1, v1;
	v36 =	vadd.s32 v33, v16;
	v16 =	vmpcnt.ones.xlane vm0;
	(xrf0) =	vadd.scan.msk.s32 $0xffff, v60;
	v18, _, _ =	vpop (xrf0)  }
0xc8: {  	v19 =	vor.u32 v30, v25;
	v35 =	vadd.s32 v36, v35;
	(xrf0) =	vadd.scan.msk.s32 $0xffff, v61;
	v18 =	vadd.s32 v18, v17  }
0xc9: {  	v17 =	vor.u32 v62, v26;
	v41 =	vadd.s32 v35, v16;
	v25, _, _ =	vpop (xrf0);
	(xrf0) =	vadd.scan.msk.s32 $0xffff, v43;
	v22 =	vadd.s32 $0xFFFFFFFF, v18  }
0xca: {  	v18 =	vor.u32 v63, v27;
	v16 =	vadd.s32 v41, v38;
	v25 =	vadd.s32 v25, v32;
	v26, _, _ =	vpop (xrf0)  }
0xcb: {  	vm9 =	vlt.s32 v22, $0x1FF;
	v25 =	vadd.s32 $0xFFFFFFFF, v25;
	v26 =	vadd.s32 v26, v31;
	v27, _, _ =	vpop (xrf0)  }
0xcc: {  	vm8 =	vlt.s32 v25, $0x1FF;
	v26 =	vadd.s32 $0xFFFFFFFF, v26;
	v27 =	vadd.s32 v27, v34;
	v28, _, _ =	vpop (xrf0)  }
0xcd: {  	vm10 =	vlt.s32 v26, $0x1FF;
	v27 =	vadd.s32 $0xFFFFFFFF, v27;
	v28 =	vadd.s32 v28, v33;
	v29, _, _ =	vpop (xrf0)  }
0xce: {  	vm11 =	vlt.s32 v27, $0x1FF;
	v28 =	vadd.s32 $0xFFFFFFFF, v28;
	v29 =	vadd.s32 v29, v36;
	v30, _, _ =	vpop (xrf0)  }
0xcf: {  	vm12 =	vlt.s32 v28, $0x1FF;
	v29 =	vadd.s32 $0xFFFFFFFF, v29;
	v30 =	vadd.s32 v30, v35;
	v31, _, _ =	vpop (xrf0)  }
0xd0: {  	s30 =	simm.s32 $0x0;
	vm13 =	vlt.s32 v29, $0x1FF;
	v30 =	vadd.s32 $0xFFFFFFFF, v30;
	v31 =	vadd.s32 v31, v41  }
.LBB2_10:
0xd1: {  	s30 =	sadd.s32 $0x8, s30;
	v32 =	vnsel vm9, $0x1FF, v22;
	vm9 =	vlt.s32 v30, $0x1FF;
	v31 =	vadd.s32 $0xFFFFFFFF, v31;
	v22 =	vmovc v16  }
0xd2: {  	v25 =	vnsel vm8, $0x1FF, v25;
	v26 =	vnsel vm10, $0x1FF, v26;
	p0 =	slt.u32 s30, $0x7F8;
	vm8 =	vlt.s32 v31, $0x1FF  }
0xd3: {  	v27 =	vnsel vm11, $0x1FF, v27;
	v28 =	vnsel vm12, $0x1FF, v28;
	s29 =	sadd.s32 $0x80, s29;
	v31 =	vnsel vm8, $0x1FF, v31  }
0xd4: {  	v29 =	vnsel vm13, $0x1FF, v29;
	v24 =	vor.u32 v24, v9;
	s28 =	sadd.s32 $0x80, s28;
	s31 =	sadd.s32 $0xFFFFFF90, s29;
	v30 =	vnsel vm9, $0x1FF, v30  }
0xd5: {  	s0 =	sadd.s32 $0xFFFFFFB0, s29;
	v9 =	vor.u32 s29, v0;
	v33 =	vor.u32 s31, v0;
	s31 =	sadd.s32 $0xFFFFFFA0, s29;
	v34 =	vld [tilespmem:s28+$0xFFFFFFD0]  }
0xd6: {  	v37 =	vor.u32 s0, v0;
	s0 =	sadd.s32 $0xFFFFFFC0, s29;
	v35 =	vor.u32 s31, v0;
	s31 =	sadd.s32 $0xFFFFFFD0, s29;
	v36 =	vld [tilespmem:s28+$0xFFFFFFE0];
	[tilespmem:v32+s21+$0x0] =	vst.idx.msk vm6, v14  }
0xd7: {  	v9 =	vshll.u32 v9, $0x1;
	v39 =	vor.u32 s31, v0;
	s31 =	sadd.s32 $0xFFFFFFF0, s29;
	v14 =	vor.u32 s0, v0;
	s0 =	sadd.s32 $0xFFFFFFE0, s29;
	v38 =	vld [tilespmem:s28+$0xFFFFFFF0];
	[tilespmem:v32+s22+$0x0] =	vst.idx.msk vm6, v23  }
0xd8: {  	v40 =	vor.u32 s31, v0;
	v23 =	vshll.u32 v33, $0x1;
	v33 =	vor.u32 s0, v0;
	v32 =	vld [tilespmem:s28+$0x0];
	[tilespmem:v31+s21+$0x0] =	vst.idx.msk vm7, v15  }
0xd9: {  	v15 =	vshll.u32 v35, $0x1;
	v35 =	vshll.u32 v37, $0x1;
	v37 =	vshll.u32 v14, $0x1;
	v41 =	vld [tilespmem:s28+$0xFFFFFFC0];
	[tilespmem:v31+s22+$0x0] =	vst.idx.msk vm7, v24  }
0xda: {  	v33 =	vshll.u32 v33, $0x1;
	v31 =	vshll.u32 v39, $0x1;
	v14 =	vshrl.u32 v34, $0x1;
	v24 =	vld [tilespmem:s28+$0x10];
	[tilespmem:v25+s21+$0x0] =	vst.idx.msk vm5, v12  }
0xdb: {  	v40 =	vshll.u32 v40, $0x1;
	v12 =	vshrl.u32 v14, $0x1E;
	v14 =	vshrl.u32 v36, $0x1;
	v39 =	vld [tilespmem:s28+$0x20];
	[tilespmem:v25+s22+$0x0] =	vst.idx.msk vm5, v6  }
0xdc: {  	v6 =	vor.u32 v12, v15;
	v25 =	vshrl.u32 v14, $0x1E;
	v14 =	vshrl.u32 v38, $0x1;
	v42 =	vld [tilespmem:s28+$0x30];
	[tilespmem:v26+s21+$0x0] =	vst.idx.msk vm4, v11  }
0xdd: {  	v12 =	vand.u32 $0x7FFFFFFF, v34;
	v34 =	vshrl.u32 v14, $0x1E;
	v43 =	vshrl.u32 v32, $0x1;
	[tilespmem:v26+s22+$0x0] =	vst.idx.msk vm4, v21  }
0xde: {  	v11 =	vand.u32 $0x7FFFFFFF, v36;
	v14 =	vand.u32 $0x7FFFFFFF, v41;
	[tilespmem:v27+s21+$0x0] =	vst.idx.msk vm3, v8;
	v8 =	vand.u32 $0x7FFFFFFF, v38  }
0xdf: {  	v15 =	vand.u32 $0x7FFFFFFF, v32;
	vm6 =	vge.s32 v14, v5;
	v21 =	vand.u32 $0x7FFFFFFF, v24;
	[tilespmem:v27+s22+$0x0] =	vst.idx.msk vm3, v20  }
0xe0: {  	vm5 =	vge.s32 v12, v5;
	v20 =	vmpcnt.ones.xlane vm6;
	v26 =	vand.u32 $0x7FFFFFFF, v39;
	[tilespmem:v28+s21+$0x0] =	vst.idx.msk vm2, v7;
	v7 =	vmovc v15  }
0xe1: {  	vm4 =	vge.s32 v11, v5;
	v27 =	vmpcnt.ones.xlane vm5;
	v15 =	vand.u32 $0x7FFFFFFF, v42;
	[tilespmem:v28+s22+$0x0] =	vst.idx.msk vm2, v19  }
0xe2: {  	vm3 =	vge.s32 v8, v5;
	v28 =	vadd.s32 v16, v20;
	v16 =	vmpcnt.ones.xlane vm4;
	[tilespmem:v29+s21+$0x0] =	vst.idx.msk vm1, v13  }
0xe3: {  	v19 =	vmpcnt.ones.xlane vm3;
	vm2 =	vge.s32 v7, v5;
	v27 =	vadd.s32 v28, v27;
	[tilespmem:v29+s22+$0x0] =	vst.idx.msk vm1, v17  }
0xe4: {  	vm1 =	vge.s32 v21, v5;
	v29 =	vadd.s32 v27, v16;
	v16 =	vmpcnt.ones.xlane vm2;
	[tilespmem:v30+s21+$0x0] =	vst.idx.msk vm0, v10  }
0xe5: {  	v17 =	vmpcnt.ones.xlane vm1;
	v32 =	vadd.s32 v29, v19;
	[tilespmem:v30+s22+$0x0] =	vst.idx.msk vm0, v18;
	vm0 =	vge.s32 v26, v5  }
0xe6: {  	vm7 =	vge.s32 v15, v5;
	v13 =	vmovc v21;
	v10 =	vmovc v26;
	v30 =	vadd.s32 v32, v16;
	v16 =	vmpcnt.ones.xlane vm0  }
0xe7: {  	v18 =	vsel vm6, $0x1, v1;
	v36 =	vadd.s32 v30, v17;
	v17 =	vmpcnt.ones.xlane vm7  }
0xe8: {  	v20 =	vsel vm4, $0x1, v1;
	v19 =	vsel vm5, $0x1, v1;
	v38 =	vadd.s32 v36, v16;
	(xrf0) =	vadd.scan.msk.s32 $0xffff, v18  }
0xe9: {  	v21 =	vsel vm2, $0x1, v1;
	v18 =	vsel vm3, $0x1, v1;
	v16 =	vadd.s32 v38, v17;
	(xrf0) =	vadd.scan.msk.s32 $0xffff, v19  }
0xea: {  	v26 =	vsel vm7, $0x1, v1;
	v17 =	vsel vm1, $0x1, v1;
	v19 =	vsel vm0, $0x1, v1;
	(xrf0) =	vadd.scan.msk.s32 $0xffff, v20  }
0xeb: {  	v24 =	vshrl.u32 v24, $0x1;
	v39 =	vshrl.u32 v39, $0x1;
	v20 =	vshrl.u32 v41, $0x1;
	(xrf0) =	vadd.scan.msk.s32 $0xffff, v18  }
0xec: {  	v41 =	vshrl.u32 v43, $0x1E;
	v18 =	vshrl.u32 v20, $0x1E;
	v20 =	vshrl.u32 v42, $0x1;
	(xrf0) =	vadd.scan.msk.s32 $0xffff, v21  }
0xed: {  	v39 =	vshrl.u32 v39, $0x1E;
	v42 =	vshrl.u32 v24, $0x1E;
	v24 =	vshrl.u32 v20, $0x1E;
	(xrf0) =	vadd.scan.msk.s32 $0xffff, v17  }
0xee: {  	v23 =	vor.u32 v18, v23;
	v21 =	vor.u32 v25, v35;
	v20 =	vor.u32 v34, v37;
	v17, _, _ =	vpop (xrf0);
	(xrf0) =	vadd.scan.msk.s32 $0xffff, v19  }
0xef: {  	v19 =	vor.u32 v41, v31;
	v18 =	vadd.s32 v17, v22;
	v17 =	vor.u32 v42, v33;
	v25, _, _ =	vpop (xrf0);
	(xrf0) =	vadd.scan.msk.s32 $0xffff, v26  }
0xf0: {  	v22 =	vadd.s32 $0xFFFFFFFF, v18;
	v25 =	vadd.s32 v25, v28;
	v18 =	vor.u32 v39, v40;
	v26, _, _ =	vpop (xrf0)  }
0xf1: {  	vm9 =	vlt.s32 v22, $0x1FF;
	v25 =	vadd.s32 $0xFFFFFFFF, v25;
	v26 =	vadd.s32 v26, v27;
	v27, _, _ =	vpop (xrf0)  }
.Ltmp4:
0xf2: {  	vm8 =	vlt.s32 v25, $0x1FF;
	v26 =	vadd.s32 $0xFFFFFFFF, v26;
	v27 =	vadd.s32 v27, v29;
	v28, _, _ =	vpop (xrf0);
	(pc) =	sbr.rel @p0 .LBB2_10-.Ltmp4, $4  }
0xf3: {  	vm10 =	vlt.s32 v26, $0x1FF;
	v27 =	vadd.s32 $0xFFFFFFFF, v27;
	v28 =	vadd.s32 v28, v32;
	v29, _, _ =	vpop (xrf0)  }
0xf4: {  	vm11 =	vlt.s32 v27, $0x1FF;
	v28 =	vadd.s32 $0xFFFFFFFF, v28;
	v29 =	vadd.s32 v29, v30;
	v30, _, _ =	vpop (xrf0)  }
0xf5: {  	vm12 =	vlt.s32 v28, $0x1FF;
	v29 =	vadd.s32 $0xFFFFFFFF, v29;
	v30 =	vadd.s32 v30, v36;
	v31, _, _ =	vpop (xrf0)  }
0xf6: {  	vm13 =	vlt.s32 v29, $0x1FF;
	v30 =	vadd.s32 $0xFFFFFFFF, v30;
	v31 =	vadd.s32 v31, v38  }
0xf7: {  	v5 =	vnsel vm9, $0x1FF, v22  }
0xf8: {  	v60 =	vnsel vm8, $0x1FF, v25  }
0xf9: {  	v61 =	vnsel vm10, $0x1FF, v26  }
0xfa: {  	v62 =	vnsel vm11, $0x1FF, v27;
	_ =	sdelay $0x1  }
0xfb: {  	[tilespmem:v5+s21+$0x0] =	vst.idx.msk vm6, v14  }
0xfc: {  	v16 =	vadd.s32 $0xFFFFFFFF, v31;
	[tilespmem:v60+s21+$0x0] =	vst.idx.msk vm5, v12  }
0xfd: {  	vm14 =	vlt.s32 v16, $0x1FF;
	[tilespmem:v61+s21+$0x0] =	vst.idx.msk vm4, v11  }
0xfe: {  	v16 =	vnsel vm14, $0x1FF, v16;
	[tilespmem:v62+s21+$0x0] =	vst.idx.msk vm3, v8  }
0xff: {  	vm15 =	vlt.s32 v30, $0x1FF;
	[tilespmem:v5+s22+$0x0] =	vst.idx.msk vm6, v23  }
0x100: {  	v63 =	vnsel vm15, $0x1FF, v30;
	[tilespmem:v60+s22+$0x0] =	vst.idx.msk vm5, v6  }
0x101: {  	[tilespmem:v61+s22+$0x0] =	vst.idx.msk vm4, v21  }
0x102: {  	v6 =	vnsel vm13, $0x1FF, v29;
	[tilespmem:v62+s22+$0x0] =	vst.idx.msk vm3, v20  }
0x103: {  	v5 =	vor.u32 v24, v9;
	[tilespmem:v16+s21+$0x0] =	vst.idx.msk vm7, v15  }
0x104: {  	[tilespmem:v16+s22+$0x0] =	vst.idx.msk vm7, v5;
	v5 =	vnsel vm12, $0x1FF, v28  }
0x105: {  	[tilespmem:v63+s21+$0x0] =	vst.idx.msk vm0, v10  }
0x106: {  	[tilespmem:v63+s22+$0x0] =	vst.idx.msk vm0, v18  }
0x107: {  	[tilespmem:v6+s21+$0x0] =	vst.idx.msk vm1, v13  }
0x108: {  	[tilespmem:v6+s22+$0x0] =	vst.idx.msk vm1, v17  }
0x109: {  	[tilespmem:v5+s21+$0x0] =	vst.idx.msk vm2, v7  }
0x10a: {  	[tilespmem:v5+s22+$0x0] =	vst.idx.msk vm2, v19  }
0x10b: {  	[hbm4b:s5+s16] =	stream.strided.scatter [tilespmem:s21], [sflag:$0x2], $0x200, s17, s16, $0x38;
	[tilespmem:$0x11800] =	vst v63  }
0x10c: {  	_ = 	snop  }
0x10d: {  	[hbm4b:s6+s16] =	stream.strided.scatter [tilespmem:s22], [sflag:$0x2], $0x200, s17, s16, $0x38;
	[tilespmem:$0x11800] =	vst v63  }
0x10e: {  	_ =	swait.ge [sflag:s18], $0x8000  }
0x10f: {  	[sflag:s18] =	ssyncset.done $0x0  }
0x110: {  	s30 =	simm.s32 $0x10040;
	[sflag:s18] =	ssyncadd.s32 $0xFFFF8000  }
0x111: {  	[tilespmem:s1], [sflag:$0x1] =	stream.strided.gather [hbm4b:s7+s16], $0x8000, s17, s16, $0x38;
	[tilespmem:$0x11800] =	vst v63  }
0x112: {  	[tilespmem:s30+$0xFFFFFFC0] =	vst v1  }
0x113: {  	[tilespmem:s30+$0x30] =	vst v1  }
0x114: {  	[tilespmem:s30+$0x20] =	vst v1  }
0x115: {  	[tilespmem:s30+$0x10] =	vst v1  }
0x116: {  	[tilespmem:s30+$0x0] =	vst v1  }
0x117: {  	[tilespmem:s30+$0xFFFFFFF0] =	vst v1  }
0x118: {  	s31 =	simm.s32 $0x0;
	s28 =	simm.s32 $0x11640;
	[tilespmem:s30+$0xFFFFFFE0] =	vst v1  }
.LBB2_12:
0x119: {  	s31 =	sadd.s32 $0x8, s31;
	[tilespmem:s30+$0xFFFFFFD0] =	vst v1;
	s30 =	sadd.s32 $0x80, s30;
	s29 =	simm.s32 $0x11440  }
0x11a: {  	[tilespmem:s30+$0xFFFFFFC0] =	vst v1;
	p0 =	slt.u32 s31, $0xF8  }
0x11b: {  	[tilespmem:s30+$0x30] =	vst v1  }
.Ltmp5:
0x11c: {  	[tilespmem:s30+$0x20] =	vst v1;
	(pc) =	sbr.rel @p0 .LBB2_12-.Ltmp5, $4  }
0x11d: {  	[tilespmem:s30+$0x10] =	vst v1  }
0x11e: {  	[tilespmem:s30+$0x0] =	vst v1  }
0x11f: {  	[tilespmem:s30+$0xFFFFFFF0] =	vst v1  }
0x120: {  	[tilespmem:s30+$0xFFFFFFE0] =	vst v1  }
0x121: {  	[tilespmem:s30+$0xFFFFFFD0] =	vst v1;
	v5 =	vimm.s32 $0x0  }
0x122: {  	[tilespmem:s29+$0x30] =	vst v5  }
0x123: {  	[tilespmem:s29+$0xFFFFFFC0] =	vst v5  }
0x124: {  	[tilespmem:s29+$0xFFFFFFD0] =	vst v5  }
0x125: {  	[tilespmem:s29+$0xFFFFFFE0] =	vst v5  }
0x126: {  	[tilespmem:s29+$0xFFFFFFF0] =	vst v5  }
0x127: {  	[tilespmem:s29+$0x0] =	vst v5  }
0x128: {  	[tilespmem:s29+$0x10] =	vst v5  }
0x129: {  	[tilespmem:s29+$0x20] =	vst v5  }
0x12a: {  	[tilespmem:s28+$0x30] =	vst v2  }
0x12b: {  	[tilespmem:s28+$0xFFFFFFC0] =	vst v2  }
0x12c: {  	[tilespmem:s28+$0xFFFFFFD0] =	vst v2  }
0x12d: {  	[tilespmem:s28+$0xFFFFFFE0] =	vst v2  }
0x12e: {  	[tilespmem:s28+$0xFFFFFFF0] =	vst v2  }
0x12f: {  	[tilespmem:s28+$0x0] =	vst v2  }
0x130: {  	s31 =	simm.s32 $0x0;
	s30 =	simm.s32 $0x8080;
	[tilespmem:s28+$0x10] =	vst v2  }
.LBB2_14:
0x131: {  	[tilespmem:s28+$0x20] =	vst v2;
	s29 =	sadd.s32 $0x80, s29  }
0x132: {  	s31 =	sadd.s32 $0x8, s31;
	s28 =	sadd.s32 $0x80, s28;
	[tilespmem:s29+$0x30] =	vst v5  }
0x133: {  	p0 =	slt.u32 s31, $0x18;
	[tilespmem:s28+$0x30] =	vst v2  }
0x134: {  	[tilespmem:s29+$0xFFFFFFC0] =	vst v5  }
0x135: {  	[tilespmem:s28+$0xFFFFFFC0] =	vst v2  }
0x136: {  	[tilespmem:s29+$0xFFFFFFD0] =	vst v5  }
0x137: {  	[tilespmem:s28+$0xFFFFFFD0] =	vst v2  }
0x138: {  	[tilespmem:s29+$0xFFFFFFE0] =	vst v5  }
0x139: {  	[tilespmem:s28+$0xFFFFFFE0] =	vst v2  }
0x13a: {  	[tilespmem:s29+$0xFFFFFFF0] =	vst v5  }
0x13b: {  	[tilespmem:s28+$0xFFFFFFF0] =	vst v2  }
.Ltmp6:
0x13c: {  	[tilespmem:s29+$0x0] =	vst v5;
	(pc) =	sbr.rel @p0 .LBB2_14-.Ltmp6, $4  }
0x13d: {  	[tilespmem:s28+$0x0] =	vst v2  }
0x13e: {  	[tilespmem:s29+$0x10] =	vst v5  }
0x13f: {  	[tilespmem:s28+$0x10] =	vst v2  }
0x140: {  	[tilespmem:s29+$0x20] =	vst v5  }
0x141: {  	[tilespmem:s28+$0x20] =	vst v2  }
0x142: {  	v6 =	vld [tilespmem:s30+$0xFFFFFF80]  }
0x143: {  	v7 =	vld [tilespmem:s30+$0xFFFFFF90]  }
0x144: {  	v8 =	vld [tilespmem:s30+$0xFFFFFFA0]  }
0x145: {  	v9 =	vld [tilespmem:s30+$0xFFFFFFB0]  }
0x146: {  	v10 =	vld [tilespmem:s30+$0xFFFFFFC0]  }
0x147: {  	v11 =	vld [tilespmem:s30+$0xFFFFFFD0]  }
0x148: {  	v12 =	vld [tilespmem:s30+$0xFFFFFFE0]  }
0x149: {  	v13 =	vld [tilespmem:s30+$0xFFFFFFF0]  }
0x14a: {  	v14 =	vld [tilespmem:s30+$0x0]  }
0x14b: {  	v15 =	vld [tilespmem:s30+$0x10]  }
0x14c: {  	v16 =	vld [tilespmem:s30+$0x20];
	v6 =	vshrl.u32 v6, $0x13  }
0x14d: {  	v17 =	vld [tilespmem:s30+$0x30];
	v7 =	vshrl.u32 v7, $0x13;
	v6 =	vand.u32 $0xFFF, v6  }
0x14e: {  	v18 =	vld [tilespmem:s30+$0x40];
	v8 =	vshrl.u32 v8, $0x13;
	v7 =	vand.u32 $0xFFF, v7  }
0x14f: {  	v19 =	vld [tilespmem:s30+$0x50];
	v9 =	vshrl.u32 v9, $0x13;
	v8 =	vand.u32 $0xFFF, v8  }
0x150: {  	v20 =	vld [tilespmem:s30+$0x60];
	v10 =	vshrl.u32 v10, $0x13;
	v9 =	vand.u32 $0xFFF, v9;
	vm0 =	vgt.s32 v5, v6  }
0x151: {  	v21 =	vld [tilespmem:s30+$0x70];
	v11 =	vshrl.u32 v11, $0x13;
	v10 =	vand.u32 $0xFFF, v10;
	v5 =	vsel vm0, v5, v6  }
0x152: {  	v12 =	vshrl.u32 v12, $0x13;
	v11 =	vand.u32 $0xFFF, v11;
	v5 =	vmax.u32 v5, v7;
	[tilespmem:v6+s20+$0x0] =	vst.idx.add.s32.msk $0xffff, v3  }
0x153: {  	v54 =	vshrl.u32 v15, $0x13;
	v5 =	vmax.u32 v5, v8;
	v6 =	vand.u32 $0xFFF, v12;
	[tilespmem:v7+s20+$0x0] =	vst.idx.add.s32.msk $0xffff, v3  }
0x154: {  	v52 =	vshrl.u32 v13, $0x13;
	v55 =	vand.u32 $0xFFF, v54;
	v5 =	vmax.u32 v5, v9;
	[tilespmem:v8+s20+$0x0] =	vst.idx.add.s32.msk $0xffff, v3  }
0x155: {  	v53 =	vshrl.u32 v14, $0x13;
	v7 =	vand.u32 $0xFFF, v52;
	[tilespmem:v9+s20+$0x0] =	vst.idx.add.s32.msk $0xffff, v3;
	v5 =	vmax.u32 v5, v10  }
0x156: {  	v56 =	vshrl.u32 v16, $0x13;
	v8 =	vand.u32 $0xFFF, v53;
	[tilespmem:v10+s20+$0x0] =	vst.idx.add.s32.msk $0xffff, v3;
	v5 =	vmax.u32 v5, v11  }
0x157: {  	v60 =	vshrl.u32 v18, $0x13;
	v57 =	vand.u32 $0xFFF, v56;
	[tilespmem:v11+s20+$0x0] =	vst.idx.add.s32.msk $0xffff, v3;
	v5 =	vmax.u32 v5, v6  }
0x158: {  	v58 =	vshrl.u32 v17, $0x13;
	v5 =	vmax.u32 v5, v7;
	[tilespmem:v6+s20+$0x0] =	vst.idx.add.s32.msk $0xffff, v3;
	v6 =	vand.u32 $0xFFF, v60  }
0x159: {  	v61 =	vshrl.u32 v19, $0x13;
	v59 =	vand.u32 $0xFFF, v58;
	[tilespmem:v55+s20+$0x0] =	vst.idx.add.s32.msk $0xffff, v3;
	v5 =	vmax.u32 v5, v8  }
0x15a: {  	v62 =	vshrl.u32 v20, $0x13;
	[tilespmem:v7+s20+$0x0] =	vst.idx.add.s32.msk $0xffff, v3;
	v7 =	vand.u32 $0xFFF, v61;
	v5 =	vmax.u32 v5, v55  }
0x15b: {  	[tilespmem:v8+s20+$0x0] =	vst.idx.add.s32.msk $0xffff, v3;
	v8 =	vand.u32 $0xFFF, v62;
	v5 =	vmax.u32 v5, v57  }
0x15c: {  	v63 =	vshrl.u32 v21, $0x13;
	[tilespmem:v57+s20+$0x0] =	vst.idx.add.s32.msk $0xffff, v3;
	v5 =	vmax.u32 v5, v59  }
0x15d: {  	v5 =	vmax.u32 v5, v6;
	[tilespmem:v6+s20+$0x0] =	vst.idx.add.s32.msk $0xffff, v3;
	v6 =	vand.u32 $0xFFF, v63  }
0x15e: {  	[tilespmem:v59+s20+$0x0] =	vst.idx.add.s32.msk $0xffff, v3;
	v5 =	vmax.u32 v5, v7  }
0x15f: {  	[tilespmem:v7+s20+$0x0] =	vst.idx.add.s32.msk $0xffff, v3;
	v5 =	vmax.u32 v5, v8  }
0x160: {  	s28 =	simm.s32 $0x0;
	s29 =	simm.s32 $0x8180;
	[tilespmem:v8+s20+$0x0] =	vst.idx.add.s32.msk $0xffff, v3;
	v5 =	vmax.u32 v5, v6  }
.LBB2_16:
0x161: {  	v7 =	vld [tilespmem:s29+$0xFFFFFF80];
	s28 =	sadd.s32 $0x10, s28  }
0x162: {  	p0 =	slt.u32 s28, $0x7F0;
	[tilespmem:v6+s20+$0x0] =	vst.idx.add.s32.msk $0xffff, v3  }
0x163: {  	v6 =	vld [tilespmem:s29+$0xFFFFFF90]  }
0x164: {  	v8 =	vld [tilespmem:s29+$0xFFFFFFA0]  }
0x165: {  	v9 =	vld [tilespmem:s29+$0xFFFFFFB0]  }
0x166: {  	v7 =	vshrl.u32 v7, $0x13;
	v10 =	vld [tilespmem:s29+$0xFFFFFFC0]  }
0x167: {  	v7 =	vand.u32 $0xFFF, v7;
	v11 =	vld [tilespmem:s29+$0xFFFFFFD0]  }
0x168: {  	vm0 =	vgt.s32 v5, v7;
	v6 =	vshrl.u32 v6, $0x13;
	v12 =	vld [tilespmem:s29+$0xFFFFFFE0]  }
0x169: {  	v5 =	vsel vm0, v5, v7;
	v6 =	vand.u32 $0xFFF, v6;
	v8 =	vshrl.u32 v8, $0x13;
	v13 =	vld [tilespmem:s29+$0xFFFFFFF0]  }
0x16a: {  	v5 =	vmax.u32 v5, v6;
	v8 =	vand.u32 $0xFFF, v8;
	v9 =	vshrl.u32 v9, $0x13;
	v14 =	vld [tilespmem:s29+$0x0]  }
0x16b: {  	v5 =	vmax.u32 v5, v8;
	v9 =	vand.u32 $0xFFF, v9;
	v10 =	vshrl.u32 v10, $0x13;
	v15 =	vld [tilespmem:s29+$0x10]  }
0x16c: {  	v5 =	vmax.u32 v5, v9;
	v10 =	vand.u32 $0xFFF, v10;
	v11 =	vshrl.u32 v11, $0x13;
	v16 =	vld [tilespmem:s29+$0x20]  }
0x16d: {  	v5 =	vmax.u32 v5, v10;
	v11 =	vand.u32 $0xFFF, v11;
	v12 =	vshrl.u32 v12, $0x13;
	v17 =	vld [tilespmem:s29+$0x30]  }
0x16e: {  	v5 =	vmax.u32 v5, v11;
	v12 =	vand.u32 $0xFFF, v12;
	v13 =	vshrl.u32 v13, $0x13;
	v18 =	vld [tilespmem:s29+$0x40]  }
0x16f: {  	v5 =	vmax.u32 v5, v12;
	v13 =	vand.u32 $0xFFF, v13;
	v14 =	vshrl.u32 v14, $0x13;
	v19 =	vld [tilespmem:s29+$0x50]  }
0x170: {  	v5 =	vmax.u32 v5, v13;
	v14 =	vand.u32 $0xFFF, v14;
	v15 =	vshrl.u32 v15, $0x13;
	v20 =	vld [tilespmem:s29+$0x60]  }
0x171: {  	v5 =	vmax.u32 v5, v14;
	v15 =	vand.u32 $0xFFF, v15;
	v16 =	vshrl.u32 v16, $0x13;
	v21 =	vld [tilespmem:s29+$0x70]  }
0x172: {  	[tilespmem:v7+s20+$0x0] =	vst.idx.add.s32.msk $0xffff, v3;
	v5 =	vmax.u32 v5, v15;
	v7 =	vand.u32 $0xFFF, v16;
	v16 =	vshrl.u32 v17, $0x13  }
0x173: {  	[tilespmem:v6+s20+$0x0] =	vst.idx.add.s32.msk $0xffff, v3;
	v5 =	vmax.u32 v5, v7;
	v16 =	vand.u32 $0xFFF, v16;
	v6 =	vshrl.u32 v18, $0x13  }
0x174: {  	[tilespmem:v8+s20+$0x0] =	vst.idx.add.s32.msk $0xffff, v3;
	v5 =	vmax.u32 v5, v16;
	v8 =	vand.u32 $0xFFF, v6;
	v6 =	vshrl.u32 v19, $0x13  }
0x175: {  	[tilespmem:v9+s20+$0x0] =	vst.idx.add.s32.msk $0xffff, v3;
	v5 =	vmax.u32 v5, v8;
	v9 =	vand.u32 $0xFFF, v6;
	v6 =	vshrl.u32 v20, $0x13  }
0x176: {  	[tilespmem:v10+s20+$0x0] =	vst.idx.add.s32.msk $0xffff, v3;
	v5 =	vmax.u32 v5, v9;
	v10 =	vand.u32 $0xFFF, v6;
	v6 =	vshrl.u32 v21, $0x13  }
0x177: {  	[tilespmem:v11+s20+$0x0] =	vst.idx.add.s32.msk $0xffff, v3;
	v5 =	vmax.u32 v5, v10;
	v6 =	vand.u32 $0xFFF, v6  }
0x178: {  	[tilespmem:v12+s20+$0x0] =	vst.idx.add.s32.msk $0xffff, v3;
	v5 =	vmax.u32 v5, v6  }
0x179: {  	[tilespmem:v13+s20+$0x0] =	vst.idx.add.s32.msk $0xffff, v3  }
0x17a: {  	[tilespmem:v14+s20+$0x0] =	vst.idx.add.s32.msk $0xffff, v3  }
0x17b: {  	[tilespmem:v15+s20+$0x0] =	vst.idx.add.s32.msk $0xffff, v3  }
.Ltmp7:
0x17c: {  	[tilespmem:v7+s20+$0x0] =	vst.idx.add.s32.msk $0xffff, v3;
	(pc) =	sbr.rel @p0 .LBB2_16-.Ltmp7, $4  }
0x17d: {  	[tilespmem:v16+s20+$0x0] =	vst.idx.add.s32.msk $0xffff, v3  }
0x17e: {  	[tilespmem:v8+s20+$0x0] =	vst.idx.add.s32.msk $0xffff, v3  }
0x17f: {  	[tilespmem:v9+s20+$0x0] =	vst.idx.add.s32.msk $0xffff, v3  }
0x180: {  	s29 =	sadd.s32 $0x100, s29;
	[tilespmem:v10+s20+$0x0] =	vst.idx.add.s32.msk $0xffff, v3  }
0x181: {  	v5 =	vxor.u32 $0x80000000, v5  }
0x182: {  	(xrf0) =	vmax.scan.msk.u32 $0xffff, v5;
	_ =	sdelay $0x5  }
0x183: {  	v5, _, _ =	vpop (xrf0)  }
0x184: {  	(v2sf) =	vpush v5, $0xF;
	_ =	sdelay $0xe  }
0x185: {  	s0 =	spop (v2sf)  }
0x186: {  	s0 =	sshra.s32 s0, $0x4  }
0x187: {  	s28 =	sshll.u32 s0, $0x6  }
0x188: {  	s0 =	sxor.u32 $0xF8000000, s0;
	s28 =	sshra.s32 s28, $0x2  }
0x189: {  	[tilespmem:v6+s20+$0x0] =	vst.idx.add.s32.msk $0xffff, v3;
	s31 =	simm.s32 $0x0;
	s29 =	sadd.s32 $0x10000, s28;
	s28 =	sadd.s32 $0x1, s0  }
.LBB2_18:
0x18a: {  	v5 =	vld [tilespmem:s29+$0x0];
	_ =	sdelay $0x4  }
0x18b: {  	(xrf0) =	vadd.scan.msk.s32 $0xffff, v5;
	_ =	sdelay $0x5  }
0x18c: {  	v5, _, _ =	vpop (xrf0)  }
0x18d: {  	(v2sf) =	vpush v5, $0xF;
	_ =	sdelay $0xe  }
0x18e: {  	s0 =	spop (v2sf)  }
0x18f: {  	s30 =	smov.u32 s31;
	s31 =	sadd.s32 s31, s0  }
0x190: {  	p0 =	slt.s32 s31, $0x100  }
.Ltmp8:
0x191: {  	_ = 	snop;
	(pc) =	sbr.rel @p0 .LBB2_18-.Ltmp8, $2  }
0x192: {  	_ =	sdelay $0x2  }
0x193: {  	s29 =	sadd.s32 $0xFFFFFFF0, s29;
	s28 =	sadd.s32 $0xFFFFFFFF, s28  }
0x194: {  	s0 =	sshll.u32 s28, $0x4  }
0x195: {  	v5 =	vld [tilespmem:s0+$0x10000];
	_ =	sdelay $0x4  }
0x196: {  	v5 =	vperm.xlane v5, v4;
	_ =	sdelay $0x1  }
0x197: {  	(xrf0) =	vadd.scan.msk.s32 $0xffff, v5;
	_ =	sdelay $0x5  }
0x198: {  	v5, _, _ =	vpop (xrf0)  }
0x199: {  	v5 =	vperm.xlane v5, v4;
	_ =	sdelay $0x1  }
0x19a: {  	v5 =	vadd.s32 s30, v5  }
0x19b: {  	vm0 =	vgt.s32 v5, $0xFF  }
0x19c: {  	v5 =	vsel vm0, $0x1, v1  }
0x19d: {  	(xrf0) =	vadd.scan.msk.s32 $0xffff, v5;
	_ =	sdelay $0x5  }
0x19e: {  	v5, _, _ =	vpop (xrf0)  }
0x19f: {  	(v2sf) =	vpush v5, $0xF;
	_ =	sdelay $0xe  }
0x1a0: {  	s28 =	spop (v2sf)  }
0x1a1: {  	s0 =	sadd.s32 s28, s0;
	s28 =	simm.s32 $0x8040  }
0x1a2: {  	v7 =	vld [tilespmem:s28+$0xFFFFFFD0]  }
0x1a3: {  	s29 =	simm.s32 $0x70;
	s31 =	simm.s32 $0x10;
	v13 =	vld [tilespmem:s28+$0xFFFFFFF0]  }
0x1a4: {  	v17 =	vimm.s32 $0x0;
	v8 =	vor.u32 s29, v0;
	v10 =	vor.u32 s31, v0;
	s31 =	simm.s32 $0x30;
	s30 =	simm.s32 $0x0;
	v16 =	vld [tilespmem:s28+$0x0]  }
0x1a5: {  	v14 =	vor.u32 s31, v0;
	v9 =	vshll.u32 v8, $0x1;
	v6 =	vor.u32 s30, v0;
	s30 =	simm.s32 $0x20;
	v19 =	vld [tilespmem:s28+$0xFFFFFFC0]  }
0x1a6: {  	s31 =	simm.s32 $0x50;
	v10 =	vshll.u32 v10, $0x1;
	v22 =	vshll.u32 v14, $0x1;
	v12 =	vor.u32 s30, v0;
	s30 =	simm.s32 $0x40;
	v24 =	vld [tilespmem:s28+$0x30]  }
0x1a7: {  	v18 =	vshll.u32 v6, $0x1;
	v6 =	vor.u32 s31, v0;
	v15 =	vor.u32 s30, v0;
	s30 =	simm.s32 $0x60;
	s0 =	sshll.u32 s0, $0x13;
	v11 =	vld [tilespmem:s28+$0xFFFFFFE0]  }
0x1a8: {  	v20 =	vshll.u32 v12, $0x1;
	v26 =	vshll.u32 v6, $0x1;
	v8 =	vor.u32 s30, v0;
	s0 =	sadd.s32 $0xFFF80000, s0  }
0x1a9: {  	v25 =	vshll.u32 v15, $0x1;
	v27 =	vshll.u32 v8, $0x1;
	v21 =	vld [tilespmem:s28+$0x10];
	v5 =	vmov s0  }
0x1aa: {  	v12 =	vshrl.u32 v7, $0x1;
	v8 =	vshrl.u32 v13, $0x1;
	v30 =	vshrl.u32 v16, $0x1  }
0x1ab: {  	v14 =	vand.u32 $0x7FFFFFFF, v19;
	v15 =	vand.u32 $0x7FFFFFFF, v24;
	v19 =	vshrl.u32 v19, $0x1  }
0x1ac: {  	v24 =	vshrl.u32 v24, $0x1;
	v6 =	vshrl.u32 v12, $0x1E;
	v12 =	vshrl.u32 v11, $0x1  }
0x1ad: {  	v23 =	vld [tilespmem:s28+$0x20];
	v29 =	vshrl.u32 v8, $0x1E;
	v11 =	vand.u32 $0x7FFFFFFF, v11;
	v8 =	vand.u32 $0x7FFFFFFF, v13  }
0x1ae: {  	vm6 =	vge.s32 v14, v5;
	v13 =	vand.u32 $0x7FFFFFFF, v21;
	vm7 =	vge.s32 v15, v5  }
0x1af: {  	v21 =	vshrl.u32 v21, $0x1;
	v19 =	vshrl.u32 v19, $0x1E;
	v30 =	vshrl.u32 v30, $0x1E  }
0x1b0: {  	v24 =	vshrl.u32 v24, $0x1E;
	v6 =	vor.u32 v6, v10;
	v28 =	vshrl.u32 v12, $0x1E  }
0x1b1: {  	v12 =	vand.u32 $0x7FFFFFFF, v7;
	v7 =	vand.u32 $0x7FFFFFFF, v16;
	v16 =	vmpcnt.ones.xlane vm6  }
0x1b2: {  	v10 =	vand.u32 $0x7FFFFFFF, v23;
	vm4 =	vge.s32 v11, v5;
	vm3 =	vge.s32 v8, v5  }
0x1b3: {  	vm1 =	vge.s32 v13, v5;
	v37 =	vsel vm6, $0x1, v1;
	v38 =	vmpcnt.ones.xlane vm7  }
0x1b4: {  	v43 =	vsel vm7, $0x1, v1;
	v23 =	vshrl.u32 v23, $0x1;
	v62 =	vshrl.u32 v21, $0x1E  }
0x1b5: {  	vm5 =	vge.s32 v12, v5;
	v33 =	vmpcnt.ones.xlane vm3;
	vm2 =	vge.s32 v7, v5  }
0x1b6: {  	v35 =	vmpcnt.ones.xlane vm1;
	vm0 =	vge.s32 v10, v5;
	v40 =	vsel vm4, $0x1, v1;
	(xrf0) =	vadd.scan.msk.s32 $0xffff, v37  }
0x1b7: {  	v59 =	vsel vm3, $0x1, v1;
	v31 =	vmpcnt.ones.xlane vm5;
	v39 =	vsel vm5, $0x1, v1  }
0x1b8: {  	v60 =	vsel vm1, $0x1, v1;
	v32 =	vadd.s32 v17, v16;
	v16 =	vmpcnt.ones.xlane vm4;
	(xrf0) =	vadd.scan.msk.s32 $0xffff, v39  }
0x1b9: {  	v63 =	vshrl.u32 v23, $0x1E;
	v23 =	vor.u32 v19, v18;
	v31 =	vadd.s32 v32, v31;
	(xrf0) =	vadd.scan.msk.s32 $0xffff, v40  }
0x1ba: {  	v42 =	vsel vm2, $0x1, v1;
	v34 =	vadd.s32 v31, v16;
	v16 =	vmpcnt.ones.xlane vm2;
	(xrf0) =	vadd.scan.msk.s32 $0xffff, v59  }
0x1bb: {  	v21 =	vor.u32 v28, v20;
	v20 =	vor.u32 v29, v22;
	v33 =	vadd.s32 v34, v33;
	(xrf0) =	vadd.scan.msk.s32 $0xffff, v42  }
0x1bc: {  	v61 =	vsel vm0, $0x1, v1;
	v36 =	vadd.s32 v33, v16;
	v16 =	vmpcnt.ones.xlane vm0;
	(xrf0) =	vadd.scan.msk.s32 $0xffff, v60;
	v18, _, _ =	vpop (xrf0)  }
0x1bd: {  	v19 =	vor.u32 v30, v25;
	v35 =	vadd.s32 v36, v35;
	(xrf0) =	vadd.scan.msk.s32 $0xffff, v61;
	v18 =	vadd.s32 v18, v17  }
0x1be: {  	v17 =	vor.u32 v62, v26;
	v41 =	vadd.s32 v35, v16;
	v25, _, _ =	vpop (xrf0);
	(xrf0) =	vadd.scan.msk.s32 $0xffff, v43;
	v22 =	vadd.s32 $0xFFFFFFFF, v18  }
0x1bf: {  	v18 =	vor.u32 v63, v27;
	v16 =	vadd.s32 v41, v38;
	v25 =	vadd.s32 v25, v32;
	v26, _, _ =	vpop (xrf0)  }
0x1c0: {  	vm9 =	vlt.s32 v22, $0x1FF;
	v25 =	vadd.s32 $0xFFFFFFFF, v25;
	v26 =	vadd.s32 v26, v31;
	v27, _, _ =	vpop (xrf0)  }
0x1c1: {  	vm8 =	vlt.s32 v25, $0x1FF;
	v26 =	vadd.s32 $0xFFFFFFFF, v26;
	v27 =	vadd.s32 v27, v34;
	v28, _, _ =	vpop (xrf0)  }
0x1c2: {  	vm10 =	vlt.s32 v26, $0x1FF;
	v27 =	vadd.s32 $0xFFFFFFFF, v27;
	v28 =	vadd.s32 v28, v33;
	v29, _, _ =	vpop (xrf0)  }
0x1c3: {  	vm11 =	vlt.s32 v27, $0x1FF;
	v28 =	vadd.s32 $0xFFFFFFFF, v28;
	v29 =	vadd.s32 v29, v36;
	v30, _, _ =	vpop (xrf0)  }
0x1c4: {  	vm12 =	vlt.s32 v28, $0x1FF;
	v29 =	vadd.s32 $0xFFFFFFFF, v29;
	v30 =	vadd.s32 v30, v35;
	v31, _, _ =	vpop (xrf0)  }
0x1c5: {  	s30 =	simm.s32 $0x0;
	vm13 =	vlt.s32 v29, $0x1FF;
	v30 =	vadd.s32 $0xFFFFFFFF, v30;
	v31 =	vadd.s32 v31, v41  }
.LBB2_20:
0x1c6: {  	s30 =	sadd.s32 $0x8, s30;
	v32 =	vnsel vm9, $0x1FF, v22;
	vm9 =	vlt.s32 v30, $0x1FF;
	v31 =	vadd.s32 $0xFFFFFFFF, v31;
	v22 =	vmovc v16  }
0x1c7: {  	v25 =	vnsel vm8, $0x1FF, v25;
	v26 =	vnsel vm10, $0x1FF, v26;
	p0 =	slt.u32 s30, $0x7F8;
	vm8 =	vlt.s32 v31, $0x1FF  }
0x1c8: {  	v27 =	vnsel vm11, $0x1FF, v27;
	v28 =	vnsel vm12, $0x1FF, v28;
	s29 =	sadd.s32 $0x80, s29;
	v31 =	vnsel vm8, $0x1FF, v31  }
0x1c9: {  	v29 =	vnsel vm13, $0x1FF, v29;
	v24 =	vor.u32 v24, v9;
	s28 =	sadd.s32 $0x80, s28;
	s0 =	sadd.s32 $0xFFFFFF90, s29;
	v30 =	vnsel vm9, $0x1FF, v30  }
0x1ca: {  	s31 =	sadd.s32 $0xFFFFFFB0, s29;
	v9 =	vor.u32 s29, v0;
	v33 =	vor.u32 s0, v0;
	s0 =	sadd.s32 $0xFFFFFFA0, s29;
	v34 =	vld [tilespmem:s28+$0xFFFFFFD0]  }
0x1cb: {  	v37 =	vor.u32 s31, v0;
	s31 =	sadd.s32 $0xFFFFFFD0, s29;
	v35 =	vor.u32 s0, v0;
	s0 =	sadd.s32 $0xFFFFFFC0, s29;
	v36 =	vld [tilespmem:s28+$0xFFFFFFE0];
	[tilespmem:v32+s23+$0x0] =	vst.idx.msk vm6, v14  }
0x1cc: {  	v9 =	vshll.u32 v9, $0x1;
	v39 =	vor.u32 s31, v0;
	s31 =	sadd.s32 $0xFFFFFFF0, s29;
	v14 =	vor.u32 s0, v0;
	s0 =	sadd.s32 $0xFFFFFFE0, s29;
	v38 =	vld [tilespmem:s28+$0xFFFFFFF0];
	[tilespmem:v32+s24+$0x0] =	vst.idx.msk vm6, v23  }
0x1cd: {  	v40 =	vor.u32 s31, v0;
	v23 =	vshll.u32 v33, $0x1;
	v33 =	vor.u32 s0, v0;
	v32 =	vld [tilespmem:s28+$0x0];
	[tilespmem:v31+s23+$0x0] =	vst.idx.msk vm7, v15  }
0x1ce: {  	v15 =	vshll.u32 v35, $0x1;
	v35 =	vshll.u32 v37, $0x1;
	v37 =	vshll.u32 v14, $0x1;
	v41 =	vld [tilespmem:s28+$0xFFFFFFC0];
	[tilespmem:v31+s24+$0x0] =	vst.idx.msk vm7, v24  }
0x1cf: {  	v33 =	vshll.u32 v33, $0x1;
	v31 =	vshll.u32 v39, $0x1;
	v14 =	vshrl.u32 v34, $0x1;
	v24 =	vld [tilespmem:s28+$0x10];
	[tilespmem:v25+s23+$0x0] =	vst.idx.msk vm5, v12  }
0x1d0: {  	v40 =	vshll.u32 v40, $0x1;
	v12 =	vshrl.u32 v14, $0x1E;
	v14 =	vshrl.u32 v36, $0x1;
	v39 =	vld [tilespmem:s28+$0x20];
	[tilespmem:v25+s24+$0x0] =	vst.idx.msk vm5, v6  }
0x1d1: {  	v6 =	vor.u32 v12, v15;
	v25 =	vshrl.u32 v14, $0x1E;
	v14 =	vshrl.u32 v38, $0x1;
	v42 =	vld [tilespmem:s28+$0x30];
	[tilespmem:v26+s23+$0x0] =	vst.idx.msk vm4, v11  }
0x1d2: {  	v12 =	vand.u32 $0x7FFFFFFF, v34;
	v34 =	vshrl.u32 v14, $0x1E;
	v43 =	vshrl.u32 v32, $0x1;
	[tilespmem:v26+s24+$0x0] =	vst.idx.msk vm4, v21  }
0x1d3: {  	v11 =	vand.u32 $0x7FFFFFFF, v36;
	v14 =	vand.u32 $0x7FFFFFFF, v41;
	[tilespmem:v27+s23+$0x0] =	vst.idx.msk vm3, v8;
	v8 =	vand.u32 $0x7FFFFFFF, v38  }
0x1d4: {  	v15 =	vand.u32 $0x7FFFFFFF, v32;
	vm6 =	vge.s32 v14, v5;
	v21 =	vand.u32 $0x7FFFFFFF, v24;
	[tilespmem:v27+s24+$0x0] =	vst.idx.msk vm3, v20  }
0x1d5: {  	vm5 =	vge.s32 v12, v5;
	v20 =	vmpcnt.ones.xlane vm6;
	v26 =	vand.u32 $0x7FFFFFFF, v39;
	[tilespmem:v28+s23+$0x0] =	vst.idx.msk vm2, v7;
	v7 =	vmovc v15  }
0x1d6: {  	vm4 =	vge.s32 v11, v5;
	v27 =	vmpcnt.ones.xlane vm5;
	v15 =	vand.u32 $0x7FFFFFFF, v42;
	[tilespmem:v28+s24+$0x0] =	vst.idx.msk vm2, v19  }
0x1d7: {  	vm3 =	vge.s32 v8, v5;
	v28 =	vadd.s32 v16, v20;
	v16 =	vmpcnt.ones.xlane vm4;
	[tilespmem:v29+s23+$0x0] =	vst.idx.msk vm1, v13  }
0x1d8: {  	v19 =	vmpcnt.ones.xlane vm3;
	vm2 =	vge.s32 v7, v5;
	v27 =	vadd.s32 v28, v27;
	[tilespmem:v29+s24+$0x0] =	vst.idx.msk vm1, v17  }
0x1d9: {  	vm1 =	vge.s32 v21, v5;
	v29 =	vadd.s32 v27, v16;
	v16 =	vmpcnt.ones.xlane vm2;
	[tilespmem:v30+s23+$0x0] =	vst.idx.msk vm0, v10  }
0x1da: {  	v17 =	vmpcnt.ones.xlane vm1;
	v32 =	vadd.s32 v29, v19;
	[tilespmem:v30+s24+$0x0] =	vst.idx.msk vm0, v18;
	vm0 =	vge.s32 v26, v5  }
0x1db: {  	vm7 =	vge.s32 v15, v5;
	v13 =	vmovc v21;
	v10 =	vmovc v26;
	v30 =	vadd.s32 v32, v16;
	v16 =	vmpcnt.ones.xlane vm0  }
0x1dc: {  	v18 =	vsel vm6, $0x1, v1;
	v36 =	vadd.s32 v30, v17;
	v17 =	vmpcnt.ones.xlane vm7  }
0x1dd: {  	v20 =	vsel vm4, $0x1, v1;
	v19 =	vsel vm5, $0x1, v1;
	v38 =	vadd.s32 v36, v16;
	(xrf0) =	vadd.scan.msk.s32 $0xffff, v18  }
0x1de: {  	v21 =	vsel vm2, $0x1, v1;
	v18 =	vsel vm3, $0x1, v1;
	v16 =	vadd.s32 v38, v17;
	(xrf0) =	vadd.scan.msk.s32 $0xffff, v19  }
0x1df: {  	v26 =	vsel vm7, $0x1, v1;
	v17 =	vsel vm1, $0x1, v1;
	v19 =	vsel vm0, $0x1, v1;
	(xrf0) =	vadd.scan.msk.s32 $0xffff, v20  }
0x1e0: {  	v24 =	vshrl.u32 v24, $0x1;
	v39 =	vshrl.u32 v39, $0x1;
	v20 =	vshrl.u32 v41, $0x1;
	(xrf0) =	vadd.scan.msk.s32 $0xffff, v18  }
0x1e1: {  	v41 =	vshrl.u32 v43, $0x1E;
	v18 =	vshrl.u32 v20, $0x1E;
	v20 =	vshrl.u32 v42, $0x1;
	(xrf0) =	vadd.scan.msk.s32 $0xffff, v21  }
0x1e2: {  	v39 =	vshrl.u32 v39, $0x1E;
	v42 =	vshrl.u32 v24, $0x1E;
	v24 =	vshrl.u32 v20, $0x1E;
	(xrf0) =	vadd.scan.msk.s32 $0xffff, v17  }
0x1e3: {  	v23 =	vor.u32 v18, v23;
	v21 =	vor.u32 v25, v35;
	v20 =	vor.u32 v34, v37;
	v17, _, _ =	vpop (xrf0);
	(xrf0) =	vadd.scan.msk.s32 $0xffff, v19  }
0x1e4: {  	v19 =	vor.u32 v41, v31;
	v18 =	vadd.s32 v17, v22;
	v17 =	vor.u32 v42, v33;
	v25, _, _ =	vpop (xrf0);
	(xrf0) =	vadd.scan.msk.s32 $0xffff, v26  }
0x1e5: {  	v22 =	vadd.s32 $0xFFFFFFFF, v18;
	v25 =	vadd.s32 v25, v28;
	v18 =	vor.u32 v39, v40;
	v26, _, _ =	vpop (xrf0)  }
0x1e6: {  	vm9 =	vlt.s32 v22, $0x1FF;
	v25 =	vadd.s32 $0xFFFFFFFF, v25;
	v26 =	vadd.s32 v26, v27;
	v27, _, _ =	vpop (xrf0)  }
.Ltmp9:
0x1e7: {  	vm8 =	vlt.s32 v25, $0x1FF;
	v26 =	vadd.s32 $0xFFFFFFFF, v26;
	v27 =	vadd.s32 v27, v29;
	v28, _, _ =	vpop (xrf0);
	(pc) =	sbr.rel @p0 .LBB2_20-.Ltmp9, $4  }
0x1e8: {  	vm10 =	vlt.s32 v26, $0x1FF;
	v27 =	vadd.s32 $0xFFFFFFFF, v27;
	v28 =	vadd.s32 v28, v32;
	v29, _, _ =	vpop (xrf0)  }
0x1e9: {  	vm11 =	vlt.s32 v27, $0x1FF;
	v28 =	vadd.s32 $0xFFFFFFFF, v28;
	v29 =	vadd.s32 v29, v30;
	v30, _, _ =	vpop (xrf0)  }
0x1ea: {  	vm12 =	vlt.s32 v28, $0x1FF;
	v29 =	vadd.s32 $0xFFFFFFFF, v29;
	v30 =	vadd.s32 v30, v36;
	v31, _, _ =	vpop (xrf0)  }
0x1eb: {  	vm13 =	vlt.s32 v29, $0x1FF;
	v30 =	vadd.s32 $0xFFFFFFFF, v30;
	v31 =	vadd.s32 v31, v38  }
0x1ec: {  	v5 =	vnsel vm9, $0x1FF, v22  }
0x1ed: {  	v60 =	vnsel vm8, $0x1FF, v25  }
0x1ee: {  	v61 =	vnsel vm10, $0x1FF, v26  }
0x1ef: {  	v62 =	vnsel vm11, $0x1FF, v27;
	_ =	sdelay $0x1  }
0x1f0: {  	[tilespmem:v5+s23+$0x0] =	vst.idx.msk vm6, v14  }
0x1f1: {  	v16 =	vadd.s32 $0xFFFFFFFF, v31;
	[tilespmem:v60+s23+$0x0] =	vst.idx.msk vm5, v12  }
0x1f2: {  	vm14 =	vlt.s32 v16, $0x1FF;
	[tilespmem:v61+s23+$0x0] =	vst.idx.msk vm4, v11  }
0x1f3: {  	v16 =	vnsel vm14, $0x1FF, v16;
	[tilespmem:v62+s23+$0x0] =	vst.idx.msk vm3, v8  }
0x1f4: {  	vm15 =	vlt.s32 v30, $0x1FF;
	[tilespmem:v5+s24+$0x0] =	vst.idx.msk vm6, v23  }
0x1f5: {  	v63 =	vnsel vm15, $0x1FF, v30;
	[tilespmem:v60+s24+$0x0] =	vst.idx.msk vm5, v6  }
0x1f6: {  	[tilespmem:v61+s24+$0x0] =	vst.idx.msk vm4, v21  }
0x1f7: {  	v6 =	vnsel vm13, $0x1FF, v29;
	[tilespmem:v62+s24+$0x0] =	vst.idx.msk vm3, v20  }
0x1f8: {  	v5 =	vor.u32 v24, v9;
	[tilespmem:v16+s23+$0x0] =	vst.idx.msk vm7, v15  }
0x1f9: {  	[tilespmem:v16+s24+$0x0] =	vst.idx.msk vm7, v5;
	v5 =	vnsel vm12, $0x1FF, v28  }
0x1fa: {  	[tilespmem:v63+s23+$0x0] =	vst.idx.msk vm0, v10  }
0x1fb: {  	[tilespmem:v63+s24+$0x0] =	vst.idx.msk vm0, v18  }
0x1fc: {  	[tilespmem:v6+s23+$0x0] =	vst.idx.msk vm1, v13  }
0x1fd: {  	[tilespmem:v6+s24+$0x0] =	vst.idx.msk vm1, v17  }
0x1fe: {  	[tilespmem:v5+s23+$0x0] =	vst.idx.msk vm2, v7  }
0x1ff: {  	[tilespmem:v5+s24+$0x0] =	vst.idx.msk vm2, v19  }
0x200: {  	[hbm4b:s8+s16] =	stream.strided.scatter [tilespmem:s23], [sflag:$0x2], $0x200, s17, s16, $0x38;
	[tilespmem:$0x11800] =	vst v63  }
0x201: {  	_ = 	snop  }
0x202: {  	[hbm4b:s9+s16] =	stream.strided.scatter [tilespmem:s24], [sflag:$0x2], $0x200, s17, s16, $0x38;
	[tilespmem:$0x11800] =	vst v63  }
0x203: {  	_ =	swait.ge [sflag:s18], $0x8000  }
0x204: {  	[sflag:s18] =	ssyncset.done $0x0  }
0x205: {  	[sflag:s18] =	ssyncadd.s32 $0xFFFF8000  }
0x206: {  	[tilespmem:s19], [sflag:$0x1] =	stream.strided.gather [hbm4b:s10+s16], $0x8000, s17, s16, $0x38;
	[tilespmem:$0x11800] =	vst v63  }
0x207: {  	_ =	swait.ge [sflag:s25], $0x200  }
0x208: {  	[sflag:s25] =	ssyncset.done $0x0  }
0x209: {  	[sflag:s25] =	ssyncadd.s32 $0xFFFFFE00  }
0x20a: {  	_ =	swait.ge [sflag:s25], $0x200  }
0x20b: {  	[sflag:s25] =	ssyncset.done $0x0  }
0x20c: {  	s29 =	simm.s32 $0x10040;
	[sflag:s25] =	ssyncadd.s32 $0xFFFFFE00  }
0x20d: {  	[tilespmem:s29+$0xFFFFFFC0] =	vst v1  }
0x20e: {  	[tilespmem:s29+$0x30] =	vst v1  }
0x20f: {  	[tilespmem:s29+$0x20] =	vst v1  }
0x210: {  	[tilespmem:s29+$0x10] =	vst v1  }
0x211: {  	[tilespmem:s29+$0x0] =	vst v1  }
0x212: {  	[tilespmem:s29+$0xFFFFFFF0] =	vst v1  }
0x213: {  	s30 =	simm.s32 $0x0;
	[tilespmem:s29+$0xFFFFFFE0] =	vst v1  }
.LBB2_22:
0x214: {  	s30 =	sadd.s32 $0x8, s30;
	[tilespmem:s29+$0xFFFFFFD0] =	vst v1;
	s29 =	sadd.s32 $0x80, s29  }
0x215: {  	[tilespmem:s29+$0xFFFFFFC0] =	vst v1;
	p0 =	slt.u32 s30, $0xF8  }
0x216: {  	[tilespmem:s29+$0x30] =	vst v1  }
.Ltmp10:
0x217: {  	[tilespmem:s29+$0x20] =	vst v1;
	(pc) =	sbr.rel @p0 .LBB2_22-.Ltmp10, $4  }
0x218: {  	[tilespmem:s29+$0x10] =	vst v1  }
0x219: {  	[tilespmem:s29+$0x0] =	vst v1  }
0x21a: {  	[tilespmem:s29+$0xFFFFFFF0] =	vst v1  }
0x21b: {  	s28 =	simm.s32 $0x11240;
	[tilespmem:s29+$0xFFFFFFE0] =	vst v1  }
0x21c: {  	[tilespmem:s29+$0xFFFFFFD0] =	vst v1;
	s30 =	simm.s32 $0x11040;
	v5 =	vimm.s32 $0x0  }
0x21d: {  	[tilespmem:s30+$0x30] =	vst v5  }
0x21e: {  	[tilespmem:s30+$0xFFFFFFC0] =	vst v5  }
0x21f: {  	[tilespmem:s30+$0xFFFFFFD0] =	vst v5  }
0x220: {  	[tilespmem:s30+$0xFFFFFFE0] =	vst v5  }
0x221: {  	[tilespmem:s30+$0xFFFFFFF0] =	vst v5  }
0x222: {  	[tilespmem:s30+$0x0] =	vst v5  }
0x223: {  	[tilespmem:s30+$0x10] =	vst v5  }
0x224: {  	[tilespmem:s30+$0x20] =	vst v5  }
0x225: {  	[tilespmem:s28+$0x30] =	vst v2  }
0x226: {  	[tilespmem:s28+$0xFFFFFFC0] =	vst v2  }
0x227: {  	[tilespmem:s28+$0xFFFFFFD0] =	vst v2  }
0x228: {  	[tilespmem:s28+$0xFFFFFFE0] =	vst v2  }
0x229: {  	[tilespmem:s28+$0xFFFFFFF0] =	vst v2  }
0x22a: {  	[tilespmem:s28+$0x0] =	vst v2  }
0x22b: {  	s31 =	simm.s32 $0x0;
	[tilespmem:s28+$0x10] =	vst v2  }
.LBB2_24:
0x22c: {  	[tilespmem:s28+$0x20] =	vst v2;
	s30 =	sadd.s32 $0x80, s30  }
0x22d: {  	s31 =	sadd.s32 $0x8, s31;
	s28 =	sadd.s32 $0x80, s28;
	[tilespmem:s30+$0x30] =	vst v5  }
0x22e: {  	s29 =	simm.s32 $0x80;
	p0 =	slt.u32 s31, $0x18;
	[tilespmem:s28+$0x30] =	vst v2  }
0x22f: {  	[tilespmem:s30+$0xFFFFFFC0] =	vst v5  }
0x230: {  	[tilespmem:s28+$0xFFFFFFC0] =	vst v2  }
0x231: {  	[tilespmem:s30+$0xFFFFFFD0] =	vst v5  }
0x232: {  	[tilespmem:s28+$0xFFFFFFD0] =	vst v2  }
0x233: {  	[tilespmem:s30+$0xFFFFFFE0] =	vst v5  }
0x234: {  	[tilespmem:s28+$0xFFFFFFE0] =	vst v2  }
0x235: {  	[tilespmem:s30+$0xFFFFFFF0] =	vst v5  }
0x236: {  	[tilespmem:s28+$0xFFFFFFF0] =	vst v2  }
.Ltmp11:
0x237: {  	[tilespmem:s30+$0x0] =	vst v5;
	(pc) =	sbr.rel @p0 .LBB2_24-.Ltmp11, $4  }
0x238: {  	[tilespmem:s28+$0x0] =	vst v2  }
0x239: {  	[tilespmem:s30+$0x10] =	vst v5  }
0x23a: {  	[tilespmem:s28+$0x10] =	vst v2  }
0x23b: {  	[tilespmem:s30+$0x20] =	vst v5  }
0x23c: {  	[tilespmem:s28+$0x20] =	vst v2  }
0x23d: {  	v6 =	vld [tilespmem:s29+$0xFFFFFF80]  }
0x23e: {  	v7 =	vld [tilespmem:s29+$0xFFFFFF90]  }
0x23f: {  	v8 =	vld [tilespmem:s29+$0xFFFFFFA0]  }
0x240: {  	v9 =	vld [tilespmem:s29+$0xFFFFFFB0]  }
0x241: {  	v10 =	vld [tilespmem:s29+$0xFFFFFFC0]  }
0x242: {  	v11 =	vld [tilespmem:s29+$0xFFFFFFD0]  }
0x243: {  	v12 =	vld [tilespmem:s29+$0xFFFFFFE0]  }
0x244: {  	v13 =	vld [tilespmem:s29+$0xFFFFFFF0]  }
0x245: {  	v14 =	vld [tilespmem:s29+$0x0]  }
0x246: {  	v15 =	vld [tilespmem:s29+$0x10]  }
0x247: {  	v16 =	vld [tilespmem:s29+$0x20];
	v6 =	vshrl.u32 v6, $0x13  }
0x248: {  	v17 =	vld [tilespmem:s29+$0x30];
	v7 =	vshrl.u32 v7, $0x13;
	v6 =	vand.u32 $0xFFF, v6  }
0x249: {  	v18 =	vld [tilespmem:s29+$0x40];
	v8 =	vshrl.u32 v8, $0x13;
	v7 =	vand.u32 $0xFFF, v7  }
0x24a: {  	v19 =	vld [tilespmem:s29+$0x50];
	v9 =	vshrl.u32 v9, $0x13;
	v8 =	vand.u32 $0xFFF, v8  }
0x24b: {  	v20 =	vld [tilespmem:s29+$0x60];
	v10 =	vshrl.u32 v10, $0x13;
	v9 =	vand.u32 $0xFFF, v9;
	vm0 =	vgt.s32 v5, v6  }
0x24c: {  	v21 =	vld [tilespmem:s29+$0x70];
	v11 =	vshrl.u32 v11, $0x13;
	v10 =	vand.u32 $0xFFF, v10;
	v5 =	vsel vm0, v5, v6  }
0x24d: {  	v12 =	vshrl.u32 v12, $0x13;
	v11 =	vand.u32 $0xFFF, v11;
	v5 =	vmax.u32 v5, v7;
	[tilespmem:v6+s20+$0x0] =	vst.idx.add.s32.msk $0xffff, v3  }
0x24e: {  	v54 =	vshrl.u32 v15, $0x13;
	v5 =	vmax.u32 v5, v8;
	v6 =	vand.u32 $0xFFF, v12;
	[tilespmem:v7+s20+$0x0] =	vst.idx.add.s32.msk $0xffff, v3  }
0x24f: {  	v52 =	vshrl.u32 v13, $0x13;
	v55 =	vand.u32 $0xFFF, v54;
	v5 =	vmax.u32 v5, v9;
	[tilespmem:v8+s20+$0x0] =	vst.idx.add.s32.msk $0xffff, v3  }
0x250: {  	v53 =	vshrl.u32 v14, $0x13;
	v7 =	vand.u32 $0xFFF, v52;
	[tilespmem:v9+s20+$0x0] =	vst.idx.add.s32.msk $0xffff, v3;
	v5 =	vmax.u32 v5, v10  }
0x251: {  	v56 =	vshrl.u32 v16, $0x13;
	v8 =	vand.u32 $0xFFF, v53;
	[tilespmem:v10+s20+$0x0] =	vst.idx.add.s32.msk $0xffff, v3;
	v5 =	vmax.u32 v5, v11  }
0x252: {  	v60 =	vshrl.u32 v18, $0x13;
	v57 =	vand.u32 $0xFFF, v56;
	[tilespmem:v11+s20+$0x0] =	vst.idx.add.s32.msk $0xffff, v3;
	v5 =	vmax.u32 v5, v6  }
0x253: {  	v58 =	vshrl.u32 v17, $0x13;
	v5 =	vmax.u32 v5, v7;
	[tilespmem:v6+s20+$0x0] =	vst.idx.add.s32.msk $0xffff, v3;
	v6 =	vand.u32 $0xFFF, v60  }
0x254: {  	v61 =	vshrl.u32 v19, $0x13;
	v59 =	vand.u32 $0xFFF, v58;
	[tilespmem:v55+s20+$0x0] =	vst.idx.add.s32.msk $0xffff, v3;
	v5 =	vmax.u32 v5, v8  }
0x255: {  	v62 =	vshrl.u32 v20, $0x13;
	[tilespmem:v7+s20+$0x0] =	vst.idx.add.s32.msk $0xffff, v3;
	v7 =	vand.u32 $0xFFF, v61;
	v5 =	vmax.u32 v5, v55  }
0x256: {  	[tilespmem:v8+s20+$0x0] =	vst.idx.add.s32.msk $0xffff, v3;
	v8 =	vand.u32 $0xFFF, v62;
	v5 =	vmax.u32 v5, v57  }
0x257: {  	v63 =	vshrl.u32 v21, $0x13;
	[tilespmem:v57+s20+$0x0] =	vst.idx.add.s32.msk $0xffff, v3;
	v5 =	vmax.u32 v5, v59  }
0x258: {  	v5 =	vmax.u32 v5, v6;
	[tilespmem:v6+s20+$0x0] =	vst.idx.add.s32.msk $0xffff, v3;
	v6 =	vand.u32 $0xFFF, v63  }
0x259: {  	[tilespmem:v59+s20+$0x0] =	vst.idx.add.s32.msk $0xffff, v3;
	v5 =	vmax.u32 v5, v7  }
0x25a: {  	[tilespmem:v7+s20+$0x0] =	vst.idx.add.s32.msk $0xffff, v3;
	v5 =	vmax.u32 v5, v8  }
0x25b: {  	s28 =	simm.s32 $0x0;
	s29 =	simm.s32 $0x180;
	[tilespmem:v8+s20+$0x0] =	vst.idx.add.s32.msk $0xffff, v3;
	v5 =	vmax.u32 v5, v6  }
.LBB2_26:
0x25c: {  	v7 =	vld [tilespmem:s29+$0xFFFFFF80];
	s28 =	sadd.s32 $0x10, s28  }
0x25d: {  	p0 =	slt.u32 s28, $0x7F0;
	[tilespmem:v6+s20+$0x0] =	vst.idx.add.s32.msk $0xffff, v3  }
0x25e: {  	v6 =	vld [tilespmem:s29+$0xFFFFFF90]  }
0x25f: {  	v8 =	vld [tilespmem:s29+$0xFFFFFFA0]  }
0x260: {  	v9 =	vld [tilespmem:s29+$0xFFFFFFB0]  }
0x261: {  	v7 =	vshrl.u32 v7, $0x13;
	v10 =	vld [tilespmem:s29+$0xFFFFFFC0]  }
0x262: {  	v7 =	vand.u32 $0xFFF, v7;
	v11 =	vld [tilespmem:s29+$0xFFFFFFD0]  }
0x263: {  	vm0 =	vgt.s32 v5, v7;
	v6 =	vshrl.u32 v6, $0x13;
	v12 =	vld [tilespmem:s29+$0xFFFFFFE0]  }
0x264: {  	v5 =	vsel vm0, v5, v7;
	v6 =	vand.u32 $0xFFF, v6;
	v8 =	vshrl.u32 v8, $0x13;
	v13 =	vld [tilespmem:s29+$0xFFFFFFF0]  }
0x265: {  	v5 =	vmax.u32 v5, v6;
	v8 =	vand.u32 $0xFFF, v8;
	v9 =	vshrl.u32 v9, $0x13;
	v14 =	vld [tilespmem:s29+$0x0]  }
0x266: {  	v5 =	vmax.u32 v5, v8;
	v9 =	vand.u32 $0xFFF, v9;
	v10 =	vshrl.u32 v10, $0x13;
	v15 =	vld [tilespmem:s29+$0x10]  }
0x267: {  	v5 =	vmax.u32 v5, v9;
	v10 =	vand.u32 $0xFFF, v10;
	v11 =	vshrl.u32 v11, $0x13;
	v16 =	vld [tilespmem:s29+$0x20]  }
0x268: {  	v5 =	vmax.u32 v5, v10;
	v11 =	vand.u32 $0xFFF, v11;
	v12 =	vshrl.u32 v12, $0x13;
	v17 =	vld [tilespmem:s29+$0x30]  }
0x269: {  	v5 =	vmax.u32 v5, v11;
	v12 =	vand.u32 $0xFFF, v12;
	v13 =	vshrl.u32 v13, $0x13;
	v18 =	vld [tilespmem:s29+$0x40]  }
0x26a: {  	v5 =	vmax.u32 v5, v12;
	v13 =	vand.u32 $0xFFF, v13;
	v14 =	vshrl.u32 v14, $0x13;
	v19 =	vld [tilespmem:s29+$0x50]  }
0x26b: {  	v5 =	vmax.u32 v5, v13;
	v14 =	vand.u32 $0xFFF, v14;
	v15 =	vshrl.u32 v15, $0x13;
	v20 =	vld [tilespmem:s29+$0x60]  }
0x26c: {  	v5 =	vmax.u32 v5, v14;
	v15 =	vand.u32 $0xFFF, v15;
	v16 =	vshrl.u32 v16, $0x13;
	v21 =	vld [tilespmem:s29+$0x70]  }
0x26d: {  	[tilespmem:v7+s20+$0x0] =	vst.idx.add.s32.msk $0xffff, v3;
	v5 =	vmax.u32 v5, v15;
	v7 =	vand.u32 $0xFFF, v16;
	v16 =	vshrl.u32 v17, $0x13  }
0x26e: {  	[tilespmem:v6+s20+$0x0] =	vst.idx.add.s32.msk $0xffff, v3;
	v5 =	vmax.u32 v5, v7;
	v16 =	vand.u32 $0xFFF, v16;
	v6 =	vshrl.u32 v18, $0x13  }
0x26f: {  	[tilespmem:v8+s20+$0x0] =	vst.idx.add.s32.msk $0xffff, v3;
	v5 =	vmax.u32 v5, v16;
	v8 =	vand.u32 $0xFFF, v6;
	v6 =	vshrl.u32 v19, $0x13  }
0x270: {  	[tilespmem:v9+s20+$0x0] =	vst.idx.add.s32.msk $0xffff, v3;
	v5 =	vmax.u32 v5, v8;
	v9 =	vand.u32 $0xFFF, v6;
	v6 =	vshrl.u32 v20, $0x13  }
0x271: {  	[tilespmem:v10+s20+$0x0] =	vst.idx.add.s32.msk $0xffff, v3;
	v5 =	vmax.u32 v5, v9;
	v10 =	vand.u32 $0xFFF, v6;
	v6 =	vshrl.u32 v21, $0x13  }
0x272: {  	[tilespmem:v11+s20+$0x0] =	vst.idx.add.s32.msk $0xffff, v3;
	v5 =	vmax.u32 v5, v10;
	v6 =	vand.u32 $0xFFF, v6  }
0x273: {  	[tilespmem:v12+s20+$0x0] =	vst.idx.add.s32.msk $0xffff, v3;
	v5 =	vmax.u32 v5, v6  }
0x274: {  	[tilespmem:v13+s20+$0x0] =	vst.idx.add.s32.msk $0xffff, v3  }
0x275: {  	[tilespmem:v14+s20+$0x0] =	vst.idx.add.s32.msk $0xffff, v3  }
0x276: {  	[tilespmem:v15+s20+$0x0] =	vst.idx.add.s32.msk $0xffff, v3  }
.Ltmp12:
0x277: {  	[tilespmem:v7+s20+$0x0] =	vst.idx.add.s32.msk $0xffff, v3;
	(pc) =	sbr.rel @p0 .LBB2_26-.Ltmp12, $4  }
0x278: {  	[tilespmem:v16+s20+$0x0] =	vst.idx.add.s32.msk $0xffff, v3  }
0x279: {  	[tilespmem:v8+s20+$0x0] =	vst.idx.add.s32.msk $0xffff, v3  }
0x27a: {  	[tilespmem:v9+s20+$0x0] =	vst.idx.add.s32.msk $0xffff, v3  }
0x27b: {  	s29 =	sadd.s32 $0x100, s29;
	[tilespmem:v10+s20+$0x0] =	vst.idx.add.s32.msk $0xffff, v3  }
0x27c: {  	v5 =	vxor.u32 $0x80000000, v5  }
0x27d: {  	(xrf0) =	vmax.scan.msk.u32 $0xffff, v5;
	_ =	sdelay $0x5  }
0x27e: {  	v5, _, _ =	vpop (xrf0)  }
0x27f: {  	(v2sf) =	vpush v5, $0xF;
	_ =	sdelay $0xe  }
0x280: {  	s0 =	spop (v2sf)  }
0x281: {  	s0 =	sshra.s32 s0, $0x4  }
0x282: {  	s28 =	sshll.u32 s0, $0x6  }
0x283: {  	s0 =	sxor.u32 $0xF8000000, s0;
	s28 =	sshra.s32 s28, $0x2  }
0x284: {  	[tilespmem:v6+s20+$0x0] =	vst.idx.add.s32.msk $0xffff, v3;
	s31 =	simm.s32 $0x0;
	s29 =	sadd.s32 $0x10000, s28;
	s28 =	sadd.s32 $0x1, s0  }
.LBB2_28:
0x285: {  	v5 =	vld [tilespmem:s29+$0x0];
	_ =	sdelay $0x4  }
0x286: {  	(xrf0) =	vadd.scan.msk.s32 $0xffff, v5;
	_ =	sdelay $0x5  }
0x287: {  	v5, _, _ =	vpop (xrf0)  }
0x288: {  	(v2sf) =	vpush v5, $0xF;
	_ =	sdelay $0xe  }
0x289: {  	s0 =	spop (v2sf)  }
0x28a: {  	s30 =	smov.u32 s31;
	s31 =	sadd.s32 s31, s0  }
0x28b: {  	p0 =	slt.s32 s31, $0x100  }
.Ltmp13:
0x28c: {  	_ = 	snop;
	(pc) =	sbr.rel @p0 .LBB2_28-.Ltmp13, $2  }
0x28d: {  	_ =	sdelay $0x2  }
0x28e: {  	s29 =	sadd.s32 $0xFFFFFFF0, s29;
	s28 =	sadd.s32 $0xFFFFFFFF, s28  }
0x28f: {  	s0 =	sshll.u32 s28, $0x4  }
0x290: {  	v5 =	vld [tilespmem:s0+$0x10000];
	_ =	sdelay $0x4  }
0x291: {  	v5 =	vperm.xlane v5, v4;
	_ =	sdelay $0x1  }
0x292: {  	(xrf0) =	vadd.scan.msk.s32 $0xffff, v5;
	_ =	sdelay $0x5  }
0x293: {  	v5, _, _ =	vpop (xrf0)  }
0x294: {  	v5 =	vperm.xlane v5, v4;
	_ =	sdelay $0x1  }
0x295: {  	v5 =	vadd.s32 s30, v5  }
0x296: {  	vm0 =	vgt.s32 v5, $0xFF  }
0x297: {  	v5 =	vsel vm0, $0x1, v1  }
0x298: {  	(xrf0) =	vadd.scan.msk.s32 $0xffff, v5;
	_ =	sdelay $0x5  }
0x299: {  	v5, _, _ =	vpop (xrf0)  }
0x29a: {  	(v2sf) =	vpush v5, $0xF;
	_ =	sdelay $0xe  }
0x29b: {  	s28 =	spop (v2sf)  }
0x29c: {  	s0 =	sadd.s32 s28, s0;
	s28 =	simm.s32 $0x40  }
0x29d: {  	v7 =	vld [tilespmem:s28+$0xFFFFFFD0]  }
0x29e: {  	s29 =	simm.s32 $0x70;
	s31 =	simm.s32 $0x10;
	v13 =	vld [tilespmem:s28+$0xFFFFFFF0]  }
0x29f: {  	v17 =	vimm.s32 $0x0;
	v8 =	vor.u32 s29, v0;
	v10 =	vor.u32 s31, v0;
	s31 =	simm.s32 $0x30;
	s30 =	simm.s32 $0x0;
	v16 =	vld [tilespmem:s28+$0x0]  }
0x2a0: {  	v14 =	vor.u32 s31, v0;
	v9 =	vshll.u32 v8, $0x1;
	v6 =	vor.u32 s30, v0;
	s30 =	simm.s32 $0x20;
	v19 =	vld [tilespmem:s28+$0xFFFFFFC0]  }
0x2a1: {  	s31 =	simm.s32 $0x50;
	v10 =	vshll.u32 v10, $0x1;
	v22 =	vshll.u32 v14, $0x1;
	v12 =	vor.u32 s30, v0;
	s30 =	simm.s32 $0x40;
	v24 =	vld [tilespmem:s28+$0x30]  }
0x2a2: {  	v18 =	vshll.u32 v6, $0x1;
	v6 =	vor.u32 s31, v0;
	v15 =	vor.u32 s30, v0;
	s30 =	simm.s32 $0x60;
	s0 =	sshll.u32 s0, $0x13;
	v11 =	vld [tilespmem:s28+$0xFFFFFFE0]  }
0x2a3: {  	v20 =	vshll.u32 v12, $0x1;
	v26 =	vshll.u32 v6, $0x1;
	v8 =	vor.u32 s30, v0;
	s0 =	sadd.s32 $0xFFF80000, s0  }
0x2a4: {  	v25 =	vshll.u32 v15, $0x1;
	v27 =	vshll.u32 v8, $0x1;
	v21 =	vld [tilespmem:s28+$0x10];
	v5 =	vmov s0  }
0x2a5: {  	v12 =	vshrl.u32 v7, $0x1;
	v8 =	vshrl.u32 v13, $0x1;
	v30 =	vshrl.u32 v16, $0x1  }
0x2a6: {  	v14 =	vand.u32 $0x7FFFFFFF, v19;
	v15 =	vand.u32 $0x7FFFFFFF, v24;
	v19 =	vshrl.u32 v19, $0x1  }
0x2a7: {  	v24 =	vshrl.u32 v24, $0x1;
	v6 =	vshrl.u32 v12, $0x1E;
	v12 =	vshrl.u32 v11, $0x1  }
0x2a8: {  	v23 =	vld [tilespmem:s28+$0x20];
	v29 =	vshrl.u32 v8, $0x1E;
	v11 =	vand.u32 $0x7FFFFFFF, v11;
	v8 =	vand.u32 $0x7FFFFFFF, v13  }
0x2a9: {  	vm6 =	vge.s32 v14, v5;
	v13 =	vand.u32 $0x7FFFFFFF, v21;
	vm7 =	vge.s32 v15, v5  }
0x2aa: {  	v21 =	vshrl.u32 v21, $0x1;
	v19 =	vshrl.u32 v19, $0x1E;
	v30 =	vshrl.u32 v30, $0x1E  }
0x2ab: {  	v24 =	vshrl.u32 v24, $0x1E;
	v6 =	vor.u32 v6, v10;
	v28 =	vshrl.u32 v12, $0x1E  }
0x2ac: {  	v12 =	vand.u32 $0x7FFFFFFF, v7;
	v7 =	vand.u32 $0x7FFFFFFF, v16;
	v16 =	vmpcnt.ones.xlane vm6  }
0x2ad: {  	v10 =	vand.u32 $0x7FFFFFFF, v23;
	vm4 =	vge.s32 v11, v5;
	vm3 =	vge.s32 v8, v5  }
0x2ae: {  	vm1 =	vge.s32 v13, v5;
	v37 =	vsel vm6, $0x1, v1;
	v38 =	vmpcnt.ones.xlane vm7  }
0x2af: {  	v43 =	vsel vm7, $0x1, v1;
	v23 =	vshrl.u32 v23, $0x1;
	v62 =	vshrl.u32 v21, $0x1E  }
0x2b0: {  	vm5 =	vge.s32 v12, v5;
	v33 =	vmpcnt.ones.xlane vm3;
	vm2 =	vge.s32 v7, v5  }
0x2b1: {  	v35 =	vmpcnt.ones.xlane vm1;
	vm0 =	vge.s32 v10, v5;
	v40 =	vsel vm4, $0x1, v1;
	(xrf0) =	vadd.scan.msk.s32 $0xffff, v37  }
0x2b2: {  	v59 =	vsel vm3, $0x1, v1;
	v31 =	vmpcnt.ones.xlane vm5;
	v39 =	vsel vm5, $0x1, v1  }
0x2b3: {  	v60 =	vsel vm1, $0x1, v1;
	v32 =	vadd.s32 v17, v16;
	v16 =	vmpcnt.ones.xlane vm4;
	(xrf0) =	vadd.scan.msk.s32 $0xffff, v39  }
0x2b4: {  	v63 =	vshrl.u32 v23, $0x1E;
	v23 =	vor.u32 v19, v18;
	v31 =	vadd.s32 v32, v31;
	(xrf0) =	vadd.scan.msk.s32 $0xffff, v40  }
0x2b5: {  	v42 =	vsel vm2, $0x1, v1;
	v34 =	vadd.s32 v31, v16;
	v16 =	vmpcnt.ones.xlane vm2;
	(xrf0) =	vadd.scan.msk.s32 $0xffff, v59  }
0x2b6: {  	v21 =	vor.u32 v28, v20;
	v20 =	vor.u32 v29, v22;
	v33 =	vadd.s32 v34, v33;
	(xrf0) =	vadd.scan.msk.s32 $0xffff, v42  }
0x2b7: {  	v61 =	vsel vm0, $0x1, v1;
	v36 =	vadd.s32 v33, v16;
	v16 =	vmpcnt.ones.xlane vm0;
	(xrf0) =	vadd.scan.msk.s32 $0xffff, v60;
	v18, _, _ =	vpop (xrf0)  }
0x2b8: {  	v19 =	vor.u32 v30, v25;
	v35 =	vadd.s32 v36, v35;
	(xrf0) =	vadd.scan.msk.s32 $0xffff, v61;
	v18 =	vadd.s32 v18, v17  }
0x2b9: {  	v17 =	vor.u32 v62, v26;
	v41 =	vadd.s32 v35, v16;
	v25, _, _ =	vpop (xrf0);
	(xrf0) =	vadd.scan.msk.s32 $0xffff, v43;
	v22 =	vadd.s32 $0xFFFFFFFF, v18  }
0x2ba: {  	v18 =	vor.u32 v63, v27;
	v16 =	vadd.s32 v41, v38;
	v25 =	vadd.s32 v25, v32;
	v26, _, _ =	vpop (xrf0)  }
0x2bb: {  	vm9 =	vlt.s32 v22, $0x1FF;
	v25 =	vadd.s32 $0xFFFFFFFF, v25;
	v26 =	vadd.s32 v26, v31;
	v27, _, _ =	vpop (xrf0)  }
0x2bc: {  	vm8 =	vlt.s32 v25, $0x1FF;
	v26 =	vadd.s32 $0xFFFFFFFF, v26;
	v27 =	vadd.s32 v27, v34;
	v28, _, _ =	vpop (xrf0)  }
0x2bd: {  	vm10 =	vlt.s32 v26, $0x1FF;
	v27 =	vadd.s32 $0xFFFFFFFF, v27;
	v28 =	vadd.s32 v28, v33;
	v29, _, _ =	vpop (xrf0)  }
0x2be: {  	vm11 =	vlt.s32 v27, $0x1FF;
	v28 =	vadd.s32 $0xFFFFFFFF, v28;
	v29 =	vadd.s32 v29, v36;
	v30, _, _ =	vpop (xrf0)  }
0x2bf: {  	vm12 =	vlt.s32 v28, $0x1FF;
	v29 =	vadd.s32 $0xFFFFFFFF, v29;
	v30 =	vadd.s32 v30, v35;
	v31, _, _ =	vpop (xrf0)  }
0x2c0: {  	s30 =	simm.s32 $0x0;
	vm13 =	vlt.s32 v29, $0x1FF;
	v30 =	vadd.s32 $0xFFFFFFFF, v30;
	v31 =	vadd.s32 v31, v41  }
.LBB2_30:
0x2c1: {  	s30 =	sadd.s32 $0x8, s30;
	v32 =	vnsel vm9, $0x1FF, v22;
	vm9 =	vlt.s32 v30, $0x1FF;
	v31 =	vadd.s32 $0xFFFFFFFF, v31;
	v22 =	vmovc v16  }
0x2c2: {  	v25 =	vnsel vm8, $0x1FF, v25;
	v26 =	vnsel vm10, $0x1FF, v26;
	p0 =	slt.u32 s30, $0x7F8;
	vm8 =	vlt.s32 v31, $0x1FF  }
0x2c3: {  	v27 =	vnsel vm11, $0x1FF, v27;
	v28 =	vnsel vm12, $0x1FF, v28;
	s29 =	sadd.s32 $0x80, s29;
	v31 =	vnsel vm8, $0x1FF, v31  }
0x2c4: {  	v29 =	vnsel vm13, $0x1FF, v29;
	v24 =	vor.u32 v24, v9;
	s28 =	sadd.s32 $0x80, s28;
	s0 =	sadd.s32 $0xFFFFFF90, s29;
	v30 =	vnsel vm9, $0x1FF, v30  }
0x2c5: {  	s31 =	sadd.s32 $0xFFFFFFB0, s29;
	v9 =	vor.u32 s29, v0;
	v33 =	vor.u32 s0, v0;
	s0 =	sadd.s32 $0xFFFFFFA0, s29;
	v34 =	vld [tilespmem:s28+$0xFFFFFFD0]  }
0x2c6: {  	v37 =	vor.u32 s31, v0;
	s31 =	sadd.s32 $0xFFFFFFD0, s29;
	v35 =	vor.u32 s0, v0;
	s0 =	sadd.s32 $0xFFFFFFC0, s29;
	v36 =	vld [tilespmem:s28+$0xFFFFFFE0];
	[tilespmem:v32+s21+$0x0] =	vst.idx.msk vm6, v14  }
0x2c7: {  	v9 =	vshll.u32 v9, $0x1;
	v39 =	vor.u32 s31, v0;
	s31 =	sadd.s32 $0xFFFFFFF0, s29;
	v14 =	vor.u32 s0, v0;
	s0 =	sadd.s32 $0xFFFFFFE0, s29;
	v38 =	vld [tilespmem:s28+$0xFFFFFFF0];
	[tilespmem:v32+s22+$0x0] =	vst.idx.msk vm6, v23  }
0x2c8: {  	v40 =	vor.u32 s31, v0;
	v23 =	vshll.u32 v33, $0x1;
	v33 =	vor.u32 s0, v0;
	v32 =	vld [tilespmem:s28+$0x0];
	[tilespmem:v31+s21+$0x0] =	vst.idx.msk vm7, v15  }
0x2c9: {  	v15 =	vshll.u32 v35, $0x1;
	v35 =	vshll.u32 v37, $0x1;
	v37 =	vshll.u32 v14, $0x1;
	v41 =	vld [tilespmem:s28+$0xFFFFFFC0];
	[tilespmem:v31+s22+$0x0] =	vst.idx.msk vm7, v24  }
0x2ca: {  	v33 =	vshll.u32 v33, $0x1;
	v31 =	vshll.u32 v39, $0x1;
	v14 =	vshrl.u32 v34, $0x1;
	v24 =	vld [tilespmem:s28+$0x10];
	[tilespmem:v25+s21+$0x0] =	vst.idx.msk vm5, v12  }
0x2cb: {  	v40 =	vshll.u32 v40, $0x1;
	v12 =	vshrl.u32 v14, $0x1E;
	v14 =	vshrl.u32 v36, $0x1;
	v39 =	vld [tilespmem:s28+$0x20];
	[tilespmem:v25+s22+$0x0] =	vst.idx.msk vm5, v6  }
0x2cc: {  	v6 =	vor.u32 v12, v15;
	v25 =	vshrl.u32 v14, $0x1E;
	v14 =	vshrl.u32 v38, $0x1;
	v42 =	vld [tilespmem:s28+$0x30];
	[tilespmem:v26+s21+$0x0] =	vst.idx.msk vm4, v11  }
0x2cd: {  	v12 =	vand.u32 $0x7FFFFFFF, v34;
	v34 =	vshrl.u32 v14, $0x1E;
	v43 =	vshrl.u32 v32, $0x1;
	[tilespmem:v26+s22+$0x0] =	vst.idx.msk vm4, v21  }
0x2ce: {  	v11 =	vand.u32 $0x7FFFFFFF, v36;
	v14 =	vand.u32 $0x7FFFFFFF, v41;
	[tilespmem:v27+s21+$0x0] =	vst.idx.msk vm3, v8;
	v8 =	vand.u32 $0x7FFFFFFF, v38  }
0x2cf: {  	v15 =	vand.u32 $0x7FFFFFFF, v32;
	vm6 =	vge.s32 v14, v5;
	v21 =	vand.u32 $0x7FFFFFFF, v24;
	[tilespmem:v27+s22+$0x0] =	vst.idx.msk vm3, v20  }
0x2d0: {  	vm5 =	vge.s32 v12, v5;
	v20 =	vmpcnt.ones.xlane vm6;
	v26 =	vand.u32 $0x7FFFFFFF, v39;
	[tilespmem:v28+s21+$0x0] =	vst.idx.msk vm2, v7;
	v7 =	vmovc v15  }
0x2d1: {  	vm4 =	vge.s32 v11, v5;
	v27 =	vmpcnt.ones.xlane vm5;
	v15 =	vand.u32 $0x7FFFFFFF, v42;
	[tilespmem:v28+s22+$0x0] =	vst.idx.msk vm2, v19  }
0x2d2: {  	vm3 =	vge.s32 v8, v5;
	v28 =	vadd.s32 v16, v20;
	v16 =	vmpcnt.ones.xlane vm4;
	[tilespmem:v29+s21+$0x0] =	vst.idx.msk vm1, v13  }
0x2d3: {  	v19 =	vmpcnt.ones.xlane vm3;
	vm2 =	vge.s32 v7, v5;
	v27 =	vadd.s32 v28, v27;
	[tilespmem:v29+s22+$0x0] =	vst.idx.msk vm1, v17  }
0x2d4: {  	vm1 =	vge.s32 v21, v5;
	v29 =	vadd.s32 v27, v16;
	v16 =	vmpcnt.ones.xlane vm2;
	[tilespmem:v30+s21+$0x0] =	vst.idx.msk vm0, v10  }
0x2d5: {  	v17 =	vmpcnt.ones.xlane vm1;
	v32 =	vadd.s32 v29, v19;
	[tilespmem:v30+s22+$0x0] =	vst.idx.msk vm0, v18;
	vm0 =	vge.s32 v26, v5  }
0x2d6: {  	vm7 =	vge.s32 v15, v5;
	v13 =	vmovc v21;
	v10 =	vmovc v26;
	v30 =	vadd.s32 v32, v16;
	v16 =	vmpcnt.ones.xlane vm0  }
0x2d7: {  	v18 =	vsel vm6, $0x1, v1;
	v36 =	vadd.s32 v30, v17;
	v17 =	vmpcnt.ones.xlane vm7  }
0x2d8: {  	v20 =	vsel vm4, $0x1, v1;
	v19 =	vsel vm5, $0x1, v1;
	v38 =	vadd.s32 v36, v16;
	(xrf0) =	vadd.scan.msk.s32 $0xffff, v18  }
0x2d9: {  	v21 =	vsel vm2, $0x1, v1;
	v18 =	vsel vm3, $0x1, v1;
	v16 =	vadd.s32 v38, v17;
	(xrf0) =	vadd.scan.msk.s32 $0xffff, v19  }
0x2da: {  	v26 =	vsel vm7, $0x1, v1;
	v17 =	vsel vm1, $0x1, v1;
	v19 =	vsel vm0, $0x1, v1;
	(xrf0) =	vadd.scan.msk.s32 $0xffff, v20  }
0x2db: {  	v24 =	vshrl.u32 v24, $0x1;
	v39 =	vshrl.u32 v39, $0x1;
	v20 =	vshrl.u32 v41, $0x1;
	(xrf0) =	vadd.scan.msk.s32 $0xffff, v18  }
0x2dc: {  	v41 =	vshrl.u32 v43, $0x1E;
	v18 =	vshrl.u32 v20, $0x1E;
	v20 =	vshrl.u32 v42, $0x1;
	(xrf0) =	vadd.scan.msk.s32 $0xffff, v21  }
0x2dd: {  	v39 =	vshrl.u32 v39, $0x1E;
	v42 =	vshrl.u32 v24, $0x1E;
	v24 =	vshrl.u32 v20, $0x1E;
	(xrf0) =	vadd.scan.msk.s32 $0xffff, v17  }
0x2de: {  	v23 =	vor.u32 v18, v23;
	v21 =	vor.u32 v25, v35;
	v20 =	vor.u32 v34, v37;
	v17, _, _ =	vpop (xrf0);
	(xrf0) =	vadd.scan.msk.s32 $0xffff, v19  }
0x2df: {  	v19 =	vor.u32 v41, v31;
	v18 =	vadd.s32 v17, v22;
	v17 =	vor.u32 v42, v33;
	v25, _, _ =	vpop (xrf0);
	(xrf0) =	vadd.scan.msk.s32 $0xffff, v26  }
0x2e0: {  	v22 =	vadd.s32 $0xFFFFFFFF, v18;
	v25 =	vadd.s32 v25, v28;
	v18 =	vor.u32 v39, v40;
	v26, _, _ =	vpop (xrf0)  }
0x2e1: {  	vm9 =	vlt.s32 v22, $0x1FF;
	v25 =	vadd.s32 $0xFFFFFFFF, v25;
	v26 =	vadd.s32 v26, v27;
	v27, _, _ =	vpop (xrf0)  }
.Ltmp14:
0x2e2: {  	vm8 =	vlt.s32 v25, $0x1FF;
	v26 =	vadd.s32 $0xFFFFFFFF, v26;
	v27 =	vadd.s32 v27, v29;
	v28, _, _ =	vpop (xrf0);
	(pc) =	sbr.rel @p0 .LBB2_30-.Ltmp14, $4  }
0x2e3: {  	vm10 =	vlt.s32 v26, $0x1FF;
	v27 =	vadd.s32 $0xFFFFFFFF, v27;
	v28 =	vadd.s32 v28, v32;
	v29, _, _ =	vpop (xrf0)  }
0x2e4: {  	vm11 =	vlt.s32 v27, $0x1FF;
	v28 =	vadd.s32 $0xFFFFFFFF, v28;
	v29 =	vadd.s32 v29, v30;
	v30, _, _ =	vpop (xrf0)  }
0x2e5: {  	vm12 =	vlt.s32 v28, $0x1FF;
	v29 =	vadd.s32 $0xFFFFFFFF, v29;
	v30 =	vadd.s32 v30, v36;
	v31, _, _ =	vpop (xrf0)  }
0x2e6: {  	vm13 =	vlt.s32 v29, $0x1FF;
	v30 =	vadd.s32 $0xFFFFFFFF, v30;
	v31 =	vadd.s32 v31, v38  }
0x2e7: {  	v5 =	vnsel vm9, $0x1FF, v22  }
0x2e8: {  	v60 =	vnsel vm8, $0x1FF, v25  }
0x2e9: {  	v61 =	vnsel vm10, $0x1FF, v26  }
0x2ea: {  	v62 =	vnsel vm11, $0x1FF, v27;
	_ =	sdelay $0x1  }
0x2eb: {  	[tilespmem:v5+s21+$0x0] =	vst.idx.msk vm6, v14  }
0x2ec: {  	v16 =	vadd.s32 $0xFFFFFFFF, v31;
	[tilespmem:v60+s21+$0x0] =	vst.idx.msk vm5, v12  }
0x2ed: {  	vm14 =	vlt.s32 v16, $0x1FF;
	[tilespmem:v61+s21+$0x0] =	vst.idx.msk vm4, v11  }
0x2ee: {  	v16 =	vnsel vm14, $0x1FF, v16;
	[tilespmem:v62+s21+$0x0] =	vst.idx.msk vm3, v8  }
0x2ef: {  	vm15 =	vlt.s32 v30, $0x1FF;
	[tilespmem:v5+s22+$0x0] =	vst.idx.msk vm6, v23  }
0x2f0: {  	v63 =	vnsel vm15, $0x1FF, v30;
	[tilespmem:v60+s22+$0x0] =	vst.idx.msk vm5, v6  }
0x2f1: {  	[tilespmem:v61+s22+$0x0] =	vst.idx.msk vm4, v21  }
0x2f2: {  	v6 =	vnsel vm13, $0x1FF, v29;
	[tilespmem:v62+s22+$0x0] =	vst.idx.msk vm3, v20  }
0x2f3: {  	v5 =	vor.u32 v24, v9;
	[tilespmem:v16+s21+$0x0] =	vst.idx.msk vm7, v15  }
0x2f4: {  	[tilespmem:v16+s22+$0x0] =	vst.idx.msk vm7, v5;
	v5 =	vnsel vm12, $0x1FF, v28  }
0x2f5: {  	[tilespmem:v63+s21+$0x0] =	vst.idx.msk vm0, v10  }
0x2f6: {  	[tilespmem:v63+s22+$0x0] =	vst.idx.msk vm0, v18  }
0x2f7: {  	[tilespmem:v6+s21+$0x0] =	vst.idx.msk vm1, v13  }
0x2f8: {  	[tilespmem:v6+s22+$0x0] =	vst.idx.msk vm1, v17  }
0x2f9: {  	[tilespmem:v5+s21+$0x0] =	vst.idx.msk vm2, v7  }
0x2fa: {  	[tilespmem:v5+s22+$0x0] =	vst.idx.msk vm2, v19  }
0x2fb: {  	[hbm4b:s11+s16] =	stream.strided.scatter [tilespmem:s21], [sflag:$0x2], $0x200, s17, s16, $0x38;
	[tilespmem:$0x11800] =	vst v63  }
0x2fc: {  	_ = 	snop  }
0x2fd: {  	[hbm4b:s12+s16] =	stream.strided.scatter [tilespmem:s22], [sflag:$0x2], $0x200, s17, s16, $0x38;
	[tilespmem:$0x11800] =	vst v63  }
0x2fe: {  	_ =	swait.ge [sflag:s18], $0x8000  }
0x2ff: {  	[sflag:s18] =	ssyncset.done $0x0  }
0x300: {  	[sflag:s18] =	ssyncadd.s32 $0xFFFF8000  }
0x301: {  	_ =	swait.ge [sflag:s25], $0x200  }
0x302: {  	[sflag:s25] =	ssyncset.done $0x0  }
0x303: {  	[sflag:s25] =	ssyncadd.s32 $0xFFFFFE00  }
0x304: {  	_ =	swait.ge [sflag:s25], $0x200  }
0x305: {  	[sflag:s25] =	ssyncset.done $0x0  }
0x306: {  	s29 =	simm.s32 $0x10040;
	[sflag:s25] =	ssyncadd.s32 $0xFFFFFE00  }
0x307: {  	[tilespmem:s29+$0xFFFFFFC0] =	vst v1  }
0x308: {  	[tilespmem:s29+$0x30] =	vst v1  }
0x309: {  	[tilespmem:s29+$0x20] =	vst v1  }
0x30a: {  	[tilespmem:s29+$0x10] =	vst v1  }
0x30b: {  	[tilespmem:s29+$0x0] =	vst v1  }
0x30c: {  	[tilespmem:s29+$0xFFFFFFF0] =	vst v1  }
0x30d: {  	s30 =	simm.s32 $0x0;
	[tilespmem:s29+$0xFFFFFFE0] =	vst v1  }
.LBB2_32:
0x30e: {  	s30 =	sadd.s32 $0x8, s30;
	[tilespmem:s29+$0xFFFFFFD0] =	vst v1;
	s29 =	sadd.s32 $0x80, s29  }
0x30f: {  	[tilespmem:s29+$0xFFFFFFC0] =	vst v1;
	p0 =	slt.u32 s30, $0xF8  }
0x310: {  	[tilespmem:s29+$0x30] =	vst v1  }
.Ltmp15:
0x311: {  	[tilespmem:s29+$0x20] =	vst v1;
	(pc) =	sbr.rel @p0 .LBB2_32-.Ltmp15, $4  }
0x312: {  	[tilespmem:s29+$0x10] =	vst v1  }
0x313: {  	[tilespmem:s29+$0x0] =	vst v1  }
0x314: {  	[tilespmem:s29+$0xFFFFFFF0] =	vst v1  }
0x315: {  	s28 =	simm.s32 $0x11640;
	[tilespmem:s29+$0xFFFFFFE0] =	vst v1  }
0x316: {  	[tilespmem:s29+$0xFFFFFFD0] =	vst v1;
	s30 =	simm.s32 $0x11440;
	v5 =	vimm.s32 $0x0  }
0x317: {  	[tilespmem:s30+$0x30] =	vst v5  }
0x318: {  	[tilespmem:s30+$0xFFFFFFC0] =	vst v5  }
0x319: {  	[tilespmem:s30+$0xFFFFFFD0] =	vst v5  }
0x31a: {  	[tilespmem:s30+$0xFFFFFFE0] =	vst v5  }
0x31b: {  	[tilespmem:s30+$0xFFFFFFF0] =	vst v5  }
0x31c: {  	[tilespmem:s30+$0x0] =	vst v5  }
0x31d: {  	[tilespmem:s30+$0x10] =	vst v5  }
0x31e: {  	[tilespmem:s30+$0x20] =	vst v5  }
0x31f: {  	[tilespmem:s28+$0x30] =	vst v2  }
0x320: {  	[tilespmem:s28+$0xFFFFFFC0] =	vst v2  }
0x321: {  	[tilespmem:s28+$0xFFFFFFD0] =	vst v2  }
0x322: {  	[tilespmem:s28+$0xFFFFFFE0] =	vst v2  }
0x323: {  	[tilespmem:s28+$0xFFFFFFF0] =	vst v2  }
0x324: {  	[tilespmem:s28+$0x0] =	vst v2  }
0x325: {  	s31 =	simm.s32 $0x0;
	[tilespmem:s28+$0x10] =	vst v2  }
.LBB2_34:
0x326: {  	[tilespmem:s28+$0x20] =	vst v2;
	s30 =	sadd.s32 $0x80, s30  }
0x327: {  	s31 =	sadd.s32 $0x8, s31;
	s28 =	sadd.s32 $0x80, s28;
	[tilespmem:s30+$0x30] =	vst v5  }
0x328: {  	s29 =	simm.s32 $0x8080;
	p0 =	slt.u32 s31, $0x18;
	[tilespmem:s28+$0x30] =	vst v2  }
0x329: {  	[tilespmem:s30+$0xFFFFFFC0] =	vst v5  }
0x32a: {  	[tilespmem:s28+$0xFFFFFFC0] =	vst v2  }
0x32b: {  	[tilespmem:s30+$0xFFFFFFD0] =	vst v5  }
0x32c: {  	[tilespmem:s28+$0xFFFFFFD0] =	vst v2  }
0x32d: {  	[tilespmem:s30+$0xFFFFFFE0] =	vst v5  }
0x32e: {  	[tilespmem:s28+$0xFFFFFFE0] =	vst v2  }
0x32f: {  	[tilespmem:s30+$0xFFFFFFF0] =	vst v5  }
0x330: {  	[tilespmem:s28+$0xFFFFFFF0] =	vst v2  }
.Ltmp16:
0x331: {  	[tilespmem:s30+$0x0] =	vst v5;
	(pc) =	sbr.rel @p0 .LBB2_34-.Ltmp16, $4  }
0x332: {  	[tilespmem:s28+$0x0] =	vst v2  }
0x333: {  	[tilespmem:s30+$0x10] =	vst v5  }
0x334: {  	[tilespmem:s28+$0x10] =	vst v2  }
0x335: {  	[tilespmem:s30+$0x20] =	vst v5  }
0x336: {  	[tilespmem:s28+$0x20] =	vst v2  }
0x337: {  	v6 =	vld [tilespmem:s29+$0xFFFFFF80]  }
0x338: {  	v7 =	vld [tilespmem:s29+$0xFFFFFF90]  }
0x339: {  	v8 =	vld [tilespmem:s29+$0xFFFFFFA0]  }
0x33a: {  	v9 =	vld [tilespmem:s29+$0xFFFFFFB0]  }
0x33b: {  	v10 =	vld [tilespmem:s29+$0xFFFFFFC0]  }
0x33c: {  	v11 =	vld [tilespmem:s29+$0xFFFFFFD0]  }
0x33d: {  	v12 =	vld [tilespmem:s29+$0xFFFFFFE0]  }
0x33e: {  	v13 =	vld [tilespmem:s29+$0xFFFFFFF0]  }
0x33f: {  	v14 =	vld [tilespmem:s29+$0x0]  }
0x340: {  	v15 =	vld [tilespmem:s29+$0x10]  }
0x341: {  	v16 =	vld [tilespmem:s29+$0x20];
	v6 =	vshrl.u32 v6, $0x13  }
0x342: {  	v17 =	vld [tilespmem:s29+$0x30];
	v7 =	vshrl.u32 v7, $0x13;
	v6 =	vand.u32 $0xFFF, v6  }
0x343: {  	v18 =	vld [tilespmem:s29+$0x40];
	v8 =	vshrl.u32 v8, $0x13;
	v7 =	vand.u32 $0xFFF, v7  }
0x344: {  	v19 =	vld [tilespmem:s29+$0x50];
	v9 =	vshrl.u32 v9, $0x13;
	v8 =	vand.u32 $0xFFF, v8  }
0x345: {  	v20 =	vld [tilespmem:s29+$0x60];
	v10 =	vshrl.u32 v10, $0x13;
	v9 =	vand.u32 $0xFFF, v9;
	vm0 =	vgt.s32 v5, v6  }
0x346: {  	v21 =	vld [tilespmem:s29+$0x70];
	v11 =	vshrl.u32 v11, $0x13;
	v10 =	vand.u32 $0xFFF, v10;
	v5 =	vsel vm0, v5, v6  }
0x347: {  	v12 =	vshrl.u32 v12, $0x13;
	v11 =	vand.u32 $0xFFF, v11;
	v5 =	vmax.u32 v5, v7;
	[tilespmem:v6+s20+$0x0] =	vst.idx.add.s32.msk $0xffff, v3  }
0x348: {  	v54 =	vshrl.u32 v15, $0x13;
	v5 =	vmax.u32 v5, v8;
	v6 =	vand.u32 $0xFFF, v12;
	[tilespmem:v7+s20+$0x0] =	vst.idx.add.s32.msk $0xffff, v3  }
0x349: {  	v52 =	vshrl.u32 v13, $0x13;
	v55 =	vand.u32 $0xFFF, v54;
	v5 =	vmax.u32 v5, v9;
	[tilespmem:v8+s20+$0x0] =	vst.idx.add.s32.msk $0xffff, v3  }
0x34a: {  	v53 =	vshrl.u32 v14, $0x13;
	v7 =	vand.u32 $0xFFF, v52;
	[tilespmem:v9+s20+$0x0] =	vst.idx.add.s32.msk $0xffff, v3;
	v5 =	vmax.u32 v5, v10  }
0x34b: {  	v56 =	vshrl.u32 v16, $0x13;
	v8 =	vand.u32 $0xFFF, v53;
	[tilespmem:v10+s20+$0x0] =	vst.idx.add.s32.msk $0xffff, v3;
	v5 =	vmax.u32 v5, v11  }
0x34c: {  	v60 =	vshrl.u32 v18, $0x13;
	v57 =	vand.u32 $0xFFF, v56;
	[tilespmem:v11+s20+$0x0] =	vst.idx.add.s32.msk $0xffff, v3;
	v5 =	vmax.u32 v5, v6  }
0x34d: {  	v58 =	vshrl.u32 v17, $0x13;
	v5 =	vmax.u32 v5, v7;
	[tilespmem:v6+s20+$0x0] =	vst.idx.add.s32.msk $0xffff, v3;
	v6 =	vand.u32 $0xFFF, v60  }
0x34e: {  	v61 =	vshrl.u32 v19, $0x13;
	v59 =	vand.u32 $0xFFF, v58;
	[tilespmem:v55+s20+$0x0] =	vst.idx.add.s32.msk $0xffff, v3;
	v5 =	vmax.u32 v5, v8  }
0x34f: {  	v62 =	vshrl.u32 v20, $0x13;
	[tilespmem:v7+s20+$0x0] =	vst.idx.add.s32.msk $0xffff, v3;
	v7 =	vand.u32 $0xFFF, v61;
	v5 =	vmax.u32 v5, v55  }
0x350: {  	[tilespmem:v8+s20+$0x0] =	vst.idx.add.s32.msk $0xffff, v3;
	v8 =	vand.u32 $0xFFF, v62;
	v5 =	vmax.u32 v5, v57  }
0x351: {  	v63 =	vshrl.u32 v21, $0x13;
	[tilespmem:v57+s20+$0x0] =	vst.idx.add.s32.msk $0xffff, v3;
	v5 =	vmax.u32 v5, v59  }
0x352: {  	v5 =	vmax.u32 v5, v6;
	[tilespmem:v6+s20+$0x0] =	vst.idx.add.s32.msk $0xffff, v3;
	v6 =	vand.u32 $0xFFF, v63  }
0x353: {  	[tilespmem:v59+s20+$0x0] =	vst.idx.add.s32.msk $0xffff, v3;
	v5 =	vmax.u32 v5, v7  }
0x354: {  	[tilespmem:v7+s20+$0x0] =	vst.idx.add.s32.msk $0xffff, v3;
	v5 =	vmax.u32 v5, v8  }
0x355: {  	s28 =	simm.s32 $0x0;
	s29 =	simm.s32 $0x8180;
	[tilespmem:v8+s20+$0x0] =	vst.idx.add.s32.msk $0xffff, v3;
	v5 =	vmax.u32 v5, v6  }
.LBB2_36:
0x356: {  	v7 =	vld [tilespmem:s29+$0xFFFFFF80];
	s28 =	sadd.s32 $0x10, s28  }
0x357: {  	p0 =	slt.u32 s28, $0x7F0;
	[tilespmem:v6+s20+$0x0] =	vst.idx.add.s32.msk $0xffff, v3  }
0x358: {  	v6 =	vld [tilespmem:s29+$0xFFFFFF90]  }
0x359: {  	v8 =	vld [tilespmem:s29+$0xFFFFFFA0]  }
0x35a: {  	v9 =	vld [tilespmem:s29+$0xFFFFFFB0]  }
0x35b: {  	v7 =	vshrl.u32 v7, $0x13;
	v10 =	vld [tilespmem:s29+$0xFFFFFFC0]  }
0x35c: {  	v7 =	vand.u32 $0xFFF, v7;
	v11 =	vld [tilespmem:s29+$0xFFFFFFD0]  }
0x35d: {  	vm0 =	vgt.s32 v5, v7;
	v6 =	vshrl.u32 v6, $0x13;
	v12 =	vld [tilespmem:s29+$0xFFFFFFE0]  }
0x35e: {  	v5 =	vsel vm0, v5, v7;
	v6 =	vand.u32 $0xFFF, v6;
	v8 =	vshrl.u32 v8, $0x13;
	v13 =	vld [tilespmem:s29+$0xFFFFFFF0]  }
0x35f: {  	v5 =	vmax.u32 v5, v6;
	v8 =	vand.u32 $0xFFF, v8;
	v9 =	vshrl.u32 v9, $0x13;
	v14 =	vld [tilespmem:s29+$0x0]  }
0x360: {  	v5 =	vmax.u32 v5, v8;
	v9 =	vand.u32 $0xFFF, v9;
	v10 =	vshrl.u32 v10, $0x13;
	v15 =	vld [tilespmem:s29+$0x10]  }
0x361: {  	v5 =	vmax.u32 v5, v9;
	v10 =	vand.u32 $0xFFF, v10;
	v11 =	vshrl.u32 v11, $0x13;
	v16 =	vld [tilespmem:s29+$0x20]  }
0x362: {  	v5 =	vmax.u32 v5, v10;
	v11 =	vand.u32 $0xFFF, v11;
	v12 =	vshrl.u32 v12, $0x13;
	v17 =	vld [tilespmem:s29+$0x30]  }
0x363: {  	v5 =	vmax.u32 v5, v11;
	v12 =	vand.u32 $0xFFF, v12;
	v13 =	vshrl.u32 v13, $0x13;
	v18 =	vld [tilespmem:s29+$0x40]  }
0x364: {  	v5 =	vmax.u32 v5, v12;
	v13 =	vand.u32 $0xFFF, v13;
	v14 =	vshrl.u32 v14, $0x13;
	v19 =	vld [tilespmem:s29+$0x50]  }
0x365: {  	v5 =	vmax.u32 v5, v13;
	v14 =	vand.u32 $0xFFF, v14;
	v15 =	vshrl.u32 v15, $0x13;
	v20 =	vld [tilespmem:s29+$0x60]  }
0x366: {  	v5 =	vmax.u32 v5, v14;
	v15 =	vand.u32 $0xFFF, v15;
	v16 =	vshrl.u32 v16, $0x13;
	v21 =	vld [tilespmem:s29+$0x70]  }
0x367: {  	[tilespmem:v7+s20+$0x0] =	vst.idx.add.s32.msk $0xffff, v3;
	v5 =	vmax.u32 v5, v15;
	v7 =	vand.u32 $0xFFF, v16;
	v16 =	vshrl.u32 v17, $0x13  }
0x368: {  	[tilespmem:v6+s20+$0x0] =	vst.idx.add.s32.msk $0xffff, v3;
	v5 =	vmax.u32 v5, v7;
	v16 =	vand.u32 $0xFFF, v16;
	v6 =	vshrl.u32 v18, $0x13  }
0x369: {  	[tilespmem:v8+s20+$0x0] =	vst.idx.add.s32.msk $0xffff, v3;
	v5 =	vmax.u32 v5, v16;
	v8 =	vand.u32 $0xFFF, v6;
	v6 =	vshrl.u32 v19, $0x13  }
0x36a: {  	[tilespmem:v9+s20+$0x0] =	vst.idx.add.s32.msk $0xffff, v3;
	v5 =	vmax.u32 v5, v8;
	v9 =	vand.u32 $0xFFF, v6;
	v6 =	vshrl.u32 v20, $0x13  }
0x36b: {  	[tilespmem:v10+s20+$0x0] =	vst.idx.add.s32.msk $0xffff, v3;
	v5 =	vmax.u32 v5, v9;
	v10 =	vand.u32 $0xFFF, v6;
	v6 =	vshrl.u32 v21, $0x13  }
0x36c: {  	[tilespmem:v11+s20+$0x0] =	vst.idx.add.s32.msk $0xffff, v3;
	v5 =	vmax.u32 v5, v10;
	v6 =	vand.u32 $0xFFF, v6  }
0x36d: {  	[tilespmem:v12+s20+$0x0] =	vst.idx.add.s32.msk $0xffff, v3;
	v5 =	vmax.u32 v5, v6  }
0x36e: {  	[tilespmem:v13+s20+$0x0] =	vst.idx.add.s32.msk $0xffff, v3  }
0x36f: {  	[tilespmem:v14+s20+$0x0] =	vst.idx.add.s32.msk $0xffff, v3  }
0x370: {  	[tilespmem:v15+s20+$0x0] =	vst.idx.add.s32.msk $0xffff, v3  }
.Ltmp17:
0x371: {  	[tilespmem:v7+s20+$0x0] =	vst.idx.add.s32.msk $0xffff, v3;
	(pc) =	sbr.rel @p0 .LBB2_36-.Ltmp17, $4  }
0x372: {  	[tilespmem:v16+s20+$0x0] =	vst.idx.add.s32.msk $0xffff, v3  }
0x373: {  	[tilespmem:v8+s20+$0x0] =	vst.idx.add.s32.msk $0xffff, v3  }
0x374: {  	[tilespmem:v9+s20+$0x0] =	vst.idx.add.s32.msk $0xffff, v3  }
0x375: {  	s29 =	sadd.s32 $0x100, s29;
	[tilespmem:v10+s20+$0x0] =	vst.idx.add.s32.msk $0xffff, v3  }
0x376: {  	v5 =	vxor.u32 $0x80000000, v5  }
0x377: {  	(xrf0) =	vmax.scan.msk.u32 $0xffff, v5;
	_ =	sdelay $0x5  }
0x378: {  	v5, _, _ =	vpop (xrf0)  }
0x379: {  	(v2sf) =	vpush v5, $0xF;
	_ =	sdelay $0xe  }
0x37a: {  	s0 =	spop (v2sf)  }
0x37b: {  	s0 =	sshra.s32 s0, $0x4  }
0x37c: {  	s28 =	sshll.u32 s0, $0x6  }
0x37d: {  	s0 =	sxor.u32 $0xF8000000, s0;
	s28 =	sshra.s32 s28, $0x2  }
0x37e: {  	[tilespmem:v6+s20+$0x0] =	vst.idx.add.s32.msk $0xffff, v3;
	s31 =	simm.s32 $0x0;
	s29 =	sadd.s32 $0x10000, s28;
	s28 =	sadd.s32 $0x1, s0  }
.LBB2_38:
0x37f: {  	v5 =	vld [tilespmem:s29+$0x0];
	_ =	sdelay $0x4  }
0x380: {  	(xrf0) =	vadd.scan.msk.s32 $0xffff, v5;
	_ =	sdelay $0x5  }
0x381: {  	v5, _, _ =	vpop (xrf0)  }
0x382: {  	(v2sf) =	vpush v5, $0xF;
	_ =	sdelay $0xe  }
0x383: {  	s0 =	spop (v2sf)  }
0x384: {  	s30 =	smov.u32 s31;
	s31 =	sadd.s32 s31, s0  }
0x385: {  	p0 =	slt.s32 s31, $0x100  }
.Ltmp18:
0x386: {  	_ = 	snop;
	(pc) =	sbr.rel @p0 .LBB2_38-.Ltmp18, $2  }
0x387: {  	_ =	sdelay $0x2  }
0x388: {  	s29 =	sadd.s32 $0xFFFFFFF0, s29;
	s28 =	sadd.s32 $0xFFFFFFFF, s28  }
0x389: {  	s0 =	sshll.u32 s28, $0x4  }
0x38a: {  	v5 =	vld [tilespmem:s0+$0x10000];
	_ =	sdelay $0x4  }
0x38b: {  	v5 =	vperm.xlane v5, v4;
	_ =	sdelay $0x1  }
0x38c: {  	(xrf0) =	vadd.scan.msk.s32 $0xffff, v5;
	_ =	sdelay $0x5  }
0x38d: {  	v5, _, _ =	vpop (xrf0)  }
0x38e: {  	v5 =	vperm.xlane v5, v4;
	_ =	sdelay $0x1  }
0x38f: {  	v5 =	vadd.s32 s30, v5  }
0x390: {  	vm0 =	vgt.s32 v5, $0xFF  }
0x391: {  	v5 =	vsel vm0, $0x1, v1  }
0x392: {  	(xrf0) =	vadd.scan.msk.s32 $0xffff, v5;
	_ =	sdelay $0x5  }
0x393: {  	v5, _, _ =	vpop (xrf0)  }
0x394: {  	(v2sf) =	vpush v5, $0xF;
	_ =	sdelay $0xe  }
0x395: {  	s28 =	spop (v2sf)  }
0x396: {  	s0 =	sadd.s32 s28, s0;
	s28 =	simm.s32 $0x8040  }
0x397: {  	v7 =	vld [tilespmem:s28+$0xFFFFFFD0]  }
0x398: {  	s29 =	simm.s32 $0x70;
	s31 =	simm.s32 $0x10;
	v13 =	vld [tilespmem:s28+$0xFFFFFFF0]  }
0x399: {  	v17 =	vimm.s32 $0x0;
	v8 =	vor.u32 s29, v0;
	v10 =	vor.u32 s31, v0;
	s31 =	simm.s32 $0x30;
	s30 =	simm.s32 $0x0;
	v16 =	vld [tilespmem:s28+$0x0]  }
0x39a: {  	v14 =	vor.u32 s31, v0;
	v9 =	vshll.u32 v8, $0x1;
	v6 =	vor.u32 s30, v0;
	s30 =	simm.s32 $0x20;
	v19 =	vld [tilespmem:s28+$0xFFFFFFC0]  }
0x39b: {  	s31 =	simm.s32 $0x50;
	v10 =	vshll.u32 v10, $0x1;
	v22 =	vshll.u32 v14, $0x1;
	v12 =	vor.u32 s30, v0;
	s30 =	simm.s32 $0x40;
	v24 =	vld [tilespmem:s28+$0x30]  }
0x39c: {  	v18 =	vshll.u32 v6, $0x1;
	v6 =	vor.u32 s31, v0;
	v15 =	vor.u32 s30, v0;
	s30 =	simm.s32 $0x60;
	s0 =	sshll.u32 s0, $0x13;
	v11 =	vld [tilespmem:s28+$0xFFFFFFE0]  }
0x39d: {  	v20 =	vshll.u32 v12, $0x1;
	v26 =	vshll.u32 v6, $0x1;
	v8 =	vor.u32 s30, v0;
	s0 =	sadd.s32 $0xFFF80000, s0  }
0x39e: {  	v25 =	vshll.u32 v15, $0x1;
	v27 =	vshll.u32 v8, $0x1;
	v21 =	vld [tilespmem:s28+$0x10];
	v5 =	vmov s0  }
0x39f: {  	v12 =	vshrl.u32 v7, $0x1;
	v8 =	vshrl.u32 v13, $0x1;
	v30 =	vshrl.u32 v16, $0x1  }
0x3a0: {  	v14 =	vand.u32 $0x7FFFFFFF, v19;
	v15 =	vand.u32 $0x7FFFFFFF, v24;
	v19 =	vshrl.u32 v19, $0x1  }
0x3a1: {  	v24 =	vshrl.u32 v24, $0x1;
	v6 =	vshrl.u32 v12, $0x1E;
	v12 =	vshrl.u32 v11, $0x1  }
0x3a2: {  	v23 =	vld [tilespmem:s28+$0x20];
	v29 =	vshrl.u32 v8, $0x1E;
	v11 =	vand.u32 $0x7FFFFFFF, v11;
	v8 =	vand.u32 $0x7FFFFFFF, v13  }
0x3a3: {  	vm6 =	vge.s32 v14, v5;
	v13 =	vand.u32 $0x7FFFFFFF, v21;
	vm7 =	vge.s32 v15, v5  }
0x3a4: {  	v21 =	vshrl.u32 v21, $0x1;
	v19 =	vshrl.u32 v19, $0x1E;
	v30 =	vshrl.u32 v30, $0x1E  }
0x3a5: {  	v24 =	vshrl.u32 v24, $0x1E;
	v6 =	vor.u32 v6, v10;
	v28 =	vshrl.u32 v12, $0x1E  }
0x3a6: {  	v12 =	vand.u32 $0x7FFFFFFF, v7;
	v7 =	vand.u32 $0x7FFFFFFF, v16;
	v16 =	vmpcnt.ones.xlane vm6  }
0x3a7: {  	v10 =	vand.u32 $0x7FFFFFFF, v23;
	vm4 =	vge.s32 v11, v5;
	vm3 =	vge.s32 v8, v5  }
0x3a8: {  	vm1 =	vge.s32 v13, v5;
	v37 =	vsel vm6, $0x1, v1;
	v38 =	vmpcnt.ones.xlane vm7  }
0x3a9: {  	v43 =	vsel vm7, $0x1, v1;
	v23 =	vshrl.u32 v23, $0x1;
	v62 =	vshrl.u32 v21, $0x1E  }
0x3aa: {  	vm5 =	vge.s32 v12, v5;
	v33 =	vmpcnt.ones.xlane vm3;
	vm2 =	vge.s32 v7, v5  }
0x3ab: {  	v35 =	vmpcnt.ones.xlane vm1;
	vm0 =	vge.s32 v10, v5;
	v40 =	vsel vm4, $0x1, v1;
	(xrf0) =	vadd.scan.msk.s32 $0xffff, v37  }
0x3ac: {  	v59 =	vsel vm3, $0x1, v1;
	v31 =	vmpcnt.ones.xlane vm5;
	v39 =	vsel vm5, $0x1, v1  }
0x3ad: {  	v60 =	vsel vm1, $0x1, v1;
	v32 =	vadd.s32 v17, v16;
	v16 =	vmpcnt.ones.xlane vm4;
	(xrf0) =	vadd.scan.msk.s32 $0xffff, v39  }
0x3ae: {  	v63 =	vshrl.u32 v23, $0x1E;
	v23 =	vor.u32 v19, v18;
	v31 =	vadd.s32 v32, v31;
	(xrf0) =	vadd.scan.msk.s32 $0xffff, v40  }
0x3af: {  	v42 =	vsel vm2, $0x1, v1;
	v34 =	vadd.s32 v31, v16;
	v16 =	vmpcnt.ones.xlane vm2;
	(xrf0) =	vadd.scan.msk.s32 $0xffff, v59  }
0x3b0: {  	v21 =	vor.u32 v28, v20;
	v20 =	vor.u32 v29, v22;
	v33 =	vadd.s32 v34, v33;
	(xrf0) =	vadd.scan.msk.s32 $0xffff, v42  }
0x3b1: {  	v61 =	vsel vm0, $0x1, v1;
	v36 =	vadd.s32 v33, v16;
	v16 =	vmpcnt.ones.xlane vm0;
	(xrf0) =	vadd.scan.msk.s32 $0xffff, v60;
	v18, _, _ =	vpop (xrf0)  }
0x3b2: {  	v19 =	vor.u32 v30, v25;
	v35 =	vadd.s32 v36, v35;
	(xrf0) =	vadd.scan.msk.s32 $0xffff, v61;
	v18 =	vadd.s32 v18, v17  }
0x3b3: {  	v17 =	vor.u32 v62, v26;
	v41 =	vadd.s32 v35, v16;
	v25, _, _ =	vpop (xrf0);
	(xrf0) =	vadd.scan.msk.s32 $0xffff, v43;
	v22 =	vadd.s32 $0xFFFFFFFF, v18  }
0x3b4: {  	v18 =	vor.u32 v63, v27;
	v16 =	vadd.s32 v41, v38;
	v25 =	vadd.s32 v25, v32;
	v26, _, _ =	vpop (xrf0)  }
0x3b5: {  	vm9 =	vlt.s32 v22, $0x1FF;
	v25 =	vadd.s32 $0xFFFFFFFF, v25;
	v26 =	vadd.s32 v26, v31;
	v27, _, _ =	vpop (xrf0)  }
0x3b6: {  	vm8 =	vlt.s32 v25, $0x1FF;
	v26 =	vadd.s32 $0xFFFFFFFF, v26;
	v27 =	vadd.s32 v27, v34;
	v28, _, _ =	vpop (xrf0)  }
0x3b7: {  	vm10 =	vlt.s32 v26, $0x1FF;
	v27 =	vadd.s32 $0xFFFFFFFF, v27;
	v28 =	vadd.s32 v28, v33;
	v29, _, _ =	vpop (xrf0)  }
0x3b8: {  	vm11 =	vlt.s32 v27, $0x1FF;
	v28 =	vadd.s32 $0xFFFFFFFF, v28;
	v29 =	vadd.s32 v29, v36;
	v30, _, _ =	vpop (xrf0)  }
0x3b9: {  	vm12 =	vlt.s32 v28, $0x1FF;
	v29 =	vadd.s32 $0xFFFFFFFF, v29;
	v30 =	vadd.s32 v30, v35;
	v31, _, _ =	vpop (xrf0)  }
0x3ba: {  	s30 =	simm.s32 $0x0;
	vm13 =	vlt.s32 v29, $0x1FF;
	v30 =	vadd.s32 $0xFFFFFFFF, v30;
	v31 =	vadd.s32 v31, v41  }
.LBB2_40:
0x3bb: {  	s30 =	sadd.s32 $0x8, s30;
	v32 =	vnsel vm9, $0x1FF, v22;
	vm9 =	vlt.s32 v30, $0x1FF;
	v31 =	vadd.s32 $0xFFFFFFFF, v31;
	v22 =	vmovc v16  }
0x3bc: {  	v25 =	vnsel vm8, $0x1FF, v25;
	v26 =	vnsel vm10, $0x1FF, v26;
	p0 =	slt.u32 s30, $0x7F8;
	vm8 =	vlt.s32 v31, $0x1FF  }
0x3bd: {  	v27 =	vnsel vm11, $0x1FF, v27;
	v28 =	vnsel vm12, $0x1FF, v28;
	s29 =	sadd.s32 $0x80, s29;
	v31 =	vnsel vm8, $0x1FF, v31  }
0x3be: {  	v29 =	vnsel vm13, $0x1FF, v29;
	v24 =	vor.u32 v24, v9;
	s28 =	sadd.s32 $0x80, s28;
	s0 =	sadd.s32 $0xFFFFFF90, s29;
	v30 =	vnsel vm9, $0x1FF, v30  }
0x3bf: {  	s31 =	sadd.s32 $0xFFFFFFB0, s29;
	v9 =	vor.u32 s29, v0;
	v33 =	vor.u32 s0, v0;
	s0 =	sadd.s32 $0xFFFFFFA0, s29;
	v34 =	vld [tilespmem:s28+$0xFFFFFFD0]  }
0x3c0: {  	v37 =	vor.u32 s31, v0;
	s31 =	sadd.s32 $0xFFFFFFD0, s29;
	v35 =	vor.u32 s0, v0;
	s0 =	sadd.s32 $0xFFFFFFC0, s29;
	v36 =	vld [tilespmem:s28+$0xFFFFFFE0];
	[tilespmem:v32+s23+$0x0] =	vst.idx.msk vm6, v14  }
0x3c1: {  	v9 =	vshll.u32 v9, $0x1;
	v39 =	vor.u32 s31, v0;
	s31 =	sadd.s32 $0xFFFFFFF0, s29;
	v14 =	vor.u32 s0, v0;
	s0 =	sadd.s32 $0xFFFFFFE0, s29;
	v38 =	vld [tilespmem:s28+$0xFFFFFFF0];
	[tilespmem:v32+s24+$0x0] =	vst.idx.msk vm6, v23  }
0x3c2: {  	v40 =	vor.u32 s31, v0;
	v23 =	vshll.u32 v33, $0x1;
	v33 =	vor.u32 s0, v0;
	v32 =	vld [tilespmem:s28+$0x0];
	[tilespmem:v31+s23+$0x0] =	vst.idx.msk vm7, v15  }
0x3c3: {  	v15 =	vshll.u32 v35, $0x1;
	v35 =	vshll.u32 v37, $0x1;
	v37 =	vshll.u32 v14, $0x1;
	v41 =	vld [tilespmem:s28+$0xFFFFFFC0];
	[tilespmem:v31+s24+$0x0] =	vst.idx.msk vm7, v24  }
0x3c4: {  	v33 =	vshll.u32 v33, $0x1;
	v31 =	vshll.u32 v39, $0x1;
	v14 =	vshrl.u32 v34, $0x1;
	v24 =	vld [tilespmem:s28+$0x10];
	[tilespmem:v25+s23+$0x0] =	vst.idx.msk vm5, v12  }
0x3c5: {  	v40 =	vshll.u32 v40, $0x1;
	v12 =	vshrl.u32 v14, $0x1E;
	v14 =	vshrl.u32 v36, $0x1;
	v39 =	vld [tilespmem:s28+$0x20];
	[tilespmem:v25+s24+$0x0] =	vst.idx.msk vm5, v6  }
0x3c6: {  	v6 =	vor.u32 v12, v15;
	v25 =	vshrl.u32 v14, $0x1E;
	v14 =	vshrl.u32 v38, $0x1;
	v42 =	vld [tilespmem:s28+$0x30];
	[tilespmem:v26+s23+$0x0] =	vst.idx.msk vm4, v11  }
0x3c7: {  	v12 =	vand.u32 $0x7FFFFFFF, v34;
	v34 =	vshrl.u32 v14, $0x1E;
	v43 =	vshrl.u32 v32, $0x1;
	[tilespmem:v26+s24+$0x0] =	vst.idx.msk vm4, v21  }
0x3c8: {  	v11 =	vand.u32 $0x7FFFFFFF, v36;
	v14 =	vand.u32 $0x7FFFFFFF, v41;
	[tilespmem:v27+s23+$0x0] =	vst.idx.msk vm3, v8;
	v8 =	vand.u32 $0x7FFFFFFF, v38  }
0x3c9: {  	v15 =	vand.u32 $0x7FFFFFFF, v32;
	vm6 =	vge.s32 v14, v5;
	v21 =	vand.u32 $0x7FFFFFFF, v24;
	[tilespmem:v27+s24+$0x0] =	vst.idx.msk vm3, v20  }
0x3ca: {  	vm5 =	vge.s32 v12, v5;
	v20 =	vmpcnt.ones.xlane vm6;
	v26 =	vand.u32 $0x7FFFFFFF, v39;
	[tilespmem:v28+s23+$0x0] =	vst.idx.msk vm2, v7;
	v7 =	vmovc v15  }
0x3cb: {  	vm4 =	vge.s32 v11, v5;
	v27 =	vmpcnt.ones.xlane vm5;
	v15 =	vand.u32 $0x7FFFFFFF, v42;
	[tilespmem:v28+s24+$0x0] =	vst.idx.msk vm2, v19  }
0x3cc: {  	vm3 =	vge.s32 v8, v5;
	v28 =	vadd.s32 v16, v20;
	v16 =	vmpcnt.ones.xlane vm4;
	[tilespmem:v29+s23+$0x0] =	vst.idx.msk vm1, v13  }
0x3cd: {  	v19 =	vmpcnt.ones.xlane vm3;
	vm2 =	vge.s32 v7, v5;
	v27 =	vadd.s32 v28, v27;
	[tilespmem:v29+s24+$0x0] =	vst.idx.msk vm1, v17  }
0x3ce: {  	vm1 =	vge.s32 v21, v5;
	v29 =	vadd.s32 v27, v16;
	v16 =	vmpcnt.ones.xlane vm2;
	[tilespmem:v30+s23+$0x0] =	vst.idx.msk vm0, v10  }
0x3cf: {  	v17 =	vmpcnt.ones.xlane vm1;
	v32 =	vadd.s32 v29, v19;
	[tilespmem:v30+s24+$0x0] =	vst.idx.msk vm0, v18;
	vm0 =	vge.s32 v26, v5  }
0x3d0: {  	vm7 =	vge.s32 v15, v5;
	v13 =	vmovc v21;
	v10 =	vmovc v26;
	v30 =	vadd.s32 v32, v16;
	v16 =	vmpcnt.ones.xlane vm0  }
0x3d1: {  	v18 =	vsel vm6, $0x1, v1;
	v36 =	vadd.s32 v30, v17;
	v17 =	vmpcnt.ones.xlane vm7  }
0x3d2: {  	v20 =	vsel vm4, $0x1, v1;
	v19 =	vsel vm5, $0x1, v1;
	v38 =	vadd.s32 v36, v16;
	(xrf0) =	vadd.scan.msk.s32 $0xffff, v18  }
0x3d3: {  	v21 =	vsel vm2, $0x1, v1;
	v18 =	vsel vm3, $0x1, v1;
	v16 =	vadd.s32 v38, v17;
	(xrf0) =	vadd.scan.msk.s32 $0xffff, v19  }
0x3d4: {  	v26 =	vsel vm7, $0x1, v1;
	v17 =	vsel vm1, $0x1, v1;
	v19 =	vsel vm0, $0x1, v1;
	(xrf0) =	vadd.scan.msk.s32 $0xffff, v20  }
0x3d5: {  	v24 =	vshrl.u32 v24, $0x1;
	v39 =	vshrl.u32 v39, $0x1;
	v20 =	vshrl.u32 v41, $0x1;
	(xrf0) =	vadd.scan.msk.s32 $0xffff, v18  }
0x3d6: {  	v41 =	vshrl.u32 v43, $0x1E;
	v18 =	vshrl.u32 v20, $0x1E;
	v20 =	vshrl.u32 v42, $0x1;
	(xrf0) =	vadd.scan.msk.s32 $0xffff, v21  }
0x3d7: {  	v39 =	vshrl.u32 v39, $0x1E;
	v42 =	vshrl.u32 v24, $0x1E;
	v24 =	vshrl.u32 v20, $0x1E;
	(xrf0) =	vadd.scan.msk.s32 $0xffff, v17  }
0x3d8: {  	v23 =	vor.u32 v18, v23;
	v21 =	vor.u32 v25, v35;
	v20 =	vor.u32 v34, v37;
	v17, _, _ =	vpop (xrf0);
	(xrf0) =	vadd.scan.msk.s32 $0xffff, v19  }
0x3d9: {  	v19 =	vor.u32 v41, v31;
	v18 =	vadd.s32 v17, v22;
	v17 =	vor.u32 v42, v33;
	v25, _, _ =	vpop (xrf0);
	(xrf0) =	vadd.scan.msk.s32 $0xffff, v26  }
0x3da: {  	v22 =	vadd.s32 $0xFFFFFFFF, v18;
	v25 =	vadd.s32 v25, v28;
	v18 =	vor.u32 v39, v40;
	v26, _, _ =	vpop (xrf0)  }
0x3db: {  	vm9 =	vlt.s32 v22, $0x1FF;
	v25 =	vadd.s32 $0xFFFFFFFF, v25;
	v26 =	vadd.s32 v26, v27;
	v27, _, _ =	vpop (xrf0)  }
.Ltmp19:
0x3dc: {  	vm8 =	vlt.s32 v25, $0x1FF;
	v26 =	vadd.s32 $0xFFFFFFFF, v26;
	v27 =	vadd.s32 v27, v29;
	v28, _, _ =	vpop (xrf0);
	(pc) =	sbr.rel @p0 .LBB2_40-.Ltmp19, $4  }
0x3dd: {  	vm10 =	vlt.s32 v26, $0x1FF;
	v27 =	vadd.s32 $0xFFFFFFFF, v27;
	v28 =	vadd.s32 v28, v32;
	v29, _, _ =	vpop (xrf0)  }
0x3de: {  	vm11 =	vlt.s32 v27, $0x1FF;
	v28 =	vadd.s32 $0xFFFFFFFF, v28;
	v29 =	vadd.s32 v29, v30;
	v30, _, _ =	vpop (xrf0)  }
0x3df: {  	vm12 =	vlt.s32 v28, $0x1FF;
	v29 =	vadd.s32 $0xFFFFFFFF, v29;
	v30 =	vadd.s32 v30, v36;
	v31, _, _ =	vpop (xrf0)  }
0x3e0: {  	vm13 =	vlt.s32 v29, $0x1FF;
	v30 =	vadd.s32 $0xFFFFFFFF, v30;
	v31 =	vadd.s32 v31, v38  }
0x3e1: {  	v5 =	vnsel vm9, $0x1FF, v22  }
0x3e2: {  	v60 =	vnsel vm8, $0x1FF, v25  }
0x3e3: {  	v61 =	vnsel vm10, $0x1FF, v26  }
0x3e4: {  	v62 =	vnsel vm11, $0x1FF, v27;
	_ =	sdelay $0x1  }
0x3e5: {  	[tilespmem:v5+s23+$0x0] =	vst.idx.msk vm6, v14  }
0x3e6: {  	v16 =	vadd.s32 $0xFFFFFFFF, v31;
	[tilespmem:v60+s23+$0x0] =	vst.idx.msk vm5, v12  }
0x3e7: {  	vm14 =	vlt.s32 v16, $0x1FF;
	[tilespmem:v61+s23+$0x0] =	vst.idx.msk vm4, v11  }
0x3e8: {  	v16 =	vnsel vm14, $0x1FF, v16;
	[tilespmem:v62+s23+$0x0] =	vst.idx.msk vm3, v8  }
0x3e9: {  	vm15 =	vlt.s32 v30, $0x1FF;
	[tilespmem:v5+s24+$0x0] =	vst.idx.msk vm6, v23  }
0x3ea: {  	v63 =	vnsel vm15, $0x1FF, v30;
	[tilespmem:v60+s24+$0x0] =	vst.idx.msk vm5, v6  }
0x3eb: {  	[tilespmem:v61+s24+$0x0] =	vst.idx.msk vm4, v21  }
0x3ec: {  	v6 =	vnsel vm13, $0x1FF, v29;
	[tilespmem:v62+s24+$0x0] =	vst.idx.msk vm3, v20  }
0x3ed: {  	v5 =	vor.u32 v24, v9;
	[tilespmem:v16+s23+$0x0] =	vst.idx.msk vm7, v15  }
0x3ee: {  	[tilespmem:v16+s24+$0x0] =	vst.idx.msk vm7, v5;
	v5 =	vnsel vm12, $0x1FF, v28  }
0x3ef: {  	[tilespmem:v63+s23+$0x0] =	vst.idx.msk vm0, v10  }
0x3f0: {  	[tilespmem:v63+s24+$0x0] =	vst.idx.msk vm0, v18  }
0x3f1: {  	[tilespmem:v6+s23+$0x0] =	vst.idx.msk vm1, v13  }
0x3f2: {  	[tilespmem:v6+s24+$0x0] =	vst.idx.msk vm1, v17  }
0x3f3: {  	[tilespmem:v5+s23+$0x0] =	vst.idx.msk vm2, v7  }
0x3f4: {  	[tilespmem:v5+s24+$0x0] =	vst.idx.msk vm2, v19  }
0x3f5: {  	[hbm4b:s13+s16] =	stream.strided.scatter [tilespmem:s23], [sflag:$0x2], $0x200, s17, s16, $0x38;
	[tilespmem:$0x11800] =	vst v63  }
0x3f6: {  	_ = 	snop  }
0x3f7: {  	[hbm4b:s14+s16] =	stream.strided.scatter [tilespmem:s24], [sflag:$0x2], $0x200, s17, s16, $0x38;
	[tilespmem:$0x11800] =	vst v63  }
0x3f8: {  	_ =	swait.ge [sflag:s25], $0x200  }
0x3f9: {  	[sflag:s25] =	ssyncset.done $0x0  }
0x3fa: {  	[sflag:s25] =	ssyncadd.s32 $0xFFFFFE00  }
0x3fb: {  	_ =	swait.ge [sflag:s25], $0x200  }
0x3fc: {  	[sflag:s25] =	ssyncset.done $0x0  }
0x3fd: {  	s26 =	sadd.s32 $0x1, s26;
	[sflag:s25] =	ssyncadd.s32 $0xFFFFFE00  }
0x3fe: {  	p0 =	sne.s32 s26, s15;
	_ =	swait.ge [sflag:s25], $0x200  }
.Ltmp20:
0x3ff: {  	[sflag:s25] =	ssyncset.done $0x0;
	(pc) =	sbr.rel @p0 .LBB2_1-.Ltmp20, $4  }
0x400: {  	[sflag:s25] =	ssyncadd.s32 $0xFFFFFE00  }
0x401: {  	_ =	swait.ge [sflag:s25], $0x200  }
0x402: {  	[sflag:s25] =	ssyncset.done $0x0  }
0x403: {  	[sflag:s25] =	ssyncadd.s32 $0xFFFFFE00  }
0x404: {  	_ =	sfence.sel $0x180000  }
0x405: {  	[bflag:$0x0] =	sbarrier.arrive $0xFFFF  }
0x406: {  	_ =	strace $0x90000047  }
0x407: {  	[bflag:$0x2] =	sbarrier.arrive $0xFFFF  }
0x408: {  	p0 =	sne.s32 s2, $0x0;
	s0 =	rddreg [dreg:$0x2]  }
0x409: {  	s0 =	sadd.s32 @!p0 $0x100000, s0  }
0x40a: {  	[sflag:s0] =	ssyncadd.tile.s32 @!p0 $0x1;
	_ =	shalt  }
.Lfunc_end2:
_tile_overlayer_lowered:
.L_overlay_start_2:
0x40b: {  	(tag) =	ssettag $0x2  }
0x40c: {  	s0 =	rddreg [dreg:$0x0];
	s2 =	stileid.u32  }
0x40d: {  	s1 =	rddreg [dreg:$0x1];
	p0 =	sne.s32 s2, $0x0  }
0x40e: {  	s3 =	rddreg [dreg:$0x2];
	[bflag:$0x3] =	sbarrier.arrive $0xFFFF;
	s2 =	simm.s32 @!p0 $0x1C03  }
0x40f: {  	[timem:s3], [sflag:s2] =	dma.local @!p0 [hbm:s0], s1  }
0x410: {  	s0 =	simm.s32 @!p0 $0x3  }
0x411: {  	_ =	swait.ge @!p0 [sflag:s0], s1  }
0x412: {  	s1 =	ssub.s32 @!p0 $0x0, s1;
	[sflag:s0] =	ssyncset.done @!p0 $0x0  }
0x413: {  	[sflag:s0] =	ssyncadd.s32 @!p0 s1  }
0x414: {  	[bflag:$0x3] =	sbarrier.arrive $0xFFFF  }
0x415: {  	_ =	shalt  }

</sc_bundles>
